<compile_context>
chip_gen: v7x
topology: tpu7x:2x2x1
jax: 0.10.2.dev20260603
libtpu: 0.0.44.dev20260713+nightly
codegen_flags: <defaults>
</compile_context>

<pallas_src>
import functools

import jax
import jax.numpy as jnp
from jax import lax
from jax.experimental import pallas as pl
from jax.experimental.pallas import tpu as pltpu
from jax.experimental.pallas import tpu_sc as plsc

N0 = 10000
E0 = 160000
D = 256
H = 128
NP = 10240
TRASH = N0
EPAD = 163840
C = 128
EROWS = EPAD // C
CPT = EROWS // 32
RPT = NP // 16
CA = 64
ACH = EPAD // 16 // CA
SEGC = 32
NSEG = ACH // SEGC
GRP = SEGC // 4

_mesh = plsc.VectorSubcoreMesh(core_axis_name="c", subcore_axis_name="s")


@functools.partial(
    pl.kernel,
    mesh=_mesh,
    out_type=[
        jax.ShapeDtypeStruct((NP, H), jnp.float32),
        jax.ShapeDtypeStruct((NP, H), jnp.float32),
    ],
    scratch_types=[
        pltpu.VMEM((CPT, C), jnp.int32),
        pltpu.VMEM((C, H), jnp.float32),
        pltpu.VMEM_SHARED((NP, H), jnp.float32),
        pltpu.SemaphoreType.DMA,
    ],
)
def _deg_kernel(row2_hbm, deg0_hbm, deg1_hbm, rowv, ones_v, acc, sem):
    cid = lax.axis_index("c")
    sid = lax.axis_index("s")
    wid = cid * 16 + sid

    def _zrow(i, _):
        def _zc(k, _2):
            ones_v[i, pl.ds(k * 16, 16)] = jnp.zeros((16,), jnp.float32)
            return 0

        lax.fori_loop(0, 8, _zc, 0)
        return 0

    lax.fori_loop(0, C, _zrow, 0)

    def _zacc(t, _):
        pltpu.sync_copy(ones_v, acc.at[pl.ds(sid * RPT + t * C, C)])
        return 0

    lax.fori_loop(0, RPT // C, _zacc, 0)

    def _frow(i, _):
        def _fc(k, _2):
            ones_v[i, pl.ds(k * 16, 16)] = jnp.ones((16,), jnp.float32)
            return 0

        lax.fori_loop(0, 8, _fc, 0)
        return 0

    lax.fori_loop(0, C, _frow, 0)
    plsc.subcore_barrier()

    pltpu.sync_copy(row2_hbm.at[pl.ds(wid * CPT, CPT)], rowv)

    def _step(g, _):
        c0 = 4 * g
        d0 = pltpu.async_copy(ones_v, acc.at[rowv.at[c0]], sem, add=True)
        d1 = pltpu.async_copy(ones_v, acc.at[rowv.at[c0 + 1]], sem, add=True)
        d2 = pltpu.async_copy(ones_v, acc.at[rowv.at[c0 + 2]], sem, add=True)
        d3 = pltpu.async_copy(ones_v, acc.at[rowv.at[c0 + 3]], sem, add=True)
        d0.wait()
        d1.wait()
        d2.wait()
        d3.wait()
        return 0

    lax.fori_loop(0, CPT // 4, _step, 0)
    plsc.subcore_barrier()

    def _wout(t, _):
        r0 = sid * RPT + t * C
        pltpu.sync_copy(acc.at[pl.ds(r0, C)], ones_v)

        @pl.when(cid == 0)
        def _():
            pltpu.sync_copy(ones_v, deg0_hbm.at[pl.ds(r0, C)])

        @pl.when(cid == 1)
        def _():
            pltpu.sync_copy(ones_v, deg1_hbm.at[pl.ds(r0, C)])

        return 0

    lax.fori_loop(0, RPT // C, _wout, 0)


@functools.partial(
    pl.kernel,
    mesh=_mesh,
    out_type=[
        jax.ShapeDtypeStruct((NP, H), jnp.float32),
        jax.ShapeDtypeStruct((NP, H), jnp.float32),
    ],
    scratch_types=[
        pltpu.VMEM((SEGC, CA), jnp.int32),
        pltpu.VMEM((SEGC, CA), jnp.int32),
        pltpu.VMEM((CA, H), jnp.float32),
        pltpu.VMEM((CA, H), jnp.float32),
        pltpu.VMEM((CA, H), jnp.float32),
        pltpu.VMEM((CA, H), jnp.float32),
        pltpu.VMEM_SHARED((NP, H), jnp.float32),
        pltpu.SemaphoreType.DMA,
        pltpu.SemaphoreType.DMA,
        pltpu.SemaphoreType.DMA,
        pltpu.SemaphoreType.DMA,
        pltpu.SemaphoreType.DMA,
        pltpu.SemaphoreType.DMA,
        pltpu.SemaphoreType.DMA,
        pltpu.SemaphoreType.DMA,
    ],
)
def _adj_kernel(w0_hbm, w1_hbm, col2_hbm, row2_hbm, a0_hbm, a1_hbm,
                colv, rowv, b0, b1, b2, b3, acc,
                g0, g1, g2, g3, s0, s1, s2, s3):
    cid = lax.axis_index("c")
    sid = lax.axis_index("s")
    bufs = (b0, b1, b2, b3)
    gsem = (g0, g1, g2, g3)
    ssem = (s0, s1, s2, s3)

    def _gather(c, buf, sem):
        @pl.when(cid == 0)
        def _():
            pltpu.async_copy(w0_hbm.at[colv.at[c]], buf, sem)

        @pl.when(cid == 1)
        def _():
            pltpu.async_copy(w1_hbm.at[colv.at[c]], buf, sem)

    def _gwait(c, buf, sem):
        pltpu.make_async_copy(w0_hbm.at[colv.at[c]], buf, sem).wait()

    def _swait(c, buf, sem):
        pltpu.make_async_copy(buf, acc.at[rowv.at[c]], sem).wait()

    def _zrow(i, _):
        def _zc(k, _2):
            b0[i, pl.ds(k * 16, 16)] = jnp.zeros((16,), jnp.float32)
            return 0

        lax.fori_loop(0, 8, _zc, 0)
        return 0

    lax.fori_loop(0, CA, _zrow, 0)

    def _zacc(t, _):
        pltpu.sync_copy(b0, acc.at[pl.ds(sid * RPT + t * CA, CA)])
        return 0

    lax.fori_loop(0, RPT // CA, _zacc, 0)
    plsc.subcore_barrier()

    def _seg(s, _):
        pltpu.sync_copy(col2_hbm.at[pl.ds(sid * ACH + s * SEGC, SEGC)], colv)
        pltpu.sync_copy(row2_hbm.at[pl.ds(sid * ACH + s * SEGC, SEGC)], rowv)
        for k in range(4):
            _gather(k, bufs[k], gsem[k])

        def _grp(g, _2):
            for k in range(4):
                c = 4 * g + k
                _gwait(c, bufs[k], gsem[k])
                pltpu.async_copy(bufs[k], acc.at[rowv.at[c]], ssem[k],
                                 add=True)

                @pl.when(g < GRP - 1)
                def _():
                    _swait(c, bufs[k], ssem[k])
                    _gather(c + 4, bufs[k], gsem[k])

            return 0

        lax.fori_loop(0, GRP, _grp, 0)
        for k in range(4):
            _swait(4 * (GRP - 1) + k, bufs[k], ssem[k])
        return 0

    lax.fori_loop(0, NSEG, _seg, 0)
    plsc.subcore_barrier()

    def _wout(t, _):
        r0 = sid * RPT + t * CA
        pltpu.sync_copy(acc.at[pl.ds(r0, CA)], b0)

        @pl.when(cid == 0)
        def _():
            pltpu.sync_copy(b0, a0_hbm.at[pl.ds(r0, CA)])

        @pl.when(cid == 1)
        def _():
            pltpu.sync_copy(b0, a1_hbm.at[pl.ds(r0, CA)])

        return 0

    lax.fori_loop(0, RPT // CA, _wout, 0)


def _mm_body(x_ref, wt_ref, b_ref, o_ref):
    o_ref[...] = (
        jnp.dot(x_ref[...], wt_ref[...], preferred_element_type=jnp.float32)
        + b_ref[...]
    )


def _matmul(xp, wt, b2):
    return pl.pallas_call(
        _mm_body,
        grid=(NP // 256,),
        in_specs=[
            pl.BlockSpec((256, D), lambda i: (i, 0)),
            pl.BlockSpec((D, D), lambda i: (0, 0)),
            pl.BlockSpec((1, D), lambda i: (0, 0)),
        ],
        out_specs=pl.BlockSpec((256, D), lambda i: (i, 0)),
        out_shape=jax.ShapeDtypeStruct((NP, D), jnp.float32),
    )(xp, wt, b2)


def _dinv_from(deg0_ref, deg1_ref):
    deg = deg0_ref[:, 0:1] + deg1_ref[:, 0:1]
    return jnp.where(deg > 0.0, lax.rsqrt(jnp.maximum(deg, 1e-30)), 0.0)


def _scale0_body(deg0_ref, deg1_ref, z_ref, w0_ref, w1_ref):
    dinv = _dinv_from(deg0_ref, deg1_ref)
    w0_ref[...] = z_ref[:, :H] * dinv
    w1_ref[...] = z_ref[:, H:] * dinv


def _scale0(deg0, deg1, z):
    return pl.pallas_call(
        _scale0_body,
        grid=(NP // 512,),
        in_specs=[
            pl.BlockSpec((512, H), lambda i: (i, 0)),
            pl.BlockSpec((512, H), lambda i: (i, 0)),
            pl.BlockSpec((512, D), lambda i: (i, 0)),
        ],
        out_specs=[
            pl.BlockSpec((512, H), lambda i: (i, 0)),
            pl.BlockSpec((512, H), lambda i: (i, 0)),
        ],
        out_shape=[
            jax.ShapeDtypeStruct((NP, H), jnp.float32),
            jax.ShapeDtypeStruct((NP, H), jnp.float32),
        ],
    )(deg0, deg1, z)


def _combine_body(c_ref, deg0_ref, deg1_ref, a0_ref, a1_ref, o_ref,
                  out_ref, wn0_ref, wn1_ref):
    dinv = _dinv_from(deg0_ref, deg1_ref)
    c = c_ref[0]
    t0 = a0_ref[...] * dinv
    t1 = a1_ref[...] * dinv
    out_ref[:, :H] = o_ref[:, :H] + c * t0
    out_ref[:, H:] = o_ref[:, H:] + c * t1
    wn0_ref[...] = t0 * dinv
    wn1_ref[...] = t1 * dinv


def _combine(coef, deg0, deg1, a0, a1, o):
    return pl.pallas_call(
        _combine_body,
        grid=(NP // 512,),
        in_specs=[
            pl.BlockSpec(memory_space=pltpu.SMEM),
            pl.BlockSpec((512, H), lambda i: (i, 0)),
            pl.BlockSpec((512, H), lambda i: (i, 0)),
            pl.BlockSpec((512, H), lambda i: (i, 0)),
            pl.BlockSpec((512, H), lambda i: (i, 0)),
            pl.BlockSpec((512, D), lambda i: (i, 0)),
        ],
        out_specs=[
            pl.BlockSpec((512, D), lambda i: (i, 0)),
            pl.BlockSpec((512, H), lambda i: (i, 0)),
            pl.BlockSpec((512, H), lambda i: (i, 0)),
        ],
        out_shape=[
            jax.ShapeDtypeStruct((NP, D), jnp.float32),
            jax.ShapeDtypeStruct((NP, H), jnp.float32),
            jax.ShapeDtypeStruct((NP, H), jnp.float32),
        ],
    )(coef, deg0, deg1, a0, a1, o)


def kernel(x, edge_index, W, b, weights):
    row = edge_index[0].astype(jnp.int32)
    col = edge_index[1].astype(jnp.int32)
    pad = jnp.full((EPAD - E0,), TRASH, jnp.int32)
    rowp = jnp.concatenate([row, pad])
    colp = jnp.concatenate([col, pad])
    row2 = rowp.reshape(EROWS, C)
    row2a = rowp.reshape(EPAD // CA, CA)
    col2a = colp.reshape(EPAD // CA, CA)
    xp = jnp.pad(x, ((0, NP - N0), (0, 0)))
    wt = W.T
    b2 = b.reshape(1, D)

    z = _matmul(xp, wt, b2)
    deg0, deg1 = _deg_kernel(row2)
    w0, w1 = _scale0(deg0, deg1, z)

    c1 = weights[0].reshape(1)
    c2 = weights[1].reshape(1)
    c3 = (weights[0] * weights[1]).reshape(1)

    a0, a1 = _adj_kernel(w0, w1, col2a, row2a)
    o, w0, w1 = _combine(c1, deg0, deg1, a0, a1, z)
    a0, a1 = _adj_kernel(w0, w1, col2a, row2a)
    o, w0, w1 = _combine(c2, deg0, deg1, a0, a1, o)
    a0, a1 = _adj_kernel(w0, w1, col2a, row2a)
    o, _, _ = _combine(c3, deg0, deg1, a0, a1, o)
    return o[:N0]

# --- scband reference (transcript-rebuilt; emitter-appended) ---
"""Pipeline reference for scband-armagnnconv-33895881900097 (READ-ONLY COPY).

The authoritative reference and input builder live on the scoring server;
editing this copy changes nothing except your own understanding.
"""

import jax, jax.numpy as jnp
import numpy as np

N = 10000
E = 160000
D = 256
K = 2


def setup_inputs(seed: int = 0) -> dict:
    key = jax.random.key(seed)
    k1, k2, k3, k4 = jax.random.split(key, 4)
    x = jax.random.normal(k1, (N, D), dtype=jnp.float32)
    edge_index = jax.random.randint(k2, (2, E), 0, N)
    # Linear layer params (out_channels=D, in_channels=D), torch-style init
    bound = 1.0 / np.sqrt(D)
    W = jax.random.uniform(k3, (D, D), minval=-bound, maxval=bound, dtype=jnp.float32)
    b = jax.random.uniform(k4, (D,), minval=-bound, maxval=bound, dtype=jnp.float32)
    # ARMA mixing weights: ones(K)/K
    weights = jnp.ones((K,), dtype=jnp.float32) / K
    return {"x": x, "edge_index": edge_index, "W": W, "b": b, "weights": weights}


def reference(x, edge_index, W, b, weights):
    row = edge_index[0]
    col = edge_index[1]
    n = x.shape[0]
    deg = jnp.bincount(row, length=n).astype(jnp.float32)
    deg_inv_sqrt = jnp.where(deg > 0, deg ** -0.5, 0.0)
    norm = deg_inv_sqrt[row] * deg_inv_sqrt[col]

    def spmm(v):
        # sparse_coo_tensor(edge_index, norm, (n, n)) @ v
        return jax.ops.segment_sum(norm[:, None] * v[col], row, num_segments=n)

    out = x @ W.T + b
    for k in range(K):
        x_k = out
        for _ in range(k + 1):
            x_k = spmm(x_k)
        out = out + weights[k] * x_k
    return out

if __name__ == "__main__":
    import jax
    _d = setup_inputs()
    print(jax.jit(kernel)(*tuple(_d.values())))

</pallas_src>

<mosaic_0001>
#map = affine_map<(d0, d1) -> (0, 0)>
module attributes {stable_mosaic.version = 14 : i64} {
  func.func @_adj_kernel(%arg0: i32, %arg1: i32, %arg2: memref<10240x128xf32, #tpu.memory_space<hbm>>, %arg3: memref<10240x128xf32, #tpu.memory_space<hbm>>, %arg4: memref<2560x64xi32, #tpu.memory_space<hbm>>, %arg5: memref<2560x64xi32, #tpu.memory_space<hbm>>, %arg6: memref<10240x128xf32, #tpu.memory_space<hbm>>, %arg7: memref<10240x128xf32, #tpu.memory_space<hbm>>, %arg8: memref<32x64xi32, #tpu.memory_space<vmem>>, %arg9: memref<32x64xi32, #tpu.memory_space<vmem>>, %arg10: memref<64x128xf32, #tpu.memory_space<vmem>>, %arg11: memref<64x128xf32, #tpu.memory_space<vmem>>, %arg12: memref<64x128xf32, #tpu.memory_space<vmem>>, %arg13: memref<64x128xf32, #tpu.memory_space<vmem>>, %arg14: memref<10240x128xf32, #tpu.memory_space<vmem_shared>>, %arg15: memref<!tpu.dma_semaphore, #tpu.memory_space<semaphore_mem>>, %arg16: memref<!tpu.dma_semaphore, #tpu.memory_space<semaphore_mem>>, %arg17: memref<!tpu.dma_semaphore, #tpu.memory_space<semaphore_mem>>, %arg18: memref<!tpu.dma_semaphore, #tpu.memory_space<semaphore_mem>>, %arg19: memref<!tpu.dma_semaphore, #tpu.memory_space<semaphore_mem>>, %arg20: memref<!tpu.dma_semaphore, #tpu.memory_space<semaphore_mem>>, %arg21: memref<!tpu.dma_semaphore, #tpu.memory_space<semaphore_mem>>, %arg22: memref<!tpu.dma_semaphore, #tpu.memory_space<semaphore_mem>>) attributes {dimension_semantics = [#tpu.dimension_semantics<core_parallel>, #tpu.dimension_semantics<subcore_parallel>], iteration_bounds = array<i64: 2, 16>, scalar_prefetch = 0 : i64, scratch_operands = 15 : i64, tpu.core_type = #tpu.core_type<sc_vector_subcore>, window_params = [{transform_indices = #map}, {transform_indices = #map}, {transform_indices = #map}, {transform_indices = #map}, {transform_indices = #map}, {transform_indices = #map}]} {
    %scan3A = arith.constant 0 : i32
    %scan3A_0 = arith.constant 0 : i32
    %scan3A_1 = arith.constant 64 : i32
    %scan3A_2 = arith.addi %scan3A_0, %scan3A_1 : i32
    %scan3A_3 = arith.constant 1 : i32
    %scan3A_4 = scf.for %scan3A_28 = %scan3A_0 to %scan3A_2 step %scan3A_3 iter_args(%scan3A_29 = %scan3A) -> (i32)  : i32 {
      %scan3A_30 = arith.constant 0 : i32
      %scan3A_31 = arith.constant 0 : i32
      %scan3A_32 = arith.constant 8 : i32
      %scan3A_33 = arith.addi %scan3A_31, %scan3A_32 : i32
      %scan3A_34 = arith.constant 1 : i32
      %scan3A_35 = scf.for %scan3A_38 = %scan3A_31 to %scan3A_33 step %scan3A_34 iter_args(%scan3A_39 = %scan3A_30) -> (i32)  : i32 {
        %broadcast_in_dim3A = arith.constant 0.000000e+00 : f32
        %broadcast_in_dim3A_40 = vector.broadcast %broadcast_in_dim3A : f32 to vector<16xf32>
        %mul3A = arith.constant 16 : i32
        %mul3A_41 = arith.muli %scan3A_38, %mul3A : i32
        %swap3A = arith.index_cast %scan3A_28 : i32 to index
        %swap3A_42 = arith.index_cast %mul3A_41 : i32 to index
        %swap3A_43 = tpu.vector_load %arg10[%swap3A, %swap3A_42] {strides = array<i32>} : memref<64x128xf32, #tpu.memory_space<vmem>>, vector<1x16xf32>,
        %swap3A_44 = vector.shape_cast %swap3A_43 : vector<1x16xf32> to vector<16xf32>
        %swap3A_45 = vector.shape_cast %broadcast_in_dim3A_40 : vector<16xf32> to vector<1x16xf32>
        tpu.vector_store %arg10[%swap3A, %swap3A_42], %swap3A_45 {strides = array<i32>} : memref<64x128xf32, #tpu.memory_space<vmem>>, vector<1x16xf32>,
        %scan3A_46 = arith.constant 0 : i32
        scf.yield %scan3A_46 : i32
      }
      %scan3A_36 = arith.constant 8 : i32
      %scan3A_37 = arith.constant 0 : i32
      scf.yield %scan3A_37 : i32
    }
    %scan3A_5 = arith.constant 64 : i32
    %scan3A_6 = arith.constant 0 : i32
    %scan3A_7 = arith.constant 0 : i32
    %scan3A_8 = arith.constant 10 : i32
    %scan3A_9 = arith.addi %scan3A_7, %scan3A_8 : i32
    %scan3A_10 = arith.constant 1 : i32
    %scan3A_11 = scf.for %scan3A_28 = %scan3A_7 to %scan3A_9 step %scan3A_10 iter_args(%scan3A_29 = %scan3A_6) -> (i32)  : i32 {
      %mul3A = arith.constant 640 : i32
      %mul3A_30 = arith.muli %arg1, %mul3A : i32
      %mul3A_31 = arith.constant 64 : i32
      %mul3A_32 = arith.muli %scan3A_28, %mul3A_31 : i32
      %add3A = arith.addi %mul3A_30, %mul3A_32 : i32
      "tpu.region"() ({
        %run_scoped3A = tpu.sem_alloc : memref<!tpu.dma_semaphore, #tpu.memory_space<semaphore_mem>>
        %dma_start3A = arith.constant 0 : i32
        %dma_start3A_34 = tpu.memref_slice %arg14[%add3A, %dma_start3A] : memref<10240x128xf32, #tpu.memory_space<vmem_shared>> -> memref<64x128xf32, #tpu.memory_space<vmem_shared>>
        %dma_start3A_35 = arith.constant 0 : i32
        %dma_start3A_36 = tpu.memref_slice %arg14[%add3A, %dma_start3A_35] : memref<10240x128xf32, #tpu.memory_space<vmem_shared>> -> memref<64x128xf32, #tpu.memory_space<vmem_shared>>
        tpu.enqueue_dma source(%arg10 : memref<64x128xf32, #tpu.memory_space<vmem>>) target(%dma_start3A_36 : memref<64x128xf32, #tpu.memory_space<vmem_shared>>) target_semaphore(%run_scoped3A : memref<!tpu.dma_semaphore, #tpu.memory_space<semaphore_mem>>)
        %dma_wait3A = arith.constant 0 : i32
        %dma_wait3A_37 = tpu.memref_slice %arg14[%add3A, %dma_wait3A] : memref<10240x128xf32, #tpu.memory_space<vmem_shared>> -> memref<64x128xf32, #tpu.memory_space<vmem_shared>>
        %dma_wait3A_38 = arith.constant 0 : i32
        %dma_wait3A_39 = tpu.memref_slice %arg14[%add3A, %dma_wait3A_38] : memref<10240x128xf32, #tpu.memory_space<vmem_shared>> -> memref<64x128xf32, #tpu.memory_space<vmem_shared>>
        tpu.wait_dma2 semaphore(%run_scoped3A : memref<!tpu.dma_semaphore, #tpu.memory_space<semaphore_mem>>) src(%arg10 : memref<64x128xf32, #tpu.memory_space<vmem>>) dst(%dma_wait3A_39 : memref<64x128xf32, #tpu.memory_space<vmem_shared>>)
        tpu.yield
      }) : () -> ()
      %scan3A_33 = arith.constant 0 : i32
      scf.yield %scan3A_33 : i32
    }
    %scan3A_12 = arith.constant 10 : i32
    %barrier3A = arith.constant 0 : index
    tpu.barrier barrier_id(%barrier3A)
    %scan3A_13 = arith.constant 0 : i32
    %scan3A_14 = arith.constant 0 : i32
    %scan3A_15 = arith.constant 5 : i32
    %scan3A_16 = arith.addi %scan3A_14, %scan3A_15 : i32
    %scan3A_17 = arith.constant 1 : i32
    %scan3A_18 = scf.for %scan3A_28 = %scan3A_14 to %scan3A_16 step %scan3A_17 iter_args(%scan3A_29 = %scan3A_13) -> (i32)  : i32 {
      %mul3A = arith.constant 160 : i32
      %mul3A_30 = arith.muli %arg1, %mul3A : i32
      %mul3A_31 = arith.constant 32 : i32
      %mul3A_32 = arith.muli %scan3A_28, %mul3A_31 : i32
      %add3A = arith.addi %mul3A_30, %mul3A_32 : i32
      "tpu.region"() ({
        %run_scoped3A = tpu.sem_alloc : memref<!tpu.dma_semaphore, #tpu.memory_space<semaphore_mem>>
        %dma_start3A = arith.constant 0 : i32
        %dma_start3A_110 = tpu.memref_slice %arg4[%add3A, %dma_start3A] : memref<2560x64xi32, #tpu.memory_space<hbm>> -> memref<32x64xi32, #tpu.memory_space<hbm>>
        %dma_start3A_111 = arith.constant 0 : i32
        %dma_start3A_112 = tpu.memref_slice %arg4[%add3A, %dma_start3A_111] : memref<2560x64xi32, #tpu.memory_space<hbm>> -> memref<32x64xi32, #tpu.memory_space<hbm>>
        tpu.enqueue_dma source(%dma_start3A_112 : memref<32x64xi32, #tpu.memory_space<hbm>>) target(%arg8 : memref<32x64xi32, #tpu.memory_space<vmem>>) target_semaphore(%run_scoped3A : memref<!tpu.dma_semaphore, #tpu.memory_space<semaphore_mem>>)
        %dma_wait3A_113 = arith.constant 0 : i32
        %dma_wait3A_114 = tpu.memref_slice %arg4[%add3A, %dma_wait3A_113] : memref<2560x64xi32, #tpu.memory_space<hbm>> -> memref<32x64xi32, #tpu.memory_space<hbm>>
        %dma_wait3A_115 = arith.constant 0 : i32
        %dma_wait3A_116 = tpu.memref_slice %arg4[%add3A, %dma_wait3A_115] : memref<2560x64xi32, #tpu.memory_space<hbm>> -> memref<32x64xi32, #tpu.memory_space<hbm>>
        tpu.wait_dma2 semaphore(%run_scoped3A : memref<!tpu.dma_semaphore, #tpu.memory_space<semaphore_mem>>) src(%dma_wait3A_116 : memref<32x64xi32, #tpu.memory_space<hbm>>) dst(%arg8 : memref<32x64xi32, #tpu.memory_space<vmem>>)
        tpu.yield
      }) : () -> ()
      %mul3A_33 = arith.constant 160 : i32
      %mul3A_34 = arith.muli %arg1, %mul3A_33 : i32
      %mul3A_35 = arith.constant 32 : i32
      %mul3A_36 = arith.muli %scan3A_28, %mul3A_35 : i32
      %add3A_37 = arith.addi %mul3A_34, %mul3A_36 : i32
      "tpu.region"() ({
        %run_scoped3A = tpu.sem_alloc : memref<!tpu.dma_semaphore, #tpu.memory_space<semaphore_mem>>
        %dma_start3A = arith.constant 0 : i32
        %dma_start3A_110 = tpu.memref_slice %arg5[%add3A_37, %dma_start3A] : memref<2560x64xi32, #tpu.memory_space<hbm>> -> memref<32x64xi32, #tpu.memory_space<hbm>>
        %dma_start3A_111 = arith.constant 0 : i32
        %dma_start3A_112 = tpu.memref_slice %arg5[%add3A_37, %dma_start3A_111] : memref<2560x64xi32, #tpu.memory_space<hbm>> -> memref<32x64xi32, #tpu.memory_space<hbm>>
        tpu.enqueue_dma source(%dma_start3A_112 : memref<32x64xi32, #tpu.memory_space<hbm>>) target(%arg9 : memref<32x64xi32, #tpu.memory_space<vmem>>) target_semaphore(%run_scoped3A : memref<!tpu.dma_semaphore, #tpu.memory_space<semaphore_mem>>)
        %dma_wait3A_113 = arith.constant 0 : i32
        %dma_wait3A_114 = tpu.memref_slice %arg5[%add3A_37, %dma_wait3A_113] : memref<2560x64xi32, #tpu.memory_space<hbm>> -> memref<32x64xi32, #tpu.memory_space<hbm>>
        %dma_wait3A_115 = arith.constant 0 : i32
        %dma_wait3A_116 = tpu.memref_slice %arg5[%add3A_37, %dma_wait3A_115] : memref<2560x64xi32, #tpu.memory_space<hbm>> -> memref<32x64xi32, #tpu.memory_space<hbm>>
        tpu.wait_dma2 semaphore(%run_scoped3A : memref<!tpu.dma_semaphore, #tpu.memory_space<semaphore_mem>>) src(%dma_wait3A_116 : memref<32x64xi32, #tpu.memory_space<hbm>>) dst(%arg9 : memref<32x64xi32, #tpu.memory_space<vmem>>)
        tpu.yield
      }) : () -> ()
      %eq3A = arith.constant 0 : i32
      %eq3A_38 = arith.cmpi eq, %arg0, %eq3A : i32
      %convert_element_type3A = arith.extui %eq3A_38 : i1 to i32
      %cond3A = arith.constant 0 : i32
      %cond3A_39 = arith.cmpi ne, %convert_element_type3A, %cond3A : i32
      scf.if %cond3A_39 {
        %dma_start3A = arith.constant 0 : i32
        %dma_start3A_110 = arith.constant 0 : i32
        %dma_start3A_111 = tpu.memref_slice %arg8[%dma_start3A, %dma_start3A_110] : memref<32x64xi32, #tpu.memory_space<vmem>> -> memref<1x64xi32, #tpu.memory_space<vmem>>
        %dma_start3A_112 = tpu.memref_squeeze %dma_start3A_111 : memref<1x64xi32, #tpu.memory_space<vmem>> -> memref<64xi32, #tpu.memory_space<vmem>>
        %dma_start3A_113 = arith.constant 0 : i32
        %dma_start3A_114 = arith.constant 0 : i32
        %dma_start3A_115 = tpu.memref_slice %arg2[%dma_start3A_113, %dma_start3A_114] : memref<10240x128xf32, #tpu.memory_space<hbm>> -> memref<10240x128xf32, #tpu.memory_space<hbm>>
        tpu.enqueue_indirect_dma source(%dma_start3A_115 : memref<10240x128xf32, #tpu.memory_space<hbm>>) target(%arg10 : memref<64x128xf32, #tpu.memory_space<vmem>>) offsets(%dma_start3A_112 : memref<64xi32, #tpu.memory_space<vmem>>) semaphore(%arg15 : memref<!tpu.dma_semaphore, #tpu.memory_space<semaphore_mem>>)
      } else {
      }
      %eq3A_40 = arith.constant 1 : i32
      %eq3A_41 = arith.cmpi eq, %arg0, %eq3A_40 : i32
      %convert_element_type3A_42 = arith.extui %eq3A_41 : i1 to i32
      %cond3A_43 = arith.constant 0 : i32
      %cond3A_44 = arith.cmpi ne, %convert_element_type3A_42, %cond3A_43 : i32
      scf.if %cond3A_44 {
        %dma_start3A = arith.constant 0 : i32
        %dma_start3A_110 = arith.constant 0 : i32
        %dma_start3A_111 = tpu.memref_slice %arg8[%dma_start3A, %dma_start3A_110] : memref<32x64xi32, #tpu.memory_space<vmem>> -> memref<1x64xi32, #tpu.memory_space<vmem>>
        %dma_start3A_112 = tpu.memref_squeeze %dma_start3A_111 : memref<1x64xi32, #tpu.memory_space<vmem>> -> memref<64xi32, #tpu.memory_space<vmem>>
        %dma_start3A_113 = arith.constant 0 : i32
        %dma_start3A_114 = arith.constant 0 : i32
        %dma_start3A_115 = tpu.memref_slice %arg3[%dma_start3A_113, %dma_start3A_114] : memref<10240x128xf32, #tpu.memory_space<hbm>> -> memref<10240x128xf32, #tpu.memory_space<hbm>>
        tpu.enqueue_indirect_dma source(%dma_start3A_115 : memref<10240x128xf32, #tpu.memory_space<hbm>>) target(%arg10 : memref<64x128xf32, #tpu.memory_space<vmem>>) offsets(%dma_start3A_112 : memref<64xi32, #tpu.memory_space<vmem>>) semaphore(%arg15 : memref<!tpu.dma_semaphore, #tpu.memory_space<semaphore_mem>>)
      } else {
      }
      %eq3A_45 = arith.constant 0 : i32
      %eq3A_46 = arith.cmpi eq, %arg0, %eq3A_45 : i32
      %convert_element_type3A_47 = arith.extui %eq3A_46 : i1 to i32
      %cond3A_48 = arith.constant 0 : i32
      %cond3A_49 = arith.cmpi ne, %convert_element_type3A_47, %cond3A_48 : i32
      scf.if %cond3A_49 {
        %dma_start3A = arith.constant 1 : i32
        %dma_start3A_110 = arith.constant 0 : i32
        %dma_start3A_111 = tpu.memref_slice %arg8[%dma_start3A, %dma_start3A_110] : memref<32x64xi32, #tpu.memory_space<vmem>> -> memref<1x64xi32, #tpu.memory_space<vmem>>
        %dma_start3A_112 = tpu.memref_squeeze %dma_start3A_111 : memref<1x64xi32, #tpu.memory_space<vmem>> -> memref<64xi32, #tpu.memory_space<vmem>>
        %dma_start3A_113 = arith.constant 0 : i32
        %dma_start3A_114 = arith.constant 0 : i32
        %dma_start3A_115 = tpu.memref_slice %arg2[%dma_start3A_113, %dma_start3A_114] : memref<10240x128xf32, #tpu.memory_space<hbm>> -> memref<10240x128xf32, #tpu.memory_space<hbm>>
        tpu.enqueue_indirect_dma source(%dma_start3A_115 : memref<10240x128xf32, #tpu.memory_space<hbm>>) target(%arg11 : memref<64x128xf32, #tpu.memory_space<vmem>>) offsets(%dma_start3A_112 : memref<64xi32, #tpu.memory_space<vmem>>) semaphore(%arg16 : memref<!tpu.dma_semaphore, #tpu.memory_space<semaphore_mem>>)
      } else {
      }
      %eq3A_50 = arith.constant 1 : i32
      %eq3A_51 = arith.cmpi eq, %arg0, %eq3A_50 : i32
      %convert_element_type3A_52 = arith.extui %eq3A_51 : i1 to i32
      %cond3A_53 = arith.constant 0 : i32
      %cond3A_54 = arith.cmpi ne, %convert_element_type3A_52, %cond3A_53 : i32
      scf.if %cond3A_54 {
        %dma_start3A = arith.constant 1 : i32
        %dma_start3A_110 = arith.constant 0 : i32
        %dma_start3A_111 = tpu.memref_slice %arg8[%dma_start3A, %dma_start3A_110] : memref<32x64xi32, #tpu.memory_space<vmem>> -> memref<1x64xi32, #tpu.memory_space<vmem>>
        %dma_start3A_112 = tpu.memref_squeeze %dma_start3A_111 : memref<1x64xi32, #tpu.memory_space<vmem>> -> memref<64xi32, #tpu.memory_space<vmem>>
        %dma_start3A_113 = arith.constant 0 : i32
        %dma_start3A_114 = arith.constant 0 : i32
        %dma_start3A_115 = tpu.memref_slice %arg3[%dma_start3A_113, %dma_start3A_114] : memref<10240x128xf32, #tpu.memory_space<hbm>> -> memref<10240x128xf32, #tpu.memory_space<hbm>>
        tpu.enqueue_indirect_dma source(%dma_start3A_115 : memref<10240x128xf32, #tpu.memory_space<hbm>>) target(%arg11 : memref<64x128xf32, #tpu.memory_space<vmem>>) offsets(%dma_start3A_112 : memref<64xi32, #tpu.memory_space<vmem>>) semaphore(%arg16 : memref<!tpu.dma_semaphore, #tpu.memory_space<semaphore_mem>>)
      } else {
      }
      %eq3A_55 = arith.constant 0 : i32
      %eq3A_56 = arith.cmpi eq, %arg0, %eq3A_55 : i32
      %convert_element_type3A_57 = arith.extui %eq3A_56 : i1 to i32
      %cond3A_58 = arith.constant 0 : i32
      %cond3A_59 = arith.cmpi ne, %convert_element_type3A_57, %cond3A_58 : i32
      scf.if %cond3A_59 {
        %dma_start3A = arith.constant 2 : i32
        %dma_start3A_110 = arith.constant 0 : i32
        %dma_start3A_111 = tpu.memref_slice %arg8[%dma_start3A, %dma_start3A_110] : memref<32x64xi32, #tpu.memory_space<vmem>> -> memref<1x64xi32, #tpu.memory_space<vmem>>
        %dma_start3A_112 = tpu.memref_squeeze %dma_start3A_111 : memref<1x64xi32, #tpu.memory_space<vmem>> -> memref<64xi32, #tpu.memory_space<vmem>>
        %dma_start3A_113 = arith.constant 0 : i32
        %dma_start3A_114 = arith.constant 0 : i32
        %dma_start3A_115 = tpu.memref_slice %arg2[%dma_start3A_113, %dma_start3A_114] : memref<10240x128xf32, #tpu.memory_space<hbm>> -> memref<10240x128xf32, #tpu.memory_space<hbm>>
        tpu.enqueue_indirect_dma source(%dma_start3A_115 : memref<10240x128xf32, #tpu.memory_space<hbm>>) target(%arg12 : memref<64x128xf32, #tpu.memory_space<vmem>>) offsets(%dma_start3A_112 : memref<64xi32, #tpu.memory_space<vmem>>) semaphore(%arg17 : memref<!tpu.dma_semaphore, #tpu.memory_space<semaphore_mem>>)
      } else {
      }
      %eq3A_60 = arith.constant 1 : i32
      %eq3A_61 = arith.cmpi eq, %arg0, %eq3A_60 : i32
      %convert_element_type3A_62 = arith.extui %eq3A_61 : i1 to i32
      %cond3A_63 = arith.constant 0 : i32
      %cond3A_64 = arith.cmpi ne, %convert_element_type3A_62, %cond3A_63 : i32
      scf.if %cond3A_64 {
        %dma_start3A = arith.constant 2 : i32
        %dma_start3A_110 = arith.constant 0 : i32
        %dma_start3A_111 = tpu.memref_slice %arg8[%dma_start3A, %dma_start3A_110] : memref<32x64xi32, #tpu.memory_space<vmem>> -> memref<1x64xi32, #tpu.memory_space<vmem>>
        %dma_start3A_112 = tpu.memref_squeeze %dma_start3A_111 : memref<1x64xi32, #tpu.memory_space<vmem>> -> memref<64xi32, #tpu.memory_space<vmem>>
        %dma_start3A_113 = arith.constant 0 : i32
        %dma_start3A_114 = arith.constant 0 : i32
        %dma_start3A_115 = tpu.memref_slice %arg3[%dma_start3A_113, %dma_start3A_114] : memref<10240x128xf32, #tpu.memory_space<hbm>> -> memref<10240x128xf32, #tpu.memory_space<hbm>>
        tpu.enqueue_indirect_dma source(%dma_start3A_115 : memref<10240x128xf32, #tpu.memory_space<hbm>>) target(%arg12 : memref<64x128xf32, #tpu.memory_space<vmem>>) offsets(%dma_start3A_112 : memref<64xi32, #tpu.memory_space<vmem>>) semaphore(%arg17 : memref<!tpu.dma_semaphore, #tpu.memory_space<semaphore_mem>>)
      } else {
      }
      %eq3A_65 = arith.constant 0 : i32
      %eq3A_66 = arith.cmpi eq, %arg0, %eq3A_65 : i32
      %convert_element_type3A_67 = arith.extui %eq3A_66 : i1 to i32
      %cond3A_68 = arith.constant 0 : i32
      %cond3A_69 = arith.cmpi ne, %convert_element_type3A_67, %cond3A_68 : i32
      scf.if %cond3A_69 {
        %dma_start3A = arith.constant 3 : i32
        %dma_start3A_110 = arith.constant 0 : i32
        %dma_start3A_111 = tpu.memref_slice %arg8[%dma_start3A, %dma_start3A_110] : memref<32x64xi32, #tpu.memory_space<vmem>> -> memref<1x64xi32, #tpu.memory_space<vmem>>
        %dma_start3A_112 = tpu.memref_squeeze %dma_start3A_111 : memref<1x64xi32, #tpu.memory_space<vmem>> -> memref<64xi32, #tpu.memory_space<vmem>>
        %dma_start3A_113 = arith.constant 0 : i32
        %dma_start3A_114 = arith.constant 0 : i32
        %dma_start3A_115 = tpu.memref_slice %arg2[%dma_start3A_113, %dma_start3A_114] : memref<10240x128xf32, #tpu.memory_space<hbm>> -> memref<10240x128xf32, #tpu.memory_space<hbm>>
        tpu.enqueue_indirect_dma source(%dma_start3A_115 : memref<10240x128xf32, #tpu.memory_space<hbm>>) target(%arg13 : memref<64x128xf32, #tpu.memory_space<vmem>>) offsets(%dma_start3A_112 : memref<64xi32, #tpu.memory_space<vmem>>) semaphore(%arg18 : memref<!tpu.dma_semaphore, #tpu.memory_space<semaphore_mem>>)
      } else {
      }
      %eq3A_70 = arith.constant 1 : i32
      %eq3A_71 = arith.cmpi eq, %arg0, %eq3A_70 : i32
      %convert_element_type3A_72 = arith.extui %eq3A_71 : i1 to i32
      %cond3A_73 = arith.constant 0 : i32
      %cond3A_74 = arith.cmpi ne, %convert_element_type3A_72, %cond3A_73 : i32
      scf.if %cond3A_74 {
        %dma_start3A = arith.constant 3 : i32
        %dma_start3A_110 = arith.constant 0 : i32
        %dma_start3A_111 = tpu.memref_slice %arg8[%dma_start3A, %dma_start3A_110] : memref<32x64xi32, #tpu.memory_space<vmem>> -> memref<1x64xi32, #tpu.memory_space<vmem>>
        %dma_start3A_112 = tpu.memref_squeeze %dma_start3A_111 : memref<1x64xi32, #tpu.memory_space<vmem>> -> memref<64xi32, #tpu.memory_space<vmem>>
        %dma_start3A_113 = arith.constant 0 : i32
        %dma_start3A_114 = arith.constant 0 : i32
        %dma_start3A_115 = tpu.memref_slice %arg3[%dma_start3A_113, %dma_start3A_114] : memref<10240x128xf32, #tpu.memory_space<hbm>> -> memref<10240x128xf32, #tpu.memory_space<hbm>>
        tpu.enqueue_indirect_dma source(%dma_start3A_115 : memref<10240x128xf32, #tpu.memory_space<hbm>>) target(%arg13 : memref<64x128xf32, #tpu.memory_space<vmem>>) offsets(%dma_start3A_112 : memref<64xi32, #tpu.memory_space<vmem>>) semaphore(%arg18 : memref<!tpu.dma_semaphore, #tpu.memory_space<semaphore_mem>>)
      } else {
      }
      %scan3A_75 = arith.constant 0 : i32
      %scan3A_76 = arith.constant 0 : i32
      %scan3A_77 = arith.constant 8 : i32
      %scan3A_78 = arith.addi %scan3A_76, %scan3A_77 : i32
      %scan3A_79 = arith.constant 1 : i32
      %scan3A_80 = scf.for %scan3A_110 = %scan3A_76 to %scan3A_78 step %scan3A_79 iter_args(%scan3A_111 = %scan3A_75) -> (i32)  : i32 {
        %mul3A_112 = arith.constant 4 : i32
        %mul3A_113 = arith.muli %mul3A_112, %scan3A_110 : i32
        %add3A_114 = arith.constant 0 : i32
        %add3A_115 = arith.addi %mul3A_113, %add3A_114 : i32
        %dma_wait3A_116 = arith.constant 0 : i32
        %dma_wait3A_117 = tpu.memref_slice %arg8[%add3A_115, %dma_wait3A_116] : memref<32x64xi32, #tpu.memory_space<vmem>> -> memref<1x64xi32, #tpu.memory_space<vmem>>
        %dma_wait3A_118 = tpu.memref_squeeze %dma_wait3A_117 : memref<1x64xi32, #tpu.memory_space<vmem>> -> memref<64xi32, #tpu.memory_space<vmem>>
        %dma_wait3A_119 = arith.constant 0 : i32
        %dma_wait3A_120 = arith.constant 0 : i32
        %dma_wait3A_121 = tpu.memref_slice %arg2[%dma_wait3A_119, %dma_wait3A_120] : memref<10240x128xf32, #tpu.memory_space<hbm>> -> memref<10240x128xf32, #tpu.memory_space<hbm>>
        tpu.wait_indirect_dma semaphore(%arg15 : memref<!tpu.dma_semaphore, #tpu.memory_space<semaphore_mem>>) src(%dma_wait3A_121 : memref<10240x128xf32, #tpu.memory_space<hbm>>) dst(%arg10 : memref<64x128xf32, #tpu.memory_space<vmem>>)
        %dma_start3A = arith.constant 0 : i32
        %dma_start3A_122 = tpu.memref_slice %arg9[%add3A_115, %dma_start3A] : memref<32x64xi32, #tpu.memory_space<vmem>> -> memref<1x64xi32, #tpu.memory_space<vmem>>
        %dma_start3A_123 = tpu.memref_squeeze %dma_start3A_122 : memref<1x64xi32, #tpu.memory_space<vmem>> -> memref<64xi32, #tpu.memory_space<vmem>>
        %dma_start3A_124 = arith.constant 0 : i32
        %dma_start3A_125 = arith.constant 0 : i32
        %dma_start3A_126 = tpu.memref_slice %arg14[%dma_start3A_124, %dma_start3A_125] : memref<10240x128xf32, #tpu.memory_space<vmem_shared>> -> memref<10240x128xf32, #tpu.memory_space<vmem_shared>>
        tpu.enqueue_indirect_dma source(%arg10 : memref<64x128xf32, #tpu.memory_space<vmem>>) target(%dma_start3A_126 : memref<10240x128xf32, #tpu.memory_space<vmem_shared>>) offsets(%dma_start3A_123 : memref<64xi32, #tpu.memory_space<vmem>>) semaphore(%arg19 : memref<!tpu.dma_semaphore, #tpu.memory_space<semaphore_mem>>) {add = true}
        %lt3A = arith.constant 7 : i32
        %lt3A_127 = arith.cmpi slt, %scan3A_110, %lt3A : i32
        %convert_element_type3A_128 = arith.extui %lt3A_127 : i1 to i32
        %cond3A_129 = arith.constant 0 : i32
        %cond3A_130 = arith.cmpi ne, %convert_element_type3A_128, %cond3A_129 : i32
        scf.if %cond3A_130 {
          %dma_wait3A_195 = arith.constant 0 : i32
          %dma_wait3A_196 = tpu.memref_slice %arg9[%add3A_115, %dma_wait3A_195] : memref<32x64xi32, #tpu.memory_space<vmem>> -> memref<1x64xi32, #tpu.memory_space<vmem>>
          %dma_wait3A_197 = tpu.memref_squeeze %dma_wait3A_196 : memref<1x64xi32, #tpu.memory_space<vmem>> -> memref<64xi32, #tpu.memory_space<vmem>>
          %dma_wait3A_198 = arith.constant 0 : i32
          %dma_wait3A_199 = arith.constant 0 : i32
          %dma_wait3A_200 = tpu.memref_slice %arg14[%dma_wait3A_198, %dma_wait3A_199] : memref<10240x128xf32, #tpu.memory_space<vmem_shared>> -> memref<10240x128xf32, #tpu.memory_space<vmem_shared>>
          tpu.wait_indirect_dma semaphore(%arg19 : memref<!tpu.dma_semaphore, #tpu.memory_space<semaphore_mem>>) src(%arg10 : memref<64x128xf32, #tpu.memory_space<vmem>>) dst(%dma_wait3A_200 : memref<10240x128xf32, #tpu.memory_space<vmem_shared>>)
          %add3A_201 = arith.constant 4 : i32
          %add3A_202 = arith.addi %add3A_115, %add3A_201 : i32
          %eq3A_203 = arith.constant 0 : i32
          %eq3A_204 = arith.cmpi eq, %arg0, %eq3A_203 : i32
          %convert_element_type3A_205 = arith.extui %eq3A_204 : i1 to i32
          %cond3A_206 = arith.constant 0 : i32
          %cond3A_207 = arith.cmpi ne, %convert_element_type3A_205, %cond3A_206 : i32
          scf.if %cond3A_207 {
            %dma_start3A_213 = arith.constant 0 : i32
            %dma_start3A_214 = tpu.memref_slice %arg8[%add3A_202, %dma_start3A_213] : memref<32x64xi32, #tpu.memory_space<vmem>> -> memref<1x64xi32, #tpu.memory_space<vmem>>
            %dma_start3A_215 = tpu.memref_squeeze %dma_start3A_214 : memref<1x64xi32, #tpu.memory_space<vmem>> -> memref<64xi32, #tpu.memory_space<vmem>>
            %dma_start3A_216 = arith.constant 0 : i32
            %dma_start3A_217 = arith.constant 0 : i32
            %dma_start3A_218 = tpu.memref_slice %arg2[%dma_start3A_216, %dma_start3A_217] : memref<10240x128xf32, #tpu.memory_space<hbm>> -> memref<10240x128xf32, #tpu.memory_space<hbm>>
            tpu.enqueue_indirect_dma source(%dma_start3A_218 : memref<10240x128xf32, #tpu.memory_space<hbm>>) target(%arg10 : memref<64x128xf32, #tpu.memory_space<vmem>>) offsets(%dma_start3A_215 : memref<64xi32, #tpu.memory_space<vmem>>) semaphore(%arg15 : memref<!tpu.dma_semaphore, #tpu.memory_space<semaphore_mem>>)
          } else {
          }
          %eq3A_208 = arith.constant 1 : i32
          %eq3A_209 = arith.cmpi eq, %arg0, %eq3A_208 : i32
          %convert_element_type3A_210 = arith.extui %eq3A_209 : i1 to i32
          %cond3A_211 = arith.constant 0 : i32
          %cond3A_212 = arith.cmpi ne, %convert_element_type3A_210, %cond3A_211 : i32
          scf.if %cond3A_212 {
            %dma_start3A_213 = arith.constant 0 : i32
            %dma_start3A_214 = tpu.memref_slice %arg8[%add3A_202, %dma_start3A_213] : memref<32x64xi32, #tpu.memory_space<vmem>> -> memref<1x64xi32, #tpu.memory_space<vmem>>
            %dma_start3A_215 = tpu.memref_squeeze %dma_start3A_214 : memref<1x64xi32, #tpu.memory_space<vmem>> -> memref<64xi32, #tpu.memory_space<vmem>>
            %dma_start3A_216 = arith.constant 0 : i32
            %dma_start3A_217 = arith.constant 0 : i32
            %dma_start3A_218 = tpu.memref_slice %arg3[%dma_start3A_216, %dma_start3A_217] : memref<10240x128xf32, #tpu.memory_space<hbm>> -> memref<10240x128xf32, #tpu.memory_space<hbm>>
            tpu.enqueue_indirect_dma source(%dma_start3A_218 : memref<10240x128xf32, #tpu.memory_space<hbm>>) target(%arg10 : memref<64x128xf32, #tpu.memory_space<vmem>>) offsets(%dma_start3A_215 : memref<64xi32, #tpu.memory_space<vmem>>) semaphore(%arg15 : memref<!tpu.dma_semaphore, #tpu.memory_space<semaphore_mem>>)
          } else {
          }
        } else {
        }
        %mul3A_131 = arith.constant 4 : i32
        %mul3A_132 = arith.muli %mul3A_131, %scan3A_110 : i32
        %add3A_133 = arith.constant 1 : i32
        %add3A_134 = arith.addi %mul3A_132, %add3A_133 : i32
        %dma_wait3A_135 = arith.constant 0 : i32
        %dma_wait3A_136 = tpu.memref_slice %arg8[%add3A_134, %dma_wait3A_135] : memref<32x64xi32, #tpu.memory_space<vmem>> -> memref<1x64xi32, #tpu.memory_space<vmem>>
        %dma_wait3A_137 = tpu.memref_squeeze %dma_wait3A_136 : memref<1x64xi32, #tpu.memory_space<vmem>> -> memref<64xi32, #tpu.memory_space<vmem>>
        %dma_wait3A_138 = arith.constant 0 : i32
        %dma_wait3A_139 = arith.constant 0 : i32
        %dma_wait3A_140 = tpu.memref_slice %arg2[%dma_wait3A_138, %dma_wait3A_139] : memref<10240x128xf32, #tpu.memory_space<hbm>> -> memref<10240x128xf32, #tpu.memory_space<hbm>>
        tpu.wait_indirect_dma semaphore(%arg16 : memref<!tpu.dma_semaphore, #tpu.memory_space<semaphore_mem>>) src(%dma_wait3A_140 : memref<10240x128xf32, #tpu.memory_space<hbm>>) dst(%arg11 : memref<64x128xf32, #tpu.memory_space<vmem>>)
        %dma_start3A_141 = arith.constant 0 : i32
        %dma_start3A_142 = tpu.memref_slice %arg9[%add3A_134, %dma_start3A_141] : memref<32x64xi32, #tpu.memory_space<vmem>> -> memref<1x64xi32, #tpu.memory_space<vmem>>
        %dma_start3A_143 = tpu.memref_squeeze %dma_start3A_142 : memref<1x64xi32, #tpu.memory_space<vmem>> -> memref<64xi32, #tpu.memory_space<vmem>>
        %dma_start3A_144 = arith.constant 0 : i32
        %dma_start3A_145 = arith.constant 0 : i32
        %dma_start3A_146 = tpu.memref_slice %arg14[%dma_start3A_144, %dma_start3A_145] : memref<10240x128xf32, #tpu.memory_space<vmem_shared>> -> memref<10240x128xf32, #tpu.memory_space<vmem_shared>>
        tpu.enqueue_indirect_dma source(%arg11 : memref<64x128xf32, #tpu.memory_space<vmem>>) target(%dma_start3A_146 : memref<10240x128xf32, #tpu.memory_space<vmem_shared>>) offsets(%dma_start3A_143 : memref<64xi32, #tpu.memory_space<vmem>>) semaphore(%arg20 : memref<!tpu.dma_semaphore, #tpu.memory_space<semaphore_mem>>) {add = true}
        %lt3A_147 = arith.constant 7 : i32
        %lt3A_148 = arith.cmpi slt, %scan3A_110, %lt3A_147 : i32
        %convert_element_type3A_149 = arith.extui %lt3A_148 : i1 to i32
        %cond3A_150 = arith.constant 0 : i32
        %cond3A_151 = arith.cmpi ne, %convert_element_type3A_149, %cond3A_150 : i32
        scf.if %cond3A_151 {
          %dma_wait3A_195 = arith.constant 0 : i32
          %dma_wait3A_196 = tpu.memref_slice %arg9[%add3A_134, %dma_wait3A_195] : memref<32x64xi32, #tpu.memory_space<vmem>> -> memref<1x64xi32, #tpu.memory_space<vmem>>
          %dma_wait3A_197 = tpu.memref_squeeze %dma_wait3A_196 : memref<1x64xi32, #tpu.memory_space<vmem>> -> memref<64xi32, #tpu.memory_space<vmem>>
          %dma_wait3A_198 = arith.constant 0 : i32
          %dma_wait3A_199 = arith.constant 0 : i32
          %dma_wait3A_200 = tpu.memref_slice %arg14[%dma_wait3A_198, %dma_wait3A_199] : memref<10240x128xf32, #tpu.memory_space<vmem_shared>> -> memref<10240x128xf32, #tpu.memory_space<vmem_shared>>
          tpu.wait_indirect_dma semaphore(%arg20 : memref<!tpu.dma_semaphore, #tpu.memory_space<semaphore_mem>>) src(%arg11 : memref<64x128xf32, #tpu.memory_space<vmem>>) dst(%dma_wait3A_200 : memref<10240x128xf32, #tpu.memory_space<vmem_shared>>)
          %add3A_201 = arith.constant 4 : i32
          %add3A_202 = arith.addi %add3A_134, %add3A_201 : i32
          %eq3A_203 = arith.constant 0 : i32
          %eq3A_204 = arith.cmpi eq, %arg0, %eq3A_203 : i32
          %convert_element_type3A_205 = arith.extui %eq3A_204 : i1 to i32
          %cond3A_206 = arith.constant 0 : i32
          %cond3A_207 = arith.cmpi ne, %convert_element_type3A_205, %cond3A_206 : i32
          scf.if %cond3A_207 {
            %dma_start3A_213 = arith.constant 0 : i32
            %dma_start3A_214 = tpu.memref_slice %arg8[%add3A_202, %dma_start3A_213] : memref<32x64xi32, #tpu.memory_space<vmem>> -> memref<1x64xi32, #tpu.memory_space<vmem>>
            %dma_start3A_215 = tpu.memref_squeeze %dma_start3A_214 : memref<1x64xi32, #tpu.memory_space<vmem>> -> memref<64xi32, #tpu.memory_space<vmem>>
            %dma_start3A_216 = arith.constant 0 : i32
            %dma_start3A_217 = arith.constant 0 : i32
            %dma_start3A_218 = tpu.memref_slice %arg2[%dma_start3A_216, %dma_start3A_217] : memref<10240x128xf32, #tpu.memory_space<hbm>> -> memref<10240x128xf32, #tpu.memory_space<hbm>>
            tpu.enqueue_indirect_dma source(%dma_start3A_218 : memref<10240x128xf32, #tpu.memory_space<hbm>>) target(%arg11 : memref<64x128xf32, #tpu.memory_space<vmem>>) offsets(%dma_start3A_215 : memref<64xi32, #tpu.memory_space<vmem>>) semaphore(%arg16 : memref<!tpu.dma_semaphore, #tpu.memory_space<semaphore_mem>>)
          } else {
          }
          %eq3A_208 = arith.constant 1 : i32
          %eq3A_209 = arith.cmpi eq, %arg0, %eq3A_208 : i32
          %convert_element_type3A_210 = arith.extui %eq3A_209 : i1 to i32
          %cond3A_211 = arith.constant 0 : i32
          %cond3A_212 = arith.cmpi ne, %convert_element_type3A_210, %cond3A_211 : i32
          scf.if %cond3A_212 {
            %dma_start3A_213 = arith.constant 0 : i32
            %dma_start3A_214 = tpu.memref_slice %arg8[%add3A_202, %dma_start3A_213] : memref<32x64xi32, #tpu.memory_space<vmem>> -> memref<1x64xi32, #tpu.memory_space<vmem>>
            %dma_start3A_215 = tpu.memref_squeeze %dma_start3A_214 : memref<1x64xi32, #tpu.memory_space<vmem>> -> memref<64xi32, #tpu.memory_space<vmem>>
            %dma_start3A_216 = arith.constant 0 : i32
            %dma_start3A_217 = arith.constant 0 : i32
            %dma_start3A_218 = tpu.memref_slice %arg3[%dma_start3A_216, %dma_start3A_217] : memref<10240x128xf32, #tpu.memory_space<hbm>> -> memref<10240x128xf32, #tpu.memory_space<hbm>>
            tpu.enqueue_indirect_dma source(%dma_start3A_218 : memref<10240x128xf32, #tpu.memory_space<hbm>>) target(%arg11 : memref<64x128xf32, #tpu.memory_space<vmem>>) offsets(%dma_start3A_215 : memref<64xi32, #tpu.memory_space<vmem>>) semaphore(%arg16 : memref<!tpu.dma_semaphore, #tpu.memory_space<semaphore_mem>>)
          } else {
          }
        } else {
        }
        %mul3A_152 = arith.constant 4 : i32
        %mul3A_153 = arith.muli %mul3A_152, %scan3A_110 : i32
        %add3A_154 = arith.constant 2 : i32
        %add3A_155 = arith.addi %mul3A_153, %add3A_154 : i32
        %dma_wait3A_156 = arith.constant 0 : i32
        %dma_wait3A_157 = tpu.memref_slice %arg8[%add3A_155, %dma_wait3A_156] : memref<32x64xi32, #tpu.memory_space<vmem>> -> memref<1x64xi32, #tpu.memory_space<vmem>>
        %dma_wait3A_158 = tpu.memref_squeeze %dma_wait3A_157 : memref<1x64xi32, #tpu.memory_space<vmem>> -> memref<64xi32, #tpu.memory_space<vmem>>
        %dma_wait3A_159 = arith.constant 0 : i32
        %dma_wait3A_160 = arith.constant 0 : i32
        %dma_wait3A_161 = tpu.memref_slice %arg2[%dma_wait3A_159, %dma_wait3A_160] : memref<10240x128xf32, #tpu.memory_space<hbm>> -> memref<10240x128xf32, #tpu.memory_space<hbm>>
        tpu.wait_indirect_dma semaphore(%arg17 : memref<!tpu.dma_semaphore, #tpu.memory_space<semaphore_mem>>) src(%dma_wait3A_161 : memref<10240x128xf32, #tpu.memory_space<hbm>>) dst(%arg12 : memref<64x128xf32, #tpu.memory_space<vmem>>)
        %dma_start3A_162 = arith.constant 0 : i32
        %dma_start3A_163 = tpu.memref_slice %arg9[%add3A_155, %dma_start3A_162] : memref<32x64xi32, #tpu.memory_space<vmem>> -> memref<1x64xi32, #tpu.memory_space<vmem>>
        %dma_start3A_164 = tpu.memref_squeeze %dma_start3A_163 : memref<1x64xi32, #tpu.memory_space<vmem>> -> memref<64xi32, #tpu.memory_space<vmem>>
        %dma_start3A_165 = arith.constant 0 : i32
        %dma_start3A_166 = arith.constant 0 : i32
        %dma_start3A_167 = tpu.memref_slice %arg14[%dma_start3A_165, %dma_start3A_166] : memref<10240x128xf32, #tpu.memory_space<vmem_shared>> -> memref<10240x128xf32, #tpu.memory_space<vmem_shared>>
        tpu.enqueue_indirect_dma source(%arg12 : memref<64x128xf32, #tpu.memory_space<vmem>>) target(%dma_start3A_167 : memref<10240x128xf32, #tpu.memory_space<vmem_shared>>) offsets(%dma_start3A_164 : memref<64xi32, #tpu.memory_space<vmem>>) semaphore(%arg21 : memref<!tpu.dma_semaphore, #tpu.memory_space<semaphore_mem>>) {add = true}
        %lt3A_168 = arith.constant 7 : i32
        %lt3A_169 = arith.cmpi slt, %scan3A_110, %lt3A_168 : i32
        %convert_element_type3A_170 = arith.extui %lt3A_169 : i1 to i32
        %cond3A_171 = arith.constant 0 : i32
        %cond3A_172 = arith.cmpi ne, %convert_element_type3A_170, %cond3A_171 : i32
        scf.if %cond3A_172 {
          %dma_wait3A_195 = arith.constant 0 : i32
          %dma_wait3A_196 = tpu.memref_slice %arg9[%add3A_155, %dma_wait3A_195] : memref<32x64xi32, #tpu.memory_space<vmem>> -> memref<1x64xi32, #tpu.memory_space<vmem>>
          %dma_wait3A_197 = tpu.memref_squeeze %dma_wait3A_196 : memref<1x64xi32, #tpu.memory_space<vmem>> -> memref<64xi32, #tpu.memory_space<vmem>>
          %dma_wait3A_198 = arith.constant 0 : i32
          %dma_wait3A_199 = arith.constant 0 : i32
          %dma_wait3A_200 = tpu.memref_slice %arg14[%dma_wait3A_198, %dma_wait3A_199] : memref<10240x128xf32, #tpu.memory_space<vmem_shared>> -> memref<10240x128xf32, #tpu.memory_space<vmem_shared>>
          tpu.wait_indirect_dma semaphore(%arg21 : memref<!tpu.dma_semaphore, #tpu.memory_space<semaphore_mem>>) src(%arg12 : memref<64x128xf32, #tpu.memory_space<vmem>>) dst(%dma_wait3A_200 : memref<10240x128xf32, #tpu.memory_space<vmem_shared>>)
          %add3A_201 = arith.constant 4 : i32
          %add3A_202 = arith.addi %add3A_155, %add3A_201 : i32
          %eq3A_203 = arith.constant 0 : i32
          %eq3A_204 = arith.cmpi eq, %arg0, %eq3A_203 : i32
          %convert_element_type3A_205 = arith.extui %eq3A_204 : i1 to i32
          %cond3A_206 = arith.constant 0 : i32
          %cond3A_207 = arith.cmpi ne, %convert_element_type3A_205, %cond3A_206 : i32
          scf.if %cond3A_207 {
            %dma_start3A_213 = arith.constant 0 : i32
            %dma_start3A_214 = tpu.memref_slice %arg8[%add3A_202, %dma_start3A_213] : memref<32x64xi32, #tpu.memory_space<vmem>> -> memref<1x64xi32, #tpu.memory_space<vmem>>
            %dma_start3A_215 = tpu.memref_squeeze %dma_start3A_214 : memref<1x64xi32, #tpu.memory_space<vmem>> -> memref<64xi32, #tpu.memory_space<vmem>>
            %dma_start3A_216 = arith.constant 0 : i32
            %dma_start3A_217 = arith.constant 0 : i32
            %dma_start3A_218 = tpu.memref_slice %arg2[%dma_start3A_216, %dma_start3A_217] : memref<10240x128xf32, #tpu.memory_space<hbm>> -> memref<10240x128xf32, #tpu.memory_space<hbm>>
            tpu.enqueue_indirect_dma source(%dma_start3A_218 : memref<10240x128xf32, #tpu.memory_space<hbm>>) target(%arg12 : memref<64x128xf32, #tpu.memory_space<vmem>>) offsets(%dma_start3A_215 : memref<64xi32, #tpu.memory_space<vmem>>) semaphore(%arg17 : memref<!tpu.dma_semaphore, #tpu.memory_space<semaphore_mem>>)
          } else {
          }
          %eq3A_208 = arith.constant 1 : i32
          %eq3A_209 = arith.cmpi eq, %arg0, %eq3A_208 : i32
          %convert_element_type3A_210 = arith.extui %eq3A_209 : i1 to i32
          %cond3A_211 = arith.constant 0 : i32
          %cond3A_212 = arith.cmpi ne, %convert_element_type3A_210, %cond3A_211 : i32
          scf.if %cond3A_212 {
            %dma_start3A_213 = arith.constant 0 : i32
            %dma_start3A_214 = tpu.memref_slice %arg8[%add3A_202, %dma_start3A_213] : memref<32x64xi32, #tpu.memory_space<vmem>> -> memref<1x64xi32, #tpu.memory_space<vmem>>
            %dma_start3A_215 = tpu.memref_squeeze %dma_start3A_214 : memref<1x64xi32, #tpu.memory_space<vmem>> -> memref<64xi32, #tpu.memory_space<vmem>>
            %dma_start3A_216 = arith.constant 0 : i32
            %dma_start3A_217 = arith.constant 0 : i32
            %dma_start3A_218 = tpu.memref_slice %arg3[%dma_start3A_216, %dma_start3A_217] : memref<10240x128xf32, #tpu.memory_space<hbm>> -> memref<10240x128xf32, #tpu.memory_space<hbm>>
            tpu.enqueue_indirect_dma source(%dma_start3A_218 : memref<10240x128xf32, #tpu.memory_space<hbm>>) target(%arg12 : memref<64x128xf32, #tpu.memory_space<vmem>>) offsets(%dma_start3A_215 : memref<64xi32, #tpu.memory_space<vmem>>) semaphore(%arg17 : memref<!tpu.dma_semaphore, #tpu.memory_space<semaphore_mem>>)
          } else {
          }
        } else {
        }
        %mul3A_173 = arith.constant 4 : i32
        %mul3A_174 = arith.muli %mul3A_173, %scan3A_110 : i32
        %add3A_175 = arith.constant 3 : i32
        %add3A_176 = arith.addi %mul3A_174, %add3A_175 : i32
        %dma_wait3A_177 = arith.constant 0 : i32
        %dma_wait3A_178 = tpu.memref_slice %arg8[%add3A_176, %dma_wait3A_177] : memref<32x64xi32, #tpu.memory_space<vmem>> -> memref<1x64xi32, #tpu.memory_space<vmem>>
        %dma_wait3A_179 = tpu.memref_squeeze %dma_wait3A_178 : memref<1x64xi32, #tpu.memory_space<vmem>> -> memref<64xi32, #tpu.memory_space<vmem>>
        %dma_wait3A_180 = arith.constant 0 : i32
        %dma_wait3A_181 = arith.constant 0 : i32
        %dma_wait3A_182 = tpu.memref_slice %arg2[%dma_wait3A_180, %dma_wait3A_181] : memref<10240x128xf32, #tpu.memory_space<hbm>> -> memref<10240x128xf32, #tpu.memory_space<hbm>>
        tpu.wait_indirect_dma semaphore(%arg18 : memref<!tpu.dma_semaphore, #tpu.memory_space<semaphore_mem>>) src(%dma_wait3A_182 : memref<10240x128xf32, #tpu.memory_space<hbm>>) dst(%arg13 : memref<64x128xf32, #tpu.memory_space<vmem>>)
        %dma_start3A_183 = arith.constant 0 : i32
        %dma_start3A_184 = tpu.memref_slice %arg9[%add3A_176, %dma_start3A_183] : memref<32x64xi32, #tpu.memory_space<vmem>> -> memref<1x64xi32, #tpu.memory_space<vmem>>
        %dma_start3A_185 = tpu.memref_squeeze %dma_start3A_184 : memref<1x64xi32, #tpu.memory_space<vmem>> -> memref<64xi32, #tpu.memory_space<vmem>>
        %dma_start3A_186 = arith.constant 0 : i32
        %dma_start3A_187 = arith.constant 0 : i32
        %dma_start3A_188 = tpu.memref_slice %arg14[%dma_start3A_186, %dma_start3A_187] : memref<10240x128xf32, #tpu.memory_space<vmem_shared>> -> memref<10240x128xf32, #tpu.memory_space<vmem_shared>>
        tpu.enqueue_indirect_dma source(%arg13 : memref<64x128xf32, #tpu.memory_space<vmem>>) target(%dma_start3A_188 : memref<10240x128xf32, #tpu.memory_space<vmem_shared>>) offsets(%dma_start3A_185 : memref<64xi32, #tpu.memory_space<vmem>>) semaphore(%arg22 : memref<!tpu.dma_semaphore, #tpu.memory_space<semaphore_mem>>) {add = true}
        %lt3A_189 = arith.constant 7 : i32
        %lt3A_190 = arith.cmpi slt, %scan3A_110, %lt3A_189 : i32
        %convert_element_type3A_191 = arith.extui %lt3A_190 : i1 to i32
        %cond3A_192 = arith.constant 0 : i32
        %cond3A_193 = arith.cmpi ne, %convert_element_type3A_191, %cond3A_192 : i32
        scf.if %cond3A_193 {
          %dma_wait3A_195 = arith.constant 0 : i32
          %dma_wait3A_196 = tpu.memref_slice %arg9[%add3A_176, %dma_wait3A_195] : memref<32x64xi32, #tpu.memory_space<vmem>> -> memref<1x64xi32, #tpu.memory_space<vmem>>
          %dma_wait3A_197 = tpu.memref_squeeze %dma_wait3A_196 : memref<1x64xi32, #tpu.memory_space<vmem>> -> memref<64xi32, #tpu.memory_space<vmem>>
          %dma_wait3A_198 = arith.constant 0 : i32
          %dma_wait3A_199 = arith.constant 0 : i32
          %dma_wait3A_200 = tpu.memref_slice %arg14[%dma_wait3A_198, %dma_wait3A_199] : memref<10240x128xf32, #tpu.memory_space<vmem_shared>> -> memref<10240x128xf32, #tpu.memory_space<vmem_shared>>
          tpu.wait_indirect_dma semaphore(%arg22 : memref<!tpu.dma_semaphore, #tpu.memory_space<semaphore_mem>>) src(%arg13 : memref<64x128xf32, #tpu.memory_space<vmem>>) dst(%dma_wait3A_200 : memref<10240x128xf32, #tpu.memory_space<vmem_shared>>)
          %add3A_201 = arith.constant 4 : i32
          %add3A_202 = arith.addi %add3A_176, %add3A_201 : i32
          %eq3A_203 = arith.constant 0 : i32
          %eq3A_204 = arith.cmpi eq, %arg0, %eq3A_203 : i32
          %convert_element_type3A_205 = arith.extui %eq3A_204 : i1 to i32
          %cond3A_206 = arith.constant 0 : i32
          %cond3A_207 = arith.cmpi ne, %convert_element_type3A_205, %cond3A_206 : i32
          scf.if %cond3A_207 {
            %dma_start3A_213 = arith.constant 0 : i32
            %dma_start3A_214 = tpu.memref_slice %arg8[%add3A_202, %dma_start3A_213] : memref<32x64xi32, #tpu.memory_space<vmem>> -> memref<1x64xi32, #tpu.memory_space<vmem>>
            %dma_start3A_215 = tpu.memref_squeeze %dma_start3A_214 : memref<1x64xi32, #tpu.memory_space<vmem>> -> memref<64xi32, #tpu.memory_space<vmem>>
            %dma_start3A_216 = arith.constant 0 : i32
            %dma_start3A_217 = arith.constant 0 : i32
            %dma_start3A_218 = tpu.memref_slice %arg2[%dma_start3A_216, %dma_start3A_217] : memref<10240x128xf32, #tpu.memory_space<hbm>> -> memref<10240x128xf32, #tpu.memory_space<hbm>>
            tpu.enqueue_indirect_dma source(%dma_start3A_218 : memref<10240x128xf32, #tpu.memory_space<hbm>>) target(%arg13 : memref<64x128xf32, #tpu.memory_space<vmem>>) offsets(%dma_start3A_215 : memref<64xi32, #tpu.memory_space<vmem>>) semaphore(%arg18 : memref<!tpu.dma_semaphore, #tpu.memory_space<semaphore_mem>>)
          } else {
          }
          %eq3A_208 = arith.constant 1 : i32
          %eq3A_209 = arith.cmpi eq, %arg0, %eq3A_208 : i32
          %convert_element_type3A_210 = arith.extui %eq3A_209 : i1 to i32
          %cond3A_211 = arith.constant 0 : i32
          %cond3A_212 = arith.cmpi ne, %convert_element_type3A_210, %cond3A_211 : i32
          scf.if %cond3A_212 {
            %dma_start3A_213 = arith.constant 0 : i32
            %dma_start3A_214 = tpu.memref_slice %arg8[%add3A_202, %dma_start3A_213] : memref<32x64xi32, #tpu.memory_space<vmem>> -> memref<1x64xi32, #tpu.memory_space<vmem>>
            %dma_start3A_215 = tpu.memref_squeeze %dma_start3A_214 : memref<1x64xi32, #tpu.memory_space<vmem>> -> memref<64xi32, #tpu.memory_space<vmem>>
            %dma_start3A_216 = arith.constant 0 : i32
            %dma_start3A_217 = arith.constant 0 : i32
            %dma_start3A_218 = tpu.memref_slice %arg3[%dma_start3A_216, %dma_start3A_217] : memref<10240x128xf32, #tpu.memory_space<hbm>> -> memref<10240x128xf32, #tpu.memory_space<hbm>>
            tpu.enqueue_indirect_dma source(%dma_start3A_218 : memref<10240x128xf32, #tpu.memory_space<hbm>>) target(%arg13 : memref<64x128xf32, #tpu.memory_space<vmem>>) offsets(%dma_start3A_215 : memref<64xi32, #tpu.memory_space<vmem>>) semaphore(%arg18 : memref<!tpu.dma_semaphore, #tpu.memory_space<semaphore_mem>>)
          } else {
          }
        } else {
        }
        %scan3A_194 = arith.constant 0 : i32
        scf.yield %scan3A_194 : i32
      }
      %scan3A_81 = arith.constant 8 : i32
      %dma_wait3A = arith.constant 28 : i32
      %dma_wait3A_82 = arith.constant 0 : i32
      %dma_wait3A_83 = tpu.memref_slice %arg9[%dma_wait3A, %dma_wait3A_82] : memref<32x64xi32, #tpu.memory_space<vmem>> -> memref<1x64xi32, #tpu.memory_space<vmem>>
      %dma_wait3A_84 = tpu.memref_squeeze %dma_wait3A_83 : memref<1x64xi32, #tpu.memory_space<vmem>> -> memref<64xi32, #tpu.memory_space<vmem>>
      %dma_wait3A_85 = arith.constant 0 : i32
      %dma_wait3A_86 = arith.constant 0 : i32
      %dma_wait3A_87 = tpu.memref_slice %arg14[%dma_wait3A_85, %dma_wait3A_86] : memref<10240x128xf32, #tpu.memory_space<vmem_shared>> -> memref<10240x128xf32, #tpu.memory_space<vmem_shared>>
      tpu.wait_indirect_dma semaphore(%arg19 : memref<!tpu.dma_semaphore, #tpu.memory_space<semaphore_mem>>) src(%arg10 : memref<64x128xf32, #tpu.memory_space<vmem>>) dst(%dma_wait3A_87 : memref<10240x128xf32, #tpu.memory_space<vmem_shared>>)
      %dma_wait3A_88 = arith.constant 29 : i32
      %dma_wait3A_89 = arith.constant 0 : i32
      %dma_wait3A_90 = tpu.memref_slice %arg9[%dma_wait3A_88, %dma_wait3A_89] : memref<32x64xi32, #tpu.memory_space<vmem>> -> memref<1x64xi32, #tpu.memory_space<vmem>>
      %dma_wait3A_91 = tpu.memref_squeeze %dma_wait3A_90 : memref<1x64xi32, #tpu.memory_space<vmem>> -> memref<64xi32, #tpu.memory_space<vmem>>
      %dma_wait3A_92 = arith.constant 0 : i32
      %dma_wait3A_93 = arith.constant 0 : i32
      %dma_wait3A_94 = tpu.memref_slice %arg14[%dma_wait3A_92, %dma_wait3A_93] : memref<10240x128xf32, #tpu.memory_space<vmem_shared>> -> memref<10240x128xf32, #tpu.memory_space<vmem_shared>>
      tpu.wait_indirect_dma semaphore(%arg20 : memref<!tpu.dma_semaphore, #tpu.memory_space<semaphore_mem>>) src(%arg11 : memref<64x128xf32, #tpu.memory_space<vmem>>) dst(%dma_wait3A_94 : memref<10240x128xf32, #tpu.memory_space<vmem_shared>>)
      %dma_wait3A_95 = arith.constant 30 : i32
      %dma_wait3A_96 = arith.constant 0 : i32
      %dma_wait3A_97 = tpu.memref_slice %arg9[%dma_wait3A_95, %dma_wait3A_96] : memref<32x64xi32, #tpu.memory_space<vmem>> -> memref<1x64xi32, #tpu.memory_space<vmem>>
      %dma_wait3A_98 = tpu.memref_squeeze %dma_wait3A_97 : memref<1x64xi32, #tpu.memory_space<vmem>> -> memref<64xi32, #tpu.memory_space<vmem>>
      %dma_wait3A_99 = arith.constant 0 : i32
      %dma_wait3A_100 = arith.constant 0 : i32
      %dma_wait3A_101 = tpu.memref_slice %arg14[%dma_wait3A_99, %dma_wait3A_100] : memref<10240x128xf32, #tpu.memory_space<vmem_shared>> -> memref<10240x128xf32, #tpu.memory_space<vmem_shared>>
      tpu.wait_indirect_dma semaphore(%arg21 : memref<!tpu.dma_semaphore, #tpu.memory_space<semaphore_mem>>) src(%arg12 : memref<64x128xf32, #tpu.memory_space<vmem>>) dst(%dma_wait3A_101 : memref<10240x128xf32, #tpu.memory_space<vmem_shared>>)
      %dma_wait3A_102 = arith.constant 31 : i32
      %dma_wait3A_103 = arith.constant 0 : i32
      %dma_wait3A_104 = tpu.memref_slice %arg9[%dma_wait3A_102, %dma_wait3A_103] : memref<32x64xi32, #tpu.memory_space<vmem>> -> memref<1x64xi32, #tpu.memory_space<vmem>>
      %dma_wait3A_105 = tpu.memref_squeeze %dma_wait3A_104 : memref<1x64xi32, #tpu.memory_space<vmem>> -> memref<64xi32, #tpu.memory_space<vmem>>
      %dma_wait3A_106 = arith.constant 0 : i32
      %dma_wait3A_107 = arith.constant 0 : i32
      %dma_wait3A_108 = tpu.memref_slice %arg14[%dma_wait3A_106, %dma_wait3A_107] : memref<10240x128xf32, #tpu.memory_space<vmem_shared>> -> memref<10240x128xf32, #tpu.memory_space<vmem_shared>>
      tpu.wait_indirect_dma semaphore(%arg22 : memref<!tpu.dma_semaphore, #tpu.memory_space<semaphore_mem>>) src(%arg13 : memref<64x128xf32, #tpu.memory_space<vmem>>) dst(%dma_wait3A_108 : memref<10240x128xf32, #tpu.memory_space<vmem_shared>>)
      %scan3A_109 = arith.constant 0 : i32
      scf.yield %scan3A_109 : i32
    }
    %scan3A_19 = arith.constant 5 : i32
    %barrier3A_20 = arith.constant 0 : index
    tpu.barrier barrier_id(%barrier3A_20)
    %scan3A_21 = arith.constant 0 : i32
    %scan3A_22 = arith.constant 0 : i32
    %scan3A_23 = arith.constant 10 : i32
    %scan3A_24 = arith.addi %scan3A_22, %scan3A_23 : i32
    %scan3A_25 = arith.constant 1 : i32
    %scan3A_26 = scf.for %scan3A_28 = %scan3A_22 to %scan3A_24 step %scan3A_25 iter_args(%scan3A_29 = %scan3A_21) -> (i32)  : i32 {
      %mul3A = arith.constant 640 : i32
      %mul3A_30 = arith.muli %arg1, %mul3A : i32
      %mul3A_31 = arith.constant 64 : i32
      %mul3A_32 = arith.muli %scan3A_28, %mul3A_31 : i32
      %add3A = arith.addi %mul3A_30, %mul3A_32 : i32
      "tpu.region"() ({
        %run_scoped3A = tpu.sem_alloc : memref<!tpu.dma_semaphore, #tpu.memory_space<semaphore_mem>>
        %dma_start3A = arith.constant 0 : i32
        %dma_start3A_41 = tpu.memref_slice %arg14[%add3A, %dma_start3A] : memref<10240x128xf32, #tpu.memory_space<vmem_shared>> -> memref<64x128xf32, #tpu.memory_space<vmem_shared>>
        %dma_start3A_42 = arith.constant 0 : i32
        %dma_start3A_43 = tpu.memref_slice %arg14[%add3A, %dma_start3A_42] : memref<10240x128xf32, #tpu.memory_space<vmem_shared>> -> memref<64x128xf32, #tpu.memory_space<vmem_shared>>
        tpu.enqueue_dma source(%dma_start3A_43 : memref<64x128xf32, #tpu.memory_space<vmem_shared>>) target(%arg10 : memref<64x128xf32, #tpu.memory_space<vmem>>) target_semaphore(%run_scoped3A : memref<!tpu.dma_semaphore, #tpu.memory_space<semaphore_mem>>)
        %dma_wait3A = arith.constant 0 : i32
        %dma_wait3A_44 = tpu.memref_slice %arg14[%add3A, %dma_wait3A] : memref<10240x128xf32, #tpu.memory_space<vmem_shared>> -> memref<64x128xf32, #tpu.memory_space<vmem_shared>>
        %dma_wait3A_45 = arith.constant 0 : i32
        %dma_wait3A_46 = tpu.memref_slice %arg14[%add3A, %dma_wait3A_45] : memref<10240x128xf32, #tpu.memory_space<vmem_shared>> -> memref<64x128xf32, #tpu.memory_space<vmem_shared>>
        tpu.wait_dma2 semaphore(%run_scoped3A : memref<!tpu.dma_semaphore, #tpu.memory_space<semaphore_mem>>) src(%dma_wait3A_46 : memref<64x128xf32, #tpu.memory_space<vmem_shared>>) dst(%arg10 : memref<64x128xf32, #tpu.memory_space<vmem>>)
        tpu.yield
      }) : () -> ()
      %eq3A = arith.constant 0 : i32
      %eq3A_33 = arith.cmpi eq, %arg0, %eq3A : i32
      %convert_element_type3A = arith.extui %eq3A_33 : i1 to i32
      %cond3A = arith.constant 0 : i32
      %cond3A_34 = arith.cmpi ne, %convert_element_type3A, %cond3A : i32
      scf.if %cond3A_34 {
        "tpu.region"() ({
          %run_scoped3A = tpu.sem_alloc : memref<!tpu.dma_semaphore, #tpu.memory_space<semaphore_mem>>
          %dma_start3A = arith.constant 0 : i32
          %dma_start3A_41 = tpu.memref_slice %arg6[%add3A, %dma_start3A] : memref<10240x128xf32, #tpu.memory_space<hbm>> -> memref<64x128xf32, #tpu.memory_space<hbm>>
          %dma_start3A_42 = arith.constant 0 : i32
          %dma_start3A_43 = tpu.memref_slice %arg6[%add3A, %dma_start3A_42] : memref<10240x128xf32, #tpu.memory_space<hbm>> -> memref<64x128xf32, #tpu.memory_space<hbm>>
          tpu.enqueue_dma source(%arg10 : memref<64x128xf32, #tpu.memory_space<vmem>>) target(%dma_start3A_43 : memref<64x128xf32, #tpu.memory_space<hbm>>) target_semaphore(%run_scoped3A : memref<!tpu.dma_semaphore, #tpu.memory_space<semaphore_mem>>)
          %dma_wait3A = arith.constant 0 : i32
          %dma_wait3A_44 = tpu.memref_slice %arg6[%add3A, %dma_wait3A] : memref<10240x128xf32, #tpu.memory_space<hbm>> -> memref<64x128xf32, #tpu.memory_space<hbm>>
          %dma_wait3A_45 = arith.constant 0 : i32
          %dma_wait3A_46 = tpu.memref_slice %arg6[%add3A, %dma_wait3A_45] : memref<10240x128xf32, #tpu.memory_space<hbm>> -> memref<64x128xf32, #tpu.memory_space<hbm>>
          tpu.wait_dma2 semaphore(%run_scoped3A : memref<!tpu.dma_semaphore, #tpu.memory_space<semaphore_mem>>) src(%arg10 : memref<64x128xf32, #tpu.memory_space<vmem>>) dst(%dma_wait3A_46 : memref<64x128xf32, #tpu.memory_space<hbm>>)
          tpu.yield
        }) : () -> ()
      } else {
      }
      %eq3A_35 = arith.constant 1 : i32
      %eq3A_36 = arith.cmpi eq, %arg0, %eq3A_35 : i32
      %convert_element_type3A_37 = arith.extui %eq3A_36 : i1 to i32
      %cond3A_38 = arith.constant 0 : i32
      %cond3A_39 = arith.cmpi ne, %convert_element_type3A_37, %cond3A_38 : i32
      scf.if %cond3A_39 {
        "tpu.region"() ({
          %run_scoped3A = tpu.sem_alloc : memref<!tpu.dma_semaphore, #tpu.memory_space<semaphore_mem>>
          %dma_start3A = arith.constant 0 : i32
          %dma_start3A_41 = tpu.memref_slice %arg7[%add3A, %dma_start3A] : memref<10240x128xf32, #tpu.memory_space<hbm>> -> memref<64x128xf32, #tpu.memory_space<hbm>>
          %dma_start3A_42 = arith.constant 0 : i32
          %dma_start3A_43 = tpu.memref_slice %arg7[%add3A, %dma_start3A_42] : memref<10240x128xf32, #tpu.memory_space<hbm>> -> memref<64x128xf32, #tpu.memory_space<hbm>>
          tpu.enqueue_dma source(%arg10 : memref<64x128xf32, #tpu.memory_space<vmem>>) target(%dma_start3A_43 : memref<64x128xf32, #tpu.memory_space<hbm>>) target_semaphore(%run_scoped3A : memref<!tpu.dma_semaphore, #tpu.memory_space<semaphore_mem>>)
          %dma_wait3A = arith.constant 0 : i32
          %dma_wait3A_44 = tpu.memref_slice %arg7[%add3A, %dma_wait3A] : memref<10240x128xf32, #tpu.memory_space<hbm>> -> memref<64x128xf32, #tpu.memory_space<hbm>>
          %dma_wait3A_45 = arith.constant 0 : i32
          %dma_wait3A_46 = tpu.memref_slice %arg7[%add3A, %dma_wait3A_45] : memref<10240x128xf32, #tpu.memory_space<hbm>> -> memref<64x128xf32, #tpu.memory_space<hbm>>
          tpu.wait_dma2 semaphore(%run_scoped3A : memref<!tpu.dma_semaphore, #tpu.memory_space<semaphore_mem>>) src(%arg10 : memref<64x128xf32, #tpu.memory_space<vmem>>) dst(%dma_wait3A_46 : memref<64x128xf32, #tpu.memory_space<hbm>>)
          tpu.yield
        }) : () -> ()
      } else {
      }
      %scan3A_40 = arith.constant 0 : i32
      scf.yield %scan3A_40 : i32
    }
    %scan3A_27 = arith.constant 10 : i32
    return
  }
}

#map = affine_map<(d0, d1) -> (0, 0)>
module attributes {stable_mosaic.version = 14 : i64} {
  func.func @_deg_kernel(%arg0: i32, %arg1: i32, %arg2: memref<1280x128xi32, #tpu.memory_space<hbm>>, %arg3: memref<10240x128xf32, #tpu.memory_space<hbm>>, %arg4: memref<10240x128xf32, #tpu.memory_space<hbm>>, %arg5: memref<40x128xi32, #tpu.memory_space<vmem>>, %arg6: memref<128x128xf32, #tpu.memory_space<vmem>>, %arg7: memref<10240x128xf32, #tpu.memory_space<vmem_shared>>, %arg8: memref<!tpu.dma_semaphore, #tpu.memory_space<semaphore_mem>>) attributes {dimension_semantics = [#tpu.dimension_semantics<core_parallel>, #tpu.dimension_semantics<subcore_parallel>], iteration_bounds = array<i64: 2, 16>, scalar_prefetch = 0 : i64, scratch_operands = 4 : i64, tpu.core_type = #tpu.core_type<sc_vector_subcore>, window_params = [{transform_indices = #map}, {transform_indices = #map}, {transform_indices = #map}]} {
    %mul3A = arith.constant 16 : i32
    %mul3A_0 = arith.muli %arg0, %mul3A : i32
    %add3A = arith.addi %mul3A_0, %arg1 : i32
    %scan3A = arith.constant 0 : i32
    %scan3A_1 = arith.constant 0 : i32
    %scan3A_2 = arith.constant 128 : i32
    %scan3A_3 = arith.addi %scan3A_1, %scan3A_2 : i32
    %scan3A_4 = arith.constant 1 : i32
    %scan3A_5 = scf.for %scan3A_38 = %scan3A_1 to %scan3A_3 step %scan3A_4 iter_args(%scan3A_39 = %scan3A) -> (i32)  : i32 {
      %scan3A_40 = arith.constant 0 : i32
      %scan3A_41 = arith.constant 0 : i32
      %scan3A_42 = arith.constant 8 : i32
      %scan3A_43 = arith.addi %scan3A_41, %scan3A_42 : i32
      %scan3A_44 = arith.constant 1 : i32
      %scan3A_45 = scf.for %scan3A_48 = %scan3A_41 to %scan3A_43 step %scan3A_44 iter_args(%scan3A_49 = %scan3A_40) -> (i32)  : i32 {
        %broadcast_in_dim3A = arith.constant 0.000000e+00 : f32
        %broadcast_in_dim3A_50 = vector.broadcast %broadcast_in_dim3A : f32 to vector<16xf32>
        %mul3A_51 = arith.constant 16 : i32
        %mul3A_52 = arith.muli %scan3A_48, %mul3A_51 : i32
        %swap3A = arith.index_cast %scan3A_38 : i32 to index
        %swap3A_53 = arith.index_cast %mul3A_52 : i32 to index
        %swap3A_54 = tpu.vector_load %arg6[%swap3A, %swap3A_53] {strides = array<i32>} : memref<128x128xf32, #tpu.memory_space<vmem>>, vector<1x16xf32>,
        %swap3A_55 = vector.shape_cast %swap3A_54 : vector<1x16xf32> to vector<16xf32>
        %swap3A_56 = vector.shape_cast %broadcast_in_dim3A_50 : vector<16xf32> to vector<1x16xf32>
        tpu.vector_store %arg6[%swap3A, %swap3A_53], %swap3A_56 {strides = array<i32>} : memref<128x128xf32, #tpu.memory_space<vmem>>, vector<1x16xf32>,
        %scan3A_57 = arith.constant 0 : i32
        scf.yield %scan3A_57 : i32
      }
      %scan3A_46 = arith.constant 8 : i32
      %scan3A_47 = arith.constant 0 : i32
      scf.yield %scan3A_47 : i32
    }
    %scan3A_6 = arith.constant 128 : i32
    %scan3A_7 = arith.constant 0 : i32
    %scan3A_8 = arith.constant 0 : i32
    %scan3A_9 = arith.constant 5 : i32
    %scan3A_10 = arith.addi %scan3A_8, %scan3A_9 : i32
    %scan3A_11 = arith.constant 1 : i32
    %scan3A_12 = scf.for %scan3A_38 = %scan3A_8 to %scan3A_10 step %scan3A_11 iter_args(%scan3A_39 = %scan3A_7) -> (i32)  : i32 {
      %mul3A_40 = arith.constant 640 : i32
      %mul3A_41 = arith.muli %arg1, %mul3A_40 : i32
      %mul3A_42 = arith.constant 128 : i32
      %mul3A_43 = arith.muli %scan3A_38, %mul3A_42 : i32
      %add3A_44 = arith.addi %mul3A_41, %mul3A_43 : i32
      "tpu.region"() ({
        %run_scoped3A = tpu.sem_alloc : memref<!tpu.dma_semaphore, #tpu.memory_space<semaphore_mem>>
        %dma_start3A = arith.constant 0 : i32
        %dma_start3A_46 = tpu.memref_slice %arg7[%add3A_44, %dma_start3A] : memref<10240x128xf32, #tpu.memory_space<vmem_shared>> -> memref<128x128xf32, #tpu.memory_space<vmem_shared>>
        %dma_start3A_47 = arith.constant 0 : i32
        %dma_start3A_48 = tpu.memref_slice %arg7[%add3A_44, %dma_start3A_47] : memref<10240x128xf32, #tpu.memory_space<vmem_shared>> -> memref<128x128xf32, #tpu.memory_space<vmem_shared>>
        tpu.enqueue_dma source(%arg6 : memref<128x128xf32, #tpu.memory_space<vmem>>) target(%dma_start3A_48 : memref<128x128xf32, #tpu.memory_space<vmem_shared>>) target_semaphore(%run_scoped3A : memref<!tpu.dma_semaphore, #tpu.memory_space<semaphore_mem>>)
        %dma_wait3A = arith.constant 0 : i32
        %dma_wait3A_49 = tpu.memref_slice %arg7[%add3A_44, %dma_wait3A] : memref<10240x128xf32, #tpu.memory_space<vmem_shared>> -> memref<128x128xf32, #tpu.memory_space<vmem_shared>>
        %dma_wait3A_50 = arith.constant 0 : i32
        %dma_wait3A_51 = tpu.memref_slice %arg7[%add3A_44, %dma_wait3A_50] : memref<10240x128xf32, #tpu.memory_space<vmem_shared>> -> memref<128x128xf32, #tpu.memory_space<vmem_shared>>
        tpu.wait_dma2 semaphore(%run_scoped3A : memref<!tpu.dma_semaphore, #tpu.memory_space<semaphore_mem>>) src(%arg6 : memref<128x128xf32, #tpu.memory_space<vmem>>) dst(%dma_wait3A_51 : memref<128x128xf32, #tpu.memory_space<vmem_shared>>)
        tpu.yield
      }) : () -> ()
      %scan3A_45 = arith.constant 0 : i32
      scf.yield %scan3A_45 : i32
    }
    %scan3A_13 = arith.constant 5 : i32
    %scan3A_14 = arith.constant 0 : i32
    %scan3A_15 = arith.constant 0 : i32
    %scan3A_16 = arith.constant 128 : i32
    %scan3A_17 = arith.addi %scan3A_15, %scan3A_16 : i32
    %scan3A_18 = arith.constant 1 : i32
    %scan3A_19 = scf.for %scan3A_38 = %scan3A_15 to %scan3A_17 step %scan3A_18 iter_args(%scan3A_39 = %scan3A_14) -> (i32)  : i32 {
      %scan3A_40 = arith.constant 0 : i32
      %scan3A_41 = arith.constant 0 : i32
      %scan3A_42 = arith.constant 8 : i32
      %scan3A_43 = arith.addi %scan3A_41, %scan3A_42 : i32
      %scan3A_44 = arith.constant 1 : i32
      %scan3A_45 = scf.for %scan3A_48 = %scan3A_41 to %scan3A_43 step %scan3A_44 iter_args(%scan3A_49 = %scan3A_40) -> (i32)  : i32 {
        %broadcast_in_dim3A = arith.constant 1.000000e+00 : f32
        %broadcast_in_dim3A_50 = vector.broadcast %broadcast_in_dim3A : f32 to vector<16xf32>
        %mul3A_51 = arith.constant 16 : i32
        %mul3A_52 = arith.muli %scan3A_48, %mul3A_51 : i32
        %swap3A = arith.index_cast %scan3A_38 : i32 to index
        %swap3A_53 = arith.index_cast %mul3A_52 : i32 to index
        %swap3A_54 = tpu.vector_load %arg6[%swap3A, %swap3A_53] {strides = array<i32>} : memref<128x128xf32, #tpu.memory_space<vmem>>, vector<1x16xf32>,
        %swap3A_55 = vector.shape_cast %swap3A_54 : vector<1x16xf32> to vector<16xf32>
        %swap3A_56 = vector.shape_cast %broadcast_in_dim3A_50 : vector<16xf32> to vector<1x16xf32>
        tpu.vector_store %arg6[%swap3A, %swap3A_53], %swap3A_56 {strides = array<i32>} : memref<128x128xf32, #tpu.memory_space<vmem>>, vector<1x16xf32>,
        %scan3A_57 = arith.constant 0 : i32
        scf.yield %scan3A_57 : i32
      }
      %scan3A_46 = arith.constant 8 : i32
      %scan3A_47 = arith.constant 0 : i32
      scf.yield %scan3A_47 : i32
    }
    %scan3A_20 = arith.constant 128 : i32
    %barrier3A = arith.constant 0 : index
    tpu.barrier barrier_id(%barrier3A)
    %mul3A_21 = arith.constant 40 : i32
    %mul3A_22 = arith.muli %add3A, %mul3A_21 : i32
    "tpu.region"() ({
      %run_scoped3A = tpu.sem_alloc : memref<!tpu.dma_semaphore, #tpu.memory_space<semaphore_mem>>
      %dma_start3A = arith.constant 0 : i32
      %dma_start3A_38 = tpu.memref_slice %arg2[%mul3A_22, %dma_start3A] : memref<1280x128xi32, #tpu.memory_space<hbm>> -> memref<40x128xi32, #tpu.memory_space<hbm>>
      %dma_start3A_39 = arith.constant 0 : i32
      %dma_start3A_40 = tpu.memref_slice %arg2[%mul3A_22, %dma_start3A_39] : memref<1280x128xi32, #tpu.memory_space<hbm>> -> memref<40x128xi32, #tpu.memory_space<hbm>>
      tpu.enqueue_dma source(%dma_start3A_40 : memref<40x128xi32, #tpu.memory_space<hbm>>) target(%arg5 : memref<40x128xi32, #tpu.memory_space<vmem>>) target_semaphore(%run_scoped3A : memref<!tpu.dma_semaphore, #tpu.memory_space<semaphore_mem>>)
      %dma_wait3A = arith.constant 0 : i32
      %dma_wait3A_41 = tpu.memref_slice %arg2[%mul3A_22, %dma_wait3A] : memref<1280x128xi32, #tpu.memory_space<hbm>> -> memref<40x128xi32, #tpu.memory_space<hbm>>
      %dma_wait3A_42 = arith.constant 0 : i32
      %dma_wait3A_43 = tpu.memref_slice %arg2[%mul3A_22, %dma_wait3A_42] : memref<1280x128xi32, #tpu.memory_space<hbm>> -> memref<40x128xi32, #tpu.memory_space<hbm>>
      tpu.wait_dma2 semaphore(%run_scoped3A : memref<!tpu.dma_semaphore, #tpu.memory_space<semaphore_mem>>) src(%dma_wait3A_43 : memref<40x128xi32, #tpu.memory_space<hbm>>) dst(%arg5 : memref<40x128xi32, #tpu.memory_space<vmem>>)
      tpu.yield
    }) : () -> ()
    %scan3A_23 = arith.constant 0 : i32
    %scan3A_24 = arith.constant 0 : i32
    %scan3A_25 = arith.constant 10 : i32
    %scan3A_26 = arith.addi %scan3A_24, %scan3A_25 : i32
    %scan3A_27 = arith.constant 1 : i32
    %scan3A_28 = scf.for %scan3A_38 = %scan3A_24 to %scan3A_26 step %scan3A_27 iter_args(%scan3A_39 = %scan3A_23) -> (i32)  : i32 {
      %mul3A_40 = arith.constant 4 : i32
      %mul3A_41 = arith.muli %mul3A_40, %scan3A_38 : i32
      %dma_start3A = arith.constant 0 : i32
      %dma_start3A_42 = tpu.memref_slice %arg5[%mul3A_41, %dma_start3A] : memref<40x128xi32, #tpu.memory_space<vmem>> -> memref<1x128xi32, #tpu.memory_space<vmem>>
      %dma_start3A_43 = tpu.memref_squeeze %dma_start3A_42 : memref<1x128xi32, #tpu.memory_space<vmem>> -> memref<128xi32, #tpu.memory_space<vmem>>
      %dma_start3A_44 = arith.constant 0 : i32
      %dma_start3A_45 = arith.constant 0 : i32
      %dma_start3A_46 = tpu.memref_slice %arg7[%dma_start3A_44, %dma_start3A_45] : memref<10240x128xf32, #tpu.memory_space<vmem_shared>> -> memref<10240x128xf32, #tpu.memory_space<vmem_shared>>
      tpu.enqueue_indirect_dma source(%arg6 : memref<128x128xf32, #tpu.memory_space<vmem>>) target(%dma_start3A_46 : memref<10240x128xf32, #tpu.memory_space<vmem_shared>>) offsets(%dma_start3A_43 : memref<128xi32, #tpu.memory_space<vmem>>) semaphore(%arg8 : memref<!tpu.dma_semaphore, #tpu.memory_space<semaphore_mem>>) {add = true}
      %add3A_47 = arith.constant 1 : i32
      %add3A_48 = arith.addi %mul3A_41, %add3A_47 : i32
      %dma_start3A_49 = arith.constant 0 : i32
      %dma_start3A_50 = tpu.memref_slice %arg5[%add3A_48, %dma_start3A_49] : memref<40x128xi32, #tpu.memory_space<vmem>> -> memref<1x128xi32, #tpu.memory_space<vmem>>
      %dma_start3A_51 = tpu.memref_squeeze %dma_start3A_50 : memref<1x128xi32, #tpu.memory_space<vmem>> -> memref<128xi32, #tpu.memory_space<vmem>>
      %dma_start3A_52 = arith.constant 0 : i32
      %dma_start3A_53 = arith.constant 0 : i32
      %dma_start3A_54 = tpu.memref_slice %arg7[%dma_start3A_52, %dma_start3A_53] : memref<10240x128xf32, #tpu.memory_space<vmem_shared>> -> memref<10240x128xf32, #tpu.memory_space<vmem_shared>>
      tpu.enqueue_indirect_dma source(%arg6 : memref<128x128xf32, #tpu.memory_space<vmem>>) target(%dma_start3A_54 : memref<10240x128xf32, #tpu.memory_space<vmem_shared>>) offsets(%dma_start3A_51 : memref<128xi32, #tpu.memory_space<vmem>>) semaphore(%arg8 : memref<!tpu.dma_semaphore, #tpu.memory_space<semaphore_mem>>) {add = true}
      %add3A_55 = arith.constant 2 : i32
      %add3A_56 = arith.addi %mul3A_41, %add3A_55 : i32
      %dma_start3A_57 = arith.constant 0 : i32
      %dma_start3A_58 = tpu.memref_slice %arg5[%add3A_56, %dma_start3A_57] : memref<40x128xi32, #tpu.memory_space<vmem>> -> memref<1x128xi32, #tpu.memory_space<vmem>>
      %dma_start3A_59 = tpu.memref_squeeze %dma_start3A_58 : memref<1x128xi32, #tpu.memory_space<vmem>> -> memref<128xi32, #tpu.memory_space<vmem>>
      %dma_start3A_60 = arith.constant 0 : i32
      %dma_start3A_61 = arith.constant 0 : i32
      %dma_start3A_62 = tpu.memref_slice %arg7[%dma_start3A_60, %dma_start3A_61] : memref<10240x128xf32, #tpu.memory_space<vmem_shared>> -> memref<10240x128xf32, #tpu.memory_space<vmem_shared>>
      tpu.enqueue_indirect_dma source(%arg6 : memref<128x128xf32, #tpu.memory_space<vmem>>) target(%dma_start3A_62 : memref<10240x128xf32, #tpu.memory_space<vmem_shared>>) offsets(%dma_start3A_59 : memref<128xi32, #tpu.memory_space<vmem>>) semaphore(%arg8 : memref<!tpu.dma_semaphore, #tpu.memory_space<semaphore_mem>>) {add = true}
      %add3A_63 = arith.constant 3 : i32
      %add3A_64 = arith.addi %mul3A_41, %add3A_63 : i32
      %dma_start3A_65 = arith.constant 0 : i32
      %dma_start3A_66 = tpu.memref_slice %arg5[%add3A_64, %dma_start3A_65] : memref<40x128xi32, #tpu.memory_space<vmem>> -> memref<1x128xi32, #tpu.memory_space<vmem>>
      %dma_start3A_67 = tpu.memref_squeeze %dma_start3A_66 : memref<1x128xi32, #tpu.memory_space<vmem>> -> memref<128xi32, #tpu.memory_space<vmem>>
      %dma_start3A_68 = arith.constant 0 : i32
      %dma_start3A_69 = arith.constant 0 : i32
      %dma_start3A_70 = tpu.memref_slice %arg7[%dma_start3A_68, %dma_start3A_69] : memref<10240x128xf32, #tpu.memory_space<vmem_shared>> -> memref<10240x128xf32, #tpu.memory_space<vmem_shared>>
      tpu.enqueue_indirect_dma source(%arg6 : memref<128x128xf32, #tpu.memory_space<vmem>>) target(%dma_start3A_70 : memref<10240x128xf32, #tpu.memory_space<vmem_shared>>) offsets(%dma_start3A_67 : memref<128xi32, #tpu.memory_space<vmem>>) semaphore(%arg8 : memref<!tpu.dma_semaphore, #tpu.memory_space<semaphore_mem>>) {add = true}
      %dma_wait3A = arith.constant 0 : i32
      %dma_wait3A_71 = tpu.memref_slice %arg5[%mul3A_41, %dma_wait3A] : memref<40x128xi32, #tpu.memory_space<vmem>> -> memref<1x128xi32, #tpu.memory_space<vmem>>
      %dma_wait3A_72 = tpu.memref_squeeze %dma_wait3A_71 : memref<1x128xi32, #tpu.memory_space<vmem>> -> memref<128xi32, #tpu.memory_space<vmem>>
      %dma_wait3A_73 = arith.constant 0 : i32
      %dma_wait3A_74 = arith.constant 0 : i32
      %dma_wait3A_75 = tpu.memref_slice %arg7[%dma_wait3A_73, %dma_wait3A_74] : memref<10240x128xf32, #tpu.memory_space<vmem_shared>> -> memref<10240x128xf32, #tpu.memory_space<vmem_shared>>
      tpu.wait_indirect_dma semaphore(%arg8 : memref<!tpu.dma_semaphore, #tpu.memory_space<semaphore_mem>>) src(%arg6 : memref<128x128xf32, #tpu.memory_space<vmem>>) dst(%dma_wait3A_75 : memref<10240x128xf32, #tpu.memory_space<vmem_shared>>)
      %dma_wait3A_76 = arith.constant 0 : i32
      %dma_wait3A_77 = tpu.memref_slice %arg5[%add3A_48, %dma_wait3A_76] : memref<40x128xi32, #tpu.memory_space<vmem>> -> memref<1x128xi32, #tpu.memory_space<vmem>>
      %dma_wait3A_78 = tpu.memref_squeeze %dma_wait3A_77 : memref<1x128xi32, #tpu.memory_space<vmem>> -> memref<128xi32, #tpu.memory_space<vmem>>
      %dma_wait3A_79 = arith.constant 0 : i32
      %dma_wait3A_80 = arith.constant 0 : i32
      %dma_wait3A_81 = tpu.memref_slice %arg7[%dma_wait3A_79, %dma_wait3A_80] : memref<10240x128xf32, #tpu.memory_space<vmem_shared>> -> memref<10240x128xf32, #tpu.memory_space<vmem_shared>>
      tpu.wait_indirect_dma semaphore(%arg8 : memref<!tpu.dma_semaphore, #tpu.memory_space<semaphore_mem>>) src(%arg6 : memref<128x128xf32, #tpu.memory_space<vmem>>) dst(%dma_wait3A_81 : memref<10240x128xf32, #tpu.memory_space<vmem_shared>>)
      %dma_wait3A_82 = arith.constant 0 : i32
      %dma_wait3A_83 = tpu.memref_slice %arg5[%add3A_56, %dma_wait3A_82] : memref<40x128xi32, #tpu.memory_space<vmem>> -> memref<1x128xi32, #tpu.memory_space<vmem>>
      %dma_wait3A_84 = tpu.memref_squeeze %dma_wait3A_83 : memref<1x128xi32, #tpu.memory_space<vmem>> -> memref<128xi32, #tpu.memory_space<vmem>>
      %dma_wait3A_85 = arith.constant 0 : i32
      %dma_wait3A_86 = arith.constant 0 : i32
      %dma_wait3A_87 = tpu.memref_slice %arg7[%dma_wait3A_85, %dma_wait3A_86] : memref<10240x128xf32, #tpu.memory_space<vmem_shared>> -> memref<10240x128xf32, #tpu.memory_space<vmem_shared>>
      tpu.wait_indirect_dma semaphore(%arg8 : memref<!tpu.dma_semaphore, #tpu.memory_space<semaphore_mem>>) src(%arg6 : memref<128x128xf32, #tpu.memory_space<vmem>>) dst(%dma_wait3A_87 : memref<10240x128xf32, #tpu.memory_space<vmem_shared>>)
      %dma_wait3A_88 = arith.constant 0 : i32
      %dma_wait3A_89 = tpu.memref_slice %arg5[%add3A_64, %dma_wait3A_88] : memref<40x128xi32, #tpu.memory_space<vmem>> -> memref<1x128xi32, #tpu.memory_space<vmem>>
      %dma_wait3A_90 = tpu.memref_squeeze %dma_wait3A_89 : memref<1x128xi32, #tpu.memory_space<vmem>> -> memref<128xi32, #tpu.memory_space<vmem>>
      %dma_wait3A_91 = arith.constant 0 : i32
      %dma_wait3A_92 = arith.constant 0 : i32
      %dma_wait3A_93 = tpu.memref_slice %arg7[%dma_wait3A_91, %dma_wait3A_92] : memref<10240x128xf32, #tpu.memory_space<vmem_shared>> -> memref<10240x128xf32, #tpu.memory_space<vmem_shared>>
      tpu.wait_indirect_dma semaphore(%arg8 : memref<!tpu.dma_semaphore, #tpu.memory_space<semaphore_mem>>) src(%arg6 : memref<128x128xf32, #tpu.memory_space<vmem>>) dst(%dma_wait3A_93 : memref<10240x128xf32, #tpu.memory_space<vmem_shared>>)
      %scan3A_94 = arith.constant 0 : i32
      scf.yield %scan3A_94 : i32
    }
    %scan3A_29 = arith.constant 10 : i32
    %barrier3A_30 = arith.constant 0 : index
    tpu.barrier barrier_id(%barrier3A_30)
    %scan3A_31 = arith.constant 0 : i32
    %scan3A_32 = arith.constant 0 : i32
    %scan3A_33 = arith.constant 5 : i32
    %scan3A_34 = arith.addi %scan3A_32, %scan3A_33 : i32
    %scan3A_35 = arith.constant 1 : i32
    %scan3A_36 = scf.for %scan3A_38 = %scan3A_32 to %scan3A_34 step %scan3A_35 iter_args(%scan3A_39 = %scan3A_31) -> (i32)  : i32 {
      %mul3A_40 = arith.constant 640 : i32
      %mul3A_41 = arith.muli %arg1, %mul3A_40 : i32
      %mul3A_42 = arith.constant 128 : i32
      %mul3A_43 = arith.muli %scan3A_38, %mul3A_42 : i32
      %add3A_44 = arith.addi %mul3A_41, %mul3A_43 : i32
      "tpu.region"() ({
        %run_scoped3A = tpu.sem_alloc : memref<!tpu.dma_semaphore, #tpu.memory_space<semaphore_mem>>
        %dma_start3A = arith.constant 0 : i32
        %dma_start3A_53 = tpu.memref_slice %arg7[%add3A_44, %dma_start3A] : memref<10240x128xf32, #tpu.memory_space<vmem_shared>> -> memref<128x128xf32, #tpu.memory_space<vmem_shared>>
        %dma_start3A_54 = arith.constant 0 : i32
        %dma_start3A_55 = tpu.memref_slice %arg7[%add3A_44, %dma_start3A_54] : memref<10240x128xf32, #tpu.memory_space<vmem_shared>> -> memref<128x128xf32, #tpu.memory_space<vmem_shared>>
        tpu.enqueue_dma source(%dma_start3A_55 : memref<128x128xf32, #tpu.memory_space<vmem_shared>>) target(%arg6 : memref<128x128xf32, #tpu.memory_space<vmem>>) target_semaphore(%run_scoped3A : memref<!tpu.dma_semaphore, #tpu.memory_space<semaphore_mem>>)
        %dma_wait3A = arith.constant 0 : i32
        %dma_wait3A_56 = tpu.memref_slice %arg7[%add3A_44, %dma_wait3A] : memref<10240x128xf32, #tpu.memory_space<vmem_shared>> -> memref<128x128xf32, #tpu.memory_space<vmem_shared>>
        %dma_wait3A_57 = arith.constant 0 : i32
        %dma_wait3A_58 = tpu.memref_slice %arg7[%add3A_44, %dma_wait3A_57] : memref<10240x128xf32, #tpu.memory_space<vmem_shared>> -> memref<128x128xf32, #tpu.memory_space<vmem_shared>>
        tpu.wait_dma2 semaphore(%run_scoped3A : memref<!tpu.dma_semaphore, #tpu.memory_space<semaphore_mem>>) src(%dma_wait3A_58 : memref<128x128xf32, #tpu.memory_space<vmem_shared>>) dst(%arg6 : memref<128x128xf32, #tpu.memory_space<vmem>>)
        tpu.yield
      }) : () -> ()
      %eq3A = arith.constant 0 : i32
      %eq3A_45 = arith.cmpi eq, %arg0, %eq3A : i32
      %convert_element_type3A = arith.extui %eq3A_45 : i1 to i32
      %cond3A = arith.constant 0 : i32
      %cond3A_46 = arith.cmpi ne, %convert_element_type3A, %cond3A : i32
      scf.if %cond3A_46 {
        "tpu.region"() ({
          %run_scoped3A = tpu.sem_alloc : memref<!tpu.dma_semaphore, #tpu.memory_space<semaphore_mem>>
          %dma_start3A = arith.constant 0 : i32
          %dma_start3A_53 = tpu.memref_slice %arg3[%add3A_44, %dma_start3A] : memref<10240x128xf32, #tpu.memory_space<hbm>> -> memref<128x128xf32, #tpu.memory_space<hbm>>
          %dma_start3A_54 = arith.constant 0 : i32
          %dma_start3A_55 = tpu.memref_slice %arg3[%add3A_44, %dma_start3A_54] : memref<10240x128xf32, #tpu.memory_space<hbm>> -> memref<128x128xf32, #tpu.memory_space<hbm>>
          tpu.enqueue_dma source(%arg6 : memref<128x128xf32, #tpu.memory_space<vmem>>) target(%dma_start3A_55 : memref<128x128xf32, #tpu.memory_space<hbm>>) target_semaphore(%run_scoped3A : memref<!tpu.dma_semaphore, #tpu.memory_space<semaphore_mem>>)
          %dma_wait3A = arith.constant 0 : i32
          %dma_wait3A_56 = tpu.memref_slice %arg3[%add3A_44, %dma_wait3A] : memref<10240x128xf32, #tpu.memory_space<hbm>> -> memref<128x128xf32, #tpu.memory_space<hbm>>
          %dma_wait3A_57 = arith.constant 0 : i32
          %dma_wait3A_58 = tpu.memref_slice %arg3[%add3A_44, %dma_wait3A_57] : memref<10240x128xf32, #tpu.memory_space<hbm>> -> memref<128x128xf32, #tpu.memory_space<hbm>>
          tpu.wait_dma2 semaphore(%run_scoped3A : memref<!tpu.dma_semaphore, #tpu.memory_space<semaphore_mem>>) src(%arg6 : memref<128x128xf32, #tpu.memory_space<vmem>>) dst(%dma_wait3A_58 : memref<128x128xf32, #tpu.memory_space<hbm>>)
          tpu.yield
        }) : () -> ()
      } else {
      }
      %eq3A_47 = arith.constant 1 : i32
      %eq3A_48 = arith.cmpi eq, %arg0, %eq3A_47 : i32
      %convert_element_type3A_49 = arith.extui %eq3A_48 : i1 to i32
      %cond3A_50 = arith.constant 0 : i32
      %cond3A_51 = arith.cmpi ne, %convert_element_type3A_49, %cond3A_50 : i32
      scf.if %cond3A_51 {
        "tpu.region"() ({
          %run_scoped3A = tpu.sem_alloc : memref<!tpu.dma_semaphore, #tpu.memory_space<semaphore_mem>>
          %dma_start3A = arith.constant 0 : i32
          %dma_start3A_53 = tpu.memref_slice %arg4[%add3A_44, %dma_start3A] : memref<10240x128xf32, #tpu.memory_space<hbm>> -> memref<128x128xf32, #tpu.memory_space<hbm>>
          %dma_start3A_54 = arith.constant 0 : i32
          %dma_start3A_55 = tpu.memref_slice %arg4[%add3A_44, %dma_start3A_54] : memref<10240x128xf32, #tpu.memory_space<hbm>> -> memref<128x128xf32, #tpu.memory_space<hbm>>
          tpu.enqueue_dma source(%arg6 : memref<128x128xf32, #tpu.memory_space<vmem>>) target(%dma_start3A_55 : memref<128x128xf32, #tpu.memory_space<hbm>>) target_semaphore(%run_scoped3A : memref<!tpu.dma_semaphore, #tpu.memory_space<semaphore_mem>>)
          %dma_wait3A = arith.constant 0 : i32
          %dma_wait3A_56 = tpu.memref_slice %arg4[%add3A_44, %dma_wait3A] : memref<10240x128xf32, #tpu.memory_space<hbm>> -> memref<128x128xf32, #tpu.memory_space<hbm>>
          %dma_wait3A_57 = arith.constant 0 : i32
          %dma_wait3A_58 = tpu.memref_slice %arg4[%add3A_44, %dma_wait3A_57] : memref<10240x128xf32, #tpu.memory_space<hbm>> -> memref<128x128xf32, #tpu.memory_space<hbm>>
          tpu.wait_dma2 semaphore(%run_scoped3A : memref<!tpu.dma_semaphore, #tpu.memory_space<semaphore_mem>>) src(%arg6 : memref<128x128xf32, #tpu.memory_space<vmem>>) dst(%dma_wait3A_58 : memref<128x128xf32, #tpu.memory_space<hbm>>)
          tpu.yield
        }) : () -> ()
      } else {
      }
      %scan3A_52 = arith.constant 0 : i32
      scf.yield %scan3A_52 : i32
    }
    %scan3A_37 = arith.constant 5 : i32
    return
  }
}

#map = affine_map<(d0, d1) -> (0, 0)>
module attributes {stable_mosaic.version = 14 : i64} {
  func.func @_adj_kernel(%arg0: i32, %arg1: i32, %arg2: memref<10240x128xf32, #tpu.memory_space<hbm>>, %arg3: memref<10240x128xf32, #tpu.memory_space<hbm>>, %arg4: memref<2560x64xi32, #tpu.memory_space<hbm>>, %arg5: memref<2560x64xi32, #tpu.memory_space<hbm>>, %arg6: memref<10240x128xf32, #tpu.memory_space<hbm>>, %arg7: memref<10240x128xf32, #tpu.memory_space<hbm>>, %arg8: memref<32x64xi32, #tpu.memory_space<vmem>>, %arg9: memref<32x64xi32, #tpu.memory_space<vmem>>, %arg10: memref<64x128xf32, #tpu.memory_space<vmem>>, %arg11: memref<64x128xf32, #tpu.memory_space<vmem>>, %arg12: memref<64x128xf32, #tpu.memory_space<vmem>>, %arg13: memref<64x128xf32, #tpu.memory_space<vmem>>, %arg14: memref<10240x128xf32, #tpu.memory_space<vmem_shared>>, %arg15: memref<!tpu.dma_semaphore, #tpu.memory_space<semaphore_mem>>, %arg16: memref<!tpu.dma_semaphore, #tpu.memory_space<semaphore_mem>>, %arg17: memref<!tpu.dma_semaphore, #tpu.memory_space<semaphore_mem>>, %arg18: memref<!tpu.dma_semaphore, #tpu.memory_space<semaphore_mem>>, %arg19: memref<!tpu.dma_semaphore, #tpu.memory_space<semaphore_mem>>, %arg20: memref<!tpu.dma_semaphore, #tpu.memory_space<semaphore_mem>>, %arg21: memref<!tpu.dma_semaphore, #tpu.memory_space<semaphore_mem>>, %arg22: memref<!tpu.dma_semaphore, #tpu.memory_space<semaphore_mem>>) attributes {dimension_semantics = [#tpu.dimension_semantics<core_parallel>, #tpu.dimension_semantics<subcore_parallel>], iteration_bounds = array<i64: 2, 16>, scalar_prefetch = 0 : i64, scratch_operands = 15 : i64, tpu.core_type = #tpu.core_type<sc_vector_subcore>, window_params = [{transform_indices = #map}, {transform_indices = #map}, {transform_indices = #map}, {transform_indices = #map}, {transform_indices = #map}, {transform_indices = #map}]} {
    %scan3A = arith.constant 0 : i32
    %scan3A_0 = arith.constant 0 : i32
    %scan3A_1 = arith.constant 64 : i32
    %scan3A_2 = arith.addi %scan3A_0, %scan3A_1 : i32
    %scan3A_3 = arith.constant 1 : i32
    %scan3A_4 = scf.for %scan3A_28 = %scan3A_0 to %scan3A_2 step %scan3A_3 iter_args(%scan3A_29 = %scan3A) -> (i32)  : i32 {
      %scan3A_30 = arith.constant 0 : i32
      %scan3A_31 = arith.constant 0 : i32
      %scan3A_32 = arith.constant 8 : i32
      %scan3A_33 = arith.addi %scan3A_31, %scan3A_32 : i32
      %scan3A_34 = arith.constant 1 : i32
      %scan3A_35 = scf.for %scan3A_38 = %scan3A_31 to %scan3A_33 step %scan3A_34 iter_args(%scan3A_39 = %scan3A_30) -> (i32)  : i32 {
        %broadcast_in_dim3A = arith.constant 0.000000e+00 : f32
        %broadcast_in_dim3A_40 = vector.broadcast %broadcast_in_dim3A : f32 to vector<16xf32>
        %mul3A = arith.constant 16 : i32
        %mul3A_41 = arith.muli %scan3A_38, %mul3A : i32
        %swap3A = arith.index_cast %scan3A_28 : i32 to index
        %swap3A_42 = arith.index_cast %mul3A_41 : i32 to index
        %swap3A_43 = tpu.vector_load %arg10[%swap3A, %swap3A_42] {strides = array<i32>} : memref<64x128xf32, #tpu.memory_space<vmem>>, vector<1x16xf32>,
        %swap3A_44 = vector.shape_cast %swap3A_43 : vector<1x16xf32> to vector<16xf32>
        %swap3A_45 = vector.shape_cast %broadcast_in_dim3A_40 : vector<16xf32> to vector<1x16xf32>
        tpu.vector_store %arg10[%swap3A, %swap3A_42], %swap3A_45 {strides = array<i32>} : memref<64x128xf32, #tpu.memory_space<vmem>>, vector<1x16xf32>,
        %scan3A_46 = arith.constant 0 : i32
        scf.yield %scan3A_46 : i32
      }
      %scan3A_36 = arith.constant 8 : i32
      %scan3A_37 = arith.constant 0 : i32
      scf.yield %scan3A_37 : i32
    }
    %scan3A_5 = arith.constant 64 : i32
    %scan3A_6 = arith.constant 0 : i32
    %scan3A_7 = arith.constant 0 : i32
    %scan3A_8 = arith.constant 10 : i32
    %scan3A_9 = arith.addi %scan3A_7, %scan3A_8 : i32
    %scan3A_10 = arith.constant 1 : i32
    %scan3A_11 = scf.for %scan3A_28 = %scan3A_7 to %scan3A_9 step %scan3A_10 iter_args(%scan3A_29 = %scan3A_6) -> (i32)  : i32 {
      %mul3A = arith.constant 640 : i32
      %mul3A_30 = arith.muli %arg1, %mul3A : i32
      %mul3A_31 = arith.constant 64 : i32
      %mul3A_32 = arith.muli %scan3A_28, %mul3A_31 : i32
      %add3A = arith.addi %mul3A_30, %mul3A_32 : i32
      "tpu.region"() ({
        %run_scoped3A = tpu.sem_alloc : memref<!tpu.dma_semaphore, #tpu.memory_space<semaphore_mem>>
        %dma_start3A = arith.constant 0 : i32
        %dma_start3A_34 = tpu.memref_slice %arg14[%add3A, %dma_start3A] : memref<10240x128xf32, #tpu.memory_space<vmem_shared>> -> memref<64x128xf32, #tpu.memory_space<vmem_shared>>
        %dma_start3A_35 = arith.constant 0 : i32
        %dma_start3A_36 = tpu.memref_slice %arg14[%add3A, %dma_start3A_35] : memref<10240x128xf32, #tpu.memory_space<vmem_shared>> -> memref<64x128xf32, #tpu.memory_space<vmem_shared>>
        tpu.enqueue_dma source(%arg10 : memref<64x128xf32, #tpu.memory_space<vmem>>) target(%dma_start3A_36 : memref<64x128xf32, #tpu.memory_space<vmem_shared>>) target_semaphore(%run_scoped3A : memref<!tpu.dma_semaphore, #tpu.memory_space<semaphore_mem>>)
        %dma_wait3A = arith.constant 0 : i32
        %dma_wait3A_37 = tpu.memref_slice %arg14[%add3A, %dma_wait3A] : memref<10240x128xf32, #tpu.memory_space<vmem_shared>> -> memref<64x128xf32, #tpu.memory_space<vmem_shared>>
        %dma_wait3A_38 = arith.constant 0 : i32
        %dma_wait3A_39 = tpu.memref_slice %arg14[%add3A, %dma_wait3A_38] : memref<10240x128xf32, #tpu.memory_space<vmem_shared>> -> memref<64x128xf32, #tpu.memory_space<vmem_shared>>
        tpu.wait_dma2 semaphore(%run_scoped3A : memref<!tpu.dma_semaphore, #tpu.memory_space<semaphore_mem>>) src(%arg10 : memref<64x128xf32, #tpu.memory_space<vmem>>) dst(%dma_wait3A_39 : memref<64x128xf32, #tpu.memory_space<vmem_shared>>)
        tpu.yield
      }) : () -> ()
      %scan3A_33 = arith.constant 0 : i32
      scf.yield %scan3A_33 : i32
    }
    %scan3A_12 = arith.constant 10 : i32
    %barrier3A = arith.constant 0 : index
    tpu.barrier barrier_id(%barrier3A)
    %scan3A_13 = arith.constant 0 : i32
    %scan3A_14 = arith.constant 0 : i32
    %scan3A_15 = arith.constant 5 : i32
    %scan3A_16 = arith.addi %scan3A_14, %scan3A_15 : i32
    %scan3A_17 = arith.constant 1 : i32
    %scan3A_18 = scf.for %scan3A_28 = %scan3A_14 to %scan3A_16 step %scan3A_17 iter_args(%scan3A_29 = %scan3A_13) -> (i32)  : i32 {
      %mul3A = arith.constant 160 : i32
      %mul3A_30 = arith.muli %arg1, %mul3A : i32
      %mul3A_31 = arith.constant 32 : i32
      %mul3A_32 = arith.muli %scan3A_28, %mul3A_31 : i32
      %add3A = arith.addi %mul3A_30, %mul3A_32 : i32
      "tpu.region"() ({
        %run_scoped3A = tpu.sem_alloc : memref<!tpu.dma_semaphore, #tpu.memory_space<semaphore_mem>>
        %dma_start3A = arith.constant 0 : i32
        %dma_start3A_110 = tpu.memref_slice %arg4[%add3A, %dma_start3A] : memref<2560x64xi32, #tpu.memory_space<hbm>> -> memref<32x64xi32, #tpu.memory_space<hbm>>
        %dma_start3A_111 = arith.constant 0 : i32
        %dma_start3A_112 = tpu.memref_slice %arg4[%add3A, %dma_start3A_111] : memref<2560x64xi32, #tpu.memory_space<hbm>> -> memref<32x64xi32, #tpu.memory_space<hbm>>
        tpu.enqueue_dma source(%dma_start3A_112 : memref<32x64xi32, #tpu.memory_space<hbm>>) target(%arg8 : memref<32x64xi32, #tpu.memory_space<vmem>>) target_semaphore(%run_scoped3A : memref<!tpu.dma_semaphore, #tpu.memory_space<semaphore_mem>>)
        %dma_wait3A_113 = arith.constant 0 : i32
        %dma_wait3A_114 = tpu.memref_slice %arg4[%add3A, %dma_wait3A_113] : memref<2560x64xi32, #tpu.memory_space<hbm>> -> memref<32x64xi32, #tpu.memory_space<hbm>>
        %dma_wait3A_115 = arith.constant 0 : i32
        %dma_wait3A_116 = tpu.memref_slice %arg4[%add3A, %dma_wait3A_115] : memref<2560x64xi32, #tpu.memory_space<hbm>> -> memref<32x64xi32, #tpu.memory_space<hbm>>
        tpu.wait_dma2 semaphore(%run_scoped3A : memref<!tpu.dma_semaphore, #tpu.memory_space<semaphore_mem>>) src(%dma_wait3A_116 : memref<32x64xi32, #tpu.memory_space<hbm>>) dst(%arg8 : memref<32x64xi32, #tpu.memory_space<vmem>>)
        tpu.yield
      }) : () -> ()
      %mul3A_33 = arith.constant 160 : i32
      %mul3A_34 = arith.muli %arg1, %mul3A_33 : i32
      %mul3A_35 = arith.constant 32 : i32
      %mul3A_36 = arith.muli %scan3A_28, %mul3A_35 : i32
      %add3A_37 = arith.addi %mul3A_34, %mul3A_36 : i32
      "tpu.region"() ({
        %run_scoped3A = tpu.sem_alloc : memref<!tpu.dma_semaphore, #tpu.memory_space<semaphore_mem>>
        %dma_start3A = arith.constant 0 : i32
        %dma_start3A_110 = tpu.memref_slice %arg5[%add3A_37, %dma_start3A] : memref<2560x64xi32, #tpu.memory_space<hbm>> -> memref<32x64xi32, #tpu.memory_space<hbm>>
        %dma_start3A_111 = arith.constant 0 : i32
        %dma_start3A_112 = tpu.memref_slice %arg5[%add3A_37, %dma_start3A_111] : memref<2560x64xi32, #tpu.memory_space<hbm>> -> memref<32x64xi32, #tpu.memory_space<hbm>>
        tpu.enqueue_dma source(%dma_start3A_112 : memref<32x64xi32, #tpu.memory_space<hbm>>) target(%arg9 : memref<32x64xi32, #tpu.memory_space<vmem>>) target_semaphore(%run_scoped3A : memref<!tpu.dma_semaphore, #tpu.memory_space<semaphore_mem>>)
        %dma_wait3A_113 = arith.constant 0 : i32
        %dma_wait3A_114 = tpu.memref_slice %arg5[%add3A_37, %dma_wait3A_113] : memref<2560x64xi32, #tpu.memory_space<hbm>> -> memref<32x64xi32, #tpu.memory_space<hbm>>
        %dma_wait3A_115 = arith.constant 0 : i32
        %dma_wait3A_116 = tpu.memref_slice %arg5[%add3A_37, %dma_wait3A_115] : memref<2560x64xi32, #tpu.memory_space<hbm>> -> memref<32x64xi32, #tpu.memory_space<hbm>>
        tpu.wait_dma2 semaphore(%run_scoped3A : memref<!tpu.dma_semaphore, #tpu.memory_space<semaphore_mem>>) src(%dma_wait3A_116 : memref<32x64xi32, #tpu.memory_space<hbm>>) dst(%arg9 : memref<32x64xi32, #tpu.memory_space<vmem>>)
        tpu.yield
      }) : () -> ()
      %eq3A = arith.constant 0 : i32
      %eq3A_38 = arith.cmpi eq, %arg0, %eq3A : i32
      %convert_element_type3A = arith.extui %eq3A_38 : i1 to i32
      %cond3A = arith.constant 0 : i32
      %cond3A_39 = arith.cmpi ne, %convert_element_type3A, %cond3A : i32
      scf.if %cond3A_39 {
        %dma_start3A = arith.constant 0 : i32
        %dma_start3A_110 = arith.constant 0 : i32
        %dma_start3A_111 = tpu.memref_slice %arg8[%dma_start3A, %dma_start3A_110] : memref<32x64xi32, #tpu.memory_space<vmem>> -> memref<1x64xi32, #tpu.memory_space<vmem>>
        %dma_start3A_112 = tpu.memref_squeeze %dma_start3A_111 : memref<1x64xi32, #tpu.memory_space<vmem>> -> memref<64xi32, #tpu.memory_space<vmem>>
        %dma_start3A_113 = arith.constant 0 : i32
        %dma_start3A_114 = arith.constant 0 : i32
        %dma_start3A_115 = tpu.memref_slice %arg2[%dma_start3A_113, %dma_start3A_114] : memref<10240x128xf32, #tpu.memory_space<hbm>> -> memref<10240x128xf32, #tpu.memory_space<hbm>>
        tpu.enqueue_indirect_dma source(%dma_start3A_115 : memref<10240x128xf32, #tpu.memory_space<hbm>>) target(%arg10 : memref<64x128xf32, #tpu.memory_space<vmem>>) offsets(%dma_start3A_112 : memref<64xi32, #tpu.memory_space<vmem>>) semaphore(%arg15 : memref<!tpu.dma_semaphore, #tpu.memory_space<semaphore_mem>>)
      } else {
      }
      %eq3A_40 = arith.constant 1 : i32
      %eq3A_41 = arith.cmpi eq, %arg0, %eq3A_40 : i32
      %convert_element_type3A_42 = arith.extui %eq3A_41 : i1 to i32
      %cond3A_43 = arith.constant 0 : i32
      %cond3A_44 = arith.cmpi ne, %convert_element_type3A_42, %cond3A_43 : i32
      scf.if %cond3A_44 {
        %dma_start3A = arith.constant 0 : i32
        %dma_start3A_110 = arith.constant 0 : i32
        %dma_start3A_111 = tpu.memref_slice %arg8[%dma_start3A, %dma_start3A_110] : memref<32x64xi32, #tpu.memory_space<vmem>> -> memref<1x64xi32, #tpu.memory_space<vmem>>
        %dma_start3A_112 = tpu.memref_squeeze %dma_start3A_111 : memref<1x64xi32, #tpu.memory_space<vmem>> -> memref<64xi32, #tpu.memory_space<vmem>>
        %dma_start3A_113 = arith.constant 0 : i32
        %dma_start3A_114 = arith.constant 0 : i32
        %dma_start3A_115 = tpu.memref_slice %arg3[%dma_start3A_113, %dma_start3A_114] : memref<10240x128xf32, #tpu.memory_space<hbm>> -> memref<10240x128xf32, #tpu.memory_space<hbm>>
        tpu.enqueue_indirect_dma source(%dma_start3A_115 : memref<10240x128xf32, #tpu.memory_space<hbm>>) target(%arg10 : memref<64x128xf32, #tpu.memory_space<vmem>>) offsets(%dma_start3A_112 : memref<64xi32, #tpu.memory_space<vmem>>) semaphore(%arg15 : memref<!tpu.dma_semaphore, #tpu.memory_space<semaphore_mem>>)
      } else {
      }
      %eq3A_45 = arith.constant 0 : i32
      %eq3A_46 = arith.cmpi eq, %arg0, %eq3A_45 : i32
      %convert_element_type3A_47 = arith.extui %eq3A_46 : i1 to i32
      %cond3A_48 = arith.constant 0 : i32
      %cond3A_49 = arith.cmpi ne, %convert_element_type3A_47, %cond3A_48 : i32
      scf.if %cond3A_49 {
        %dma_start3A = arith.constant 1 : i32
        %dma_start3A_110 = arith.constant 0 : i32
        %dma_start3A_111 = tpu.memref_slice %arg8[%dma_start3A, %dma_start3A_110] : memref<32x64xi32, #tpu.memory_space<vmem>> -> memref<1x64xi32, #tpu.memory_space<vmem>>
        %dma_start3A_112 = tpu.memref_squeeze %dma_start3A_111 : memref<1x64xi32, #tpu.memory_space<vmem>> -> memref<64xi32, #tpu.memory_space<vmem>>
        %dma_start3A_113 = arith.constant 0 : i32
        %dma_start3A_114 = arith.constant 0 : i32
        %dma_start3A_115 = tpu.memref_slice %arg2[%dma_start3A_113, %dma_start3A_114] : memref<10240x128xf32, #tpu.memory_space<hbm>> -> memref<10240x128xf32, #tpu.memory_space<hbm>>
        tpu.enqueue_indirect_dma source(%dma_start3A_115 : memref<10240x128xf32, #tpu.memory_space<hbm>>) target(%arg11 : memref<64x128xf32, #tpu.memory_space<vmem>>) offsets(%dma_start3A_112 : memref<64xi32, #tpu.memory_space<vmem>>) semaphore(%arg16 : memref<!tpu.dma_semaphore, #tpu.memory_space<semaphore_mem>>)
      } else {
      }
      %eq3A_50 = arith.constant 1 : i32
      %eq3A_51 = arith.cmpi eq, %arg0, %eq3A_50 : i32
      %convert_element_type3A_52 = arith.extui %eq3A_51 : i1 to i32
      %cond3A_53 = arith.constant 0 : i32
      %cond3A_54 = arith.cmpi ne, %convert_element_type3A_52, %cond3A_53 : i32
      scf.if %cond3A_54 {
        %dma_start3A = arith.constant 1 : i32
        %dma_start3A_110 = arith.constant 0 : i32
        %dma_start3A_111 = tpu.memref_slice %arg8[%dma_start3A, %dma_start3A_110] : memref<32x64xi32, #tpu.memory_space<vmem>> -> memref<1x64xi32, #tpu.memory_space<vmem>>
        %dma_start3A_112 = tpu.memref_squeeze %dma_start3A_111 : memref<1x64xi32, #tpu.memory_space<vmem>> -> memref<64xi32, #tpu.memory_space<vmem>>
        %dma_start3A_113 = arith.constant 0 : i32
        %dma_start3A_114 = arith.constant 0 : i32
        %dma_start3A_115 = tpu.memref_slice %arg3[%dma_start3A_113, %dma_start3A_114] : memref<10240x128xf32, #tpu.memory_space<hbm>> -> memref<10240x128xf32, #tpu.memory_space<hbm>>
        tpu.enqueue_indirect_dma source(%dma_start3A_115 : memref<10240x128xf32, #tpu.memory_space<hbm>>) target(%arg11 : memref<64x128xf32, #tpu.memory_space<vmem>>) offsets(%dma_start3A_112 : memref<64xi32, #tpu.memory_space<vmem>>) semaphore(%arg16 : memref<!tpu.dma_semaphore, #tpu.memory_space<semaphore_mem>>)
      } else {
      }
      %eq3A_55 = arith.constant 0 : i32
      %eq3A_56 = arith.cmpi eq, %arg0, %eq3A_55 : i32
      %convert_element_type3A_57 = arith.extui %eq3A_56 : i1 to i32
      %cond3A_58 = arith.constant 0 : i32
      %cond3A_59 = arith.cmpi ne, %convert_element_type3A_57, %cond3A_58 : i32
      scf.if %cond3A_59 {
        %dma_start3A = arith.constant 2 : i32
        %dma_start3A_110 = arith.constant 0 : i32
        %dma_start3A_111 = tpu.memref_slice %arg8[%dma_start3A, %dma_start3A_110] : memref<32x64xi32, #tpu.memory_space<vmem>> -> memref<1x64xi32, #tpu.memory_space<vmem>>
        %dma_start3A_112 = tpu.memref_squeeze %dma_start3A_111 : memref<1x64xi32, #tpu.memory_space<vmem>> -> memref<64xi32, #tpu.memory_space<vmem>>
        %dma_start3A_113 = arith.constant 0 : i32
        %dma_start3A_114 = arith.constant 0 : i32
        %dma_start3A_115 = tpu.memref_slice %arg2[%dma_start3A_113, %dma_start3A_114] : memref<10240x128xf32, #tpu.memory_space<hbm>> -> memref<10240x128xf32, #tpu.memory_space<hbm>>
        tpu.enqueue_indirect_dma source(%dma_start3A_115 : memref<10240x128xf32, #tpu.memory_space<hbm>>) target(%arg12 : memref<64x128xf32, #tpu.memory_space<vmem>>) offsets(%dma_start3A_112 : memref<64xi32, #tpu.memory_space<vmem>>) semaphore(%arg17 : memref<!tpu.dma_semaphore, #tpu.memory_space<semaphore_mem>>)
      } else {
      }
      %eq3A_60 = arith.constant 1 : i32
      %eq3A_61 = arith.cmpi eq, %arg0, %eq3A_60 : i32
      %convert_element_type3A_62 = arith.extui %eq3A_61 : i1 to i32
      %cond3A_63 = arith.constant 0 : i32
      %cond3A_64 = arith.cmpi ne, %convert_element_type3A_62, %cond3A_63 : i32
      scf.if %cond3A_64 {
        %dma_start3A = arith.constant 2 : i32
        %dma_start3A_110 = arith.constant 0 : i32
        %dma_start3A_111 = tpu.memref_slice %arg8[%dma_start3A, %dma_start3A_110] : memref<32x64xi32, #tpu.memory_space<vmem>> -> memref<1x64xi32, #tpu.memory_space<vmem>>
        %dma_start3A_112 = tpu.memref_squeeze %dma_start3A_111 : memref<1x64xi32, #tpu.memory_space<vmem>> -> memref<64xi32, #tpu.memory_space<vmem>>
        %dma_start3A_113 = arith.constant 0 : i32
        %dma_start3A_114 = arith.constant 0 : i32
        %dma_start3A_115 = tpu.memref_slice %arg3[%dma_start3A_113, %dma_start3A_114] : memref<10240x128xf32, #tpu.memory_space<hbm>> -> memref<10240x128xf32, #tpu.memory_space<hbm>>
        tpu.enqueue_indirect_dma source(%dma_start3A_115 : memref<10240x128xf32, #tpu.memory_space<hbm>>) target(%arg12 : memref<64x128xf32, #tpu.memory_space<vmem>>) offsets(%dma_start3A_112 : memref<64xi32, #tpu.memory_space<vmem>>) semaphore(%arg17 : memref<!tpu.dma_semaphore, #tpu.memory_space<semaphore_mem>>)
      } else {
      }
      %eq3A_65 = arith.constant 0 : i32
      %eq3A_66 = arith.cmpi eq, %arg0, %eq3A_65 : i32
      %convert_element_type3A_67 = arith.extui %eq3A_66 : i1 to i32
      %cond3A_68 = arith.constant 0 : i32
      %cond3A_69 = arith.cmpi ne, %convert_element_type3A_67, %cond3A_68 : i32
      scf.if %cond3A_69 {
        %dma_start3A = arith.constant 3 : i32
        %dma_start3A_110 = arith.constant 0 : i32
        %dma_start3A_111 = tpu.memref_slice %arg8[%dma_start3A, %dma_start3A_110] : memref<32x64xi32, #tpu.memory_space<vmem>> -> memref<1x64xi32, #tpu.memory_space<vmem>>
        %dma_start3A_112 = tpu.memref_squeeze %dma_start3A_111 : memref<1x64xi32, #tpu.memory_space<vmem>> -> memref<64xi32, #tpu.memory_space<vmem>>
        %dma_start3A_113 = arith.constant 0 : i32
        %dma_start3A_114 = arith.constant 0 : i32
        %dma_start3A_115 = tpu.memref_slice %arg2[%dma_start3A_113, %dma_start3A_114] : memref<10240x128xf32, #tpu.memory_space<hbm>> -> memref<10240x128xf32, #tpu.memory_space<hbm>>
        tpu.enqueue_indirect_dma source(%dma_start3A_115 : memref<10240x128xf32, #tpu.memory_space<hbm>>) target(%arg13 : memref<64x128xf32, #tpu.memory_space<vmem>>) offsets(%dma_start3A_112 : memref<64xi32, #tpu.memory_space<vmem>>) semaphore(%arg18 : memref<!tpu.dma_semaphore, #tpu.memory_space<semaphore_mem>>)
      } else {
      }
      %eq3A_70 = arith.constant 1 : i32
      %eq3A_71 = arith.cmpi eq, %arg0, %eq3A_70 : i32
      %convert_element_type3A_72 = arith.extui %eq3A_71 : i1 to i32
      %cond3A_73 = arith.constant 0 : i32
      %cond3A_74 = arith.cmpi ne, %convert_element_type3A_72, %cond3A_73 : i32
      scf.if %cond3A_74 {
        %dma_start3A = arith.constant 3 : i32
        %dma_start3A_110 = arith.constant 0 : i32
        %dma_start3A_111 = tpu.memref_slice %arg8[%dma_start3A, %dma_start3A_110] : memref<32x64xi32, #tpu.memory_space<vmem>> -> memref<1x64xi32, #tpu.memory_space<vmem>>
        %dma_start3A_112 = tpu.memref_squeeze %dma_start3A_111 : memref<1x64xi32, #tpu.memory_space<vmem>> -> memref<64xi32, #tpu.memory_space<vmem>>
        %dma_start3A_113 = arith.constant 0 : i32
        %dma_start3A_114 = arith.constant 0 : i32
        %dma_start3A_115 = tpu.memref_slice %arg3[%dma_start3A_113, %dma_start3A_114] : memref<10240x128xf32, #tpu.memory_space<hbm>> -> memref<10240x128xf32, #tpu.memory_space<hbm>>
        tpu.enqueue_indirect_dma source(%dma_start3A_115 : memref<10240x128xf32, #tpu.memory_space<hbm>>) target(%arg13 : memref<64x128xf32, #tpu.memory_space<vmem>>) offsets(%dma_start3A_112 : memref<64xi32, #tpu.memory_space<vmem>>) semaphore(%arg18 : memref<!tpu.dma_semaphore, #tpu.memory_space<semaphore_mem>>)
      } else {
      }
      %scan3A_75 = arith.constant 0 : i32
      %scan3A_76 = arith.constant 0 : i32
      %scan3A_77 = arith.constant 8 : i32
      %scan3A_78 = arith.addi %scan3A_76, %scan3A_77 : i32
      %scan3A_79 = arith.constant 1 : i32
      %scan3A_80 = scf.for %scan3A_110 = %scan3A_76 to %scan3A_78 step %scan3A_79 iter_args(%scan3A_111 = %scan3A_75) -> (i32)  : i32 {
        %mul3A_112 = arith.constant 4 : i32
        %mul3A_113 = arith.muli %mul3A_112, %scan3A_110 : i32
        %add3A_114 = arith.constant 0 : i32
        %add3A_115 = arith.addi %mul3A_113, %add3A_114 : i32
        %dma_wait3A_116 = arith.constant 0 : i32
        %dma_wait3A_117 = tpu.memref_slice %arg8[%add3A_115, %dma_wait3A_116] : memref<32x64xi32, #tpu.memory_space<vmem>> -> memref<1x64xi32, #tpu.memory_space<vmem>>
        %dma_wait3A_118 = tpu.memref_squeeze %dma_wait3A_117 : memref<1x64xi32, #tpu.memory_space<vmem>> -> memref<64xi32, #tpu.memory_space<vmem>>
        %dma_wait3A_119 = arith.constant 0 : i32
        %dma_wait3A_120 = arith.constant 0 : i32
        %dma_wait3A_121 = tpu.memref_slice %arg2[%dma_wait3A_119, %dma_wait3A_120] : memref<10240x128xf32, #tpu.memory_space<hbm>> -> memref<10240x128xf32, #tpu.memory_space<hbm>>
        tpu.wait_indirect_dma semaphore(%arg15 : memref<!tpu.dma_semaphore, #tpu.memory_space<semaphore_mem>>) src(%dma_wait3A_121 : memref<10240x128xf32, #tpu.memory_space<hbm>>) dst(%arg10 : memref<64x128xf32, #tpu.memory_space<vmem>>)
        %dma_start3A = arith.constant 0 : i32
        %dma_start3A_122 = tpu.memref_slice %arg9[%add3A_115, %dma_start3A] : memref<32x64xi32, #tpu.memory_space<vmem>> -> memref<1x64xi32, #tpu.memory_space<vmem>>
        %dma_start3A_123 = tpu.memref_squeeze %dma_start3A_122 : memref<1x64xi32, #tpu.memory_space<vmem>> -> memref<64xi32, #tpu.memory_space<vmem>>
        %dma_start3A_124 = arith.constant 0 : i32
        %dma_start3A_125 = arith.constant 0 : i32
        %dma_start3A_126 = tpu.memref_slice %arg14[%dma_start3A_124, %dma_start3A_125] : memref<10240x128xf32, #tpu.memory_space<vmem_shared>> -> memref<10240x128xf32, #tpu.memory_space<vmem_shared>>
        tpu.enqueue_indirect_dma source(%arg10 : memref<64x128xf32, #tpu.memory_space<vmem>>) target(%dma_start3A_126 : memref<10240x128xf32, #tpu.memory_space<vmem_shared>>) offsets(%dma_start3A_123 : memref<64xi32, #tpu.memory_space<vmem>>) semaphore(%arg19 : memref<!tpu.dma_semaphore, #tpu.memory_space<semaphore_mem>>) {add = true}
        %lt3A = arith.constant 7 : i32
        %lt3A_127 = arith.cmpi slt, %scan3A_110, %lt3A : i32
        %convert_element_type3A_128 = arith.extui %lt3A_127 : i1 to i32
        %cond3A_129 = arith.constant 0 : i32
        %cond3A_130 = arith.cmpi ne, %convert_element_type3A_128, %cond3A_129 : i32
        scf.if %cond3A_130 {
          %dma_wait3A_195 = arith.constant 0 : i32
          %dma_wait3A_196 = tpu.memref_slice %arg9[%add3A_115, %dma_wait3A_195] : memref<32x64xi32, #tpu.memory_space<vmem>> -> memref<1x64xi32, #tpu.memory_space<vmem>>
          %dma_wait3A_197 = tpu.memref_squeeze %dma_wait3A_196 : memref<1x64xi32, #tpu.memory_space<vmem>> -> memref<64xi32, #tpu.memory_space<vmem>>
          %dma_wait3A_198 = arith.constant 0 : i32
          %dma_wait3A_199 = arith.constant 0 : i32
          %dma_wait3A_200 = tpu.memref_slice %arg14[%dma_wait3A_198, %dma_wait3A_199] : memref<10240x128xf32, #tpu.memory_space<vmem_shared>> -> memref<10240x128xf32, #tpu.memory_space<vmem_shared>>
          tpu.wait_indirect_dma semaphore(%arg19 : memref<!tpu.dma_semaphore, #tpu.memory_space<semaphore_mem>>) src(%arg10 : memref<64x128xf32, #tpu.memory_space<vmem>>) dst(%dma_wait3A_200 : memref<10240x128xf32, #tpu.memory_space<vmem_shared>>)
          %add3A_201 = arith.constant 4 : i32
          %add3A_202 = arith.addi %add3A_115, %add3A_201 : i32
          %eq3A_203 = arith.constant 0 : i32
          %eq3A_204 = arith.cmpi eq, %arg0, %eq3A_203 : i32
          %convert_element_type3A_205 = arith.extui %eq3A_204 : i1 to i32
          %cond3A_206 = arith.constant 0 : i32
          %cond3A_207 = arith.cmpi ne, %convert_element_type3A_205, %cond3A_206 : i32
          scf.if %cond3A_207 {
            %dma_start3A_213 = arith.constant 0 : i32
            %dma_start3A_214 = tpu.memref_slice %arg8[%add3A_202, %dma_start3A_213] : memref<32x64xi32, #tpu.memory_space<vmem>> -> memref<1x64xi32, #tpu.memory_space<vmem>>
            %dma_start3A_215 = tpu.memref_squeeze %dma_start3A_214 : memref<1x64xi32, #tpu.memory_space<vmem>> -> memref<64xi32, #tpu.memory_space<vmem>>
            %dma_start3A_216 = arith.constant 0 : i32
            %dma_start3A_217 = arith.constant 0 : i32
            %dma_start3A_218 = tpu.memref_slice %arg2[%dma_start3A_216, %dma_start3A_217] : memref<10240x128xf32, #tpu.memory_space<hbm>> -> memref<10240x128xf32, #tpu.memory_space<hbm>>
            tpu.enqueue_indirect_dma source(%dma_start3A_218 : memref<10240x128xf32, #tpu.memory_space<hbm>>) target(%arg10 : memref<64x128xf32, #tpu.memory_space<vmem>>) offsets(%dma_start3A_215 : memref<64xi32, #tpu.memory_space<vmem>>) semaphore(%arg15 : memref<!tpu.dma_semaphore, #tpu.memory_space<semaphore_mem>>)
          } else {
          }
          %eq3A_208 = arith.constant 1 : i32
          %eq3A_209 = arith.cmpi eq, %arg0, %eq3A_208 : i32
          %convert_element_type3A_210 = arith.extui %eq3A_209 : i1 to i32
          %cond3A_211 = arith.constant 0 : i32
          %cond3A_212 = arith.cmpi ne, %convert_element_type3A_210, %cond3A_211 : i32
          scf.if %cond3A_212 {
            %dma_start3A_213 = arith.constant 0 : i32
            %dma_start3A_214 = tpu.memref_slice %arg8[%add3A_202, %dma_start3A_213] : memref<32x64xi32, #tpu.memory_space<vmem>> -> memref<1x64xi32, #tpu.memory_space<vmem>>
            %dma_start3A_215 = tpu.memref_squeeze %dma_start3A_214 : memref<1x64xi32, #tpu.memory_space<vmem>> -> memref<64xi32, #tpu.memory_space<vmem>>
            %dma_start3A_216 = arith.constant 0 : i32
            %dma_start3A_217 = arith.constant 0 : i32
            %dma_start3A_218 = tpu.memref_slice %arg3[%dma_start3A_216, %dma_start3A_217] : memref<10240x128xf32, #tpu.memory_space<hbm>> -> memref<10240x128xf32, #tpu.memory_space<hbm>>
            tpu.enqueue_indirect_dma source(%dma_start3A_218 : memref<10240x128xf32, #tpu.memory_space<hbm>>) target(%arg10 : memref<64x128xf32, #tpu.memory_space<vmem>>) offsets(%dma_start3A_215 : memref<64xi32, #tpu.memory_space<vmem>>) semaphore(%arg15 : memref<!tpu.dma_semaphore, #tpu.memory_space<semaphore_mem>>)
          } else {
          }
        } else {
        }
        %mul3A_131 = arith.constant 4 : i32
        %mul3A_132 = arith.muli %mul3A_131, %scan3A_110 : i32
        %add3A_133 = arith.constant 1 : i32
        %add3A_134 = arith.addi %mul3A_132, %add3A_133 : i32
        %dma_wait3A_135 = arith.constant 0 : i32
        %dma_wait3A_136 = tpu.memref_slice %arg8[%add3A_134, %dma_wait3A_135] : memref<32x64xi32, #tpu.memory_space<vmem>> -> memref<1x64xi32, #tpu.memory_space<vmem>>
        %dma_wait3A_137 = tpu.memref_squeeze %dma_wait3A_136 : memref<1x64xi32, #tpu.memory_space<vmem>> -> memref<64xi32, #tpu.memory_space<vmem>>
        %dma_wait3A_138 = arith.constant 0 : i32
        %dma_wait3A_139 = arith.constant 0 : i32
        %dma_wait3A_140 = tpu.memref_slice %arg2[%dma_wait3A_138, %dma_wait3A_139] : memref<10240x128xf32, #tpu.memory_space<hbm>> -> memref<10240x128xf32, #tpu.memory_space<hbm>>
        tpu.wait_indirect_dma semaphore(%arg16 : memref<!tpu.dma_semaphore, #tpu.memory_space<semaphore_mem>>) src(%dma_wait3A_140 : memref<10240x128xf32, #tpu.memory_space<hbm>>) dst(%arg11 : memref<64x128xf32, #tpu.memory_space<vmem>>)
        %dma_start3A_141 = arith.constant 0 : i32
        %dma_start3A_142 = tpu.memref_slice %arg9[%add3A_134, %dma_start3A_141] : memref<32x64xi32, #tpu.memory_space<vmem>> -> memref<1x64xi32, #tpu.memory_space<vmem>>
        %dma_start3A_143 = tpu.memref_squeeze %dma_start3A_142 : memref<1x64xi32, #tpu.memory_space<vmem>> -> memref<64xi32, #tpu.memory_space<vmem>>
        %dma_start3A_144 = arith.constant 0 : i32
        %dma_start3A_145 = arith.constant 0 : i32
        %dma_start3A_146 = tpu.memref_slice %arg14[%dma_start3A_144, %dma_start3A_145] : memref<10240x128xf32, #tpu.memory_space<vmem_shared>> -> memref<10240x128xf32, #tpu.memory_space<vmem_shared>>
        tpu.enqueue_indirect_dma source(%arg11 : memref<64x128xf32, #tpu.memory_space<vmem>>) target(%dma_start3A_146 : memref<10240x128xf32, #tpu.memory_space<vmem_shared>>) offsets(%dma_start3A_143 : memref<64xi32, #tpu.memory_space<vmem>>) semaphore(%arg20 : memref<!tpu.dma_semaphore, #tpu.memory_space<semaphore_mem>>) {add = true}
        %lt3A_147 = arith.constant 7 : i32
        %lt3A_148 = arith.cmpi slt, %scan3A_110, %lt3A_147 : i32
        %convert_element_type3A_149 = arith.extui %lt3A_148 : i1 to i32
        %cond3A_150 = arith.constant 0 : i32
        %cond3A_151 = arith.cmpi ne, %convert_element_type3A_149, %cond3A_150 : i32
        scf.if %cond3A_151 {
          %dma_wait3A_195 = arith.constant 0 : i32
          %dma_wait3A_196 = tpu.memref_slice %arg9[%add3A_134, %dma_wait3A_195] : memref<32x64xi32, #tpu.memory_space<vmem>> -> memref<1x64xi32, #tpu.memory_space<vmem>>
          %dma_wait3A_197 = tpu.memref_squeeze %dma_wait3A_196 : memref<1x64xi32, #tpu.memory_space<vmem>> -> memref<64xi32, #tpu.memory_space<vmem>>
          %dma_wait3A_198 = arith.constant 0 : i32
          %dma_wait3A_199 = arith.constant 0 : i32
          %dma_wait3A_200 = tpu.memref_slice %arg14[%dma_wait3A_198, %dma_wait3A_199] : memref<10240x128xf32, #tpu.memory_space<vmem_shared>> -> memref<10240x128xf32, #tpu.memory_space<vmem_shared>>
          tpu.wait_indirect_dma semaphore(%arg20 : memref<!tpu.dma_semaphore, #tpu.memory_space<semaphore_mem>>) src(%arg11 : memref<64x128xf32, #tpu.memory_space<vmem>>) dst(%dma_wait3A_200 : memref<10240x128xf32, #tpu.memory_space<vmem_shared>>)
          %add3A_201 = arith.constant 4 : i32
          %add3A_202 = arith.addi %add3A_134, %add3A_201 : i32
          %eq3A_203 = arith.constant 0 : i32
          %eq3A_204 = arith.cmpi eq, %arg0, %eq3A_203 : i32
          %convert_element_type3A_205 = arith.extui %eq3A_204 : i1 to i32
          %cond3A_206 = arith.constant 0 : i32
          %cond3A_207 = arith.cmpi ne, %convert_element_type3A_205, %cond3A_206 : i32
          scf.if %cond3A_207 {
            %dma_start3A_213 = arith.constant 0 : i32
            %dma_start3A_214 = tpu.memref_slice %arg8[%add3A_202, %dma_start3A_213] : memref<32x64xi32, #tpu.memory_space<vmem>> -> memref<1x64xi32, #tpu.memory_space<vmem>>
            %dma_start3A_215 = tpu.memref_squeeze %dma_start3A_214 : memref<1x64xi32, #tpu.memory_space<vmem>> -> memref<64xi32, #tpu.memory_space<vmem>>
            %dma_start3A_216 = arith.constant 0 : i32
            %dma_start3A_217 = arith.constant 0 : i32
            %dma_start3A_218 = tpu.memref_slice %arg2[%dma_start3A_216, %dma_start3A_217] : memref<10240x128xf32, #tpu.memory_space<hbm>> -> memref<10240x128xf32, #tpu.memory_space<hbm>>
            tpu.enqueue_indirect_dma source(%dma_start3A_218 : memref<10240x128xf32, #tpu.memory_space<hbm>>) target(%arg11 : memref<64x128xf32, #tpu.memory_space<vmem>>) offsets(%dma_start3A_215 : memref<64xi32, #tpu.memory_space<vmem>>) semaphore(%arg16 : memref<!tpu.dma_semaphore, #tpu.memory_space<semaphore_mem>>)
          } else {
          }
          %eq3A_208 = arith.constant 1 : i32
          %eq3A_209 = arith.cmpi eq, %arg0, %eq3A_208 : i32
          %convert_element_type3A_210 = arith.extui %eq3A_209 : i1 to i32
          %cond3A_211 = arith.constant 0 : i32
          %cond3A_212 = arith.cmpi ne, %convert_element_type3A_210, %cond3A_211 : i32
          scf.if %cond3A_212 {
            %dma_start3A_213 = arith.constant 0 : i32
            %dma_start3A_214 = tpu.memref_slice %arg8[%add3A_202, %dma_start3A_213] : memref<32x64xi32, #tpu.memory_space<vmem>> -> memref<1x64xi32, #tpu.memory_space<vmem>>
            %dma_start3A_215 = tpu.memref_squeeze %dma_start3A_214 : memref<1x64xi32, #tpu.memory_space<vmem>> -> memref<64xi32, #tpu.memory_space<vmem>>
            %dma_start3A_216 = arith.constant 0 : i32
            %dma_start3A_217 = arith.constant 0 : i32
            %dma_start3A_218 = tpu.memref_slice %arg3[%dma_start3A_216, %dma_start3A_217] : memref<10240x128xf32, #tpu.memory_space<hbm>> -> memref<10240x128xf32, #tpu.memory_space<hbm>>
            tpu.enqueue_indirect_dma source(%dma_start3A_218 : memref<10240x128xf32, #tpu.memory_space<hbm>>) target(%arg11 : memref<64x128xf32, #tpu.memory_space<vmem>>) offsets(%dma_start3A_215 : memref<64xi32, #tpu.memory_space<vmem>>) semaphore(%arg16 : memref<!tpu.dma_semaphore, #tpu.memory_space<semaphore_mem>>)
          } else {
          }
        } else {
        }
        %mul3A_152 = arith.constant 4 : i32
        %mul3A_153 = arith.muli %mul3A_152, %scan3A_110 : i32
        %add3A_154 = arith.constant 2 : i32
        %add3A_155 = arith.addi %mul3A_153, %add3A_154 : i32
        %dma_wait3A_156 = arith.constant 0 : i32
        %dma_wait3A_157 = tpu.memref_slice %arg8[%add3A_155, %dma_wait3A_156] : memref<32x64xi32, #tpu.memory_space<vmem>> -> memref<1x64xi32, #tpu.memory_space<vmem>>
        %dma_wait3A_158 = tpu.memref_squeeze %dma_wait3A_157 : memref<1x64xi32, #tpu.memory_space<vmem>> -> memref<64xi32, #tpu.memory_space<vmem>>
        %dma_wait3A_159 = arith.constant 0 : i32
        %dma_wait3A_160 = arith.constant 0 : i32
        %dma_wait3A_161 = tpu.memref_slice %arg2[%dma_wait3A_159, %dma_wait3A_160] : memref<10240x128xf32, #tpu.memory_space<hbm>> -> memref<10240x128xf32, #tpu.memory_space<hbm>>
        tpu.wait_indirect_dma semaphore(%arg17 : memref<!tpu.dma_semaphore, #tpu.memory_space<semaphore_mem>>) src(%dma_wait3A_161 : memref<10240x128xf32, #tpu.memory_space<hbm>>) dst(%arg12 : memref<64x128xf32, #tpu.memory_space<vmem>>)
        %dma_start3A_162 = arith.constant 0 : i32
        %dma_start3A_163 = tpu.memref_slice %arg9[%add3A_155, %dma_start3A_162] : memref<32x64xi32, #tpu.memory_space<vmem>> -> memref<1x64xi32, #tpu.memory_space<vmem>>
        %dma_start3A_164 = tpu.memref_squeeze %dma_start3A_163 : memref<1x64xi32, #tpu.memory_space<vmem>> -> memref<64xi32, #tpu.memory_space<vmem>>
        %dma_start3A_165 = arith.constant 0 : i32
        %dma_start3A_166 = arith.constant 0 : i32
        %dma_start3A_167 = tpu.memref_slice %arg14[%dma_start3A_165, %dma_start3A_166] : memref<10240x128xf32, #tpu.memory_space<vmem_shared>> -> memref<10240x128xf32, #tpu.memory_space<vmem_shared>>
        tpu.enqueue_indirect_dma source(%arg12 : memref<64x128xf32, #tpu.memory_space<vmem>>) target(%dma_start3A_167 : memref<10240x128xf32, #tpu.memory_space<vmem_shared>>) offsets(%dma_start3A_164 : memref<64xi32, #tpu.memory_space<vmem>>) semaphore(%arg21 : memref<!tpu.dma_semaphore, #tpu.memory_space<semaphore_mem>>) {add = true}
        %lt3A_168 = arith.constant 7 : i32
        %lt3A_169 = arith.cmpi slt, %scan3A_110, %lt3A_168 : i32
        %convert_element_type3A_170 = arith.extui %lt3A_169 : i1 to i32
        %cond3A_171 = arith.constant 0 : i32
        %cond3A_172 = arith.cmpi ne, %convert_element_type3A_170, %cond3A_171 : i32
        scf.if %cond3A_172 {
          %dma_wait3A_195 = arith.constant 0 : i32
          %dma_wait3A_196 = tpu.memref_slice %arg9[%add3A_155, %dma_wait3A_195] : memref<32x64xi32, #tpu.memory_space<vmem>> -> memref<1x64xi32, #tpu.memory_space<vmem>>
          %dma_wait3A_197 = tpu.memref_squeeze %dma_wait3A_196 : memref<1x64xi32, #tpu.memory_space<vmem>> -> memref<64xi32, #tpu.memory_space<vmem>>
          %dma_wait3A_198 = arith.constant 0 : i32
          %dma_wait3A_199 = arith.constant 0 : i32
          %dma_wait3A_200 = tpu.memref_slice %arg14[%dma_wait3A_198, %dma_wait3A_199] : memref<10240x128xf32, #tpu.memory_space<vmem_shared>> -> memref<10240x128xf32, #tpu.memory_space<vmem_shared>>
          tpu.wait_indirect_dma semaphore(%arg21 : memref<!tpu.dma_semaphore, #tpu.memory_space<semaphore_mem>>) src(%arg12 : memref<64x128xf32, #tpu.memory_space<vmem>>) dst(%dma_wait3A_200 : memref<10240x128xf32, #tpu.memory_space<vmem_shared>>)
          %add3A_201 = arith.constant 4 : i32
          %add3A_202 = arith.addi %add3A_155, %add3A_201 : i32
          %eq3A_203 = arith.constant 0 : i32
          %eq3A_204 = arith.cmpi eq, %arg0, %eq3A_203 : i32
          %convert_element_type3A_205 = arith.extui %eq3A_204 : i1 to i32
          %cond3A_206 = arith.constant 0 : i32
          %cond3A_207 = arith.cmpi ne, %convert_element_type3A_205, %cond3A_206 : i32
          scf.if %cond3A_207 {
            %dma_start3A_213 = arith.constant 0 : i32
            %dma_start3A_214 = tpu.memref_slice %arg8[%add3A_202, %dma_start3A_213] : memref<32x64xi32, #tpu.memory_space<vmem>> -> memref<1x64xi32, #tpu.memory_space<vmem>>
            %dma_start3A_215 = tpu.memref_squeeze %dma_start3A_214 : memref<1x64xi32, #tpu.memory_space<vmem>> -> memref<64xi32, #tpu.memory_space<vmem>>
            %dma_start3A_216 = arith.constant 0 : i32
            %dma_start3A_217 = arith.constant 0 : i32
            %dma_start3A_218 = tpu.memref_slice %arg2[%dma_start3A_216, %dma_start3A_217] : memref<10240x128xf32, #tpu.memory_space<hbm>> -> memref<10240x128xf32, #tpu.memory_space<hbm>>
            tpu.enqueue_indirect_dma source(%dma_start3A_218 : memref<10240x128xf32, #tpu.memory_space<hbm>>) target(%arg12 : memref<64x128xf32, #tpu.memory_space<vmem>>) offsets(%dma_start3A_215 : memref<64xi32, #tpu.memory_space<vmem>>) semaphore(%arg17 : memref<!tpu.dma_semaphore, #tpu.memory_space<semaphore_mem>>)
          } else {
          }
          %eq3A_208 = arith.constant 1 : i32
          %eq3A_209 = arith.cmpi eq, %arg0, %eq3A_208 : i32
          %convert_element_type3A_210 = arith.extui %eq3A_209 : i1 to i32
          %cond3A_211 = arith.constant 0 : i32
          %cond3A_212 = arith.cmpi ne, %convert_element_type3A_210, %cond3A_211 : i32
          scf.if %cond3A_212 {
            %dma_start3A_213 = arith.constant 0 : i32
            %dma_start3A_214 = tpu.memref_slice %arg8[%add3A_202, %dma_start3A_213] : memref<32x64xi32, #tpu.memory_space<vmem>> -> memref<1x64xi32, #tpu.memory_space<vmem>>
            %dma_start3A_215 = tpu.memref_squeeze %dma_start3A_214 : memref<1x64xi32, #tpu.memory_space<vmem>> -> memref<64xi32, #tpu.memory_space<vmem>>
            %dma_start3A_216 = arith.constant 0 : i32
            %dma_start3A_217 = arith.constant 0 : i32
            %dma_start3A_218 = tpu.memref_slice %arg3[%dma_start3A_216, %dma_start3A_217] : memref<10240x128xf32, #tpu.memory_space<hbm>> -> memref<10240x128xf32, #tpu.memory_space<hbm>>
            tpu.enqueue_indirect_dma source(%dma_start3A_218 : memref<10240x128xf32, #tpu.memory_space<hbm>>) target(%arg12 : memref<64x128xf32, #tpu.memory_space<vmem>>) offsets(%dma_start3A_215 : memref<64xi32, #tpu.memory_space<vmem>>) semaphore(%arg17 : memref<!tpu.dma_semaphore, #tpu.memory_space<semaphore_mem>>)
          } else {
          }
        } else {
        }
        %mul3A_173 = arith.constant 4 : i32
        %mul3A_174 = arith.muli %mul3A_173, %scan3A_110 : i32
        %add3A_175 = arith.constant 3 : i32
        %add3A_176 = arith.addi %mul3A_174, %add3A_175 : i32
        %dma_wait3A_177 = arith.constant 0 : i32
        %dma_wait3A_178 = tpu.memref_slice %arg8[%add3A_176, %dma_wait3A_177] : memref<32x64xi32, #tpu.memory_space<vmem>> -> memref<1x64xi32, #tpu.memory_space<vmem>>
        %dma_wait3A_179 = tpu.memref_squeeze %dma_wait3A_178 : memref<1x64xi32, #tpu.memory_space<vmem>> -> memref<64xi32, #tpu.memory_space<vmem>>
        %dma_wait3A_180 = arith.constant 0 : i32
        %dma_wait3A_181 = arith.constant 0 : i32
        %dma_wait3A_182 = tpu.memref_slice %arg2[%dma_wait3A_180, %dma_wait3A_181] : memref<10240x128xf32, #tpu.memory_space<hbm>> -> memref<10240x128xf32, #tpu.memory_space<hbm>>
        tpu.wait_indirect_dma semaphore(%arg18 : memref<!tpu.dma_semaphore, #tpu.memory_space<semaphore_mem>>) src(%dma_wait3A_182 : memref<10240x128xf32, #tpu.memory_space<hbm>>) dst(%arg13 : memref<64x128xf32, #tpu.memory_space<vmem>>)
        %dma_start3A_183 = arith.constant 0 : i32
        %dma_start3A_184 = tpu.memref_slice %arg9[%add3A_176, %dma_start3A_183] : memref<32x64xi32, #tpu.memory_space<vmem>> -> memref<1x64xi32, #tpu.memory_space<vmem>>
        %dma_start3A_185 = tpu.memref_squeeze %dma_start3A_184 : memref<1x64xi32, #tpu.memory_space<vmem>> -> memref<64xi32, #tpu.memory_space<vmem>>
        %dma_start3A_186 = arith.constant 0 : i32
        %dma_start3A_187 = arith.constant 0 : i32
        %dma_start3A_188 = tpu.memref_slice %arg14[%dma_start3A_186, %dma_start3A_187] : memref<10240x128xf32, #tpu.memory_space<vmem_shared>> -> memref<10240x128xf32, #tpu.memory_space<vmem_shared>>
        tpu.enqueue_indirect_dma source(%arg13 : memref<64x128xf32, #tpu.memory_space<vmem>>) target(%dma_start3A_188 : memref<10240x128xf32, #tpu.memory_space<vmem_shared>>) offsets(%dma_start3A_185 : memref<64xi32, #tpu.memory_space<vmem>>) semaphore(%arg22 : memref<!tpu.dma_semaphore, #tpu.memory_space<semaphore_mem>>) {add = true}
        %lt3A_189 = arith.constant 7 : i32
        %lt3A_190 = arith.cmpi slt, %scan3A_110, %lt3A_189 : i32
        %convert_element_type3A_191 = arith.extui %lt3A_190 : i1 to i32
        %cond3A_192 = arith.constant 0 : i32
        %cond3A_193 = arith.cmpi ne, %convert_element_type3A_191, %cond3A_192 : i32
        scf.if %cond3A_193 {
          %dma_wait3A_195 = arith.constant 0 : i32
          %dma_wait3A_196 = tpu.memref_slice %arg9[%add3A_176, %dma_wait3A_195] : memref<32x64xi32, #tpu.memory_space<vmem>> -> memref<1x64xi32, #tpu.memory_space<vmem>>
          %dma_wait3A_197 = tpu.memref_squeeze %dma_wait3A_196 : memref<1x64xi32, #tpu.memory_space<vmem>> -> memref<64xi32, #tpu.memory_space<vmem>>
          %dma_wait3A_198 = arith.constant 0 : i32
          %dma_wait3A_199 = arith.constant 0 : i32
          %dma_wait3A_200 = tpu.memref_slice %arg14[%dma_wait3A_198, %dma_wait3A_199] : memref<10240x128xf32, #tpu.memory_space<vmem_shared>> -> memref<10240x128xf32, #tpu.memory_space<vmem_shared>>
          tpu.wait_indirect_dma semaphore(%arg22 : memref<!tpu.dma_semaphore, #tpu.memory_space<semaphore_mem>>) src(%arg13 : memref<64x128xf32, #tpu.memory_space<vmem>>) dst(%dma_wait3A_200 : memref<10240x128xf32, #tpu.memory_space<vmem_shared>>)
          %add3A_201 = arith.constant 4 : i32
          %add3A_202 = arith.addi %add3A_176, %add3A_201 : i32
          %eq3A_203 = arith.constant 0 : i32
          %eq3A_204 = arith.cmpi eq, %arg0, %eq3A_203 : i32
          %convert_element_type3A_205 = arith.extui %eq3A_204 : i1 to i32
          %cond3A_206 = arith.constant 0 : i32
          %cond3A_207 = arith.cmpi ne, %convert_element_type3A_205, %cond3A_206 : i32
          scf.if %cond3A_207 {
            %dma_start3A_213 = arith.constant 0 : i32
            %dma_start3A_214 = tpu.memref_slice %arg8[%add3A_202, %dma_start3A_213] : memref<32x64xi32, #tpu.memory_space<vmem>> -> memref<1x64xi32, #tpu.memory_space<vmem>>
            %dma_start3A_215 = tpu.memref_squeeze %dma_start3A_214 : memref<1x64xi32, #tpu.memory_space<vmem>> -> memref<64xi32, #tpu.memory_space<vmem>>
            %dma_start3A_216 = arith.constant 0 : i32
            %dma_start3A_217 = arith.constant 0 : i32
            %dma_start3A_218 = tpu.memref_slice %arg2[%dma_start3A_216, %dma_start3A_217] : memref<10240x128xf32, #tpu.memory_space<hbm>> -> memref<10240x128xf32, #tpu.memory_space<hbm>>
            tpu.enqueue_indirect_dma source(%dma_start3A_218 : memref<10240x128xf32, #tpu.memory_space<hbm>>) target(%arg13 : memref<64x128xf32, #tpu.memory_space<vmem>>) offsets(%dma_start3A_215 : memref<64xi32, #tpu.memory_space<vmem>>) semaphore(%arg18 : memref<!tpu.dma_semaphore, #tpu.memory_space<semaphore_mem>>)
          } else {
          }
          %eq3A_208 = arith.constant 1 : i32
          %eq3A_209 = arith.cmpi eq, %arg0, %eq3A_208 : i32
          %convert_element_type3A_210 = arith.extui %eq3A_209 : i1 to i32
          %cond3A_211 = arith.constant 0 : i32
          %cond3A_212 = arith.cmpi ne, %convert_element_type3A_210, %cond3A_211 : i32
          scf.if %cond3A_212 {
            %dma_start3A_213 = arith.constant 0 : i32
            %dma_start3A_214 = tpu.memref_slice %arg8[%add3A_202, %dma_start3A_213] : memref<32x64xi32, #tpu.memory_space<vmem>> -> memref<1x64xi32, #tpu.memory_space<vmem>>
            %dma_start3A_215 = tpu.memref_squeeze %dma_start3A_214 : memref<1x64xi32, #tpu.memory_space<vmem>> -> memref<64xi32, #tpu.memory_space<vmem>>
            %dma_start3A_216 = arith.constant 0 : i32
            %dma_start3A_217 = arith.constant 0 : i32
            %dma_start3A_218 = tpu.memref_slice %arg3[%dma_start3A_216, %dma_start3A_217] : memref<10240x128xf32, #tpu.memory_space<hbm>> -> memref<10240x128xf32, #tpu.memory_space<hbm>>
            tpu.enqueue_indirect_dma source(%dma_start3A_218 : memref<10240x128xf32, #tpu.memory_space<hbm>>) target(%arg13 : memref<64x128xf32, #tpu.memory_space<vmem>>) offsets(%dma_start3A_215 : memref<64xi32, #tpu.memory_space<vmem>>) semaphore(%arg18 : memref<!tpu.dma_semaphore, #tpu.memory_space<semaphore_mem>>)
          } else {
          }
        } else {
        }
        %scan3A_194 = arith.constant 0 : i32
        scf.yield %scan3A_194 : i32
      }
      %scan3A_81 = arith.constant 8 : i32
      %dma_wait3A = arith.constant 28 : i32
      %dma_wait3A_82 = arith.constant 0 : i32
      %dma_wait3A_83 = tpu.memref_slice %arg9[%dma_wait3A, %dma_wait3A_82] : memref<32x64xi32, #tpu.memory_space<vmem>> -> memref<1x64xi32, #tpu.memory_space<vmem>>
      %dma_wait3A_84 = tpu.memref_squeeze %dma_wait3A_83 : memref<1x64xi32, #tpu.memory_space<vmem>> -> memref<64xi32, #tpu.memory_space<vmem>>
      %dma_wait3A_85 = arith.constant 0 : i32
      %dma_wait3A_86 = arith.constant 0 : i32
      %dma_wait3A_87 = tpu.memref_slice %arg14[%dma_wait3A_85, %dma_wait3A_86] : memref<10240x128xf32, #tpu.memory_space<vmem_shared>> -> memref<10240x128xf32, #tpu.memory_space<vmem_shared>>
      tpu.wait_indirect_dma semaphore(%arg19 : memref<!tpu.dma_semaphore, #tpu.memory_space<semaphore_mem>>) src(%arg10 : memref<64x128xf32, #tpu.memory_space<vmem>>) dst(%dma_wait3A_87 : memref<10240x128xf32, #tpu.memory_space<vmem_shared>>)
      %dma_wait3A_88 = arith.constant 29 : i32
      %dma_wait3A_89 = arith.constant 0 : i32
      %dma_wait3A_90 = tpu.memref_slice %arg9[%dma_wait3A_88, %dma_wait3A_89] : memref<32x64xi32, #tpu.memory_space<vmem>> -> memref<1x64xi32, #tpu.memory_space<vmem>>
      %dma_wait3A_91 = tpu.memref_squeeze %dma_wait3A_90 : memref<1x64xi32, #tpu.memory_space<vmem>> -> memref<64xi32, #tpu.memory_space<vmem>>
      %dma_wait3A_92 = arith.constant 0 : i32
      %dma_wait3A_93 = arith.constant 0 : i32
      %dma_wait3A_94 = tpu.memref_slice %arg14[%dma_wait3A_92, %dma_wait3A_93] : memref<10240x128xf32, #tpu.memory_space<vmem_shared>> -> memref<10240x128xf32, #tpu.memory_space<vmem_shared>>
      tpu.wait_indirect_dma semaphore(%arg20 : memref<!tpu.dma_semaphore, #tpu.memory_space<semaphore_mem>>) src(%arg11 : memref<64x128xf32, #tpu.memory_space<vmem>>) dst(%dma_wait3A_94 : memref<10240x128xf32, #tpu.memory_space<vmem_shared>>)
      %dma_wait3A_95 = arith.constant 30 : i32
      %dma_wait3A_96 = arith.constant 0 : i32
      %dma_wait3A_97 = tpu.memref_slice %arg9[%dma_wait3A_95, %dma_wait3A_96] : memref<32x64xi32, #tpu.memory_space<vmem>> -> memref<1x64xi32, #tpu.memory_space<vmem>>
      %dma_wait3A_98 = tpu.memref_squeeze %dma_wait3A_97 : memref<1x64xi32, #tpu.memory_space<vmem>> -> memref<64xi32, #tpu.memory_space<vmem>>
      %dma_wait3A_99 = arith.constant 0 : i32
      %dma_wait3A_100 = arith.constant 0 : i32
      %dma_wait3A_101 = tpu.memref_slice %arg14[%dma_wait3A_99, %dma_wait3A_100] : memref<10240x128xf32, #tpu.memory_space<vmem_shared>> -> memref<10240x128xf32, #tpu.memory_space<vmem_shared>>
      tpu.wait_indirect_dma semaphore(%arg21 : memref<!tpu.dma_semaphore, #tpu.memory_space<semaphore_mem>>) src(%arg12 : memref<64x128xf32, #tpu.memory_space<vmem>>) dst(%dma_wait3A_101 : memref<10240x128xf32, #tpu.memory_space<vmem_shared>>)
      %dma_wait3A_102 = arith.constant 31 : i32
      %dma_wait3A_103 = arith.constant 0 : i32
      %dma_wait3A_104 = tpu.memref_slice %arg9[%dma_wait3A_102, %dma_wait3A_103] : memref<32x64xi32, #tpu.memory_space<vmem>> -> memref<1x64xi32, #tpu.memory_space<vmem>>
      %dma_wait3A_105 = tpu.memref_squeeze %dma_wait3A_104 : memref<1x64xi32, #tpu.memory_space<vmem>> -> memref<64xi32, #tpu.memory_space<vmem>>
      %dma_wait3A_106 = arith.constant 0 : i32
      %dma_wait3A_107 = arith.constant 0 : i32
      %dma_wait3A_108 = tpu.memref_slice %arg14[%dma_wait3A_106, %dma_wait3A_107] : memref<10240x128xf32, #tpu.memory_space<vmem_shared>> -> memref<10240x128xf32, #tpu.memory_space<vmem_shared>>
      tpu.wait_indirect_dma semaphore(%arg22 : memref<!tpu.dma_semaphore, #tpu.memory_space<semaphore_mem>>) src(%arg13 : memref<64x128xf32, #tpu.memory_space<vmem>>) dst(%dma_wait3A_108 : memref<10240x128xf32, #tpu.memory_space<vmem_shared>>)
      %scan3A_109 = arith.constant 0 : i32
      scf.yield %scan3A_109 : i32
    }
    %scan3A_19 = arith.constant 5 : i32
    %barrier3A_20 = arith.constant 0 : index
    tpu.barrier barrier_id(%barrier3A_20)
    %scan3A_21 = arith.constant 0 : i32
    %scan3A_22 = arith.constant 0 : i32
    %scan3A_23 = arith.constant 10 : i32
    %scan3A_24 = arith.addi %scan3A_22, %scan3A_23 : i32
    %scan3A_25 = arith.constant 1 : i32
    %scan3A_26 = scf.for %scan3A_28 = %scan3A_22 to %scan3A_24 step %scan3A_25 iter_args(%scan3A_29 = %scan3A_21) -> (i32)  : i32 {
      %mul3A = arith.constant 640 : i32
      %mul3A_30 = arith.muli %arg1, %mul3A : i32
      %mul3A_31 = arith.constant 64 : i32
      %mul3A_32 = arith.muli %scan3A_28, %mul3A_31 : i32
      %add3A = arith.addi %mul3A_30, %mul3A_32 : i32
      "tpu.region"() ({
        %run_scoped3A = tpu.sem_alloc : memref<!tpu.dma_semaphore, #tpu.memory_space<semaphore_mem>>
        %dma_start3A = arith.constant 0 : i32
        %dma_start3A_41 = tpu.memref_slice %arg14[%add3A, %dma_start3A] : memref<10240x128xf32, #tpu.memory_space<vmem_shared>> -> memref<64x128xf32, #tpu.memory_space<vmem_shared>>
        %dma_start3A_42 = arith.constant 0 : i32
        %dma_start3A_43 = tpu.memref_slice %arg14[%add3A, %dma_start3A_42] : memref<10240x128xf32, #tpu.memory_space<vmem_shared>> -> memref<64x128xf32, #tpu.memory_space<vmem_shared>>
        tpu.enqueue_dma source(%dma_start3A_43 : memref<64x128xf32, #tpu.memory_space<vmem_shared>>) target(%arg10 : memref<64x128xf32, #tpu.memory_space<vmem>>) target_semaphore(%run_scoped3A : memref<!tpu.dma_semaphore, #tpu.memory_space<semaphore_mem>>)
        %dma_wait3A = arith.constant 0 : i32
        %dma_wait3A_44 = tpu.memref_slice %arg14[%add3A, %dma_wait3A] : memref<10240x128xf32, #tpu.memory_space<vmem_shared>> -> memref<64x128xf32, #tpu.memory_space<vmem_shared>>
        %dma_wait3A_45 = arith.constant 0 : i32
        %dma_wait3A_46 = tpu.memref_slice %arg14[%add3A, %dma_wait3A_45] : memref<10240x128xf32, #tpu.memory_space<vmem_shared>> -> memref<64x128xf32, #tpu.memory_space<vmem_shared>>
        tpu.wait_dma2 semaphore(%run_scoped3A : memref<!tpu.dma_semaphore, #tpu.memory_space<semaphore_mem>>) src(%dma_wait3A_46 : memref<64x128xf32, #tpu.memory_space<vmem_shared>>) dst(%arg10 : memref<64x128xf32, #tpu.memory_space<vmem>>)
        tpu.yield
      }) : () -> ()
      %eq3A = arith.constant 0 : i32
      %eq3A_33 = arith.cmpi eq, %arg0, %eq3A : i32
      %convert_element_type3A = arith.extui %eq3A_33 : i1 to i32
      %cond3A = arith.constant 0 : i32
      %cond3A_34 = arith.cmpi ne, %convert_element_type3A, %cond3A : i32
      scf.if %cond3A_34 {
        "tpu.region"() ({
          %run_scoped3A = tpu.sem_alloc : memref<!tpu.dma_semaphore, #tpu.memory_space<semaphore_mem>>
          %dma_start3A = arith.constant 0 : i32
          %dma_start3A_41 = tpu.memref_slice %arg6[%add3A, %dma_start3A] : memref<10240x128xf32, #tpu.memory_space<hbm>> -> memref<64x128xf32, #tpu.memory_space<hbm>>
          %dma_start3A_42 = arith.constant 0 : i32
          %dma_start3A_43 = tpu.memref_slice %arg6[%add3A, %dma_start3A_42] : memref<10240x128xf32, #tpu.memory_space<hbm>> -> memref<64x128xf32, #tpu.memory_space<hbm>>
          tpu.enqueue_dma source(%arg10 : memref<64x128xf32, #tpu.memory_space<vmem>>) target(%dma_start3A_43 : memref<64x128xf32, #tpu.memory_space<hbm>>) target_semaphore(%run_scoped3A : memref<!tpu.dma_semaphore, #tpu.memory_space<semaphore_mem>>)
          %dma_wait3A = arith.constant 0 : i32
          %dma_wait3A_44 = tpu.memref_slice %arg6[%add3A, %dma_wait3A] : memref<10240x128xf32, #tpu.memory_space<hbm>> -> memref<64x128xf32, #tpu.memory_space<hbm>>
          %dma_wait3A_45 = arith.constant 0 : i32
          %dma_wait3A_46 = tpu.memref_slice %arg6[%add3A, %dma_wait3A_45] : memref<10240x128xf32, #tpu.memory_space<hbm>> -> memref<64x128xf32, #tpu.memory_space<hbm>>
          tpu.wait_dma2 semaphore(%run_scoped3A : memref<!tpu.dma_semaphore, #tpu.memory_space<semaphore_mem>>) src(%arg10 : memref<64x128xf32, #tpu.memory_space<vmem>>) dst(%dma_wait3A_46 : memref<64x128xf32, #tpu.memory_space<hbm>>)
          tpu.yield
        }) : () -> ()
      } else {
      }
      %eq3A_35 = arith.constant 1 : i32
      %eq3A_36 = arith.cmpi eq, %arg0, %eq3A_35 : i32
      %convert_element_type3A_37 = arith.extui %eq3A_36 : i1 to i32
      %cond3A_38 = arith.constant 0 : i32
      %cond3A_39 = arith.cmpi ne, %convert_element_type3A_37, %cond3A_38 : i32
      scf.if %cond3A_39 {
        "tpu.region"() ({
          %run_scoped3A = tpu.sem_alloc : memref<!tpu.dma_semaphore, #tpu.memory_space<semaphore_mem>>
          %dma_start3A = arith.constant 0 : i32
          %dma_start3A_41 = tpu.memref_slice %arg7[%add3A, %dma_start3A] : memref<10240x128xf32, #tpu.memory_space<hbm>> -> memref<64x128xf32, #tpu.memory_space<hbm>>
          %dma_start3A_42 = arith.constant 0 : i32
          %dma_start3A_43 = tpu.memref_slice %arg7[%add3A, %dma_start3A_42] : memref<10240x128xf32, #tpu.memory_space<hbm>> -> memref<64x128xf32, #tpu.memory_space<hbm>>
          tpu.enqueue_dma source(%arg10 : memref<64x128xf32, #tpu.memory_space<vmem>>) target(%dma_start3A_43 : memref<64x128xf32, #tpu.memory_space<hbm>>) target_semaphore(%run_scoped3A : memref<!tpu.dma_semaphore, #tpu.memory_space<semaphore_mem>>)
          %dma_wait3A = arith.constant 0 : i32
          %dma_wait3A_44 = tpu.memref_slice %arg7[%add3A, %dma_wait3A] : memref<10240x128xf32, #tpu.memory_space<hbm>> -> memref<64x128xf32, #tpu.memory_space<hbm>>
          %dma_wait3A_45 = arith.constant 0 : i32
          %dma_wait3A_46 = tpu.memref_slice %arg7[%add3A, %dma_wait3A_45] : memref<10240x128xf32, #tpu.memory_space<hbm>> -> memref<64x128xf32, #tpu.memory_space<hbm>>
          tpu.wait_dma2 semaphore(%run_scoped3A : memref<!tpu.dma_semaphore, #tpu.memory_space<semaphore_mem>>) src(%arg10 : memref<64x128xf32, #tpu.memory_space<vmem>>) dst(%dma_wait3A_46 : memref<64x128xf32, #tpu.memory_space<hbm>>)
          tpu.yield
        }) : () -> ()
      } else {
      }
      %scan3A_40 = arith.constant 0 : i32
      scf.yield %scan3A_40 : i32
    }
    %scan3A_27 = arith.constant 10 : i32
    return
  }
}

#map = affine_map<(d0, d1) -> (0, 0)>
module attributes {stable_mosaic.version = 14 : i64} {
  func.func @_adj_kernel(%arg0: i32, %arg1: i32, %arg2: memref<10240x128xf32, #tpu.memory_space<hbm>>, %arg3: memref<10240x128xf32, #tpu.memory_space<hbm>>, %arg4: memref<2560x64xi32, #tpu.memory_space<hbm>>, %arg5: memref<2560x64xi32, #tpu.memory_space<hbm>>, %arg6: memref<10240x128xf32, #tpu.memory_space<hbm>>, %arg7: memref<10240x128xf32, #tpu.memory_space<hbm>>, %arg8: memref<32x64xi32, #tpu.memory_space<vmem>>, %arg9: memref<32x64xi32, #tpu.memory_space<vmem>>, %arg10: memref<64x128xf32, #tpu.memory_space<vmem>>, %arg11: memref<64x128xf32, #tpu.memory_space<vmem>>, %arg12: memref<64x128xf32, #tpu.memory_space<vmem>>, %arg13: memref<64x128xf32, #tpu.memory_space<vmem>>, %arg14: memref<10240x128xf32, #tpu.memory_space<vmem_shared>>, %arg15: memref<!tpu.dma_semaphore, #tpu.memory_space<semaphore_mem>>, %arg16: memref<!tpu.dma_semaphore, #tpu.memory_space<semaphore_mem>>, %arg17: memref<!tpu.dma_semaphore, #tpu.memory_space<semaphore_mem>>, %arg18: memref<!tpu.dma_semaphore, #tpu.memory_space<semaphore_mem>>, %arg19: memref<!tpu.dma_semaphore, #tpu.memory_space<semaphore_mem>>, %arg20: memref<!tpu.dma_semaphore, #tpu.memory_space<semaphore_mem>>, %arg21: memref<!tpu.dma_semaphore, #tpu.memory_space<semaphore_mem>>, %arg22: memref<!tpu.dma_semaphore, #tpu.memory_space<semaphore_mem>>) attributes {dimension_semantics = [#tpu.dimension_semantics<core_parallel>, #tpu.dimension_semantics<subcore_parallel>], iteration_bounds = array<i64: 2, 16>, scalar_prefetch = 0 : i64, scratch_operands = 15 : i64, tpu.core_type = #tpu.core_type<sc_vector_subcore>, window_params = [{transform_indices = #map}, {transform_indices = #map}, {transform_indices = #map}, {transform_indices = #map}, {transform_indices = #map}, {transform_indices = #map}]} {
    %scan3A = arith.constant 0 : i32
    %scan3A_0 = arith.constant 0 : i32
    %scan3A_1 = arith.constant 64 : i32
    %scan3A_2 = arith.addi %scan3A_0, %scan3A_1 : i32
    %scan3A_3 = arith.constant 1 : i32
    %scan3A_4 = scf.for %scan3A_28 = %scan3A_0 to %scan3A_2 step %scan3A_3 iter_args(%scan3A_29 = %scan3A) -> (i32)  : i32 {
      %scan3A_30 = arith.constant 0 : i32
      %scan3A_31 = arith.constant 0 : i32
      %scan3A_32 = arith.constant 8 : i32
      %scan3A_33 = arith.addi %scan3A_31, %scan3A_32 : i32
      %scan3A_34 = arith.constant 1 : i32
      %scan3A_35 = scf.for %scan3A_38 = %scan3A_31 to %scan3A_33 step %scan3A_34 iter_args(%scan3A_39 = %scan3A_30) -> (i32)  : i32 {
        %broadcast_in_dim3A = arith.constant 0.000000e+00 : f32
        %broadcast_in_dim3A_40 = vector.broadcast %broadcast_in_dim3A : f32 to vector<16xf32>
        %mul3A = arith.constant 16 : i32
        %mul3A_41 = arith.muli %scan3A_38, %mul3A : i32
        %swap3A = arith.index_cast %scan3A_28 : i32 to index
        %swap3A_42 = arith.index_cast %mul3A_41 : i32 to index
        %swap3A_43 = tpu.vector_load %arg10[%swap3A, %swap3A_42] {strides = array<i32>} : memref<64x128xf32, #tpu.memory_space<vmem>>, vector<1x16xf32>,
        %swap3A_44 = vector.shape_cast %swap3A_43 : vector<1x16xf32> to vector<16xf32>
        %swap3A_45 = vector.shape_cast %broadcast_in_dim3A_40 : vector<16xf32> to vector<1x16xf32>
        tpu.vector_store %arg10[%swap3A, %swap3A_42], %swap3A_45 {strides = array<i32>} : memref<64x128xf32, #tpu.memory_space<vmem>>, vector<1x16xf32>,
        %scan3A_46 = arith.constant 0 : i32
        scf.yield %scan3A_46 : i32
      }
      %scan3A_36 = arith.constant 8 : i32
      %scan3A_37 = arith.constant 0 : i32
      scf.yield %scan3A_37 : i32
    }
    %scan3A_5 = arith.constant 64 : i32
    %scan3A_6 = arith.constant 0 : i32
    %scan3A_7 = arith.constant 0 : i32
    %scan3A_8 = arith.constant 10 : i32
    %scan3A_9 = arith.addi %scan3A_7, %scan3A_8 : i32
    %scan3A_10 = arith.constant 1 : i32
    %scan3A_11 = scf.for %scan3A_28 = %scan3A_7 to %scan3A_9 step %scan3A_10 iter_args(%scan3A_29 = %scan3A_6) -> (i32)  : i32 {
      %mul3A = arith.constant 640 : i32
      %mul3A_30 = arith.muli %arg1, %mul3A : i32
      %mul3A_31 = arith.constant 64 : i32
      %mul3A_32 = arith.muli %scan3A_28, %mul3A_31 : i32
      %add3A = arith.addi %mul3A_30, %mul3A_32 : i32
      "tpu.region"() ({
        %run_scoped3A = tpu.sem_alloc : memref<!tpu.dma_semaphore, #tpu.memory_space<semaphore_mem>>
        %dma_start3A = arith.constant 0 : i32
        %dma_start3A_34 = tpu.memref_slice %arg14[%add3A, %dma_start3A] : memref<10240x128xf32, #tpu.memory_space<vmem_shared>> -> memref<64x128xf32, #tpu.memory_space<vmem_shared>>
        %dma_start3A_35 = arith.constant 0 : i32
        %dma_start3A_36 = tpu.memref_slice %arg14[%add3A, %dma_start3A_35] : memref<10240x128xf32, #tpu.memory_space<vmem_shared>> -> memref<64x128xf32, #tpu.memory_space<vmem_shared>>
        tpu.enqueue_dma source(%arg10 : memref<64x128xf32, #tpu.memory_space<vmem>>) target(%dma_start3A_36 : memref<64x128xf32, #tpu.memory_space<vmem_shared>>) target_semaphore(%run_scoped3A : memref<!tpu.dma_semaphore, #tpu.memory_space<semaphore_mem>>)
        %dma_wait3A = arith.constant 0 : i32
        %dma_wait3A_37 = tpu.memref_slice %arg14[%add3A, %dma_wait3A] : memref<10240x128xf32, #tpu.memory_space<vmem_shared>> -> memref<64x128xf32, #tpu.memory_space<vmem_shared>>
        %dma_wait3A_38 = arith.constant 0 : i32
        %dma_wait3A_39 = tpu.memref_slice %arg14[%add3A, %dma_wait3A_38] : memref<10240x128xf32, #tpu.memory_space<vmem_shared>> -> memref<64x128xf32, #tpu.memory_space<vmem_shared>>
        tpu.wait_dma2 semaphore(%run_scoped3A : memref<!tpu.dma_semaphore, #tpu.memory_space<semaphore_mem>>) src(%arg10 : memref<64x128xf32, #tpu.memory_space<vmem>>) dst(%dma_wait3A_39 : memref<64x128xf32, #tpu.memory_space<vmem_shared>>)
        tpu.yield
      }) : () -> ()
      %scan3A_33 = arith.constant 0 : i32
      scf.yield %scan3A_33 : i32
    }
    %scan3A_12 = arith.constant 10 : i32
    %barrier3A = arith.constant 0 : index
    tpu.barrier barrier_id(%barrier3A)
    %scan3A_13 = arith.constant 0 : i32
    %scan3A_14 = arith.constant 0 : i32
    %scan3A_15 = arith.constant 5 : i32
    %scan3A_16 = arith.addi %scan3A_14, %scan3A_15 : i32
    %scan3A_17 = arith.constant 1 : i32
    %scan3A_18 = scf.for %scan3A_28 = %scan3A_14 to %scan3A_16 step %scan3A_17 iter_args(%scan3A_29 = %scan3A_13) -> (i32)  : i32 {
      %mul3A = arith.constant 160 : i32
      %mul3A_30 = arith.muli %arg1, %mul3A : i32
      %mul3A_31 = arith.constant 32 : i32
      %mul3A_32 = arith.muli %scan3A_28, %mul3A_31 : i32
      %add3A = arith.addi %mul3A_30, %mul3A_32 : i32
      "tpu.region"() ({
        %run_scoped3A = tpu.sem_alloc : memref<!tpu.dma_semaphore, #tpu.memory_space<semaphore_mem>>
        %dma_start3A = arith.constant 0 : i32
        %dma_start3A_110 = tpu.memref_slice %arg4[%add3A, %dma_start3A] : memref<2560x64xi32, #tpu.memory_space<hbm>> -> memref<32x64xi32, #tpu.memory_space<hbm>>
        %dma_start3A_111 = arith.constant 0 : i32
        %dma_start3A_112 = tpu.memref_slice %arg4[%add3A, %dma_start3A_111] : memref<2560x64xi32, #tpu.memory_space<hbm>> -> memref<32x64xi32, #tpu.memory_space<hbm>>
        tpu.enqueue_dma source(%dma_start3A_112 : memref<32x64xi32, #tpu.memory_space<hbm>>) target(%arg8 : memref<32x64xi32, #tpu.memory_space<vmem>>) target_semaphore(%run_scoped3A : memref<!tpu.dma_semaphore, #tpu.memory_space<semaphore_mem>>)
        %dma_wait3A_113 = arith.constant 0 : i32
        %dma_wait3A_114 = tpu.memref_slice %arg4[%add3A, %dma_wait3A_113] : memref<2560x64xi32, #tpu.memory_space<hbm>> -> memref<32x64xi32, #tpu.memory_space<hbm>>
        %dma_wait3A_115 = arith.constant 0 : i32
        %dma_wait3A_116 = tpu.memref_slice %arg4[%add3A, %dma_wait3A_115] : memref<2560x64xi32, #tpu.memory_space<hbm>> -> memref<32x64xi32, #tpu.memory_space<hbm>>
        tpu.wait_dma2 semaphore(%run_scoped3A : memref<!tpu.dma_semaphore, #tpu.memory_space<semaphore_mem>>) src(%dma_wait3A_116 : memref<32x64xi32, #tpu.memory_space<hbm>>) dst(%arg8 : memref<32x64xi32, #tpu.memory_space<vmem>>)
        tpu.yield
      }) : () -> ()
      %mul3A_33 = arith.constant 160 : i32
      %mul3A_34 = arith.muli %arg1, %mul3A_33 : i32
      %mul3A_35 = arith.constant 32 : i32
      %mul3A_36 = arith.muli %scan3A_28, %mul3A_35 : i32
      %add3A_37 = arith.addi %mul3A_34, %mul3A_36 : i32
      "tpu.region"() ({
        %run_scoped3A = tpu.sem_alloc : memref<!tpu.dma_semaphore, #tpu.memory_space<semaphore_mem>>
        %dma_start3A = arith.constant 0 : i32
        %dma_start3A_110 = tpu.memref_slice %arg5[%add3A_37, %dma_start3A] : memref<2560x64xi32, #tpu.memory_space<hbm>> -> memref<32x64xi32, #tpu.memory_space<hbm>>
        %dma_start3A_111 = arith.constant 0 : i32
        %dma_start3A_112 = tpu.memref_slice %arg5[%add3A_37, %dma_start3A_111] : memref<2560x64xi32, #tpu.memory_space<hbm>> -> memref<32x64xi32, #tpu.memory_space<hbm>>
        tpu.enqueue_dma source(%dma_start3A_112 : memref<32x64xi32, #tpu.memory_space<hbm>>) target(%arg9 : memref<32x64xi32, #tpu.memory_space<vmem>>) target_semaphore(%run_scoped3A : memref<!tpu.dma_semaphore, #tpu.memory_space<semaphore_mem>>)
        %dma_wait3A_113 = arith.constant 0 : i32
        %dma_wait3A_114 = tpu.memref_slice %arg5[%add3A_37, %dma_wait3A_113] : memref<2560x64xi32, #tpu.memory_space<hbm>> -> memref<32x64xi32, #tpu.memory_space<hbm>>
        %dma_wait3A_115 = arith.constant 0 : i32
        %dma_wait3A_116 = tpu.memref_slice %arg5[%add3A_37, %dma_wait3A_115] : memref<2560x64xi32, #tpu.memory_space<hbm>> -> memref<32x64xi32, #tpu.memory_space<hbm>>
        tpu.wait_dma2 semaphore(%run_scoped3A : memref<!tpu.dma_semaphore, #tpu.memory_space<semaphore_mem>>) src(%dma_wait3A_116 : memref<32x64xi32, #tpu.memory_space<hbm>>) dst(%arg9 : memref<32x64xi32, #tpu.memory_space<vmem>>)
        tpu.yield
      }) : () -> ()
      %eq3A = arith.constant 0 : i32
      %eq3A_38 = arith.cmpi eq, %arg0, %eq3A : i32
      %convert_element_type3A = arith.extui %eq3A_38 : i1 to i32
      %cond3A = arith.constant 0 : i32
      %cond3A_39 = arith.cmpi ne, %convert_element_type3A, %cond3A : i32
      scf.if %cond3A_39 {
        %dma_start3A = arith.constant 0 : i32
        %dma_start3A_110 = arith.constant 0 : i32
        %dma_start3A_111 = tpu.memref_slice %arg8[%dma_start3A, %dma_start3A_110] : memref<32x64xi32, #tpu.memory_space<vmem>> -> memref<1x64xi32, #tpu.memory_space<vmem>>
        %dma_start3A_112 = tpu.memref_squeeze %dma_start3A_111 : memref<1x64xi32, #tpu.memory_space<vmem>> -> memref<64xi32, #tpu.memory_space<vmem>>
        %dma_start3A_113 = arith.constant 0 : i32
        %dma_start3A_114 = arith.constant 0 : i32
        %dma_start3A_115 = tpu.memref_slice %arg2[%dma_start3A_113, %dma_start3A_114] : memref<10240x128xf32, #tpu.memory_space<hbm>> -> memref<10240x128xf32, #tpu.memory_space<hbm>>
        tpu.enqueue_indirect_dma source(%dma_start3A_115 : memref<10240x128xf32, #tpu.memory_space<hbm>>) target(%arg10 : memref<64x128xf32, #tpu.memory_space<vmem>>) offsets(%dma_start3A_112 : memref<64xi32, #tpu.memory_space<vmem>>) semaphore(%arg15 : memref<!tpu.dma_semaphore, #tpu.memory_space<semaphore_mem>>)
      } else {
      }
      %eq3A_40 = arith.constant 1 : i32
      %eq3A_41 = arith.cmpi eq, %arg0, %eq3A_40 : i32
      %convert_element_type3A_42 = arith.extui %eq3A_41 : i1 to i32
      %cond3A_43 = arith.constant 0 : i32
      %cond3A_44 = arith.cmpi ne, %convert_element_type3A_42, %cond3A_43 : i32
      scf.if %cond3A_44 {
        %dma_start3A = arith.constant 0 : i32
        %dma_start3A_110 = arith.constant 0 : i32
        %dma_start3A_111 = tpu.memref_slice %arg8[%dma_start3A, %dma_start3A_110] : memref<32x64xi32, #tpu.memory_space<vmem>> -> memref<1x64xi32, #tpu.memory_space<vmem>>
        %dma_start3A_112 = tpu.memref_squeeze %dma_start3A_111 : memref<1x64xi32, #tpu.memory_space<vmem>> -> memref<64xi32, #tpu.memory_space<vmem>>
        %dma_start3A_113 = arith.constant 0 : i32
        %dma_start3A_114 = arith.constant 0 : i32
        %dma_start3A_115 = tpu.memref_slice %arg3[%dma_start3A_113, %dma_start3A_114] : memref<10240x128xf32, #tpu.memory_space<hbm>> -> memref<10240x128xf32, #tpu.memory_space<hbm>>
        tpu.enqueue_indirect_dma source(%dma_start3A_115 : memref<10240x128xf32, #tpu.memory_space<hbm>>) target(%arg10 : memref<64x128xf32, #tpu.memory_space<vmem>>) offsets(%dma_start3A_112 : memref<64xi32, #tpu.memory_space<vmem>>) semaphore(%arg15 : memref<!tpu.dma_semaphore, #tpu.memory_space<semaphore_mem>>)
      } else {
      }
      %eq3A_45 = arith.constant 0 : i32
      %eq3A_46 = arith.cmpi eq, %arg0, %eq3A_45 : i32
      %convert_element_type3A_47 = arith.extui %eq3A_46 : i1 to i32
      %cond3A_48 = arith.constant 0 : i32
      %cond3A_49 = arith.cmpi ne, %convert_element_type3A_47, %cond3A_48 : i32
      scf.if %cond3A_49 {
        %dma_start3A = arith.constant 1 : i32
        %dma_start3A_110 = arith.constant 0 : i32
        %dma_start3A_111 = tpu.memref_slice %arg8[%dma_start3A, %dma_start3A_110] : memref<32x64xi32, #tpu.memory_space<vmem>> -> memref<1x64xi32, #tpu.memory_space<vmem>>
        %dma_start3A_112 = tpu.memref_squeeze %dma_start3A_111 : memref<1x64xi32, #tpu.memory_space<vmem>> -> memref<64xi32, #tpu.memory_space<vmem>>
        %dma_start3A_113 = arith.constant 0 : i32
        %dma_start3A_114 = arith.constant 0 : i32
        %dma_start3A_115 = tpu.memref_slice %arg2[%dma_start3A_113, %dma_start3A_114] : memref<10240x128xf32, #tpu.memory_space<hbm>> -> memref<10240x128xf32, #tpu.memory_space<hbm>>
        tpu.enqueue_indirect_dma source(%dma_start3A_115 : memref<10240x128xf32, #tpu.memory_space<hbm>>) target(%arg11 : memref<64x128xf32, #tpu.memory_space<vmem>>) offsets(%dma_start3A_112 : memref<64xi32, #tpu.memory_space<vmem>>) semaphore(%arg16 : memref<!tpu.dma_semaphore, #tpu.memory_space<semaphore_mem>>)
      } else {
      }
      %eq3A_50 = arith.constant 1 : i32
      %eq3A_51 = arith.cmpi eq, %arg0, %eq3A_50 : i32
      %convert_element_type3A_52 = arith.extui %eq3A_51 : i1 to i32
      %cond3A_53 = arith.constant 0 : i32
      %cond3A_54 = arith.cmpi ne, %convert_element_type3A_52, %cond3A_53 : i32
      scf.if %cond3A_54 {
        %dma_start3A = arith.constant 1 : i32
        %dma_start3A_110 = arith.constant 0 : i32
        %dma_start3A_111 = tpu.memref_slice %arg8[%dma_start3A, %dma_start3A_110] : memref<32x64xi32, #tpu.memory_space<vmem>> -> memref<1x64xi32, #tpu.memory_space<vmem>>
        %dma_start3A_112 = tpu.memref_squeeze %dma_start3A_111 : memref<1x64xi32, #tpu.memory_space<vmem>> -> memref<64xi32, #tpu.memory_space<vmem>>
        %dma_start3A_113 = arith.constant 0 : i32
        %dma_start3A_114 = arith.constant 0 : i32
        %dma_start3A_115 = tpu.memref_slice %arg3[%dma_start3A_113, %dma_start3A_114] : memref<10240x128xf32, #tpu.memory_space<hbm>> -> memref<10240x128xf32, #tpu.memory_space<hbm>>
        tpu.enqueue_indirect_dma source(%dma_start3A_115 : memref<10240x128xf32, #tpu.memory_space<hbm>>) target(%arg11 : memref<64x128xf32, #tpu.memory_space<vmem>>) offsets(%dma_start3A_112 : memref<64xi32, #tpu.memory_space<vmem>>) semaphore(%arg16 : memref<!tpu.dma_semaphore, #tpu.memory_space<semaphore_mem>>)
      } else {
      }
      %eq3A_55 = arith.constant 0 : i32
      %eq3A_56 = arith.cmpi eq, %arg0, %eq3A_55 : i32
      %convert_element_type3A_57 = arith.extui %eq3A_56 : i1 to i32
      %cond3A_58 = arith.constant 0 : i32
      %cond3A_59 = arith.cmpi ne, %convert_element_type3A_57, %cond3A_58 : i32
      scf.if %cond3A_59 {
        %dma_start3A = arith.constant 2 : i32
        %dma_start3A_110 = arith.constant 0 : i32
        %dma_start3A_111 = tpu.memref_slice %arg8[%dma_start3A, %dma_start3A_110] : memref<32x64xi32, #tpu.memory_space<vmem>> -> memref<1x64xi32, #tpu.memory_space<vmem>>
        %dma_start3A_112 = tpu.memref_squeeze %dma_start3A_111 : memref<1x64xi32, #tpu.memory_space<vmem>> -> memref<64xi32, #tpu.memory_space<vmem>>
        %dma_start3A_113 = arith.constant 0 : i32
        %dma_start3A_114 = arith.constant 0 : i32
        %dma_start3A_115 = tpu.memref_slice %arg2[%dma_start3A_113, %dma_start3A_114] : memref<10240x128xf32, #tpu.memory_space<hbm>> -> memref<10240x128xf32, #tpu.memory_space<hbm>>
        tpu.enqueue_indirect_dma source(%dma_start3A_115 : memref<10240x128xf32, #tpu.memory_space<hbm>>) target(%arg12 : memref<64x128xf32, #tpu.memory_space<vmem>>) offsets(%dma_start3A_112 : memref<64xi32, #tpu.memory_space<vmem>>) semaphore(%arg17 : memref<!tpu.dma_semaphore, #tpu.memory_space<semaphore_mem>>)
      } else {
      }
      %eq3A_60 = arith.constant 1 : i32
      %eq3A_61 = arith.cmpi eq, %arg0, %eq3A_60 : i32
      %convert_element_type3A_62 = arith.extui %eq3A_61 : i1 to i32
      %cond3A_63 = arith.constant 0 : i32
      %cond3A_64 = arith.cmpi ne, %convert_element_type3A_62, %cond3A_63 : i32
      scf.if %cond3A_64 {
        %dma_start3A = arith.constant 2 : i32
        %dma_start3A_110 = arith.constant 0 : i32
        %dma_start3A_111 = tpu.memref_slice %arg8[%dma_start3A, %dma_start3A_110] : memref<32x64xi32, #tpu.memory_space<vmem>> -> memref<1x64xi32, #tpu.memory_space<vmem>>
        %dma_start3A_112 = tpu.memref_squeeze %dma_start3A_111 : memref<1x64xi32, #tpu.memory_space<vmem>> -> memref<64xi32, #tpu.memory_space<vmem>>
        %dma_start3A_113 = arith.constant 0 : i32
        %dma_start3A_114 = arith.constant 0 : i32
        %dma_start3A_115 = tpu.memref_slice %arg3[%dma_start3A_113, %dma_start3A_114] : memref<10240x128xf32, #tpu.memory_space<hbm>> -> memref<10240x128xf32, #tpu.memory_space<hbm>>
        tpu.enqueue_indirect_dma source(%dma_start3A_115 : memref<10240x128xf32, #tpu.memory_space<hbm>>) target(%arg12 : memref<64x128xf32, #tpu.memory_space<vmem>>) offsets(%dma_start3A_112 : memref<64xi32, #tpu.memory_space<vmem>>) semaphore(%arg17 : memref<!tpu.dma_semaphore, #tpu.memory_space<semaphore_mem>>)
      } else {
      }
      %eq3A_65 = arith.constant 0 : i32
      %eq3A_66 = arith.cmpi eq, %arg0, %eq3A_65 : i32
      %convert_element_type3A_67 = arith.extui %eq3A_66 : i1 to i32
      %cond3A_68 = arith.constant 0 : i32
      %cond3A_69 = arith.cmpi ne, %convert_element_type3A_67, %cond3A_68 : i32
      scf.if %cond3A_69 {
        %dma_start3A = arith.constant 3 : i32
        %dma_start3A_110 = arith.constant 0 : i32
        %dma_start3A_111 = tpu.memref_slice %arg8[%dma_start3A, %dma_start3A_110] : memref<32x64xi32, #tpu.memory_space<vmem>> -> memref<1x64xi32, #tpu.memory_space<vmem>>
        %dma_start3A_112 = tpu.memref_squeeze %dma_start3A_111 : memref<1x64xi32, #tpu.memory_space<vmem>> -> memref<64xi32, #tpu.memory_space<vmem>>
        %dma_start3A_113 = arith.constant 0 : i32
        %dma_start3A_114 = arith.constant 0 : i32
        %dma_start3A_115 = tpu.memref_slice %arg2[%dma_start3A_113, %dma_start3A_114] : memref<10240x128xf32, #tpu.memory_space<hbm>> -> memref<10240x128xf32, #tpu.memory_space<hbm>>
        tpu.enqueue_indirect_dma source(%dma_start3A_115 : memref<10240x128xf32, #tpu.memory_space<hbm>>) target(%arg13 : memref<64x128xf32, #tpu.memory_space<vmem>>) offsets(%dma_start3A_112 : memref<64xi32, #tpu.memory_space<vmem>>) semaphore(%arg18 : memref<!tpu.dma_semaphore, #tpu.memory_space<semaphore_mem>>)
      } else {
      }
      %eq3A_70 = arith.constant 1 : i32
      %eq3A_71 = arith.cmpi eq, %arg0, %eq3A_70 : i32
      %convert_element_type3A_72 = arith.extui %eq3A_71 : i1 to i32
      %cond3A_73 = arith.constant 0 : i32
      %cond3A_74 = arith.cmpi ne, %convert_element_type3A_72, %cond3A_73 : i32
      scf.if %cond3A_74 {
        %dma_start3A = arith.constant 3 : i32
        %dma_start3A_110 = arith.constant 0 : i32
        %dma_start3A_111 = tpu.memref_slice %arg8[%dma_start3A, %dma_start3A_110] : memref<32x64xi32, #tpu.memory_space<vmem>> -> memref<1x64xi32, #tpu.memory_space<vmem>>
        %dma_start3A_112 = tpu.memref_squeeze %dma_start3A_111 : memref<1x64xi32, #tpu.memory_space<vmem>> -> memref<64xi32, #tpu.memory_space<vmem>>
        %dma_start3A_113 = arith.constant 0 : i32
        %dma_start3A_114 = arith.constant 0 : i32
        %dma_start3A_115 = tpu.memref_slice %arg3[%dma_start3A_113, %dma_start3A_114] : memref<10240x128xf32, #tpu.memory_space<hbm>> -> memref<10240x128xf32, #tpu.memory_space<hbm>>
        tpu.enqueue_indirect_dma source(%dma_start3A_115 : memref<10240x128xf32, #tpu.memory_space<hbm>>) target(%arg13 : memref<64x128xf32, #tpu.memory_space<vmem>>) offsets(%dma_start3A_112 : memref<64xi32, #tpu.memory_space<vmem>>) semaphore(%arg18 : memref<!tpu.dma_semaphore, #tpu.memory_space<semaphore_mem>>)
      } else {
      }
      %scan3A_75 = arith.constant 0 : i32
      %scan3A_76 = arith.constant 0 : i32
      %scan3A_77 = arith.constant 8 : i32
      %scan3A_78 = arith.addi %scan3A_76, %scan3A_77 : i32
      %scan3A_79 = arith.constant 1 : i32
      %scan3A_80 = scf.for %scan3A_110 = %scan3A_76 to %scan3A_78 step %scan3A_79 iter_args(%scan3A_111 = %scan3A_75) -> (i32)  : i32 {
        %mul3A_112 = arith.constant 4 : i32
        %mul3A_113 = arith.muli %mul3A_112, %scan3A_110 : i32
        %add3A_114 = arith.constant 0 : i32
        %add3A_115 = arith.addi %mul3A_113, %add3A_114 : i32
        %dma_wait3A_116 = arith.constant 0 : i32
        %dma_wait3A_117 = tpu.memref_slice %arg8[%add3A_115, %dma_wait3A_116] : memref<32x64xi32, #tpu.memory_space<vmem>> -> memref<1x64xi32, #tpu.memory_space<vmem>>
        %dma_wait3A_118 = tpu.memref_squeeze %dma_wait3A_117 : memref<1x64xi32, #tpu.memory_space<vmem>> -> memref<64xi32, #tpu.memory_space<vmem>>
        %dma_wait3A_119 = arith.constant 0 : i32
        %dma_wait3A_120 = arith.constant 0 : i32
        %dma_wait3A_121 = tpu.memref_slice %arg2[%dma_wait3A_119, %dma_wait3A_120] : memref<10240x128xf32, #tpu.memory_space<hbm>> -> memref<10240x128xf32, #tpu.memory_space<hbm>>
        tpu.wait_indirect_dma semaphore(%arg15 : memref<!tpu.dma_semaphore, #tpu.memory_space<semaphore_mem>>) src(%dma_wait3A_121 : memref<10240x128xf32, #tpu.memory_space<hbm>>) dst(%arg10 : memref<64x128xf32, #tpu.memory_space<vmem>>)
        %dma_start3A = arith.constant 0 : i32
        %dma_start3A_122 = tpu.memref_slice %arg9[%add3A_115, %dma_start3A] : memref<32x64xi32, #tpu.memory_space<vmem>> -> memref<1x64xi32, #tpu.memory_space<vmem>>
        %dma_start3A_123 = tpu.memref_squeeze %dma_start3A_122 : memref<1x64xi32, #tpu.memory_space<vmem>> -> memref<64xi32, #tpu.memory_space<vmem>>
        %dma_start3A_124 = arith.constant 0 : i32
        %dma_start3A_125 = arith.constant 0 : i32
        %dma_start3A_126 = tpu.memref_slice %arg14[%dma_start3A_124, %dma_start3A_125] : memref<10240x128xf32, #tpu.memory_space<vmem_shared>> -> memref<10240x128xf32, #tpu.memory_space<vmem_shared>>
        tpu.enqueue_indirect_dma source(%arg10 : memref<64x128xf32, #tpu.memory_space<vmem>>) target(%dma_start3A_126 : memref<10240x128xf32, #tpu.memory_space<vmem_shared>>) offsets(%dma_start3A_123 : memref<64xi32, #tpu.memory_space<vmem>>) semaphore(%arg19 : memref<!tpu.dma_semaphore, #tpu.memory_space<semaphore_mem>>) {add = true}
        %lt3A = arith.constant 7 : i32
        %lt3A_127 = arith.cmpi slt, %scan3A_110, %lt3A : i32
        %convert_element_type3A_128 = arith.extui %lt3A_127 : i1 to i32
        %cond3A_129 = arith.constant 0 : i32
        %cond3A_130 = arith.cmpi ne, %convert_element_type3A_128, %cond3A_129 : i32
        scf.if %cond3A_130 {
          %dma_wait3A_195 = arith.constant 0 : i32
          %dma_wait3A_196 = tpu.memref_slice %arg9[%add3A_115, %dma_wait3A_195] : memref<32x64xi32, #tpu.memory_space<vmem>> -> memref<1x64xi32, #tpu.memory_space<vmem>>
          %dma_wait3A_197 = tpu.memref_squeeze %dma_wait3A_196 : memref<1x64xi32, #tpu.memory_space<vmem>> -> memref<64xi32, #tpu.memory_space<vmem>>
          %dma_wait3A_198 = arith.constant 0 : i32
          %dma_wait3A_199 = arith.constant 0 : i32
          %dma_wait3A_200 = tpu.memref_slice %arg14[%dma_wait3A_198, %dma_wait3A_199] : memref<10240x128xf32, #tpu.memory_space<vmem_shared>> -> memref<10240x128xf32, #tpu.memory_space<vmem_shared>>
          tpu.wait_indirect_dma semaphore(%arg19 : memref<!tpu.dma_semaphore, #tpu.memory_space<semaphore_mem>>) src(%arg10 : memref<64x128xf32, #tpu.memory_space<vmem>>) dst(%dma_wait3A_200 : memref<10240x128xf32, #tpu.memory_space<vmem_shared>>)
          %add3A_201 = arith.constant 4 : i32
          %add3A_202 = arith.addi %add3A_115, %add3A_201 : i32
          %eq3A_203 = arith.constant 0 : i32
          %eq3A_204 = arith.cmpi eq, %arg0, %eq3A_203 : i32
          %convert_element_type3A_205 = arith.extui %eq3A_204 : i1 to i32
          %cond3A_206 = arith.constant 0 : i32
          %cond3A_207 = arith.cmpi ne, %convert_element_type3A_205, %cond3A_206 : i32
          scf.if %cond3A_207 {
            %dma_start3A_213 = arith.constant 0 : i32
            %dma_start3A_214 = tpu.memref_slice %arg8[%add3A_202, %dma_start3A_213] : memref<32x64xi32, #tpu.memory_space<vmem>> -> memref<1x64xi32, #tpu.memory_space<vmem>>
            %dma_start3A_215 = tpu.memref_squeeze %dma_start3A_214 : memref<1x64xi32, #tpu.memory_space<vmem>> -> memref<64xi32, #tpu.memory_space<vmem>>
            %dma_start3A_216 = arith.constant 0 : i32
            %dma_start3A_217 = arith.constant 0 : i32
            %dma_start3A_218 = tpu.memref_slice %arg2[%dma_start3A_216, %dma_start3A_217] : memref<10240x128xf32, #tpu.memory_space<hbm>> -> memref<10240x128xf32, #tpu.memory_space<hbm>>
            tpu.enqueue_indirect_dma source(%dma_start3A_218 : memref<10240x128xf32, #tpu.memory_space<hbm>>) target(%arg10 : memref<64x128xf32, #tpu.memory_space<vmem>>) offsets(%dma_start3A_215 : memref<64xi32, #tpu.memory_space<vmem>>) semaphore(%arg15 : memref<!tpu.dma_semaphore, #tpu.memory_space<semaphore_mem>>)
          } else {
          }
          %eq3A_208 = arith.constant 1 : i32
          %eq3A_209 = arith.cmpi eq, %arg0, %eq3A_208 : i32
          %convert_element_type3A_210 = arith.extui %eq3A_209 : i1 to i32
          %cond3A_211 = arith.constant 0 : i32
          %cond3A_212 = arith.cmpi ne, %convert_element_type3A_210, %cond3A_211 : i32
          scf.if %cond3A_212 {
            %dma_start3A_213 = arith.constant 0 : i32
            %dma_start3A_214 = tpu.memref_slice %arg8[%add3A_202, %dma_start3A_213] : memref<32x64xi32, #tpu.memory_space<vmem>> -> memref<1x64xi32, #tpu.memory_space<vmem>>
            %dma_start3A_215 = tpu.memref_squeeze %dma_start3A_214 : memref<1x64xi32, #tpu.memory_space<vmem>> -> memref<64xi32, #tpu.memory_space<vmem>>
            %dma_start3A_216 = arith.constant 0 : i32
            %dma_start3A_217 = arith.constant 0 : i32
            %dma_start3A_218 = tpu.memref_slice %arg3[%dma_start3A_216, %dma_start3A_217] : memref<10240x128xf32, #tpu.memory_space<hbm>> -> memref<10240x128xf32, #tpu.memory_space<hbm>>
            tpu.enqueue_indirect_dma source(%dma_start3A_218 : memref<10240x128xf32, #tpu.memory_space<hbm>>) target(%arg10 : memref<64x128xf32, #tpu.memory_space<vmem>>) offsets(%dma_start3A_215 : memref<64xi32, #tpu.memory_space<vmem>>) semaphore(%arg15 : memref<!tpu.dma_semaphore, #tpu.memory_space<semaphore_mem>>)
          } else {
          }
        } else {
        }
        %mul3A_131 = arith.constant 4 : i32
        %mul3A_132 = arith.muli %mul3A_131, %scan3A_110 : i32
        %add3A_133 = arith.constant 1 : i32
        %add3A_134 = arith.addi %mul3A_132, %add3A_133 : i32
        %dma_wait3A_135 = arith.constant 0 : i32
        %dma_wait3A_136 = tpu.memref_slice %arg8[%add3A_134, %dma_wait3A_135] : memref<32x64xi32, #tpu.memory_space<vmem>> -> memref<1x64xi32, #tpu.memory_space<vmem>>
        %dma_wait3A_137 = tpu.memref_squeeze %dma_wait3A_136 : memref<1x64xi32, #tpu.memory_space<vmem>> -> memref<64xi32, #tpu.memory_space<vmem>>
        %dma_wait3A_138 = arith.constant 0 : i32
        %dma_wait3A_139 = arith.constant 0 : i32
        %dma_wait3A_140 = tpu.memref_slice %arg2[%dma_wait3A_138, %dma_wait3A_139] : memref<10240x128xf32, #tpu.memory_space<hbm>> -> memref<10240x128xf32, #tpu.memory_space<hbm>>
        tpu.wait_indirect_dma semaphore(%arg16 : memref<!tpu.dma_semaphore, #tpu.memory_space<semaphore_mem>>) src(%dma_wait3A_140 : memref<10240x128xf32, #tpu.memory_space<hbm>>) dst(%arg11 : memref<64x128xf32, #tpu.memory_space<vmem>>)
        %dma_start3A_141 = arith.constant 0 : i32
        %dma_start3A_142 = tpu.memref_slice %arg9[%add3A_134, %dma_start3A_141] : memref<32x64xi32, #tpu.memory_space<vmem>> -> memref<1x64xi32, #tpu.memory_space<vmem>>
        %dma_start3A_143 = tpu.memref_squeeze %dma_start3A_142 : memref<1x64xi32, #tpu.memory_space<vmem>> -> memref<64xi32, #tpu.memory_space<vmem>>
        %dma_start3A_144 = arith.constant 0 : i32
        %dma_start3A_145 = arith.constant 0 : i32
        %dma_start3A_146 = tpu.memref_slice %arg14[%dma_start3A_144, %dma_start3A_145] : memref<10240x128xf32, #tpu.memory_space<vmem_shared>> -> memref<10240x128xf32, #tpu.memory_space<vmem_shared>>
        tpu.enqueue_indirect_dma source(%arg11 : memref<64x128xf32, #tpu.memory_space<vmem>>) target(%dma_start3A_146 : memref<10240x128xf32, #tpu.memory_space<vmem_shared>>) offsets(%dma_start3A_143 : memref<64xi32, #tpu.memory_space<vmem>>) semaphore(%arg20 : memref<!tpu.dma_semaphore, #tpu.memory_space<semaphore_mem>>) {add = true}
        %lt3A_147 = arith.constant 7 : i32
        %lt3A_148 = arith.cmpi slt, %scan3A_110, %lt3A_147 : i32
        %convert_element_type3A_149 = arith.extui %lt3A_148 : i1 to i32
        %cond3A_150 = arith.constant 0 : i32
        %cond3A_151 = arith.cmpi ne, %convert_element_type3A_149, %cond3A_150 : i32
        scf.if %cond3A_151 {
          %dma_wait3A_195 = arith.constant 0 : i32
          %dma_wait3A_196 = tpu.memref_slice %arg9[%add3A_134, %dma_wait3A_195] : memref<32x64xi32, #tpu.memory_space<vmem>> -> memref<1x64xi32, #tpu.memory_space<vmem>>
          %dma_wait3A_197 = tpu.memref_squeeze %dma_wait3A_196 : memref<1x64xi32, #tpu.memory_space<vmem>> -> memref<64xi32, #tpu.memory_space<vmem>>
          %dma_wait3A_198 = arith.constant 0 : i32
          %dma_wait3A_199 = arith.constant 0 : i32
          %dma_wait3A_200 = tpu.memref_slice %arg14[%dma_wait3A_198, %dma_wait3A_199] : memref<10240x128xf32, #tpu.memory_space<vmem_shared>> -> memref<10240x128xf32, #tpu.memory_space<vmem_shared>>
          tpu.wait_indirect_dma semaphore(%arg20 : memref<!tpu.dma_semaphore, #tpu.memory_space<semaphore_mem>>) src(%arg11 : memref<64x128xf32, #tpu.memory_space<vmem>>) dst(%dma_wait3A_200 : memref<10240x128xf32, #tpu.memory_space<vmem_shared>>)
          %add3A_201 = arith.constant 4 : i32
          %add3A_202 = arith.addi %add3A_134, %add3A_201 : i32
          %eq3A_203 = arith.constant 0 : i32
          %eq3A_204 = arith.cmpi eq, %arg0, %eq3A_203 : i32
          %convert_element_type3A_205 = arith.extui %eq3A_204 : i1 to i32
          %cond3A_206 = arith.constant 0 : i32
          %cond3A_207 = arith.cmpi ne, %convert_element_type3A_205, %cond3A_206 : i32
          scf.if %cond3A_207 {
            %dma_start3A_213 = arith.constant 0 : i32
            %dma_start3A_214 = tpu.memref_slice %arg8[%add3A_202, %dma_start3A_213] : memref<32x64xi32, #tpu.memory_space<vmem>> -> memref<1x64xi32, #tpu.memory_space<vmem>>
            %dma_start3A_215 = tpu.memref_squeeze %dma_start3A_214 : memref<1x64xi32, #tpu.memory_space<vmem>> -> memref<64xi32, #tpu.memory_space<vmem>>
            %dma_start3A_216 = arith.constant 0 : i32
            %dma_start3A_217 = arith.constant 0 : i32
            %dma_start3A_218 = tpu.memref_slice %arg2[%dma_start3A_216, %dma_start3A_217] : memref<10240x128xf32, #tpu.memory_space<hbm>> -> memref<10240x128xf32, #tpu.memory_space<hbm>>
            tpu.enqueue_indirect_dma source(%dma_start3A_218 : memref<10240x128xf32, #tpu.memory_space<hbm>>) target(%arg11 : memref<64x128xf32, #tpu.memory_space<vmem>>) offsets(%dma_start3A_215 : memref<64xi32, #tpu.memory_space<vmem>>) semaphore(%arg16 : memref<!tpu.dma_semaphore, #tpu.memory_space<semaphore_mem>>)
          } else {
          }
          %eq3A_208 = arith.constant 1 : i32
          %eq3A_209 = arith.cmpi eq, %arg0, %eq3A_208 : i32
          %convert_element_type3A_210 = arith.extui %eq3A_209 : i1 to i32
          %cond3A_211 = arith.constant 0 : i32
          %cond3A_212 = arith.cmpi ne, %convert_element_type3A_210, %cond3A_211 : i32
          scf.if %cond3A_212 {
            %dma_start3A_213 = arith.constant 0 : i32
            %dma_start3A_214 = tpu.memref_slice %arg8[%add3A_202, %dma_start3A_213] : memref<32x64xi32, #tpu.memory_space<vmem>> -> memref<1x64xi32, #tpu.memory_space<vmem>>
            %dma_start3A_215 = tpu.memref_squeeze %dma_start3A_214 : memref<1x64xi32, #tpu.memory_space<vmem>> -> memref<64xi32, #tpu.memory_space<vmem>>
            %dma_start3A_216 = arith.constant 0 : i32
            %dma_start3A_217 = arith.constant 0 : i32
            %dma_start3A_218 = tpu.memref_slice %arg3[%dma_start3A_216, %dma_start3A_217] : memref<10240x128xf32, #tpu.memory_space<hbm>> -> memref<10240x128xf32, #tpu.memory_space<hbm>>
            tpu.enqueue_indirect_dma source(%dma_start3A_218 : memref<10240x128xf32, #tpu.memory_space<hbm>>) target(%arg11 : memref<64x128xf32, #tpu.memory_space<vmem>>) offsets(%dma_start3A_215 : memref<64xi32, #tpu.memory_space<vmem>>) semaphore(%arg16 : memref<!tpu.dma_semaphore, #tpu.memory_space<semaphore_mem>>)
          } else {
          }
        } else {
        }
        %mul3A_152 = arith.constant 4 : i32
        %mul3A_153 = arith.muli %mul3A_152, %scan3A_110 : i32
        %add3A_154 = arith.constant 2 : i32
        %add3A_155 = arith.addi %mul3A_153, %add3A_154 : i32
        %dma_wait3A_156 = arith.constant 0 : i32
        %dma_wait3A_157 = tpu.memref_slice %arg8[%add3A_155, %dma_wait3A_156] : memref<32x64xi32, #tpu.memory_space<vmem>> -> memref<1x64xi32, #tpu.memory_space<vmem>>
        %dma_wait3A_158 = tpu.memref_squeeze %dma_wait3A_157 : memref<1x64xi32, #tpu.memory_space<vmem>> -> memref<64xi32, #tpu.memory_space<vmem>>
        %dma_wait3A_159 = arith.constant 0 : i32
        %dma_wait3A_160 = arith.constant 0 : i32
        %dma_wait3A_161 = tpu.memref_slice %arg2[%dma_wait3A_159, %dma_wait3A_160] : memref<10240x128xf32, #tpu.memory_space<hbm>> -> memref<10240x128xf32, #tpu.memory_space<hbm>>
        tpu.wait_indirect_dma semaphore(%arg17 : memref<!tpu.dma_semaphore, #tpu.memory_space<semaphore_mem>>) src(%dma_wait3A_161 : memref<10240x128xf32, #tpu.memory_space<hbm>>) dst(%arg12 : memref<64x128xf32, #tpu.memory_space<vmem>>)
        %dma_start3A_162 = arith.constant 0 : i32
        %dma_start3A_163 = tpu.memref_slice %arg9[%add3A_155, %dma_start3A_162] : memref<32x64xi32, #tpu.memory_space<vmem>> -> memref<1x64xi32, #tpu.memory_space<vmem>>
        %dma_start3A_164 = tpu.memref_squeeze %dma_start3A_163 : memref<1x64xi32, #tpu.memory_space<vmem>> -> memref<64xi32, #tpu.memory_space<vmem>>
        %dma_start3A_165 = arith.constant 0 : i32
        %dma_start3A_166 = arith.constant 0 : i32
        %dma_start3A_167 = tpu.memref_slice %arg14[%dma_start3A_165, %dma_start3A_166] : memref<10240x128xf32, #tpu.memory_space<vmem_shared>> -> memref<10240x128xf32, #tpu.memory_space<vmem_shared>>
        tpu.enqueue_indirect_dma source(%arg12 : memref<64x128xf32, #tpu.memory_space<vmem>>) target(%dma_start3A_167 : memref<10240x128xf32, #tpu.memory_space<vmem_shared>>) offsets(%dma_start3A_164 : memref<64xi32, #tpu.memory_space<vmem>>) semaphore(%arg21 : memref<!tpu.dma_semaphore, #tpu.memory_space<semaphore_mem>>) {add = true}
        %lt3A_168 = arith.constant 7 : i32
        %lt3A_169 = arith.cmpi slt, %scan3A_110, %lt3A_168 : i32
        %convert_element_type3A_170 = arith.extui %lt3A_169 : i1 to i32
        %cond3A_171 = arith.constant 0 : i32
        %cond3A_172 = arith.cmpi ne, %convert_element_type3A_170, %cond3A_171 : i32
        scf.if %cond3A_172 {
          %dma_wait3A_195 = arith.constant 0 : i32
          %dma_wait3A_196 = tpu.memref_slice %arg9[%add3A_155, %dma_wait3A_195] : memref<32x64xi32, #tpu.memory_space<vmem>> -> memref<1x64xi32, #tpu.memory_space<vmem>>
          %dma_wait3A_197 = tpu.memref_squeeze %dma_wait3A_196 : memref<1x64xi32, #tpu.memory_space<vmem>> -> memref<64xi32, #tpu.memory_space<vmem>>
          %dma_wait3A_198 = arith.constant 0 : i32
          %dma_wait3A_199 = arith.constant 0 : i32
          %dma_wait3A_200 = tpu.memref_slice %arg14[%dma_wait3A_198, %dma_wait3A_199] : memref<10240x128xf32, #tpu.memory_space<vmem_shared>> -> memref<10240x128xf32, #tpu.memory_space<vmem_shared>>
          tpu.wait_indirect_dma semaphore(%arg21 : memref<!tpu.dma_semaphore, #tpu.memory_space<semaphore_mem>>) src(%arg12 : memref<64x128xf32, #tpu.memory_space<vmem>>) dst(%dma_wait3A_200 : memref<10240x128xf32, #tpu.memory_space<vmem_shared>>)
          %add3A_201 = arith.constant 4 : i32
          %add3A_202 = arith.addi %add3A_155, %add3A_201 : i32
          %eq3A_203 = arith.constant 0 : i32
          %eq3A_204 = arith.cmpi eq, %arg0, %eq3A_203 : i32
          %convert_element_type3A_205 = arith.extui %eq3A_204 : i1 to i32
          %cond3A_206 = arith.constant 0 : i32
          %cond3A_207 = arith.cmpi ne, %convert_element_type3A_205, %cond3A_206 : i32
          scf.if %cond3A_207 {
            %dma_start3A_213 = arith.constant 0 : i32
            %dma_start3A_214 = tpu.memref_slice %arg8[%add3A_202, %dma_start3A_213] : memref<32x64xi32, #tpu.memory_space<vmem>> -> memref<1x64xi32, #tpu.memory_space<vmem>>
            %dma_start3A_215 = tpu.memref_squeeze %dma_start3A_214 : memref<1x64xi32, #tpu.memory_space<vmem>> -> memref<64xi32, #tpu.memory_space<vmem>>
            %dma_start3A_216 = arith.constant 0 : i32
            %dma_start3A_217 = arith.constant 0 : i32
            %dma_start3A_218 = tpu.memref_slice %arg2[%dma_start3A_216, %dma_start3A_217] : memref<10240x128xf32, #tpu.memory_space<hbm>> -> memref<10240x128xf32, #tpu.memory_space<hbm>>
            tpu.enqueue_indirect_dma source(%dma_start3A_218 : memref<10240x128xf32, #tpu.memory_space<hbm>>) target(%arg12 : memref<64x128xf32, #tpu.memory_space<vmem>>) offsets(%dma_start3A_215 : memref<64xi32, #tpu.memory_space<vmem>>) semaphore(%arg17 : memref<!tpu.dma_semaphore, #tpu.memory_space<semaphore_mem>>)
          } else {
          }
          %eq3A_208 = arith.constant 1 : i32
          %eq3A_209 = arith.cmpi eq, %arg0, %eq3A_208 : i32
          %convert_element_type3A_210 = arith.extui %eq3A_209 : i1 to i32
          %cond3A_211 = arith.constant 0 : i32
          %cond3A_212 = arith.cmpi ne, %convert_element_type3A_210, %cond3A_211 : i32
          scf.if %cond3A_212 {
            %dma_start3A_213 = arith.constant 0 : i32
            %dma_start3A_214 = tpu.memref_slice %arg8[%add3A_202, %dma_start3A_213] : memref<32x64xi32, #tpu.memory_space<vmem>> -> memref<1x64xi32, #tpu.memory_space<vmem>>
            %dma_start3A_215 = tpu.memref_squeeze %dma_start3A_214 : memref<1x64xi32, #tpu.memory_space<vmem>> -> memref<64xi32, #tpu.memory_space<vmem>>
            %dma_start3A_216 = arith.constant 0 : i32
            %dma_start3A_217 = arith.constant 0 : i32
            %dma_start3A_218 = tpu.memref_slice %arg3[%dma_start3A_216, %dma_start3A_217] : memref<10240x128xf32, #tpu.memory_space<hbm>> -> memref<10240x128xf32, #tpu.memory_space<hbm>>
            tpu.enqueue_indirect_dma source(%dma_start3A_218 : memref<10240x128xf32, #tpu.memory_space<hbm>>) target(%arg12 : memref<64x128xf32, #tpu.memory_space<vmem>>) offsets(%dma_start3A_215 : memref<64xi32, #tpu.memory_space<vmem>>) semaphore(%arg17 : memref<!tpu.dma_semaphore, #tpu.memory_space<semaphore_mem>>)
          } else {
          }
        } else {
        }
        %mul3A_173 = arith.constant 4 : i32
        %mul3A_174 = arith.muli %mul3A_173, %scan3A_110 : i32
        %add3A_175 = arith.constant 3 : i32
        %add3A_176 = arith.addi %mul3A_174, %add3A_175 : i32
        %dma_wait3A_177 = arith.constant 0 : i32
        %dma_wait3A_178 = tpu.memref_slice %arg8[%add3A_176, %dma_wait3A_177] : memref<32x64xi32, #tpu.memory_space<vmem>> -> memref<1x64xi32, #tpu.memory_space<vmem>>
        %dma_wait3A_179 = tpu.memref_squeeze %dma_wait3A_178 : memref<1x64xi32, #tpu.memory_space<vmem>> -> memref<64xi32, #tpu.memory_space<vmem>>
        %dma_wait3A_180 = arith.constant 0 : i32
        %dma_wait3A_181 = arith.constant 0 : i32
        %dma_wait3A_182 = tpu.memref_slice %arg2[%dma_wait3A_180, %dma_wait3A_181] : memref<10240x128xf32, #tpu.memory_space<hbm>> -> memref<10240x128xf32, #tpu.memory_space<hbm>>
        tpu.wait_indirect_dma semaphore(%arg18 : memref<!tpu.dma_semaphore, #tpu.memory_space<semaphore_mem>>) src(%dma_wait3A_182 : memref<10240x128xf32, #tpu.memory_space<hbm>>) dst(%arg13 : memref<64x128xf32, #tpu.memory_space<vmem>>)
        %dma_start3A_183 = arith.constant 0 : i32
        %dma_start3A_184 = tpu.memref_slice %arg9[%add3A_176, %dma_start3A_183] : memref<32x64xi32, #tpu.memory_space<vmem>> -> memref<1x64xi32, #tpu.memory_space<vmem>>
        %dma_start3A_185 = tpu.memref_squeeze %dma_start3A_184 : memref<1x64xi32, #tpu.memory_space<vmem>> -> memref<64xi32, #tpu.memory_space<vmem>>
        %dma_start3A_186 = arith.constant 0 : i32
        %dma_start3A_187 = arith.constant 0 : i32
        %dma_start3A_188 = tpu.memref_slice %arg14[%dma_start3A_186, %dma_start3A_187] : memref<10240x128xf32, #tpu.memory_space<vmem_shared>> -> memref<10240x128xf32, #tpu.memory_space<vmem_shared>>
        tpu.enqueue_indirect_dma source(%arg13 : memref<64x128xf32, #tpu.memory_space<vmem>>) target(%dma_start3A_188 : memref<10240x128xf32, #tpu.memory_space<vmem_shared>>) offsets(%dma_start3A_185 : memref<64xi32, #tpu.memory_space<vmem>>) semaphore(%arg22 : memref<!tpu.dma_semaphore, #tpu.memory_space<semaphore_mem>>) {add = true}
        %lt3A_189 = arith.constant 7 : i32
        %lt3A_190 = arith.cmpi slt, %scan3A_110, %lt3A_189 : i32
        %convert_element_type3A_191 = arith.extui %lt3A_190 : i1 to i32
        %cond3A_192 = arith.constant 0 : i32
        %cond3A_193 = arith.cmpi ne, %convert_element_type3A_191, %cond3A_192 : i32
        scf.if %cond3A_193 {
          %dma_wait3A_195 = arith.constant 0 : i32
          %dma_wait3A_196 = tpu.memref_slice %arg9[%add3A_176, %dma_wait3A_195] : memref<32x64xi32, #tpu.memory_space<vmem>> -> memref<1x64xi32, #tpu.memory_space<vmem>>
          %dma_wait3A_197 = tpu.memref_squeeze %dma_wait3A_196 : memref<1x64xi32, #tpu.memory_space<vmem>> -> memref<64xi32, #tpu.memory_space<vmem>>
          %dma_wait3A_198 = arith.constant 0 : i32
          %dma_wait3A_199 = arith.constant 0 : i32
          %dma_wait3A_200 = tpu.memref_slice %arg14[%dma_wait3A_198, %dma_wait3A_199] : memref<10240x128xf32, #tpu.memory_space<vmem_shared>> -> memref<10240x128xf32, #tpu.memory_space<vmem_shared>>
          tpu.wait_indirect_dma semaphore(%arg22 : memref<!tpu.dma_semaphore, #tpu.memory_space<semaphore_mem>>) src(%arg13 : memref<64x128xf32, #tpu.memory_space<vmem>>) dst(%dma_wait3A_200 : memref<10240x128xf32, #tpu.memory_space<vmem_shared>>)
          %add3A_201 = arith.constant 4 : i32
          %add3A_202 = arith.addi %add3A_176, %add3A_201 : i32
          %eq3A_203 = arith.constant 0 : i32
          %eq3A_204 = arith.cmpi eq, %arg0, %eq3A_203 : i32
          %convert_element_type3A_205 = arith.extui %eq3A_204 : i1 to i32
          %cond3A_206 = arith.constant 0 : i32
          %cond3A_207 = arith.cmpi ne, %convert_element_type3A_205, %cond3A_206 : i32
          scf.if %cond3A_207 {
            %dma_start3A_213 = arith.constant 0 : i32
            %dma_start3A_214 = tpu.memref_slice %arg8[%add3A_202, %dma_start3A_213] : memref<32x64xi32, #tpu.memory_space<vmem>> -> memref<1x64xi32, #tpu.memory_space<vmem>>
            %dma_start3A_215 = tpu.memref_squeeze %dma_start3A_214 : memref<1x64xi32, #tpu.memory_space<vmem>> -> memref<64xi32, #tpu.memory_space<vmem>>
            %dma_start3A_216 = arith.constant 0 : i32
            %dma_start3A_217 = arith.constant 0 : i32
            %dma_start3A_218 = tpu.memref_slice %arg2[%dma_start3A_216, %dma_start3A_217] : memref<10240x128xf32, #tpu.memory_space<hbm>> -> memref<10240x128xf32, #tpu.memory_space<hbm>>
            tpu.enqueue_indirect_dma source(%dma_start3A_218 : memref<10240x128xf32, #tpu.memory_space<hbm>>) target(%arg13 : memref<64x128xf32, #tpu.memory_space<vmem>>) offsets(%dma_start3A_215 : memref<64xi32, #tpu.memory_space<vmem>>) semaphore(%arg18 : memref<!tpu.dma_semaphore, #tpu.memory_space<semaphore_mem>>)
          } else {
          }
          %eq3A_208 = arith.constant 1 : i32
          %eq3A_209 = arith.cmpi eq, %arg0, %eq3A_208 : i32
          %convert_element_type3A_210 = arith.extui %eq3A_209 : i1 to i32
          %cond3A_211 = arith.constant 0 : i32
          %cond3A_212 = arith.cmpi ne, %convert_element_type3A_210, %cond3A_211 : i32
          scf.if %cond3A_212 {
            %dma_start3A_213 = arith.constant 0 : i32
            %dma_start3A_214 = tpu.memref_slice %arg8[%add3A_202, %dma_start3A_213] : memref<32x64xi32, #tpu.memory_space<vmem>> -> memref<1x64xi32, #tpu.memory_space<vmem>>
            %dma_start3A_215 = tpu.memref_squeeze %dma_start3A_214 : memref<1x64xi32, #tpu.memory_space<vmem>> -> memref<64xi32, #tpu.memory_space<vmem>>
            %dma_start3A_216 = arith.constant 0 : i32
            %dma_start3A_217 = arith.constant 0 : i32
            %dma_start3A_218 = tpu.memref_slice %arg3[%dma_start3A_216, %dma_start3A_217] : memref<10240x128xf32, #tpu.memory_space<hbm>> -> memref<10240x128xf32, #tpu.memory_space<hbm>>
            tpu.enqueue_indirect_dma source(%dma_start3A_218 : memref<10240x128xf32, #tpu.memory_space<hbm>>) target(%arg13 : memref<64x128xf32, #tpu.memory_space<vmem>>) offsets(%dma_start3A_215 : memref<64xi32, #tpu.memory_space<vmem>>) semaphore(%arg18 : memref<!tpu.dma_semaphore, #tpu.memory_space<semaphore_mem>>)
          } else {
          }
        } else {
        }
        %scan3A_194 = arith.constant 0 : i32
        scf.yield %scan3A_194 : i32
      }
      %scan3A_81 = arith.constant 8 : i32
      %dma_wait3A = arith.constant 28 : i32
      %dma_wait3A_82 = arith.constant 0 : i32
      %dma_wait3A_83 = tpu.memref_slice %arg9[%dma_wait3A, %dma_wait3A_82] : memref<32x64xi32, #tpu.memory_space<vmem>> -> memref<1x64xi32, #tpu.memory_space<vmem>>
      %dma_wait3A_84 = tpu.memref_squeeze %dma_wait3A_83 : memref<1x64xi32, #tpu.memory_space<vmem>> -> memref<64xi32, #tpu.memory_space<vmem>>
      %dma_wait3A_85 = arith.constant 0 : i32
      %dma_wait3A_86 = arith.constant 0 : i32
      %dma_wait3A_87 = tpu.memref_slice %arg14[%dma_wait3A_85, %dma_wait3A_86] : memref<10240x128xf32, #tpu.memory_space<vmem_shared>> -> memref<10240x128xf32, #tpu.memory_space<vmem_shared>>
      tpu.wait_indirect_dma semaphore(%arg19 : memref<!tpu.dma_semaphore, #tpu.memory_space<semaphore_mem>>) src(%arg10 : memref<64x128xf32, #tpu.memory_space<vmem>>) dst(%dma_wait3A_87 : memref<10240x128xf32, #tpu.memory_space<vmem_shared>>)
      %dma_wait3A_88 = arith.constant 29 : i32
      %dma_wait3A_89 = arith.constant 0 : i32
      %dma_wait3A_90 = tpu.memref_slice %arg9[%dma_wait3A_88, %dma_wait3A_89] : memref<32x64xi32, #tpu.memory_space<vmem>> -> memref<1x64xi32, #tpu.memory_space<vmem>>
      %dma_wait3A_91 = tpu.memref_squeeze %dma_wait3A_90 : memref<1x64xi32, #tpu.memory_space<vmem>> -> memref<64xi32, #tpu.memory_space<vmem>>
      %dma_wait3A_92 = arith.constant 0 : i32
      %dma_wait3A_93 = arith.constant 0 : i32
      %dma_wait3A_94 = tpu.memref_slice %arg14[%dma_wait3A_92, %dma_wait3A_93] : memref<10240x128xf32, #tpu.memory_space<vmem_shared>> -> memref<10240x128xf32, #tpu.memory_space<vmem_shared>>
      tpu.wait_indirect_dma semaphore(%arg20 : memref<!tpu.dma_semaphore, #tpu.memory_space<semaphore_mem>>) src(%arg11 : memref<64x128xf32, #tpu.memory_space<vmem>>) dst(%dma_wait3A_94 : memref<10240x128xf32, #tpu.memory_space<vmem_shared>>)
      %dma_wait3A_95 = arith.constant 30 : i32
      %dma_wait3A_96 = arith.constant 0 : i32
      %dma_wait3A_97 = tpu.memref_slice %arg9[%dma_wait3A_95, %dma_wait3A_96] : memref<32x64xi32, #tpu.memory_space<vmem>> -> memref<1x64xi32, #tpu.memory_space<vmem>>
      %dma_wait3A_98 = tpu.memref_squeeze %dma_wait3A_97 : memref<1x64xi32, #tpu.memory_space<vmem>> -> memref<64xi32, #tpu.memory_space<vmem>>
      %dma_wait3A_99 = arith.constant 0 : i32
      %dma_wait3A_100 = arith.constant 0 : i32
      %dma_wait3A_101 = tpu.memref_slice %arg14[%dma_wait3A_99, %dma_wait3A_100] : memref<10240x128xf32, #tpu.memory_space<vmem_shared>> -> memref<10240x128xf32, #tpu.memory_space<vmem_shared>>
      tpu.wait_indirect_dma semaphore(%arg21 : memref<!tpu.dma_semaphore, #tpu.memory_space<semaphore_mem>>) src(%arg12 : memref<64x128xf32, #tpu.memory_space<vmem>>) dst(%dma_wait3A_101 : memref<10240x128xf32, #tpu.memory_space<vmem_shared>>)
      %dma_wait3A_102 = arith.constant 31 : i32
      %dma_wait3A_103 = arith.constant 0 : i32
      %dma_wait3A_104 = tpu.memref_slice %arg9[%dma_wait3A_102, %dma_wait3A_103] : memref<32x64xi32, #tpu.memory_space<vmem>> -> memref<1x64xi32, #tpu.memory_space<vmem>>
      %dma_wait3A_105 = tpu.memref_squeeze %dma_wait3A_104 : memref<1x64xi32, #tpu.memory_space<vmem>> -> memref<64xi32, #tpu.memory_space<vmem>>
      %dma_wait3A_106 = arith.constant 0 : i32
      %dma_wait3A_107 = arith.constant 0 : i32
      %dma_wait3A_108 = tpu.memref_slice %arg14[%dma_wait3A_106, %dma_wait3A_107] : memref<10240x128xf32, #tpu.memory_space<vmem_shared>> -> memref<10240x128xf32, #tpu.memory_space<vmem_shared>>
      tpu.wait_indirect_dma semaphore(%arg22 : memref<!tpu.dma_semaphore, #tpu.memory_space<semaphore_mem>>) src(%arg13 : memref<64x128xf32, #tpu.memory_space<vmem>>) dst(%dma_wait3A_108 : memref<10240x128xf32, #tpu.memory_space<vmem_shared>>)
      %scan3A_109 = arith.constant 0 : i32
      scf.yield %scan3A_109 : i32
    }
    %scan3A_19 = arith.constant 5 : i32
    %barrier3A_20 = arith.constant 0 : index
    tpu.barrier barrier_id(%barrier3A_20)
    %scan3A_21 = arith.constant 0 : i32
    %scan3A_22 = arith.constant 0 : i32
    %scan3A_23 = arith.constant 10 : i32
    %scan3A_24 = arith.addi %scan3A_22, %scan3A_23 : i32
    %scan3A_25 = arith.constant 1 : i32
    %scan3A_26 = scf.for %scan3A_28 = %scan3A_22 to %scan3A_24 step %scan3A_25 iter_args(%scan3A_29 = %scan3A_21) -> (i32)  : i32 {
      %mul3A = arith.constant 640 : i32
      %mul3A_30 = arith.muli %arg1, %mul3A : i32
      %mul3A_31 = arith.constant 64 : i32
      %mul3A_32 = arith.muli %scan3A_28, %mul3A_31 : i32
      %add3A = arith.addi %mul3A_30, %mul3A_32 : i32
      "tpu.region"() ({
        %run_scoped3A = tpu.sem_alloc : memref<!tpu.dma_semaphore, #tpu.memory_space<semaphore_mem>>
        %dma_start3A = arith.constant 0 : i32
        %dma_start3A_41 = tpu.memref_slice %arg14[%add3A, %dma_start3A] : memref<10240x128xf32, #tpu.memory_space<vmem_shared>> -> memref<64x128xf32, #tpu.memory_space<vmem_shared>>
        %dma_start3A_42 = arith.constant 0 : i32
        %dma_start3A_43 = tpu.memref_slice %arg14[%add3A, %dma_start3A_42] : memref<10240x128xf32, #tpu.memory_space<vmem_shared>> -> memref<64x128xf32, #tpu.memory_space<vmem_shared>>
        tpu.enqueue_dma source(%dma_start3A_43 : memref<64x128xf32, #tpu.memory_space<vmem_shared>>) target(%arg10 : memref<64x128xf32, #tpu.memory_space<vmem>>) target_semaphore(%run_scoped3A : memref<!tpu.dma_semaphore, #tpu.memory_space<semaphore_mem>>)
        %dma_wait3A = arith.constant 0 : i32
        %dma_wait3A_44 = tpu.memref_slice %arg14[%add3A, %dma_wait3A] : memref<10240x128xf32, #tpu.memory_space<vmem_shared>> -> memref<64x128xf32, #tpu.memory_space<vmem_shared>>
        %dma_wait3A_45 = arith.constant 0 : i32
        %dma_wait3A_46 = tpu.memref_slice %arg14[%add3A, %dma_wait3A_45] : memref<10240x128xf32, #tpu.memory_space<vmem_shared>> -> memref<64x128xf32, #tpu.memory_space<vmem_shared>>
        tpu.wait_dma2 semaphore(%run_scoped3A : memref<!tpu.dma_semaphore, #tpu.memory_space<semaphore_mem>>) src(%dma_wait3A_46 : memref<64x128xf32, #tpu.memory_space<vmem_shared>>) dst(%arg10 : memref<64x128xf32, #tpu.memory_space<vmem>>)
        tpu.yield
      }) : () -> ()
      %eq3A = arith.constant 0 : i32
      %eq3A_33 = arith.cmpi eq, %arg0, %eq3A : i32
      %convert_element_type3A = arith.extui %eq3A_33 : i1 to i32
      %cond3A = arith.constant 0 : i32
      %cond3A_34 = arith.cmpi ne, %convert_element_type3A, %cond3A : i32
      scf.if %cond3A_34 {
        "tpu.region"() ({
          %run_scoped3A = tpu.sem_alloc : memref<!tpu.dma_semaphore, #tpu.memory_space<semaphore_mem>>
          %dma_start3A = arith.constant 0 : i32
          %dma_start3A_41 = tpu.memref_slice %arg6[%add3A, %dma_start3A] : memref<10240x128xf32, #tpu.memory_space<hbm>> -> memref<64x128xf32, #tpu.memory_space<hbm>>
          %dma_start3A_42 = arith.constant 0 : i32
          %dma_start3A_43 = tpu.memref_slice %arg6[%add3A, %dma_start3A_42] : memref<10240x128xf32, #tpu.memory_space<hbm>> -> memref<64x128xf32, #tpu.memory_space<hbm>>
          tpu.enqueue_dma source(%arg10 : memref<64x128xf32, #tpu.memory_space<vmem>>) target(%dma_start3A_43 : memref<64x128xf32, #tpu.memory_space<hbm>>) target_semaphore(%run_scoped3A : memref<!tpu.dma_semaphore, #tpu.memory_space<semaphore_mem>>)
          %dma_wait3A = arith.constant 0 : i32
          %dma_wait3A_44 = tpu.memref_slice %arg6[%add3A, %dma_wait3A] : memref<10240x128xf32, #tpu.memory_space<hbm>> -> memref<64x128xf32, #tpu.memory_space<hbm>>
          %dma_wait3A_45 = arith.constant 0 : i32
          %dma_wait3A_46 = tpu.memref_slice %arg6[%add3A, %dma_wait3A_45] : memref<10240x128xf32, #tpu.memory_space<hbm>> -> memref<64x128xf32, #tpu.memory_space<hbm>>
          tpu.wait_dma2 semaphore(%run_scoped3A : memref<!tpu.dma_semaphore, #tpu.memory_space<semaphore_mem>>) src(%arg10 : memref<64x128xf32, #tpu.memory_space<vmem>>) dst(%dma_wait3A_46 : memref<64x128xf32, #tpu.memory_space<hbm>>)
          tpu.yield
        }) : () -> ()
      } else {
      }
      %eq3A_35 = arith.constant 1 : i32
      %eq3A_36 = arith.cmpi eq, %arg0, %eq3A_35 : i32
      %convert_element_type3A_37 = arith.extui %eq3A_36 : i1 to i32
      %cond3A_38 = arith.constant 0 : i32
      %cond3A_39 = arith.cmpi ne, %convert_element_type3A_37, %cond3A_38 : i32
      scf.if %cond3A_39 {
        "tpu.region"() ({
          %run_scoped3A = tpu.sem_alloc : memref<!tpu.dma_semaphore, #tpu.memory_space<semaphore_mem>>
          %dma_start3A = arith.constant 0 : i32
          %dma_start3A_41 = tpu.memref_slice %arg7[%add3A, %dma_start3A] : memref<10240x128xf32, #tpu.memory_space<hbm>> -> memref<64x128xf32, #tpu.memory_space<hbm>>
          %dma_start3A_42 = arith.constant 0 : i32
          %dma_start3A_43 = tpu.memref_slice %arg7[%add3A, %dma_start3A_42] : memref<10240x128xf32, #tpu.memory_space<hbm>> -> memref<64x128xf32, #tpu.memory_space<hbm>>
          tpu.enqueue_dma source(%arg10 : memref<64x128xf32, #tpu.memory_space<vmem>>) target(%dma_start3A_43 : memref<64x128xf32, #tpu.memory_space<hbm>>) target_semaphore(%run_scoped3A : memref<!tpu.dma_semaphore, #tpu.memory_space<semaphore_mem>>)
          %dma_wait3A = arith.constant 0 : i32
          %dma_wait3A_44 = tpu.memref_slice %arg7[%add3A, %dma_wait3A] : memref<10240x128xf32, #tpu.memory_space<hbm>> -> memref<64x128xf32, #tpu.memory_space<hbm>>
          %dma_wait3A_45 = arith.constant 0 : i32
          %dma_wait3A_46 = tpu.memref_slice %arg7[%add3A, %dma_wait3A_45] : memref<10240x128xf32, #tpu.memory_space<hbm>> -> memref<64x128xf32, #tpu.memory_space<hbm>>
          tpu.wait_dma2 semaphore(%run_scoped3A : memref<!tpu.dma_semaphore, #tpu.memory_space<semaphore_mem>>) src(%arg10 : memref<64x128xf32, #tpu.memory_space<vmem>>) dst(%dma_wait3A_46 : memref<64x128xf32, #tpu.memory_space<hbm>>)
          tpu.yield
        }) : () -> ()
      } else {
      }
      %scan3A_40 = arith.constant 0 : i32
      scf.yield %scan3A_40 : i32
    }
    %scan3A_27 = arith.constant 10 : i32
    return
  }
}

module attributes {stable_mosaic.version = 14 : i64} {
  func.func @_mm_body(%arg0: i32, %arg1: memref<256x256xf32, #tpu.memory_space<vmem>>, %arg2: memref<256x256xf32, #tpu.memory_space<vmem>>, %arg3: memref<1x256xf32, #tpu.memory_space<vmem>>, %arg4: memref<256x256xf32, #tpu.memory_space<vmem>>) attributes {dimension_semantics = [#tpu.dimension_semantics<arbitrary>], iteration_bounds = array<i64: 40>, scalar_prefetch = 0 : i64, scratch_operands = 0 : i64, tpu.core_type = #tpu.core_type<tc>, window_params = [{transform_indices = @transform_0, window_bounds = array<i64: 256, 256>}, {pipeline_mode = #tpu.pipeline_mode<synchronous>, transform_indices = @transform_1, window_bounds = array<i64: 256, 256>}, {pipeline_mode = #tpu.pipeline_mode<synchronous>, transform_indices = @transform_2, window_bounds = array<i64: 1, 256>}, {transform_indices = @transform_3, window_bounds = array<i64: 256, 256>}]} {
    %get3A = arith.constant 0 : index
    %get3A_0 = arith.constant 0 : index
    %get3A_1 = vector.load %arg1[%get3A, %get3A_0] : memref<256x256xf32, #tpu.memory_space<vmem>>, vector<256x256xf32>
    %get3A_2 = arith.constant 0 : index
    %get3A_3 = arith.constant 0 : index
    %get3A_4 = vector.load %arg2[%get3A_2, %get3A_3] : memref<256x256xf32, #tpu.memory_space<vmem>>, vector<256x256xf32>
    %dot_general3A = arith.constant dense<0.000000e+00> : vector<256x256xf32>
    %dot_general3A_5 = tpu.matmul %get3A_1, %get3A_4, %dot_general3A {dimension_numbers = #tpu.dot_dimension_numbers<[1], [0], [0], [1], [0, 0, 1, 1], [], []>, transpose_lhs_hint = false} : vector<256x256xf32>, vector<256x256xf32>, vector<256x256xf32> -> vector<256x256xf32>
    %get3A_6 = arith.constant 0 : index
    %get3A_7 = arith.constant 0 : index
    %get3A_8 = vector.load %arg3[%get3A_6, %get3A_7] : memref<1x256xf32, #tpu.memory_space<vmem>>, vector<1x256xf32>
    %add3A = vector.broadcast %get3A_8 : vector<1x256xf32> to vector<256x256xf32>
    %add3A_9 = arith.addf %dot_general3A_5, %add3A : vector<256x256xf32>
    %swap3A = arith.constant 0 : index
    %swap3A_10 = arith.constant 0 : index
    %swap3A_11 = vector.load %arg4[%swap3A, %swap3A_10] : memref<256x256xf32, #tpu.memory_space<vmem>>, vector<256x256xf32>
    tpu.vector_store %arg4[%swap3A, %swap3A_10], %add3A_9 {strides = array<i32>} : memref<256x256xf32, #tpu.memory_space<vmem>>, vector<256x256xf32>,
    return
  }
  func.func @transform_0(%arg0: i32) -> (i32, i32) {
    %c0_i32 = arith.constant 0 : i32
    %c0_i32_0 = arith.constant 0 : i32
    return %arg0, %c0_i32 : i32, i32
  }
  func.func @transform_1(%arg0: i32) -> (i32, i32) {
    %c0_i32 = arith.constant 0 : i32
    %c0_i32_0 = arith.constant 0 : i32
    %c0_i32_1 = arith.constant 0 : i32
    return %c0_i32, %c0_i32_0 : i32, i32
  }
  func.func @transform_2(%arg0: i32) -> (i32, i32) {
    %c0_i32 = arith.constant 0 : i32
    %c0_i32_0 = arith.constant 0 : i32
    %c0_i32_1 = arith.constant 0 : i32
    return %c0_i32, %c0_i32_0 : i32, i32
  }
  func.func @transform_3(%arg0: i32) -> (i32, i32) {
    %c0_i32 = arith.constant 0 : i32
    %c0_i32_0 = arith.constant 0 : i32
    return %arg0, %c0_i32 : i32, i32
  }
}

module attributes {stable_mosaic.version = 14 : i64} {
  func.func @_scale0_body(%arg0: i32, %arg1: memref<512x128xf32, #tpu.memory_space<vmem>>, %arg2: memref<512x128xf32, #tpu.memory_space<vmem>>, %arg3: memref<512x256xf32, #tpu.memory_space<vmem>>, %arg4: memref<512x128xf32, #tpu.memory_space<vmem>>, %arg5: memref<512x128xf32, #tpu.memory_space<vmem>>) attributes {dimension_semantics = [#tpu.dimension_semantics<arbitrary>], iteration_bounds = array<i64: 20>, scalar_prefetch = 0 : i64, scratch_operands = 0 : i64, tpu.core_type = #tpu.core_type<tc>, window_params = [{transform_indices = @transform_0, window_bounds = array<i64: 512, 128>}, {transform_indices = @transform_1, window_bounds = array<i64: 512, 128>}, {transform_indices = @transform_2, window_bounds = array<i64: 512, 256>}, {transform_indices = @transform_3, window_bounds = array<i64: 512, 128>}, {transform_indices = @transform_4, window_bounds = array<i64: 512, 128>}]} {
    %get3A = arith.constant 0 : index
    %get3A_0 = arith.constant 0 : index
    %get3A_1 = vector.load %arg1[%get3A, %get3A_0] : memref<512x128xf32, #tpu.memory_space<vmem>>, vector<512x1xf32>
    %get3A_2 = arith.constant 0 : index
    %get3A_3 = arith.constant 0 : index
    %get3A_4 = vector.load %arg2[%get3A_2, %get3A_3] : memref<512x128xf32, #tpu.memory_space<vmem>>, vector<512x1xf32>
    %add3A = arith.addf %get3A_1, %get3A_4 : vector<512x1xf32>
    %gt3A = arith.constant 0.000000e+00 : f32
    %gt3A_5 = vector.broadcast %gt3A : f32 to vector<512x1xf32>
    %gt3A_6 = arith.cmpf ogt, %add3A, %gt3A_5 : vector<512x1xf32>
    %max3A = arith.constant 1.000000e-30 : f32
    %max3A_7 = vector.broadcast %max3A : f32 to vector<512x1xf32>
    %max3A_8 = arith.maximumf %add3A, %max3A_7 : vector<512x1xf32>
    %rsqrt3A = math.rsqrt %max3A_8 : vector<512x1xf32>
    %jit3A = arith.constant 0.000000e+00 : f32
    %broadcast_in_dim3A = vector.broadcast %jit3A : f32 to vector<512x1xf32>
    %select_n3A = arith.select %gt3A_6, %rsqrt3A, %broadcast_in_dim3A : vector<512x1xi1>, vector<512x1xf32>
    %get3A_9 = arith.constant 0 : index
    %get3A_10 = arith.constant 0 : index
    %get3A_11 = vector.load %arg3[%get3A_9, %get3A_10] : memref<512x256xf32, #tpu.memory_space<vmem>>, vector<512x128xf32>
    %mul3A = vector.broadcast %select_n3A : vector<512x1xf32> to vector<512x128xf32>
    %mul3A_12 = arith.mulf %get3A_11, %mul3A : vector<512x128xf32>
    %swap3A = arith.constant 0 : index
    %swap3A_13 = arith.constant 0 : index
    %swap3A_14 = vector.load %arg4[%swap3A, %swap3A_13] : memref<512x128xf32, #tpu.memory_space<vmem>>, vector<512x128xf32>
    tpu.vector_store %arg4[%swap3A, %swap3A_13], %mul3A_12 {strides = array<i32>} : memref<512x128xf32, #tpu.memory_space<vmem>>, vector<512x128xf32>,
    %get3A_15 = arith.constant 0 : index
    %get3A_16 = arith.constant 128 : index
    %get3A_17 = vector.load %arg3[%get3A_15, %get3A_16] : memref<512x256xf32, #tpu.memory_space<vmem>>, vector<512x128xf32>
    %mul3A_18 = vector.broadcast %select_n3A : vector<512x1xf32> to vector<512x128xf32>
    %mul3A_19 = arith.mulf %get3A_17, %mul3A_18 : vector<512x128xf32>
    %swap3A_20 = arith.constant 0 : index
    %swap3A_21 = arith.constant 0 : index
    %swap3A_22 = vector.load %arg5[%swap3A_20, %swap3A_21] : memref<512x128xf32, #tpu.memory_space<vmem>>, vector<512x128xf32>
    tpu.vector_store %arg5[%swap3A_20, %swap3A_21], %mul3A_19 {strides = array<i32>} : memref<512x128xf32, #tpu.memory_space<vmem>>, vector<512x128xf32>,
    return
  }
  func.func @transform_0(%arg0: i32) -> (i32, i32) {
    %c0_i32 = arith.constant 0 : i32
    %c0_i32_0 = arith.constant 0 : i32
    return %arg0, %c0_i32 : i32, i32
  }
  func.func @transform_1(%arg0: i32) -> (i32, i32) {
    %c0_i32 = arith.constant 0 : i32
    %c0_i32_0 = arith.constant 0 : i32
    return %arg0, %c0_i32 : i32, i32
  }
  func.func @transform_2(%arg0: i32) -> (i32, i32) {
    %c0_i32 = arith.constant 0 : i32
    %c0_i32_0 = arith.constant 0 : i32
    return %arg0, %c0_i32 : i32, i32
  }
  func.func @transform_3(%arg0: i32) -> (i32, i32) {
    %c0_i32 = arith.constant 0 : i32
    %c0_i32_0 = arith.constant 0 : i32
    return %arg0, %c0_i32 : i32, i32
  }
  func.func @transform_4(%arg0: i32) -> (i32, i32) {
    %c0_i32 = arith.constant 0 : i32
    %c0_i32_0 = arith.constant 0 : i32
    return %arg0, %c0_i32 : i32, i32
  }
}

module attributes {stable_mosaic.version = 14 : i64} {
  func.func @_combine_body(%arg0: i32, %arg1: memref<1xf32, #tpu.memory_space<smem>>, %arg2: memref<512x128xf32, #tpu.memory_space<vmem>>, %arg3: memref<512x128xf32, #tpu.memory_space<vmem>>, %arg4: memref<512x128xf32, #tpu.memory_space<vmem>>, %arg5: memref<512x128xf32, #tpu.memory_space<vmem>>, %arg6: memref<512x256xf32, #tpu.memory_space<vmem>>, %arg7: memref<512x256xf32, #tpu.memory_space<vmem>>, %arg8: memref<512x128xf32, #tpu.memory_space<vmem>>, %arg9: memref<512x128xf32, #tpu.memory_space<vmem>>) attributes {dimension_semantics = [#tpu.dimension_semantics<arbitrary>], iteration_bounds = array<i64: 20>, scalar_prefetch = 0 : i64, scratch_operands = 0 : i64, tpu.core_type = #tpu.core_type<tc>, window_params = [{transform_indices = @transform_0, window_bounds = array<i64: 1>}, {transform_indices = @transform_1, window_bounds = array<i64: 512, 128>}, {transform_indices = @transform_2, window_bounds = array<i64: 512, 128>}, {transform_indices = @transform_3, window_bounds = array<i64: 512, 128>}, {transform_indices = @transform_4, window_bounds = array<i64: 512, 128>}, {transform_indices = @transform_5, window_bounds = array<i64: 512, 256>}, {transform_indices = @transform_6, window_bounds = array<i64: 512, 256>}, {transform_indices = @transform_7, window_bounds = array<i64: 512, 128>}, {transform_indices = @transform_8, window_bounds = array<i64: 512, 128>}]} {
    %get3A = arith.constant 0 : index
    %get3A_0 = arith.constant 0 : index
    %get3A_1 = vector.load %arg2[%get3A, %get3A_0] : memref<512x128xf32, #tpu.memory_space<vmem>>, vector<512x1xf32>
    %get3A_2 = arith.constant 0 : index
    %get3A_3 = arith.constant 0 : index
    %get3A_4 = vector.load %arg3[%get3A_2, %get3A_3] : memref<512x128xf32, #tpu.memory_space<vmem>>, vector<512x1xf32>
    %add3A = arith.addf %get3A_1, %get3A_4 : vector<512x1xf32>
    %gt3A = arith.constant 0.000000e+00 : f32
    %gt3A_5 = vector.broadcast %gt3A : f32 to vector<512x1xf32>
    %gt3A_6 = arith.cmpf ogt, %add3A, %gt3A_5 : vector<512x1xf32>
    %max3A = arith.constant 1.000000e-30 : f32
    %max3A_7 = vector.broadcast %max3A : f32 to vector<512x1xf32>
    %max3A_8 = arith.maximumf %add3A, %max3A_7 : vector<512x1xf32>
    %rsqrt3A = math.rsqrt %max3A_8 : vector<512x1xf32>
    %jit3A = arith.constant 0.000000e+00 : f32
    %broadcast_in_dim3A = vector.broadcast %jit3A : f32 to vector<512x1xf32>
    %select_n3A = arith.select %gt3A_6, %rsqrt3A, %broadcast_in_dim3A : vector<512x1xi1>, vector<512x1xf32>
    %get3A_9 = arith.constant 0 : index
    %get3A_10 = memref.load %arg1[%get3A_9] : memref<1xf32, #tpu.memory_space<smem>>
    %get3A_11 = arith.constant 0 : index
    %get3A_12 = arith.constant 0 : index
    %get3A_13 = vector.load %arg4[%get3A_11, %get3A_12] : memref<512x128xf32, #tpu.memory_space<vmem>>, vector<512x128xf32>
    %mul3A = vector.broadcast %select_n3A : vector<512x1xf32> to vector<512x128xf32>
    %mul3A_14 = arith.mulf %get3A_13, %mul3A : vector<512x128xf32>
    %get3A_15 = arith.constant 0 : index
    %get3A_16 = arith.constant 0 : index
    %get3A_17 = vector.load %arg5[%get3A_15, %get3A_16] : memref<512x128xf32, #tpu.memory_space<vmem>>, vector<512x128xf32>
    %mul3A_18 = vector.broadcast %select_n3A : vector<512x1xf32> to vector<512x128xf32>
    %mul3A_19 = arith.mulf %get3A_17, %mul3A_18 : vector<512x128xf32>
    %get3A_20 = arith.constant 0 : index
    %get3A_21 = arith.constant 0 : index
    %get3A_22 = vector.load %arg6[%get3A_20, %get3A_21] : memref<512x256xf32, #tpu.memory_space<vmem>>, vector<512x128xf32>
    %mul3A_23 = vector.broadcast %get3A_10 : f32 to vector<512x128xf32>
    %mul3A_24 = arith.mulf %mul3A_23, %mul3A_14 : vector<512x128xf32>
    %add3A_25 = arith.addf %get3A_22, %mul3A_24 : vector<512x128xf32>
    %swap3A = arith.constant 0 : index
    %swap3A_26 = arith.constant 0 : index
    %swap3A_27 = vector.load %arg7[%swap3A, %swap3A_26] : memref<512x256xf32, #tpu.memory_space<vmem>>, vector<512x128xf32>
    tpu.vector_store %arg7[%swap3A, %swap3A_26], %add3A_25 {strides = array<i32>} : memref<512x256xf32, #tpu.memory_space<vmem>>, vector<512x128xf32>,
    %get3A_28 = arith.constant 0 : index
    %get3A_29 = arith.constant 128 : index
    %get3A_30 = vector.load %arg6[%get3A_28, %get3A_29] : memref<512x256xf32, #tpu.memory_space<vmem>>, vector<512x128xf32>
    %mul3A_31 = vector.broadcast %get3A_10 : f32 to vector<512x128xf32>
    %mul3A_32 = arith.mulf %mul3A_31, %mul3A_19 : vector<512x128xf32>
    %add3A_33 = arith.addf %get3A_30, %mul3A_32 : vector<512x128xf32>
    %swap3A_34 = arith.constant 0 : index
    %swap3A_35 = arith.constant 128 : index
    %swap3A_36 = vector.load %arg7[%swap3A_34, %swap3A_35] : memref<512x256xf32, #tpu.memory_space<vmem>>, vector<512x128xf32>
    tpu.vector_store %arg7[%swap3A_34, %swap3A_35], %add3A_33 {strides = array<i32>} : memref<512x256xf32, #tpu.memory_space<vmem>>, vector<512x128xf32>,
    %mul3A_37 = vector.broadcast %select_n3A : vector<512x1xf32> to vector<512x128xf32>
    %mul3A_38 = arith.mulf %mul3A_14, %mul3A_37 : vector<512x128xf32>
    %swap3A_39 = arith.constant 0 : index
    %swap3A_40 = arith.constant 0 : index
    %swap3A_41 = vector.load %arg8[%swap3A_39, %swap3A_40] : memref<512x128xf32, #tpu.memory_space<vmem>>, vector<512x128xf32>
    tpu.vector_store %arg8[%swap3A_39, %swap3A_40], %mul3A_38 {strides = array<i32>} : memref<512x128xf32, #tpu.memory_space<vmem>>, vector<512x128xf32>,
    %mul3A_42 = vector.broadcast %select_n3A : vector<512x1xf32> to vector<512x128xf32>
    %mul3A_43 = arith.mulf %mul3A_19, %mul3A_42 : vector<512x128xf32>
    %swap3A_44 = arith.constant 0 : index
    %swap3A_45 = arith.constant 0 : index
    %swap3A_46 = vector.load %arg9[%swap3A_44, %swap3A_45] : memref<512x128xf32, #tpu.memory_space<vmem>>, vector<512x128xf32>
    tpu.vector_store %arg9[%swap3A_44, %swap3A_45], %mul3A_43 {strides = array<i32>} : memref<512x128xf32, #tpu.memory_space<vmem>>, vector<512x128xf32>,
    return
  }
  func.func @transform_0(%arg0: i32) -> i32 {
    %c0_i32 = arith.constant 0 : i32
    %c0_i32_0 = arith.constant 0 : i32
    return %c0_i32 : i32
  }
  func.func @transform_1(%arg0: i32) -> (i32, i32) {
    %c0_i32 = arith.constant 0 : i32
    %c0_i32_0 = arith.constant 0 : i32
    return %arg0, %c0_i32 : i32, i32
  }
  func.func @transform_2(%arg0: i32) -> (i32, i32) {
    %c0_i32 = arith.constant 0 : i32
    %c0_i32_0 = arith.constant 0 : i32
    return %arg0, %c0_i32 : i32, i32
  }
  func.func @transform_3(%arg0: i32) -> (i32, i32) {
    %c0_i32 = arith.constant 0 : i32
    %c0_i32_0 = arith.constant 0 : i32
    return %arg0, %c0_i32 : i32, i32
  }
  func.func @transform_4(%arg0: i32) -> (i32, i32) {
    %c0_i32 = arith.constant 0 : i32
    %c0_i32_0 = arith.constant 0 : i32
    return %arg0, %c0_i32 : i32, i32
  }
  func.func @transform_5(%arg0: i32) -> (i32, i32) {
    %c0_i32 = arith.constant 0 : i32
    %c0_i32_0 = arith.constant 0 : i32
    return %arg0, %c0_i32 : i32, i32
  }
  func.func @transform_6(%arg0: i32) -> (i32, i32) {
    %c0_i32 = arith.constant 0 : i32
    %c0_i32_0 = arith.constant 0 : i32
    return %arg0, %c0_i32 : i32, i32
  }
  func.func @transform_7(%arg0: i32) -> (i32, i32) {
    %c0_i32 = arith.constant 0 : i32
    %c0_i32_0 = arith.constant 0 : i32
    return %arg0, %c0_i32 : i32, i32
  }
  func.func @transform_8(%arg0: i32) -> (i32, i32) {
    %c0_i32 = arith.constant 0 : i32
    %c0_i32_0 = arith.constant 0 : i32
    return %arg0, %c0_i32 : i32, i32
  }
}

module attributes {stable_mosaic.version = 14 : i64} {
  func.func @_combine_body(%arg0: i32, %arg1: memref<1xf32, #tpu.memory_space<smem>>, %arg2: memref<512x128xf32, #tpu.memory_space<vmem>>, %arg3: memref<512x128xf32, #tpu.memory_space<vmem>>, %arg4: memref<512x128xf32, #tpu.memory_space<vmem>>, %arg5: memref<512x128xf32, #tpu.memory_space<vmem>>, %arg6: memref<512x256xf32, #tpu.memory_space<vmem>>, %arg7: memref<512x256xf32, #tpu.memory_space<vmem>>, %arg8: memref<512x128xf32, #tpu.memory_space<vmem>>, %arg9: memref<512x128xf32, #tpu.memory_space<vmem>>) attributes {dimension_semantics = [#tpu.dimension_semantics<arbitrary>], iteration_bounds = array<i64: 20>, scalar_prefetch = 0 : i64, scratch_operands = 0 : i64, tpu.core_type = #tpu.core_type<tc>, window_params = [{transform_indices = @transform_0, window_bounds = array<i64: 1>}, {transform_indices = @transform_1, window_bounds = array<i64: 512, 128>}, {transform_indices = @transform_2, window_bounds = array<i64: 512, 128>}, {transform_indices = @transform_3, window_bounds = array<i64: 512, 128>}, {transform_indices = @transform_4, window_bounds = array<i64: 512, 128>}, {transform_indices = @transform_5, window_bounds = array<i64: 512, 256>}, {transform_indices = @transform_6, window_bounds = array<i64: 512, 256>}, {transform_indices = @transform_7, window_bounds = array<i64: 512, 128>}, {transform_indices = @transform_8, window_bounds = array<i64: 512, 128>}]} {
    %get3A = arith.constant 0 : index
    %get3A_0 = arith.constant 0 : index
    %get3A_1 = vector.load %arg2[%get3A, %get3A_0] : memref<512x128xf32, #tpu.memory_space<vmem>>, vector<512x1xf32>
    %get3A_2 = arith.constant 0 : index
    %get3A_3 = arith.constant 0 : index
    %get3A_4 = vector.load %arg3[%get3A_2, %get3A_3] : memref<512x128xf32, #tpu.memory_space<vmem>>, vector<512x1xf32>
    %add3A = arith.addf %get3A_1, %get3A_4 : vector<512x1xf32>
    %gt3A = arith.constant 0.000000e+00 : f32
    %gt3A_5 = vector.broadcast %gt3A : f32 to vector<512x1xf32>
    %gt3A_6 = arith.cmpf ogt, %add3A, %gt3A_5 : vector<512x1xf32>
    %max3A = arith.constant 1.000000e-30 : f32
    %max3A_7 = vector.broadcast %max3A : f32 to vector<512x1xf32>
    %max3A_8 = arith.maximumf %add3A, %max3A_7 : vector<512x1xf32>
    %rsqrt3A = math.rsqrt %max3A_8 : vector<512x1xf32>
    %jit3A = arith.constant 0.000000e+00 : f32
    %broadcast_in_dim3A = vector.broadcast %jit3A : f32 to vector<512x1xf32>
    %select_n3A = arith.select %gt3A_6, %rsqrt3A, %broadcast_in_dim3A : vector<512x1xi1>, vector<512x1xf32>
    %get3A_9 = arith.constant 0 : index
    %get3A_10 = memref.load %arg1[%get3A_9] : memref<1xf32, #tpu.memory_space<smem>>
    %get3A_11 = arith.constant 0 : index
    %get3A_12 = arith.constant 0 : index
    %get3A_13 = vector.load %arg4[%get3A_11, %get3A_12] : memref<512x128xf32, #tpu.memory_space<vmem>>, vector<512x128xf32>
    %mul3A = vector.broadcast %select_n3A : vector<512x1xf32> to vector<512x128xf32>
    %mul3A_14 = arith.mulf %get3A_13, %mul3A : vector<512x128xf32>
    %get3A_15 = arith.constant 0 : index
    %get3A_16 = arith.constant 0 : index
    %get3A_17 = vector.load %arg5[%get3A_15, %get3A_16] : memref<512x128xf32, #tpu.memory_space<vmem>>, vector<512x128xf32>
    %mul3A_18 = vector.broadcast %select_n3A : vector<512x1xf32> to vector<512x128xf32>
    %mul3A_19 = arith.mulf %get3A_17, %mul3A_18 : vector<512x128xf32>
    %get3A_20 = arith.constant 0 : index
    %get3A_21 = arith.constant 0 : index
    %get3A_22 = vector.load %arg6[%get3A_20, %get3A_21] : memref<512x256xf32, #tpu.memory_space<vmem>>, vector<512x128xf32>
    %mul3A_23 = vector.broadcast %get3A_10 : f32 to vector<512x128xf32>
    %mul3A_24 = arith.mulf %mul3A_23, %mul3A_14 : vector<512x128xf32>
    %add3A_25 = arith.addf %get3A_22, %mul3A_24 : vector<512x128xf32>
    %swap3A = arith.constant 0 : index
    %swap3A_26 = arith.constant 0 : index
    %swap3A_27 = vector.load %arg7[%swap3A, %swap3A_26] : memref<512x256xf32, #tpu.memory_space<vmem>>, vector<512x128xf32>
    tpu.vector_store %arg7[%swap3A, %swap3A_26], %add3A_25 {strides = array<i32>} : memref<512x256xf32, #tpu.memory_space<vmem>>, vector<512x128xf32>,
    %get3A_28 = arith.constant 0 : index
    %get3A_29 = arith.constant 128 : index
    %get3A_30 = vector.load %arg6[%get3A_28, %get3A_29] : memref<512x256xf32, #tpu.memory_space<vmem>>, vector<512x128xf32>
    %mul3A_31 = vector.broadcast %get3A_10 : f32 to vector<512x128xf32>
    %mul3A_32 = arith.mulf %mul3A_31, %mul3A_19 : vector<512x128xf32>
    %add3A_33 = arith.addf %get3A_30, %mul3A_32 : vector<512x128xf32>
    %swap3A_34 = arith.constant 0 : index
    %swap3A_35 = arith.constant 128 : index
    %swap3A_36 = vector.load %arg7[%swap3A_34, %swap3A_35] : memref<512x256xf32, #tpu.memory_space<vmem>>, vector<512x128xf32>
    tpu.vector_store %arg7[%swap3A_34, %swap3A_35], %add3A_33 {strides = array<i32>} : memref<512x256xf32, #tpu.memory_space<vmem>>, vector<512x128xf32>,
    %mul3A_37 = vector.broadcast %select_n3A : vector<512x1xf32> to vector<512x128xf32>
    %mul3A_38 = arith.mulf %mul3A_14, %mul3A_37 : vector<512x128xf32>
    %swap3A_39 = arith.constant 0 : index
    %swap3A_40 = arith.constant 0 : index
    %swap3A_41 = vector.load %arg8[%swap3A_39, %swap3A_40] : memref<512x128xf32, #tpu.memory_space<vmem>>, vector<512x128xf32>
    tpu.vector_store %arg8[%swap3A_39, %swap3A_40], %mul3A_38 {strides = array<i32>} : memref<512x128xf32, #tpu.memory_space<vmem>>, vector<512x128xf32>,
    %mul3A_42 = vector.broadcast %select_n3A : vector<512x1xf32> to vector<512x128xf32>
    %mul3A_43 = arith.mulf %mul3A_19, %mul3A_42 : vector<512x128xf32>
    %swap3A_44 = arith.constant 0 : index
    %swap3A_45 = arith.constant 0 : index
    %swap3A_46 = vector.load %arg9[%swap3A_44, %swap3A_45] : memref<512x128xf32, #tpu.memory_space<vmem>>, vector<512x128xf32>
    tpu.vector_store %arg9[%swap3A_44, %swap3A_45], %mul3A_43 {strides = array<i32>} : memref<512x128xf32, #tpu.memory_space<vmem>>, vector<512x128xf32>,
    return
  }
  func.func @transform_0(%arg0: i32) -> i32 {
    %c0_i32 = arith.constant 0 : i32
    %c0_i32_0 = arith.constant 0 : i32
    return %c0_i32 : i32
  }
  func.func @transform_1(%arg0: i32) -> (i32, i32) {
    %c0_i32 = arith.constant 0 : i32
    %c0_i32_0 = arith.constant 0 : i32
    return %arg0, %c0_i32 : i32, i32
  }
  func.func @transform_2(%arg0: i32) -> (i32, i32) {
    %c0_i32 = arith.constant 0 : i32
    %c0_i32_0 = arith.constant 0 : i32
    return %arg0, %c0_i32 : i32, i32
  }
  func.func @transform_3(%arg0: i32) -> (i32, i32) {
    %c0_i32 = arith.constant 0 : i32
    %c0_i32_0 = arith.constant 0 : i32
    return %arg0, %c0_i32 : i32, i32
  }
  func.func @transform_4(%arg0: i32) -> (i32, i32) {
    %c0_i32 = arith.constant 0 : i32
    %c0_i32_0 = arith.constant 0 : i32
    return %arg0, %c0_i32 : i32, i32
  }
  func.func @transform_5(%arg0: i32) -> (i32, i32) {
    %c0_i32 = arith.constant 0 : i32
    %c0_i32_0 = arith.constant 0 : i32
    return %arg0, %c0_i32 : i32, i32
  }
  func.func @transform_6(%arg0: i32) -> (i32, i32) {
    %c0_i32 = arith.constant 0 : i32
    %c0_i32_0 = arith.constant 0 : i32
    return %arg0, %c0_i32 : i32, i32
  }
  func.func @transform_7(%arg0: i32) -> (i32, i32) {
    %c0_i32 = arith.constant 0 : i32
    %c0_i32_0 = arith.constant 0 : i32
    return %arg0, %c0_i32 : i32, i32
  }
  func.func @transform_8(%arg0: i32) -> (i32, i32) {
    %c0_i32 = arith.constant 0 : i32
    %c0_i32_0 = arith.constant 0 : i32
    return %arg0, %c0_i32 : i32, i32
  }
}

</mosaic_0001>

<sc_bundles>
// kernel: kernel.11.cloned.1.call-start
scs
__scs_entry_jumppad:
0x0: {  	(pc) =	sbr.rel $0x88, $3  }
0x1: {  	(tag) =	ssettag $0x0;
	lr =	simm.s32 $0x1  }
0x2: {  	[smem:$0x3F9C] =	sst lr;
	_ =	strace $0xD0000000  }
0x3: {  	_ = 	snop  }
0x4: {  	_ = 	snop  }
0x5: {  	_ = 	snop  }
0x6: {  	_ = 	snop  }
0x7: {  	_ = 	snop  }
__scs_overlays_trampoline_lowered:
0x8: {  	[smem:$0x3FAB] =	sst s0  }
0x9: {  	[smem:$0x3FAC] =	sst s1  }
0xa: {  	[smem:$0x3FAD] =	sst s2  }
0xb: {  	[smem:$0x3FAE] =	sst s3  }
0xc: {  	[smem:$0x3FAF] =	sst s4  }
0xd: {  	[smem:$0x3FB0] =	sst s5  }
0xe: {  	[smem:$0x3FB1] =	sst s6  }
0xf: {  	[smem:$0x3FB2] =	sst s7  }
0x10: {  	[smem:$0x3FB3] =	sst s8  }
0x11: {  	[smem:$0x3FB4] =	sst s9;
	s0 =	simm.s32 @!p0 $0x0  }
0x12: {  	s1 =	sld [smem:$0x3F9A];
	s0 =	simm.s32 @p0 $0x1  }
0x13: {  	[smem:$0x3FB5] =	sst s0;
	s0 =	simm.s32 @!p1 $0x0  }
0x14: {  	s2 =	sld [smem:$0x3F99];
	s0 =	simm.s32 @p1 $0x1  }
0x15: {  	[smem:$0x3FB6] =	sst s0;
	s0 =	simm.s32 @!p2 $0x0  }
0x16: {  	s3 =	sld [smem:$0x3FDB];
	s0 =	simm.s32 @p2 $0x1  }
0x17: {  	s4 =	simm.s32 $0x1BF5;
	[smem:$0x3FB8] =	sst s0  }
0x18: {  	s0 =	sld [smem:$0x3F9B];
	_ =	swait.ge [sflag:s4], $0x0  }
0x19: {  	s7 =	sld [smem:$0x3F9C]  }
0x1a: {  	s8 =	sadd.s32 $0xFFFFE003, lr  }
0x1b: {  	s9 =	sadd.s32 $0xFFFFFEF7, lr;
	s5 =	simm.s32 $0xFFFFFFFF;
	p2 =	slt.u32 s8, $0xFFFFF086  }
0x1c: {  	p1 =	slt.u32 s9, $0xF7A;
	s5 =	simm.s32 @!p2 $0x0  }
0x1d: {  	s5 =	simm.s32 @p1 $0x1;
	p0 =	seq.s32 s7, s2  }
0x1e: {  	s7 =	smul.u32 @!p0 $0xF7A, s2;
	p2 =	seq.s32 @!p0 s5, $0x0  }
0x1f: {  	s9 =	smul.u32 $0xF7A, s1;
	s8 =	simm.s32 @!p0 $0x1BF5;
	p2 =	por !p2, p0  }
0x20: {  	[sflag:s8] =	ssyncset.s32 @!p0 $0xFFFFF086;
	s6 =	sadd.s32 @!p0 s3, s7;
	s7 =	simm.s32 @!p0 $0x108  }
0x21: {  	s3 =	sadd.s32 s3, s9;
	s6 =	sadd.s32 @!p0 $0x88, s6;
	s7 =	simm.s32 @p2 $0x1082  }
0x22: {  	[simem:s7], [sflag:s8] =	dma.local @!p0 [hbm:s6], $0xF7A  }
0x23: {  	s9 =	sor.u32 $0xD0000000, s2;
	s6 =	simm.s32 $0x108;
	_ =	swait.ge @!p0 [sflag:s8], $0x0  }
0x24: {  	s3 =	sadd.s32 $0x88, s3;
	s6 =	simm.s32 @!p1 $0x1082;
	[sflag:s4] =	ssyncset.s32 $0xFFFFF086  }
0x25: {  	[simem:s6], [sflag:s4] =	dma.local [hbm:s3], $0xF7A  }
0x26: {  	[smem:$0x3F9C] =	sst s1;
	(tag) =	ssettag s2;
	_ =	strace s9  }
0x27: {  	s1 =	sld [smem:$0x3FAC]  }
0x28: {  	s2 =	sld [smem:$0x3FAD]  }
0x29: {  	s4 =	sld [smem:$0x3FAF]  }
0x2a: {  	p0 =	seq.s32 s5, $0x0;
	s5 =	sld [smem:$0x3FB0]  }
0x2b: {  	s6 =	sld [smem:$0x3FB1]  }
0x2c: {  	s7 =	sld [smem:$0x3FB2]  }
0x2d: {  	s3 =	simm.s32 $0x108;
	s8 =	sld [smem:$0x3FB3]  }
0x2e: {  	s3 =	simm.s32 @!p0 $0x1082;
	s9 =	sld [smem:$0x3FB4]  }
0x2f: {  	lr =	sadd.s32 s0, s3;
	s0 =	sld [smem:$0x3FAB]  }
0x30: {  	s3 =	sld [smem:$0x3FAE]  }
0x31: {  	[smem:$0x3FB7] =	sst s10  }
0x32: {  	s10 =	sld [smem:$0x3FB5];
	_ =	sdelay $0x3  }
0x33: {  	p0 =	seq.s32 s10, $0x1;
	s10 =	sld [smem:$0x3FB7];
	_ =	sdelay $0x3  }
0x34: {  	[smem:$0x3FB7] =	sst s10  }
0x35: {  	s10 =	sld [smem:$0x3FB6];
	_ =	sdelay $0x3  }
0x36: {  	p1 =	seq.s32 s10, $0x1;
	s10 =	sld [smem:$0x3FB7];
	_ =	sdelay $0x3  }
0x37: {  	[smem:$0x3FB7] =	sst s10  }
0x38: {  	s10 =	sld [smem:$0x3FB8]  }
0x39: {  	_ = 	snop;
	(pc) =	sbr.ind lr, $3  }
0x3a: {  	_ = 	snop  }
0x3b: {  	_ = 	snop  }
0x3c: {  	p2 =	seq.s32 s10, $0x1;
	s10 =	sld [smem:$0x3FB7]  }
0x3d: {  	_ =	shalt  }
0x3e: {  	_ =	shalt  }
0x3f: {  	_ =	shalt  }
0x40: {  	_ =	shalt  }
0x41: {  	_ =	shalt  }
0x42: {  	_ =	shalt  }
0x43: {  	_ =	shalt  }
0x44: {  	_ =	shalt  }
0x45: {  	_ =	shalt  }
0x46: {  	_ =	shalt  }
0x47: {  	_ =	shalt  }
0x48: {  	_ =	shalt  }
0x49: {  	_ =	shalt  }
0x4a: {  	_ =	shalt  }
0x4b: {  	_ =	shalt  }
0x4c: {  	_ =	shalt  }
0x4d: {  	_ =	shalt  }
0x4e: {  	_ =	shalt  }
0x4f: {  	_ =	shalt  }
0x50: {  	_ =	shalt  }
0x51: {  	_ =	shalt  }
0x52: {  	_ =	shalt  }
0x53: {  	_ =	shalt  }
0x54: {  	_ =	shalt  }
0x55: {  	_ =	shalt  }
0x56: {  	_ =	shalt  }
0x57: {  	_ =	shalt  }
0x58: {  	_ =	shalt  }
0x59: {  	_ =	shalt  }
0x5a: {  	_ =	shalt  }
0x5b: {  	_ =	shalt  }
0x5c: {  	_ =	shalt  }
0x5d: {  	_ =	shalt  }
0x5e: {  	_ =	shalt  }
0x5f: {  	_ =	shalt  }
0x60: {  	_ =	shalt  }
0x61: {  	_ =	shalt  }
0x62: {  	_ =	shalt  }
0x63: {  	_ =	shalt  }
0x64: {  	_ =	shalt  }
0x65: {  	_ =	shalt  }
0x66: {  	_ =	shalt  }
0x67: {  	_ =	shalt  }
0x68: {  	_ =	shalt  }
0x69: {  	_ =	shalt  }
0x6a: {  	_ =	shalt  }
0x6b: {  	_ =	shalt  }
0x6c: {  	_ =	shalt  }
0x6d: {  	_ =	shalt  }
0x6e: {  	_ =	shalt  }
0x6f: {  	_ =	shalt  }
0x70: {  	_ =	shalt  }
0x71: {  	_ =	shalt  }
0x72: {  	_ =	shalt  }
0x73: {  	_ =	shalt  }
0x74: {  	_ =	shalt  }
0x75: {  	_ =	shalt  }
0x76: {  	_ =	shalt  }
0x77: {  	_ =	shalt  }
0x78: {  	_ =	shalt  }
0x79: {  	_ =	shalt  }
0x7a: {  	_ =	shalt  }
0x7b: {  	_ =	shalt  }
0x7c: {  	_ =	shalt  }
0x7d: {  	_ =	shalt  }
0x7e: {  	_ =	shalt  }
0x7f: {  	_ =	shalt  }
0x80: {  	_ =	shalt  }
0x81: {  	_ =	shalt  }
0x82: {  	_ =	shalt  }
0x83: {  	_ =	shalt  }
0x84: {  	_ =	shalt  }
0x85: {  	_ =	shalt  }
0x86: {  	_ =	shalt  }
0x87: {  	_ =	shalt  }
.Lfunc_end0:
.L_simem_size_0:
called_computation_lowered:
.L_overlay_start_0:
0x88: {  	s2 =	sld [smem:$0x3FD9]  }
0x89: {  	s3 =	sld [smem:$0x3FFE];
	_ =	sdelay $0x1  }
0x8a: {  	s1 =	srdreg.scid  }
0x8b: {  	s0 =	sand.u32 $0x1, s1  }
0x8c: {  	s17 =	sshll.u32 s0, $0xA;
	s2 =	sadd.s32 s3, s2  }
0x8d: {  	s2 =	sadd.s32 s2, s17  }
0x8e: {  	[smem:$0x3FC3] =	sst s2  }
0x8f: {  	_ = 	snop  }
0x90: {  	s2 =	sld [smem:$0x3FD0];
	(tm) =	ssettm $0x1  }
0x91: {  	s18 =	sld [smem:$0x3FFB];
	_ =	sdelay $0x3  }
0x92: {  	_ =	strace s18  }
0x93: {  	s3 =	sld [smem:$0x3FFC];
	_ =	sdelay $0x3  }
0x94: {  	_ =	strace s3  }
0x95: {  	s3 =	sld [smem:$0x3FFD];
	_ =	sdelay $0x3  }
0x96: {  	_ =	strace s3  }
0x97: {  	_ =	strace $0x8FFFFFFF  }
0x98: {  	s19 =	sld [smem:$0x3FDB];
	_ =	sdelay $0x1  }
0x99: {  	s4 =	simm.s32 $_scs_section_size  }
0x9a: {  	s5 =	simm.s32 $_size__tile_overlayer_lowered;
	s6 =	simm.s32 $_tile_overlayer_lowered  }
0x9b: {  	s22 =	simm.s32 $0x1BFF;
	s21 =	sshll.u32 s6, $0x1;
	s3 =	sadd.s32 s4, s19  }
0x9c: {  	s7 =	simm.s32 $0x0;
	s20 =	sshll.u32 s5, $0x1;
	s5 =	sadd.s32 s21, s3  }
0x9d: {  	[timem:s7], [sflag:s22] =	dma.local [hbm:s5], s20  }
0x9e: {  	_ =	swait.ge [sflag:s22], s20  }
0x9f: {  	s4 =	ssub.s32 $0x0, s20;
	[sflag:s22] =	ssyncset.done $0x0  }
0xa0: {  	[sflag:s22] =	ssyncadd.s32 s4;
	_ =	sdelay $0x1  }
0xa1: {  	s23 =	simm.s32 $0x1B8B  }
0xa2: {  	_ =	swait.ge [sflag:s23], $0x1  }
0xa3: {  	[sflag:s23] =	ssyncset.done $0x0  }
0xa4: {  	s25 =	simm.s32 $0x1B8E;
	s24 =	sld [smem:$0x3FFE];
	[sflag:s23] =	ssyncadd.s32 $0xFFFFFFFF  }
0xa5: {  	s26 =	simm.s32 $execute0_lowered;
	[smem:$0x3FD2] =	sst s25  }
0xa6: {  	s5 =	sshll.u32 s26, $0x1;
	_ =	strace $0x80000046;
	[dreg:$0x1] =	wrdreg $0xFFFFFFFF  }
0xa7: {  	s28 =	simm.s32 $_size_execute0_lowered;
	s3 =	sadd.s32 s3, s5;
	[dreg:$0x0] =	wrdreg $0x0  }
0xa8: {  	s5 =	sshll.u32 s28, $0x1;
	[dreg:$0x2] =	wrdreg s3  }
0xa9: {  	[dreg:$0x3] =	wrdreg s5  }
0xaa: {  	[dreg:$0x4] =	wrdreg $0xC0  }
0xab: {  	_ =	task [dreg:s7], $0x5FFFF  }
0xac: {  	[dreg:$0x1] =	wrdreg $0xFFFFFFFF  }
0xad: {  	[dreg:$0x0] =	wrdreg $0x60  }
0xae: {  	[dreg:$0x2] =	wrdreg s24  }
0xaf: {  	[dreg:$0x3] =	wrdreg s2  }
0xb0: {  	[dreg:$0x4] =	wrdreg $0x54000  }
0xb1: {  	[dreg:$0x5] =	wrdreg $0x9  }
0xb2: {  	_ =	task.clear_ibuf [dreg:s7], $0x6FFFF;
	_ =	strace $0x90000046  }
0xb3: {  	s29 =	simm.s32 $0x9;
	_ =	strace $0x80000048  }
0xb4: {  	_ =	swait.ge [sflag:s29], $0x1  }
0xb5: {  	[sflag:s29] =	ssyncadd.s32 $0xFFFFFFFF  }
0xb6: {  	_ =	strace $0x90000048  }
0xb7: {  	_ =	sfence  }
0xb8: {  	s30 =	sld [smem:$0x0];
	_ =	sdelay $0x2  }
0xb9: {  	s31 =	sshll.u32 s1, $0xD;
	s1 =	sshrl.u32 s1, $0x2  }
0xba: {  	s3 =	sand.u32 $0x4000, s31;
	s1 =	sadd.s32 s1, s30  }
0xbb: {  	s0 =	sor.u32 s3, s0;
	s1 =	sshll.u32 s1, $0x11  }
0xbc: {  	s0 =	sor.u32 s1, s0  }
0xbd: {  	s0 =	sadd.s32 $0x8F2B, s0  }
0xbe: {  	[sflag:s0] =	ssyncadd.remote.s32 $0x1  }
0xbf: {  	_ =	sfence.sel $0xFFFF  }
0xc0: {  	[dreg:$0x0] =	wrdreg $0xFFFFFFFF;
	(pc) =	sbr.abs _section_cstart, $3  }
0xc1: {  	[dreg:$0x1] =	wrdreg $0xFFFFFFFF  }
0xc2: {  	_ =	task.clear_ibuf [dreg:s7], $0x2FFFF;
	_ =	strace $0x9FFFFFFF  }
0xc3: {  	(tm) =	ssettm $0x7FFFFFFF  }
tec
execute0_lowered:
.L_overlay_start_1:
0x0: {  	(tag) =	ssettag $0x1  }
0x1: {  	s1 =	rddreg [dreg:$0x0]  }
0x2: {  	s0 =	srdreg.scid;
	s14 =	rddreg [dreg:$0x1]  }
0x3: {  	s11 =	stileid.u32;
	s2 =	rddreg [dreg:$0x2]  }
0x4: {  	s21 =	simm.s32 $0x2;
	s22 =	simm.s32 $0x80;
	s5 =	smul.u32 $0x50000, s11  }
0x5: {  	s31 =	simm.s32 $0x1180;
	s23 =	simm.s32 $0x1300;
	s15 =	smul.u32 $0x280, s11  }
0x6: {  	s28 =	simm.s32 $0x0;
	s0 =	sand.u32 $0x1, s0;
	s16 =	smul.u32 $0x2800, s11  }
0x7: {  	s3 =	sshll.u32 s0, $0x4;
	s6 =	ssub.s32 $0x2, s0;
	p0 =	seq.s32 s0, $0x0  }
0x8: {  	s4 =	sor.u32 s11, s3;
	s3 =	simm.s32 $0x0;
	s24 =	sshrl.u32 s6, $0x1  }
0x9: {  	s5 =	sshrl.u32 s5, $0x2;
	s25 =	sadd.s32 $0x80, s15;
	s13 =	sadd.s32 $0x100, s15  }
0xa: {  	s17 =	sadd.s32 $0x180, s15;
	s15 =	sadd.s32 $0x200, s15;
	s4 =	smul.u32 $0x280, s4  }
0xb: {  	[smem:$0x7FF] =	sst s3;
	s6 =	ssub.s32 s6, s24;
	s26 =	sshll.u32 s25, $0x7  }
0xc: {  	s12 =	sshll.u32 s13, $0x7;
	s0 =	sshll.u32 s25, $0x4;
	s18 =	sshll.u32 s17, $0x7  }
0xd: {  	s19 =	sshll.u32 s13, $0x4;
	s29 =	sshll.u32 s17, $0x4;
	s30 =	sshll.u32 s15, $0x7  }
0xe: {  	s20 =	sshll.u32 s15, $0x4;
	s25 =	simm.s32 $0x1;
	s24 =	simm.s32 $0x1380  }
0xf: {  	_ =	strace $0x80000047;
	s6 =	smax.u32 s6, $0x1;
	s11 =	sadd.s32 s26, s2  }
0x10: {  	s12 =	sadd.s32 s12, s2;
	s13 =	sadd.s32 s18, s2;
	s26 =	simm.s32 $0x3  }
0x11: {  	s7 =	sadd.s32 s4, s1;
	s1 =	sadd.s32 $0x8E00, s1;
	s4 =	sadd.s32 s5, s2  }
0x12: {  	s5 =	sadd.s32 $0x3E00, s7;
	s7 =	sadd.s32 $0x4000, s4;
	s8 =	sadd.s32 $0x8000, s4  }
0x13: {  	s9 =	sadd.s32 $0xC000, s4;
	s10 =	sadd.s32 $0x10000, s4;
	s1 =	smov.u32 @p0 s14  }
0x14: {  	s14 =	sadd.s32 s30, s2;
	s15 =	sadd.s32 s1, s16;
	s16 =	sadd.s32 s1, s0  }
0x15: {  	s17 =	sadd.s32 s1, s19;
	s18 =	sadd.s32 s1, s29;
	s19 =	sadd.s32 s1, s20  }
0x16: {  	v0 =	vimm.f32 $0.0e+00;
	v1 =	vimm.f32 $1.000000000e+00;
	s20 =	simm.s32 $0x1400;
	s1 =	simm.s32 $0x1200;
	s0 =	simm.s32 $0x1280  }
.LBB2_1:
0x17: {  	s29 =	simm.s32 $0x0;
	s30 =	simm.s32 $0x200  }
.LBB2_2:
0x18: {  	p1 =	sne.s32 s30, $0xFE00;
	[tilespmem:s29+$0x1470] =	vst v0  }
0x19: {  	[tilespmem:s29+$0x1400] =	vst v0  }
0x1a: {  	[tilespmem:s29+$0x1410] =	vst v0  }
.Ltmp0:
0x1b: {  	[tilespmem:s29+$0x1420] =	vst v0;
	(pc) =	sbr.rel @p1 .LBB2_2-.Ltmp0, $4  }
0x1c: {  	[tilespmem:s29+$0x1430] =	vst v0  }
0x1d: {  	[tilespmem:s29+$0x1440] =	vst v0  }
0x1e: {  	[tilespmem:s29+$0x1450] =	vst v0  }
0x1f: {  	[tilespmem:s29+$0x1460] =	vst v0;
	s29 =	sshra.s32 s30, $0x2;
	s30 =	sadd.s32 $0x200, s30  }
0x20: {  	[tilespmem:s29+$0x1470] =	vst v0  }
0x21: {  	[tilespmem:s29+$0x1400] =	vst v0  }
0x22: {  	[tilespmem:s29+$0x1410] =	vst v0  }
0x23: {  	[tilespmem:s29+$0x1420] =	vst v0  }
0x24: {  	[tilespmem:s29+$0x1430] =	vst v0  }
0x25: {  	[tilespmem:s29+$0x1440] =	vst v0  }
0x26: {  	[tilespmem:s29+$0x1450] =	vst v0  }
0x27: {  	[tilespmem:s29+$0x1460] =	vst v0  }
0x28: {  	[spmem:s4] =	stream.linear.scatter [tilespmem:s20], [sflag:$0x2], $0x4000, $0x38;
	[tilespmem:$0x19400] =	vst v63  }
0x29: {  	_ =	swait.ge [sflag:s21], $0x4000  }
0x2a: {  	[sflag:s21] =	ssyncset.done $0x0  }
0x2b: {  	[sflag:s21] =	ssyncadd.s32 $0xFFFFC000  }
0x2c: {  	[spmem:s7] =	stream.linear.scatter [tilespmem:s20], [sflag:$0x2], $0x4000, $0x38;
	[tilespmem:$0x19400] =	vst v63  }
0x2d: {  	_ =	swait.ge [sflag:s21], $0x4000  }
0x2e: {  	[sflag:s21] =	ssyncset.done $0x0  }
0x2f: {  	[sflag:s21] =	ssyncadd.s32 $0xFFFFC000  }
0x30: {  	[spmem:s8] =	stream.linear.scatter [tilespmem:s20], [sflag:$0x2], $0x4000, $0x38;
	[tilespmem:$0x19400] =	vst v63  }
0x31: {  	_ =	swait.ge [sflag:s21], $0x4000  }
0x32: {  	[sflag:s21] =	ssyncset.done $0x0  }
0x33: {  	[sflag:s21] =	ssyncadd.s32 $0xFFFFC000  }
0x34: {  	[spmem:s9] =	stream.linear.scatter [tilespmem:s20], [sflag:$0x2], $0x4000, $0x38;
	[tilespmem:$0x19400] =	vst v63  }
0x35: {  	_ =	swait.ge [sflag:s21], $0x4000  }
0x36: {  	[sflag:s21] =	ssyncset.done $0x0  }
0x37: {  	[sflag:s21] =	ssyncadd.s32 $0xFFFFC000  }
0x38: {  	[spmem:s10] =	stream.linear.scatter [tilespmem:s20], [sflag:$0x2], $0x4000, $0x38;
	[tilespmem:$0x19400] =	vst v63  }
0x39: {  	_ =	swait.ge [sflag:s21], $0x4000  }
0x3a: {  	[sflag:s21] =	ssyncset.done $0x0  }
0x3b: {  	s29 =	simm.s32 $0x0;
	s30 =	simm.s32 $0x200;
	[sflag:s21] =	ssyncadd.s32 $0xFFFFC000  }
.LBB2_4:
0x3c: {  	p1 =	sne.s32 s30, $0xFE00;
	[tilespmem:s29+$0x1470] =	vst v1  }
0x3d: {  	[tilespmem:s29+$0x1400] =	vst v1  }
0x3e: {  	[tilespmem:s29+$0x1410] =	vst v1  }
.Ltmp1:
0x3f: {  	[tilespmem:s29+$0x1420] =	vst v1;
	(pc) =	sbr.rel @p1 .LBB2_4-.Ltmp1, $4  }
0x40: {  	[tilespmem:s29+$0x1430] =	vst v1  }
0x41: {  	[tilespmem:s29+$0x1440] =	vst v1  }
0x42: {  	[tilespmem:s29+$0x1450] =	vst v1  }
0x43: {  	[tilespmem:s29+$0x1460] =	vst v1;
	s29 =	sshra.s32 s30, $0x2;
	s30 =	sadd.s32 $0x200, s30  }
0x44: {  	[tilespmem:s29+$0x1470] =	vst v1  }
0x45: {  	[tilespmem:s29+$0x1400] =	vst v1  }
0x46: {  	[tilespmem:s29+$0x1410] =	vst v1  }
0x47: {  	[tilespmem:s29+$0x1420] =	vst v1  }
0x48: {  	[tilespmem:s29+$0x1430] =	vst v1  }
0x49: {  	[tilespmem:s29+$0x1440] =	vst v1  }
0x4a: {  	[tilespmem:s29+$0x1450] =	vst v1  }
0x4b: {  	[tilespmem:s29+$0x1460] =	vst v1  }
0x4c: {  	[bflag:$0x0] =	sbarrier.arrive $0xFFFF  }
0x4d: {  	[tilespmem:s3], [sflag:$0x2] =	stream.linear.gather [hbm4b:s5+s3], $0x1400, $0x38;
	[tilespmem:$0x19400] =	vst v63  }
0x4e: {  	_ =	swait.ge [sflag:s21], $0x1400  }
0x4f: {  	[sflag:s21] =	ssyncset.done $0x0  }
0x50: {  	[sflag:s21] =	ssyncadd.s32 $0xFFFFEC00  }
0x51: {  	[spmem:s2] =	stream.indirect.scatter.add.f32 [tilespmem:s20], [sflag:$0x1], $0x80, s3, s22, $0xb8;
	[tilespmem:$0x19400] =	vst v63  }
0x52: {  	_ = 	snop  }
0x53: {  	[spmem:s2] =	stream.indirect.scatter.add.f32 [tilespmem:s20], [sflag:$0x1], $0x80, s22, s22, $0xb8;
	[tilespmem:$0x19400] =	vst v63  }
0x54: {  	s30 =	simm.s32 $0x100  }
0x55: {  	[spmem:s2] =	stream.indirect.scatter.add.f32 [tilespmem:s20], [sflag:$0x1], $0x80, s30, s22, $0xb8;
	[tilespmem:$0x19400] =	vst v63  }
0x56: {  	s30 =	simm.s32 $0x180  }
0x57: {  	[spmem:s2] =	stream.indirect.scatter.add.f32 [tilespmem:s20], [sflag:$0x1], $0x80, s30, s22, $0xb8;
	[tilespmem:$0x19400] =	vst v63  }
0x58: {  	_ =	swait.ge [sflag:s25], $0x4000  }
0x59: {  	[sflag:s25] =	ssyncset.done $0x0  }
0x5a: {  	[sflag:s25] =	ssyncadd.s32 $0xFFFFC000  }
0x5b: {  	_ =	swait.ge [sflag:s25], $0x4000  }
0x5c: {  	[sflag:s25] =	ssyncset.done $0x0  }
0x5d: {  	[sflag:s25] =	ssyncadd.s32 $0xFFFFC000  }
0x5e: {  	_ =	swait.ge [sflag:s25], $0x4000  }
0x5f: {  	[sflag:s25] =	ssyncset.done $0x0  }
0x60: {  	[sflag:s25] =	ssyncadd.s32 $0xFFFFC000  }
0x61: {  	_ =	swait.ge [sflag:s25], $0x4000  }
0x62: {  	[sflag:s25] =	ssyncset.done $0x0  }
0x63: {  	s30 =	simm.s32 $0x200;
	[sflag:s25] =	ssyncadd.s32 $0xFFFFC000  }
0x64: {  	[spmem:s2] =	stream.indirect.scatter.add.f32 [tilespmem:s20], [sflag:$0x1], $0x80, s30, s22, $0xb8;
	[tilespmem:$0x19400] =	vst v63  }
0x65: {  	s30 =	simm.s32 $0x280  }
0x66: {  	[spmem:s2] =	stream.indirect.scatter.add.f32 [tilespmem:s20], [sflag:$0x1], $0x80, s30, s22, $0xb8;
	[tilespmem:$0x19400] =	vst v63  }
0x67: {  	s30 =	simm.s32 $0x300  }
0x68: {  	[spmem:s2] =	stream.indirect.scatter.add.f32 [tilespmem:s20], [sflag:$0x1], $0x80, s30, s22, $0xb8;
	[tilespmem:$0x19400] =	vst v63  }
0x69: {  	s30 =	simm.s32 $0x380  }
0x6a: {  	[spmem:s2] =	stream.indirect.scatter.add.f32 [tilespmem:s20], [sflag:$0x1], $0x80, s30, s22, $0xb8;
	[tilespmem:$0x19400] =	vst v63  }
0x6b: {  	_ =	swait.ge [sflag:s25], $0x4000  }
0x6c: {  	[sflag:s25] =	ssyncset.done $0x0  }
0x6d: {  	[sflag:s25] =	ssyncadd.s32 $0xFFFFC000  }
0x6e: {  	_ =	swait.ge [sflag:s25], $0x4000  }
0x6f: {  	[sflag:s25] =	ssyncset.done $0x0  }
0x70: {  	[sflag:s25] =	ssyncadd.s32 $0xFFFFC000  }
0x71: {  	_ =	swait.ge [sflag:s25], $0x4000  }
0x72: {  	[sflag:s25] =	ssyncset.done $0x0  }
0x73: {  	[sflag:s25] =	ssyncadd.s32 $0xFFFFC000  }
0x74: {  	_ =	swait.ge [sflag:s25], $0x4000  }
0x75: {  	[sflag:s25] =	ssyncset.done $0x0  }
0x76: {  	s30 =	simm.s32 $0x400;
	[sflag:s25] =	ssyncadd.s32 $0xFFFFC000  }
0x77: {  	[spmem:s2] =	stream.indirect.scatter.add.f32 [tilespmem:s20], [sflag:$0x1], $0x80, s30, s22, $0xb8;
	[tilespmem:$0x19400] =	vst v63  }
0x78: {  	s30 =	simm.s32 $0x480  }
0x79: {  	[spmem:s2] =	stream.indirect.scatter.add.f32 [tilespmem:s20], [sflag:$0x1], $0x80, s30, s22, $0xb8;
	[tilespmem:$0x19400] =	vst v63  }
0x7a: {  	s30 =	simm.s32 $0x500  }
0x7b: {  	[spmem:s2] =	stream.indirect.scatter.add.f32 [tilespmem:s20], [sflag:$0x1], $0x80, s30, s22, $0xb8;
	[tilespmem:$0x19400] =	vst v63  }
0x7c: {  	s30 =	simm.s32 $0x580  }
0x7d: {  	[spmem:s2] =	stream.indirect.scatter.add.f32 [tilespmem:s20], [sflag:$0x1], $0x80, s30, s22, $0xb8;
	[tilespmem:$0x19400] =	vst v63  }
0x7e: {  	_ =	swait.ge [sflag:s25], $0x4000  }
0x7f: {  	[sflag:s25] =	ssyncset.done $0x0  }
0x80: {  	[sflag:s25] =	ssyncadd.s32 $0xFFFFC000  }
0x81: {  	_ =	swait.ge [sflag:s25], $0x4000  }
0x82: {  	[sflag:s25] =	ssyncset.done $0x0  }
0x83: {  	[sflag:s25] =	ssyncadd.s32 $0xFFFFC000  }
0x84: {  	_ =	swait.ge [sflag:s25], $0x4000  }
0x85: {  	[sflag:s25] =	ssyncset.done $0x0  }
0x86: {  	[sflag:s25] =	ssyncadd.s32 $0xFFFFC000  }
0x87: {  	_ =	swait.ge [sflag:s25], $0x4000  }
0x88: {  	[sflag:s25] =	ssyncset.done $0x0  }
0x89: {  	s30 =	simm.s32 $0x600;
	[sflag:s25] =	ssyncadd.s32 $0xFFFFC000  }
0x8a: {  	[spmem:s2] =	stream.indirect.scatter.add.f32 [tilespmem:s20], [sflag:$0x1], $0x80, s30, s22, $0xb8;
	[tilespmem:$0x19400] =	vst v63  }
0x8b: {  	s30 =	simm.s32 $0x680  }
0x8c: {  	[spmem:s2] =	stream.indirect.scatter.add.f32 [tilespmem:s20], [sflag:$0x1], $0x80, s30, s22, $0xb8;
	[tilespmem:$0x19400] =	vst v63  }
0x8d: {  	s30 =	simm.s32 $0x700  }
0x8e: {  	[spmem:s2] =	stream.indirect.scatter.add.f32 [tilespmem:s20], [sflag:$0x1], $0x80, s30, s22, $0xb8;
	[tilespmem:$0x19400] =	vst v63  }
0x8f: {  	s30 =	simm.s32 $0x780  }
0x90: {  	[spmem:s2] =	stream.indirect.scatter.add.f32 [tilespmem:s20], [sflag:$0x1], $0x80, s30, s22, $0xb8;
	[tilespmem:$0x19400] =	vst v63  }
0x91: {  	_ =	swait.ge [sflag:s25], $0x4000  }
0x92: {  	[sflag:s25] =	ssyncset.done $0x0  }
0x93: {  	[sflag:s25] =	ssyncadd.s32 $0xFFFFC000  }
0x94: {  	_ =	swait.ge [sflag:s25], $0x4000  }
0x95: {  	[sflag:s25] =	ssyncset.done $0x0  }
0x96: {  	[sflag:s25] =	ssyncadd.s32 $0xFFFFC000  }
0x97: {  	_ =	swait.ge [sflag:s25], $0x4000  }
0x98: {  	[sflag:s25] =	ssyncset.done $0x0  }
0x99: {  	[sflag:s25] =	ssyncadd.s32 $0xFFFFC000  }
0x9a: {  	_ =	swait.ge [sflag:s25], $0x4000  }
0x9b: {  	[sflag:s25] =	ssyncset.done $0x0  }
0x9c: {  	s30 =	simm.s32 $0x800;
	[sflag:s25] =	ssyncadd.s32 $0xFFFFC000  }
0x9d: {  	[spmem:s2] =	stream.indirect.scatter.add.f32 [tilespmem:s20], [sflag:$0x1], $0x80, s30, s22, $0xb8;
	[tilespmem:$0x19400] =	vst v63  }
0x9e: {  	s30 =	simm.s32 $0x880  }
0x9f: {  	[spmem:s2] =	stream.indirect.scatter.add.f32 [tilespmem:s20], [sflag:$0x1], $0x80, s30, s22, $0xb8;
	[tilespmem:$0x19400] =	vst v63  }
0xa0: {  	s30 =	simm.s32 $0x900  }
0xa1: {  	[spmem:s2] =	stream.indirect.scatter.add.f32 [tilespmem:s20], [sflag:$0x1], $0x80, s30, s22, $0xb8;
	[tilespmem:$0x19400] =	vst v63  }
0xa2: {  	s30 =	simm.s32 $0x980  }
0xa3: {  	[spmem:s2] =	stream.indirect.scatter.add.f32 [tilespmem:s20], [sflag:$0x1], $0x80, s30, s22, $0xb8;
	[tilespmem:$0x19400] =	vst v63  }
0xa4: {  	_ =	swait.ge [sflag:s25], $0x4000  }
0xa5: {  	[sflag:s25] =	ssyncset.done $0x0  }
0xa6: {  	[sflag:s25] =	ssyncadd.s32 $0xFFFFC000  }
0xa7: {  	_ =	swait.ge [sflag:s25], $0x4000  }
0xa8: {  	[sflag:s25] =	ssyncset.done $0x0  }
0xa9: {  	[sflag:s25] =	ssyncadd.s32 $0xFFFFC000  }
0xaa: {  	_ =	swait.ge [sflag:s25], $0x4000  }
0xab: {  	[sflag:s25] =	ssyncset.done $0x0  }
0xac: {  	[sflag:s25] =	ssyncadd.s32 $0xFFFFC000  }
0xad: {  	_ =	swait.ge [sflag:s25], $0x4000  }
0xae: {  	[sflag:s25] =	ssyncset.done $0x0  }
0xaf: {  	s30 =	simm.s32 $0xA00;
	[sflag:s25] =	ssyncadd.s32 $0xFFFFC000  }
0xb0: {  	[spmem:s2] =	stream.indirect.scatter.add.f32 [tilespmem:s20], [sflag:$0x1], $0x80, s30, s22, $0xb8;
	[tilespmem:$0x19400] =	vst v63  }
0xb1: {  	s30 =	simm.s32 $0xA80  }
0xb2: {  	[spmem:s2] =	stream.indirect.scatter.add.f32 [tilespmem:s20], [sflag:$0x1], $0x80, s30, s22, $0xb8;
	[tilespmem:$0x19400] =	vst v63  }
0xb3: {  	s30 =	simm.s32 $0xB00  }
0xb4: {  	[spmem:s2] =	stream.indirect.scatter.add.f32 [tilespmem:s20], [sflag:$0x1], $0x80, s30, s22, $0xb8;
	[tilespmem:$0x19400] =	vst v63  }
0xb5: {  	s30 =	simm.s32 $0xB80  }
0xb6: {  	[spmem:s2] =	stream.indirect.scatter.add.f32 [tilespmem:s20], [sflag:$0x1], $0x80, s30, s22, $0xb8;
	[tilespmem:$0x19400] =	vst v63  }
0xb7: {  	_ =	swait.ge [sflag:s25], $0x4000  }
0xb8: {  	[sflag:s25] =	ssyncset.done $0x0  }
0xb9: {  	[sflag:s25] =	ssyncadd.s32 $0xFFFFC000  }
0xba: {  	_ =	swait.ge [sflag:s25], $0x4000  }
0xbb: {  	[sflag:s25] =	ssyncset.done $0x0  }
0xbc: {  	[sflag:s25] =	ssyncadd.s32 $0xFFFFC000  }
0xbd: {  	_ =	swait.ge [sflag:s25], $0x4000  }
0xbe: {  	[sflag:s25] =	ssyncset.done $0x0  }
0xbf: {  	[sflag:s25] =	ssyncadd.s32 $0xFFFFC000  }
0xc0: {  	_ =	swait.ge [sflag:s25], $0x4000  }
0xc1: {  	[sflag:s25] =	ssyncset.done $0x0  }
0xc2: {  	s30 =	simm.s32 $0xC00;
	[sflag:s25] =	ssyncadd.s32 $0xFFFFC000  }
0xc3: {  	[spmem:s2] =	stream.indirect.scatter.add.f32 [tilespmem:s20], [sflag:$0x1], $0x80, s30, s22, $0xb8;
	[tilespmem:$0x19400] =	vst v63  }
0xc4: {  	s30 =	simm.s32 $0xC80  }
0xc5: {  	[spmem:s2] =	stream.indirect.scatter.add.f32 [tilespmem:s20], [sflag:$0x1], $0x80, s30, s22, $0xb8;
	[tilespmem:$0x19400] =	vst v63  }
0xc6: {  	s30 =	simm.s32 $0xD00  }
0xc7: {  	[spmem:s2] =	stream.indirect.scatter.add.f32 [tilespmem:s20], [sflag:$0x1], $0x80, s30, s22, $0xb8;
	[tilespmem:$0x19400] =	vst v63  }
0xc8: {  	s30 =	simm.s32 $0xD80  }
0xc9: {  	[spmem:s2] =	stream.indirect.scatter.add.f32 [tilespmem:s20], [sflag:$0x1], $0x80, s30, s22, $0xb8;
	[tilespmem:$0x19400] =	vst v63  }
0xca: {  	_ =	swait.ge [sflag:s25], $0x4000  }
0xcb: {  	[sflag:s25] =	ssyncset.done $0x0  }
0xcc: {  	[sflag:s25] =	ssyncadd.s32 $0xFFFFC000  }
0xcd: {  	_ =	swait.ge [sflag:s25], $0x4000  }
0xce: {  	[sflag:s25] =	ssyncset.done $0x0  }
0xcf: {  	[sflag:s25] =	ssyncadd.s32 $0xFFFFC000  }
0xd0: {  	_ =	swait.ge [sflag:s25], $0x4000  }
0xd1: {  	[sflag:s25] =	ssyncset.done $0x0  }
0xd2: {  	[sflag:s25] =	ssyncadd.s32 $0xFFFFC000  }
0xd3: {  	_ =	swait.ge [sflag:s25], $0x4000  }
0xd4: {  	[sflag:s25] =	ssyncset.done $0x0  }
0xd5: {  	s30 =	simm.s32 $0xE00;
	[sflag:s25] =	ssyncadd.s32 $0xFFFFC000  }
0xd6: {  	[spmem:s2] =	stream.indirect.scatter.add.f32 [tilespmem:s20], [sflag:$0x1], $0x80, s30, s22, $0xb8;
	[tilespmem:$0x19400] =	vst v63  }
0xd7: {  	s30 =	simm.s32 $0xE80  }
0xd8: {  	[spmem:s2] =	stream.indirect.scatter.add.f32 [tilespmem:s20], [sflag:$0x1], $0x80, s30, s22, $0xb8;
	[tilespmem:$0x19400] =	vst v63  }
0xd9: {  	s30 =	simm.s32 $0xF00  }
0xda: {  	[spmem:s2] =	stream.indirect.scatter.add.f32 [tilespmem:s20], [sflag:$0x1], $0x80, s30, s22, $0xb8;
	[tilespmem:$0x19400] =	vst v63  }
0xdb: {  	s30 =	simm.s32 $0xF80  }
0xdc: {  	[spmem:s2] =	stream.indirect.scatter.add.f32 [tilespmem:s20], [sflag:$0x1], $0x80, s30, s22, $0xb8;
	[tilespmem:$0x19400] =	vst v63  }
0xdd: {  	_ =	swait.ge [sflag:s25], $0x4000  }
0xde: {  	[sflag:s25] =	ssyncset.done $0x0  }
0xdf: {  	[sflag:s25] =	ssyncadd.s32 $0xFFFFC000  }
0xe0: {  	_ =	swait.ge [sflag:s25], $0x4000  }
0xe1: {  	[sflag:s25] =	ssyncset.done $0x0  }
0xe2: {  	[sflag:s25] =	ssyncadd.s32 $0xFFFFC000  }
0xe3: {  	_ =	swait.ge [sflag:s25], $0x4000  }
0xe4: {  	[sflag:s25] =	ssyncset.done $0x0  }
0xe5: {  	[sflag:s25] =	ssyncadd.s32 $0xFFFFC000  }
0xe6: {  	_ =	swait.ge [sflag:s25], $0x4000  }
0xe7: {  	[sflag:s25] =	ssyncset.done $0x0  }
0xe8: {  	s30 =	simm.s32 $0x1000;
	[sflag:s25] =	ssyncadd.s32 $0xFFFFC000  }
0xe9: {  	[spmem:s2] =	stream.indirect.scatter.add.f32 [tilespmem:s20], [sflag:$0x1], $0x80, s30, s22, $0xb8;
	[tilespmem:$0x19400] =	vst v63  }
0xea: {  	s30 =	simm.s32 $0x1080  }
0xeb: {  	[spmem:s2] =	stream.indirect.scatter.add.f32 [tilespmem:s20], [sflag:$0x1], $0x80, s30, s22, $0xb8;
	[tilespmem:$0x19400] =	vst v63  }
0xec: {  	s30 =	simm.s32 $0x1100  }
0xed: {  	[spmem:s2] =	stream.indirect.scatter.add.f32 [tilespmem:s20], [sflag:$0x1], $0x80, s30, s22, $0xb8;
	[tilespmem:$0x19400] =	vst v63  }
0xee: {  	_ = 	snop  }
0xef: {  	[spmem:s2] =	stream.indirect.scatter.add.f32 [tilespmem:s20], [sflag:$0x1], $0x80, s31, s22, $0xb8;
	[tilespmem:$0x19400] =	vst v63  }
0xf0: {  	_ =	swait.ge [sflag:s25], $0x4000  }
0xf1: {  	[sflag:s25] =	ssyncset.done $0x0  }
0xf2: {  	[sflag:s25] =	ssyncadd.s32 $0xFFFFC000  }
0xf3: {  	_ =	swait.ge [sflag:s25], $0x4000  }
0xf4: {  	[sflag:s25] =	ssyncset.done $0x0  }
0xf5: {  	[sflag:s25] =	ssyncadd.s32 $0xFFFFC000  }
0xf6: {  	_ =	swait.ge [sflag:s25], $0x4000  }
0xf7: {  	[sflag:s25] =	ssyncset.done $0x0  }
0xf8: {  	[sflag:s25] =	ssyncadd.s32 $0xFFFFC000  }
0xf9: {  	_ =	swait.ge [sflag:s25], $0x4000  }
0xfa: {  	[sflag:s25] =	ssyncset.done $0x0  }
0xfb: {  	[sflag:s25] =	ssyncadd.s32 $0xFFFFC000  }
0xfc: {  	[spmem:s2] =	stream.indirect.scatter.add.f32 [tilespmem:s20], [sflag:$0x1], $0x80, s1, s22, $0xb8;
	[tilespmem:$0x19400] =	vst v63  }
0xfd: {  	_ = 	snop  }
0xfe: {  	[spmem:s2] =	stream.indirect.scatter.add.f32 [tilespmem:s20], [sflag:$0x1], $0x80, s0, s22, $0xb8;
	[tilespmem:$0x19400] =	vst v63  }
0xff: {  	_ = 	snop  }
0x100: {  	[spmem:s2] =	stream.indirect.scatter.add.f32 [tilespmem:s20], [sflag:$0x1], $0x80, s23, s22, $0xb8;
	[tilespmem:$0x19400] =	vst v63  }
0x101: {  	_ = 	snop  }
0x102: {  	[spmem:s2] =	stream.indirect.scatter.add.f32 [tilespmem:s20], [sflag:$0x1], $0x80, s24, s22, $0xb8;
	[tilespmem:$0x19400] =	vst v63  }
0x103: {  	_ =	swait.ge [sflag:s25], $0x4000  }
0x104: {  	[sflag:s25] =	ssyncset.done $0x0  }
0x105: {  	[sflag:s25] =	ssyncadd.s32 $0xFFFFC000  }
0x106: {  	_ =	swait.ge [sflag:s25], $0x4000  }
0x107: {  	[sflag:s25] =	ssyncset.done $0x0  }
0x108: {  	[sflag:s25] =	ssyncadd.s32 $0xFFFFC000  }
0x109: {  	_ =	swait.ge [sflag:s25], $0x4000  }
0x10a: {  	[sflag:s25] =	ssyncset.done $0x0  }
0x10b: {  	[sflag:s25] =	ssyncadd.s32 $0xFFFFC000  }
0x10c: {  	_ =	swait.ge [sflag:s25], $0x4000  }
0x10d: {  	[sflag:s25] =	ssyncset.done $0x0  }
0x10e: {  	[sflag:s25] =	ssyncadd.s32 $0xFFFFC000  }
0x10f: {  	[bflag:$0x0] =	sbarrier.arrive $0xFFFF  }
0x110: {  	[tilespmem:s20], [sflag:$0x3] =	stream.linear.gather [spmem:s4], $0x4000, $0x38;
	[tilespmem:$0x19400] =	vst v63  }
0x111: {  	_ =	swait.ge [sflag:s26], $0x4000  }
0x112: {  	s29 =	simm.s32 $0x3;
	[sflag:s26] =	ssyncset.done $0x0  }
0x113: {  	s29 =	simm.s32 @!p0 $0x2;
	[sflag:s26] =	ssyncadd.s32 $0xFFFFC000  }
0x114: {  	[hbm4b:s15+s3] =	stream.linear.scatter [tilespmem:s20], [sflag:s29], $0x4000, $0x38;
	[tilespmem:$0x19400] =	vst v63  }
0x115: {  	_ =	swait.ge [sflag:s29], $0x4000  }
0x116: {  	[sflag:s29] =	ssyncset.done $0x0  }
0x117: {  	[sflag:s29] =	ssyncadd.s32 $0xFFFFC000  }
0x118: {  	[tilespmem:s20], [sflag:$0x3] =	stream.linear.gather [spmem:s11], $0x4000, $0x38;
	[tilespmem:$0x19400] =	vst v63  }
0x119: {  	_ =	swait.ge [sflag:s26], $0x4000  }
0x11a: {  	[sflag:s26] =	ssyncset.done $0x0  }
0x11b: {  	[sflag:s26] =	ssyncadd.s32 $0xFFFFC000  }
0x11c: {  	[hbm4b:s16+s3] =	stream.linear.scatter [tilespmem:s20], [sflag:s29], $0x4000, $0x38;
	[tilespmem:$0x19400] =	vst v63  }
0x11d: {  	_ =	swait.ge [sflag:s29], $0x4000  }
0x11e: {  	[sflag:s29] =	ssyncset.done $0x0  }
0x11f: {  	[sflag:s29] =	ssyncadd.s32 $0xFFFFC000  }
0x120: {  	[tilespmem:s20], [sflag:$0x3] =	stream.linear.gather [spmem:s12], $0x4000, $0x38;
	[tilespmem:$0x19400] =	vst v63  }
0x121: {  	_ =	swait.ge [sflag:s26], $0x4000  }
0x122: {  	[sflag:s26] =	ssyncset.done $0x0  }
0x123: {  	[sflag:s26] =	ssyncadd.s32 $0xFFFFC000  }
0x124: {  	[hbm4b:s17+s3] =	stream.linear.scatter [tilespmem:s20], [sflag:s29], $0x4000, $0x38;
	[tilespmem:$0x19400] =	vst v63  }
0x125: {  	_ =	swait.ge [sflag:s29], $0x4000  }
0x126: {  	[sflag:s29] =	ssyncset.done $0x0  }
0x127: {  	[sflag:s29] =	ssyncadd.s32 $0xFFFFC000  }
0x128: {  	[tilespmem:s20], [sflag:$0x3] =	stream.linear.gather [spmem:s13], $0x4000, $0x38;
	[tilespmem:$0x19400] =	vst v63  }
0x129: {  	_ =	swait.ge [sflag:s26], $0x4000  }
0x12a: {  	[sflag:s26] =	ssyncset.done $0x0  }
0x12b: {  	[sflag:s26] =	ssyncadd.s32 $0xFFFFC000  }
0x12c: {  	[hbm4b:s18+s3] =	stream.linear.scatter [tilespmem:s20], [sflag:s29], $0x4000, $0x38;
	[tilespmem:$0x19400] =	vst v63  }
0x12d: {  	_ =	swait.ge [sflag:s29], $0x4000  }
0x12e: {  	[sflag:s29] =	ssyncset.done $0x0  }
0x12f: {  	[sflag:s29] =	ssyncadd.s32 $0xFFFFC000  }
0x130: {  	[tilespmem:s20], [sflag:$0x3] =	stream.linear.gather [spmem:s14], $0x4000, $0x38;
	[tilespmem:$0x19400] =	vst v63  }
0x131: {  	s28 =	sadd.s32 $0x1, s28;
	_ =	swait.ge [sflag:s26], $0x4000  }
0x132: {  	p1 =	sne.s32 s28, s6;
	[sflag:s26] =	ssyncset.done $0x0  }
.Ltmp2:
0x133: {  	[sflag:s26] =	ssyncadd.s32 $0xFFFFC000;
	(pc) =	sbr.rel @p1 .LBB2_1-.Ltmp2, $4  }
0x134: {  	[hbm4b:s19+s3] =	stream.linear.scatter [tilespmem:s20], [sflag:s29], $0x4000, $0x38;
	[tilespmem:$0x19400] =	vst v63  }
0x135: {  	_ =	swait.ge [sflag:s29], $0x4000  }
0x136: {  	[sflag:s29] =	ssyncset.done $0x0  }
0x137: {  	[sflag:s29] =	ssyncadd.s32 $0xFFFFC000  }
0x138: {  	_ =	sfence.sel $0x180000  }
0x139: {  	[bflag:$0x0] =	sbarrier.arrive $0xFFFF  }
0x13a: {  	_ =	strace $0x90000047  }
0x13b: {  	s0 =	stileid.u32;
	[bflag:$0x2] =	sbarrier.arrive $0xFFFF  }
0x13c: {  	p0 =	sne.s32 s0, $0x0;
	s0 =	rddreg [dreg:$0x3]  }
0x13d: {  	s0 =	sadd.s32 @!p0 $0x100000, s0  }
0x13e: {  	[sflag:s0] =	ssyncadd.tile.s32 @!p0 $0x1;
	_ =	shalt  }
.Lfunc_end2:
_tile_overlayer_lowered:
.L_overlay_start_2:
0x13f: {  	(tag) =	ssettag $0x2  }
0x140: {  	s0 =	rddreg [dreg:$0x0];
	s2 =	stileid.u32  }
0x141: {  	s1 =	rddreg [dreg:$0x1];
	p0 =	sne.s32 s2, $0x0  }
0x142: {  	s3 =	rddreg [dreg:$0x2];
	[bflag:$0x3] =	sbarrier.arrive $0xFFFF;
	s2 =	simm.s32 @!p0 $0x1C02  }
0x143: {  	[timem:s3], [sflag:s2] =	dma.local @!p0 [hbm:s0], s1  }
0x144: {  	s0 =	simm.s32 @!p0 $0x2  }
0x145: {  	_ =	swait.ge @!p0 [sflag:s0], s1  }
0x146: {  	s1 =	ssub.s32 @!p0 $0x0, s1;
	[sflag:s0] =	ssyncset.done @!p0 $0x0  }
0x147: {  	[sflag:s0] =	ssyncadd.s32 @!p0 s1  }
0x148: {  	[bflag:$0x3] =	sbarrier.arrive $0xFFFF  }
0x149: {  	_ =	shalt  }

// kernel: kernel.14.cloned.1.call-start
scs
__scs_entry_jumppad:
0x0: {  	(pc) =	sbr.rel $0x88, $3  }
0x1: {  	(tag) =	ssettag $0x0;
	lr =	simm.s32 $0x1  }
0x2: {  	[smem:$0x3F9C] =	sst lr;
	_ =	strace $0xD0000000  }
0x3: {  	_ = 	snop  }
0x4: {  	_ = 	snop  }
0x5: {  	_ = 	snop  }
0x6: {  	_ = 	snop  }
0x7: {  	_ = 	snop  }
__scs_overlays_trampoline_lowered:
0x8: {  	[smem:$0x3FAB] =	sst s0  }
0x9: {  	[smem:$0x3FAC] =	sst s1  }
0xa: {  	[smem:$0x3FAD] =	sst s2  }
0xb: {  	[smem:$0x3FAE] =	sst s3  }
0xc: {  	[smem:$0x3FAF] =	sst s4  }
0xd: {  	[smem:$0x3FB0] =	sst s5  }
0xe: {  	[smem:$0x3FB1] =	sst s6  }
0xf: {  	[smem:$0x3FB2] =	sst s7  }
0x10: {  	[smem:$0x3FB3] =	sst s8  }
0x11: {  	[smem:$0x3FB4] =	sst s9;
	s0 =	simm.s32 @!p0 $0x0  }
0x12: {  	s1 =	sld [smem:$0x3F9A];
	s0 =	simm.s32 @p0 $0x1  }
0x13: {  	[smem:$0x3FB5] =	sst s0;
	s0 =	simm.s32 @!p1 $0x0  }
0x14: {  	s2 =	sld [smem:$0x3F99];
	s0 =	simm.s32 @p1 $0x1  }
0x15: {  	[smem:$0x3FB6] =	sst s0;
	s0 =	simm.s32 @!p2 $0x0  }
0x16: {  	s3 =	sld [smem:$0x3FDB];
	s0 =	simm.s32 @p2 $0x1  }
0x17: {  	s4 =	simm.s32 $0x1BF5;
	[smem:$0x3FB8] =	sst s0  }
0x18: {  	s0 =	sld [smem:$0x3F9B];
	_ =	swait.ge [sflag:s4], $0x0  }
0x19: {  	s7 =	sld [smem:$0x3F9C]  }
0x1a: {  	s8 =	sadd.s32 $0xFFFFE003, lr  }
0x1b: {  	s9 =	sadd.s32 $0xFFFFFEF7, lr;
	s5 =	simm.s32 $0xFFFFFFFF;
	p2 =	slt.u32 s8, $0xFFFFF086  }
0x1c: {  	p1 =	slt.u32 s9, $0xF7A;
	s5 =	simm.s32 @!p2 $0x0  }
0x1d: {  	s5 =	simm.s32 @p1 $0x1;
	p0 =	seq.s32 s7, s2  }
0x1e: {  	s7 =	smul.u32 @!p0 $0xF7A, s2;
	p2 =	seq.s32 @!p0 s5, $0x0  }
0x1f: {  	s9 =	smul.u32 $0xF7A, s1;
	s8 =	simm.s32 @!p0 $0x1BF5;
	p2 =	por !p2, p0  }
0x20: {  	[sflag:s8] =	ssyncset.s32 @!p0 $0xFFFFF086;
	s6 =	sadd.s32 @!p0 s3, s7;
	s7 =	simm.s32 @!p0 $0x108  }
0x21: {  	s3 =	sadd.s32 s3, s9;
	s6 =	sadd.s32 @!p0 $0x88, s6;
	s7 =	simm.s32 @p2 $0x1082  }
0x22: {  	[simem:s7], [sflag:s8] =	dma.local @!p0 [hbm:s6], $0xF7A  }
0x23: {  	s9 =	sor.u32 $0xD0000000, s2;
	s6 =	simm.s32 $0x108;
	_ =	swait.ge @!p0 [sflag:s8], $0x0  }
0x24: {  	s3 =	sadd.s32 $0x88, s3;
	s6 =	simm.s32 @!p1 $0x1082;
	[sflag:s4] =	ssyncset.s32 $0xFFFFF086  }
0x25: {  	[simem:s6], [sflag:s4] =	dma.local [hbm:s3], $0xF7A  }
0x26: {  	[smem:$0x3F9C] =	sst s1;
	(tag) =	ssettag s2;
	_ =	strace s9  }
0x27: {  	s1 =	sld [smem:$0x3FAC]  }
0x28: {  	s2 =	sld [smem:$0x3FAD]  }
0x29: {  	s4 =	sld [smem:$0x3FAF]  }
0x2a: {  	p0 =	seq.s32 s5, $0x0;
	s5 =	sld [smem:$0x3FB0]  }
0x2b: {  	s6 =	sld [smem:$0x3FB1]  }
0x2c: {  	s7 =	sld [smem:$0x3FB2]  }
0x2d: {  	s3 =	simm.s32 $0x108;
	s8 =	sld [smem:$0x3FB3]  }
0x2e: {  	s3 =	simm.s32 @!p0 $0x1082;
	s9 =	sld [smem:$0x3FB4]  }
0x2f: {  	lr =	sadd.s32 s0, s3;
	s0 =	sld [smem:$0x3FAB]  }
0x30: {  	s3 =	sld [smem:$0x3FAE]  }
0x31: {  	[smem:$0x3FB7] =	sst s10  }
0x32: {  	s10 =	sld [smem:$0x3FB5];
	_ =	sdelay $0x3  }
0x33: {  	p0 =	seq.s32 s10, $0x1;
	s10 =	sld [smem:$0x3FB7];
	_ =	sdelay $0x3  }
0x34: {  	[smem:$0x3FB7] =	sst s10  }
0x35: {  	s10 =	sld [smem:$0x3FB6];
	_ =	sdelay $0x3  }
0x36: {  	p1 =	seq.s32 s10, $0x1;
	s10 =	sld [smem:$0x3FB7];
	_ =	sdelay $0x3  }
0x37: {  	[smem:$0x3FB7] =	sst s10  }
0x38: {  	s10 =	sld [smem:$0x3FB8]  }
0x39: {  	_ = 	snop;
	(pc) =	sbr.ind lr, $3  }
0x3a: {  	_ = 	snop  }
0x3b: {  	_ = 	snop  }
0x3c: {  	p2 =	seq.s32 s10, $0x1;
	s10 =	sld [smem:$0x3FB7]  }
0x3d: {  	_ =	shalt  }
0x3e: {  	_ =	shalt  }
0x3f: {  	_ =	shalt  }
0x40: {  	_ =	shalt  }
0x41: {  	_ =	shalt  }
0x42: {  	_ =	shalt  }
0x43: {  	_ =	shalt  }
0x44: {  	_ =	shalt  }
0x45: {  	_ =	shalt  }
0x46: {  	_ =	shalt  }
0x47: {  	_ =	shalt  }
0x48: {  	_ =	shalt  }
0x49: {  	_ =	shalt  }
0x4a: {  	_ =	shalt  }
0x4b: {  	_ =	shalt  }
0x4c: {  	_ =	shalt  }
0x4d: {  	_ =	shalt  }
0x4e: {  	_ =	shalt  }
0x4f: {  	_ =	shalt  }
0x50: {  	_ =	shalt  }
0x51: {  	_ =	shalt  }
0x52: {  	_ =	shalt  }
0x53: {  	_ =	shalt  }
0x54: {  	_ =	shalt  }
0x55: {  	_ =	shalt  }
0x56: {  	_ =	shalt  }
0x57: {  	_ =	shalt  }
0x58: {  	_ =	shalt  }
0x59: {  	_ =	shalt  }
0x5a: {  	_ =	shalt  }
0x5b: {  	_ =	shalt  }
0x5c: {  	_ =	shalt  }
0x5d: {  	_ =	shalt  }
0x5e: {  	_ =	shalt  }
0x5f: {  	_ =	shalt  }
0x60: {  	_ =	shalt  }
0x61: {  	_ =	shalt  }
0x62: {  	_ =	shalt  }
0x63: {  	_ =	shalt  }
0x64: {  	_ =	shalt  }
0x65: {  	_ =	shalt  }
0x66: {  	_ =	shalt  }
0x67: {  	_ =	shalt  }
0x68: {  	_ =	shalt  }
0x69: {  	_ =	shalt  }
0x6a: {  	_ =	shalt  }
0x6b: {  	_ =	shalt  }
0x6c: {  	_ =	shalt  }
0x6d: {  	_ =	shalt  }
0x6e: {  	_ =	shalt  }
0x6f: {  	_ =	shalt  }
0x70: {  	_ =	shalt  }
0x71: {  	_ =	shalt  }
0x72: {  	_ =	shalt  }
0x73: {  	_ =	shalt  }
0x74: {  	_ =	shalt  }
0x75: {  	_ =	shalt  }
0x76: {  	_ =	shalt  }
0x77: {  	_ =	shalt  }
0x78: {  	_ =	shalt  }
0x79: {  	_ =	shalt  }
0x7a: {  	_ =	shalt  }
0x7b: {  	_ =	shalt  }
0x7c: {  	_ =	shalt  }
0x7d: {  	_ =	shalt  }
0x7e: {  	_ =	shalt  }
0x7f: {  	_ =	shalt  }
0x80: {  	_ =	shalt  }
0x81: {  	_ =	shalt  }
0x82: {  	_ =	shalt  }
0x83: {  	_ =	shalt  }
0x84: {  	_ =	shalt  }
0x85: {  	_ =	shalt  }
0x86: {  	_ =	shalt  }
0x87: {  	_ =	shalt  }
.Lfunc_end0:
.L_simem_size_0:
called_computation.1_lowered:
.L_overlay_start_0:
0x88: {  	s2 =	sld [smem:$0x3FD9]  }
0x89: {  	s3 =	sld [smem:$0x3FFE];
	_ =	sdelay $0x1  }
0x8a: {  	s1 =	srdreg.scid  }
0x8b: {  	s0 =	sand.u32 $0x1, s1  }
0x8c: {  	s17 =	sshll.u32 s0, $0xA;
	s2 =	sadd.s32 s3, s2  }
0x8d: {  	s2 =	sadd.s32 s2, s17  }
0x8e: {  	[smem:$0x3FC3] =	sst s2  }
0x8f: {  	_ = 	snop  }
0x90: {  	s2 =	sld [smem:$0x3FD0];
	(tm) =	ssettm $0x1  }
0x91: {  	s18 =	sld [smem:$0x3FFB];
	_ =	sdelay $0x3  }
0x92: {  	_ =	strace s18  }
0x93: {  	s3 =	sld [smem:$0x3FFC];
	_ =	sdelay $0x3  }
0x94: {  	_ =	strace s3  }
0x95: {  	s3 =	sld [smem:$0x3FFD];
	_ =	sdelay $0x3  }
0x96: {  	_ =	strace s3  }
0x97: {  	_ =	strace $0x8FFFFFFF  }
0x98: {  	s19 =	sld [smem:$0x3FDB];
	_ =	sdelay $0x1  }
0x99: {  	s4 =	simm.s32 $_scs_section_size  }
0x9a: {  	s5 =	simm.s32 $_size__tile_overlayer_lowered;
	s6 =	simm.s32 $_tile_overlayer_lowered  }
0x9b: {  	s22 =	simm.s32 $0x1BFF;
	s21 =	sshll.u32 s6, $0x1;
	s3 =	sadd.s32 s4, s19  }
0x9c: {  	s7 =	simm.s32 $0x0;
	s20 =	sshll.u32 s5, $0x1;
	s5 =	sadd.s32 s21, s3  }
0x9d: {  	[timem:s7], [sflag:s22] =	dma.local [hbm:s5], s20  }
0x9e: {  	_ =	swait.ge [sflag:s22], s20  }
0x9f: {  	s4 =	ssub.s32 $0x0, s20;
	[sflag:s22] =	ssyncset.done $0x0  }
0xa0: {  	[sflag:s22] =	ssyncadd.s32 s4;
	_ =	sdelay $0x1  }
0xa1: {  	s23 =	simm.s32 $0x1B8B  }
0xa2: {  	_ =	swait.ge [sflag:s23], $0x1  }
0xa3: {  	[sflag:s23] =	ssyncset.done $0x0  }
0xa4: {  	s25 =	simm.s32 $0x1B8E;
	s24 =	sld [smem:$0x3FFE];
	[sflag:s23] =	ssyncadd.s32 $0xFFFFFFFF  }
0xa5: {  	s26 =	simm.s32 $execute0_lowered;
	[smem:$0x3FD2] =	sst s25  }
0xa6: {  	s5 =	sshll.u32 s26, $0x1;
	_ =	strace $0x80000049;
	[dreg:$0x1] =	wrdreg $0xFFFFFFFF  }
0xa7: {  	s28 =	simm.s32 $_size_execute0_lowered;
	s3 =	sadd.s32 s3, s5;
	[dreg:$0x0] =	wrdreg $0x0  }
0xa8: {  	s5 =	sshll.u32 s28, $0x1;
	[dreg:$0x2] =	wrdreg s3  }
0xa9: {  	[dreg:$0x3] =	wrdreg s5  }
0xaa: {  	[dreg:$0x4] =	wrdreg $0xC0  }
0xab: {  	_ =	task [dreg:s7], $0x5FFFF  }
0xac: {  	[dreg:$0x1] =	wrdreg $0xFFFFFFFF  }
0xad: {  	[dreg:$0x0] =	wrdreg $0x60  }
0xae: {  	[dreg:$0x2] =	wrdreg s2  }
0xaf: {  	[dreg:$0x3] =	wrdreg s24  }
0xb0: {  	[dreg:$0x4] =	wrdreg $0xA0000  }
0xb1: {  	[dreg:$0x5] =	wrdreg $0x9  }
0xb2: {  	_ =	task.clear_ibuf [dreg:s7], $0x6FFFF;
	_ =	strace $0x90000049  }
0xb3: {  	s29 =	simm.s32 $0x9;
	_ =	strace $0x8000004B  }
0xb4: {  	_ =	swait.ge [sflag:s29], $0x1  }
0xb5: {  	[sflag:s29] =	ssyncadd.s32 $0xFFFFFFFF  }
0xb6: {  	_ =	strace $0x9000004B  }
0xb7: {  	_ =	sfence  }
0xb8: {  	s30 =	sld [smem:$0x0];
	_ =	sdelay $0x2  }
0xb9: {  	s31 =	sshll.u32 s1, $0xD;
	s1 =	sshrl.u32 s1, $0x2  }
0xba: {  	s3 =	sand.u32 $0x4000, s31;
	s1 =	sadd.s32 s1, s30  }
0xbb: {  	s0 =	sor.u32 s3, s0;
	s1 =	sshll.u32 s1, $0x11  }
0xbc: {  	s0 =	sor.u32 s1, s0  }
0xbd: {  	s0 =	sadd.s32 $0x8F2B, s0  }
0xbe: {  	[sflag:s0] =	ssyncadd.remote.s32 $0x1  }
0xbf: {  	_ =	sfence.sel $0xFFFF  }
0xc0: {  	[dreg:$0x0] =	wrdreg $0xFFFFFFFF;
	(pc) =	sbr.abs _section_cstart, $3  }
0xc1: {  	[dreg:$0x1] =	wrdreg $0xFFFFFFFF  }
0xc2: {  	_ =	task.clear_ibuf [dreg:s7], $0x2FFFF;
	_ =	strace $0x9FFFFFFF  }
0xc3: {  	(tm) =	ssettm $0x7FFFFFFF  }
tec
execute0_lowered:
.L_overlay_start_1:
0x0: {  	(tag) =	ssettag $0x1  }
0x1: {  	s1 =	rddreg [dreg:$0x0]  }
0x2: {  	s0 =	rddreg [dreg:$0x1]  }
0x3: {  	s2 =	rddreg [dreg:$0x2];
	s3 =	simm.s32 $0x0  }
0x4: {  	s4 =	srdreg.scid;
	s19 =	stileid.u32;
	s28 =	simm.s32 $0x180  }
0x5: {  	s29 =	simm.s32 $0x8000;
	s30 =	simm.s32 $0x1;
	[smem:$0x7FF] =	sst s3  }
0x6: {  	s3 =	sadd.s32 $0x94E00, s0;
	s5 =	sand.u32 $0x1, s4;
	s22 =	smul.u32 $0x280, s19  }
0x7: {  	s6 =	sadd.s32 $0xBCE00, s0;
	s8 =	smul.u32 $0x2800, s19;
	s7 =	ssub.s32 $0x2, s5  }
0x8: {  	s20 =	smul.u32 $0x50000, s19;
	p0 =	seq.s32 s5, $0x0;
	s9 =	sshrl.u32 s7, $0x1  }
0x9: {  	s6 =	smov.u32 @p0 s3;
	s23 =	sor.u32 $0x40, s22;
	s25 =	sadd.s32 $0x80, s22  }
0xa: {  	s26 =	sadd.s32 $0xC0, s22;
	s12 =	sadd.s32 $0x100, s22;
	s4 =	sadd.s32 $0x240, s22  }
0xb: {  	s21 =	sshrl.u32 s20, $0x2;
	s7 =	ssub.s32 s7, s9;
	s8 =	sadd.s32 s6, s8  }
0xc: {  	s24 =	sshll.u32 s23, $0x4;
	s10 =	sshll.u32 s25, $0x4;
	s11 =	sshll.u32 s26, $0x4  }
0xd: {  	s16 =	sshll.u32 s12, $0x4;
	s20 =	sadd.s32 s21, s2;
	s23 =	sshll.u32 s23, $0x7  }
0xe: {  	[dreg:$0x4] =	wrdreg s8;
	s8 =	sadd.s32 s6, s24;
	s10 =	sadd.s32 s6, s10  }
0xf: {  	s15 =	sadd.s32 s6, s11;
	[dreg:$0x6] =	wrdreg s10;
	s10 =	sadd.s32 s6, s16  }
0x10: {  	s11 =	sadd.s32 $0x180, s22;
	[dreg:$0x8] =	wrdreg s10;
	s10 =	sadd.s32 $0x140, s22  }
0x11: {  	[dreg:$0x7] =	wrdreg s15;
	s15 =	sadd.s32 $0x1C0, s22;
	s13 =	sshll.u32 s10, $0x4  }
0x12: {  	[dreg:$0x5] =	wrdreg s8;
	s18 =	sshll.u32 s15, $0x4;
	s13 =	sadd.s32 s6, s13  }
0x13: {  	s14 =	sshll.u32 s11, $0x4;
	[dreg:$0x9] =	wrdreg s13;
	s13 =	sadd.s32 s6, s18  }
0x14: {  	s17 =	sadd.s32 s6, s14;
	[dreg:$0xb] =	wrdreg s13;
	s13 =	sadd.s32 $0x200, s22  }
0x15: {  	s24 =	sshll.u32 s25, $0x7;
	[dreg:$0xa] =	wrdreg s17;
	s16 =	sshll.u32 s13, $0x4  }
0x16: {  	s17 =	sshll.u32 s4, $0x4;
	s18 =	sadd.s32 $0x30E00, s0;
	s16 =	sadd.s32 s6, s16  }
0x17: {  	s22 =	smax.u32 s7, $0x1;
	s6 =	sadd.s32 s6, s17;
	[dreg:$0xc] =	wrdreg s16  }
0x18: {  	s17 =	sadd.s32 $0x3AE00, s0;
	[dreg:$0xd] =	wrdreg s6;
	s16 =	sadd.s32 $0x3E00, s0  }
0x19: {  	s0 =	sadd.s32 s23, s2;
	_ =	strace $0x8000004A;
	[dreg:$0xf] =	wrdreg s22  }
0x1a: {  	s25 =	sadd.s32 s24, s2;
	s6 =	sshll.u32 s10, $0x7;
	[dreg:$0x10] =	wrdreg s0  }
0x1b: {  	s10 =	sshll.u32 s13, $0x7;
	s13 =	sadd.s32 $0x2000, s20;
	[dreg:$0x11] =	wrdreg s25  }
0x1c: {  	s31 =	simm.s32 $0x3;
	s14 =	sadd.s32 $0x4000, s20;
	[dreg:$0x19] =	wrdreg s13  }
0x1d: {  	s9 =	sshll.u32 s15, $0x7;
	s15 =	sadd.s32 $0x6000, s20;
	[dreg:$0x1a] =	wrdreg s14  }
0x1e: {  	s26 =	sshll.u32 s26, $0x7;
	s23 =	sadd.s32 $0xC000, s20;
	[dreg:$0x1b] =	wrdreg s15  }
0x1f: {  	s3 =	sshll.u32 s12, $0x7;
	s24 =	sadd.s32 $0xE000, s20;
	[dreg:$0x1e] =	wrdreg s23  }
0x20: {  	s12 =	sshll.u32 s4, $0x7;
	s8 =	sshll.u32 s11, $0x7;
	[dreg:$0x1f] =	wrdreg s24  }
0x21: {  	s21 =	smov.u32 s16;
	s0 =	sadd.s32 s26, s2;
	[dreg:$0xe] =	wrdreg s20  }
0x22: {  	s7 =	sadd.s32 s6, s2;
	s11 =	sadd.s32 s10, s2;
	[dreg:$0x12] =	wrdreg s0  }
0x23: {  	s22 =	sadd.s32 $0xA000, s20;
	s25 =	sadd.s32 $0x10000, s20;
	[dreg:$0x14] =	wrdreg s7  }
0x24: {  	s26 =	sadd.s32 $0x12000, s20;
	s14 =	simm.s32 $0x2000;
	[dreg:$0x17] =	wrdreg s11  }
0x25: {  	s15 =	simm.s32 $0x9;
	s24 =	simm.s32 $0x4000;
	[dreg:$0x1d] =	wrdreg s22  }
0x26: {  	s6 =	simm.s32 $0x5;
	s10 =	simm.s32 $0x0;
	[smem:$0x7FC] =	sst s25  }
0x27: {  	s21 =	smov.u32 @p0 s1;
	s0 =	sadd.s32 s3, s2;
	[smem:$0x7FD] =	sst s26  }
0x28: {  	s22 =	simm.s32 $0x40;
	s25 =	simm.s32 $0x100;
	s26 =	simm.s32 $0x6000  }
.Ltmp0:
0x29: {  	[dreg:$0x13] =	wrdreg s0;
	s0 =	sadd.s32 s8, s2;
	(pc) =	sbr.rel .LBB2_1-.Ltmp0, $4  }
0x2a: {  	s3 =	simm.s32 $0x4;
	[dreg:$0x15] =	wrdreg s0;
	s0 =	sadd.s32 s9, s2  }
0x2b: {  	s7 =	simm.s32 $0x6;
	[dreg:$0x16] =	wrdreg s0;
	s0 =	sadd.s32 s12, s2  }
0x2c: {  	[dreg:$0x18] =	wrdreg s0;
	s0 =	smul.u32 $0x5000, s19;
	s19 =	sadd.s32 $0x8000, s20  }
0x2d: {  	v0 =	vimm.f32 $0.0e+00;
	s8 =	simm.s32 $0x7;
	s9 =	simm.s32 $0x8;
	[dreg:$0x1c] =	wrdreg s19  }
.LBB2_8:
0x2e: {  	[bflag:$0x0] =	sbarrier.arrive $0xFFFF  }
0x2f: {  	s11 =	simm.s32 $0xA;
	s20 =	rddreg [dreg:$0xe]  }
0x30: {  	[tilespmem:s14], [sflag:$0xA] =	stream.linear.gather [spmem:s20], $0x2000, $0x38;
	[tilespmem:$0x1E000] =	vst v63  }
0x31: {  	_ =	swait.ge [sflag:s11], $0x2000  }
0x32: {  	s12 =	simm.s32 $0xA;
	s4 =	simm.s32 $0x0;
	[sflag:s11] =	ssyncset.done $0x0  }
0x33: {  	s12 =	simm.s32 @!p0 $0x9;
	s10 =	rddreg [dreg:$0x4];
	[sflag:s11] =	ssyncadd.s32 $0xFFFFE000  }
0x34: {  	[hbm4b:s10+s4] =	stream.linear.scatter [tilespmem:s14], [sflag:s12], $0x2000, $0x38;
	[tilespmem:$0x1E000] =	vst v63  }
0x35: {  	_ =	swait.ge [sflag:s12], $0x2000  }
0x36: {  	[sflag:s12] =	ssyncset.done $0x0  }
0x37: {  	s19 =	rddreg [dreg:$0x10];
	[sflag:s12] =	ssyncadd.s32 $0xFFFFE000  }
0x38: {  	[tilespmem:s14], [sflag:$0xA] =	stream.linear.gather [spmem:s19], $0x2000, $0x38;
	[tilespmem:$0x1E000] =	vst v63  }
0x39: {  	_ =	swait.ge [sflag:s11], $0x2000  }
0x3a: {  	[sflag:s11] =	ssyncset.done $0x0  }
0x3b: {  	s23 =	rddreg [dreg:$0x5];
	[sflag:s11] =	ssyncadd.s32 $0xFFFFE000  }
0x3c: {  	[hbm4b:s23+s4] =	stream.linear.scatter [tilespmem:s14], [sflag:s12], $0x2000, $0x38;
	[tilespmem:$0x1E000] =	vst v63  }
0x3d: {  	_ =	swait.ge [sflag:s12], $0x2000  }
0x3e: {  	[sflag:s12] =	ssyncset.done $0x0  }
0x3f: {  	s13 =	rddreg [dreg:$0x11];
	[sflag:s12] =	ssyncadd.s32 $0xFFFFE000  }
0x40: {  	[tilespmem:s14], [sflag:$0xA] =	stream.linear.gather [spmem:s13], $0x2000, $0x38;
	[tilespmem:$0x1E000] =	vst v63  }
0x41: {  	_ =	swait.ge [sflag:s11], $0x2000  }
0x42: {  	[sflag:s11] =	ssyncset.done $0x0  }
0x43: {  	s19 =	rddreg [dreg:$0x6];
	[sflag:s11] =	ssyncadd.s32 $0xFFFFE000  }
0x44: {  	[hbm4b:s19+s4] =	stream.linear.scatter [tilespmem:s14], [sflag:s12], $0x2000, $0x38;
	[tilespmem:$0x1E000] =	vst v63  }
0x45: {  	_ =	swait.ge [sflag:s12], $0x2000  }
0x46: {  	[sflag:s12] =	ssyncset.done $0x0  }
0x47: {  	s23 =	rddreg [dreg:$0x12];
	[sflag:s12] =	ssyncadd.s32 $0xFFFFE000  }
0x48: {  	[tilespmem:s14], [sflag:$0xA] =	stream.linear.gather [spmem:s23], $0x2000, $0x38;
	[tilespmem:$0x1E000] =	vst v63  }
0x49: {  	_ =	swait.ge [sflag:s11], $0x2000  }
0x4a: {  	[sflag:s11] =	ssyncset.done $0x0  }
0x4b: {  	s13 =	rddreg [dreg:$0x7];
	[sflag:s11] =	ssyncadd.s32 $0xFFFFE000  }
0x4c: {  	[hbm4b:s13+s4] =	stream.linear.scatter [tilespmem:s14], [sflag:s12], $0x2000, $0x38;
	[tilespmem:$0x1E000] =	vst v63  }
0x4d: {  	_ =	swait.ge [sflag:s12], $0x2000  }
0x4e: {  	[sflag:s12] =	ssyncset.done $0x0  }
0x4f: {  	s19 =	rddreg [dreg:$0x13];
	[sflag:s12] =	ssyncadd.s32 $0xFFFFE000  }
0x50: {  	[tilespmem:s14], [sflag:$0xA] =	stream.linear.gather [spmem:s19], $0x2000, $0x38;
	[tilespmem:$0x1E000] =	vst v63  }
0x51: {  	_ =	swait.ge [sflag:s11], $0x2000  }
0x52: {  	[sflag:s11] =	ssyncset.done $0x0  }
0x53: {  	s23 =	rddreg [dreg:$0x8];
	[sflag:s11] =	ssyncadd.s32 $0xFFFFE000  }
0x54: {  	[hbm4b:s23+s4] =	stream.linear.scatter [tilespmem:s14], [sflag:s12], $0x2000, $0x38;
	[tilespmem:$0x1E000] =	vst v63  }
0x55: {  	_ =	swait.ge [sflag:s12], $0x2000  }
0x56: {  	[sflag:s12] =	ssyncset.done $0x0  }
0x57: {  	s13 =	rddreg [dreg:$0x14];
	[sflag:s12] =	ssyncadd.s32 $0xFFFFE000  }
0x58: {  	[tilespmem:s14], [sflag:$0xA] =	stream.linear.gather [spmem:s13], $0x2000, $0x38;
	[tilespmem:$0x1E000] =	vst v63  }
0x59: {  	_ =	swait.ge [sflag:s11], $0x2000  }
0x5a: {  	[sflag:s11] =	ssyncset.done $0x0  }
0x5b: {  	s19 =	rddreg [dreg:$0x9];
	[sflag:s11] =	ssyncadd.s32 $0xFFFFE000  }
0x5c: {  	[hbm4b:s19+s4] =	stream.linear.scatter [tilespmem:s14], [sflag:s12], $0x2000, $0x38;
	[tilespmem:$0x1E000] =	vst v63  }
0x5d: {  	_ =	swait.ge [sflag:s12], $0x2000  }
0x5e: {  	[sflag:s12] =	ssyncset.done $0x0  }
0x5f: {  	s23 =	rddreg [dreg:$0x15];
	[sflag:s12] =	ssyncadd.s32 $0xFFFFE000  }
0x60: {  	[tilespmem:s14], [sflag:$0xA] =	stream.linear.gather [spmem:s23], $0x2000, $0x38;
	[tilespmem:$0x1E000] =	vst v63  }
0x61: {  	_ =	swait.ge [sflag:s11], $0x2000  }
0x62: {  	[sflag:s11] =	ssyncset.done $0x0  }
0x63: {  	s13 =	rddreg [dreg:$0xa];
	[sflag:s11] =	ssyncadd.s32 $0xFFFFE000  }
0x64: {  	[hbm4b:s13+s4] =	stream.linear.scatter [tilespmem:s14], [sflag:s12], $0x2000, $0x38;
	[tilespmem:$0x1E000] =	vst v63  }
0x65: {  	_ =	swait.ge [sflag:s12], $0x2000  }
0x66: {  	[sflag:s12] =	ssyncset.done $0x0  }
0x67: {  	s19 =	rddreg [dreg:$0x16];
	[sflag:s12] =	ssyncadd.s32 $0xFFFFE000  }
0x68: {  	[tilespmem:s14], [sflag:$0xA] =	stream.linear.gather [spmem:s19], $0x2000, $0x38;
	[tilespmem:$0x1E000] =	vst v63  }
0x69: {  	_ =	swait.ge [sflag:s11], $0x2000  }
0x6a: {  	[sflag:s11] =	ssyncset.done $0x0  }
0x6b: {  	s23 =	rddreg [dreg:$0xb];
	[sflag:s11] =	ssyncadd.s32 $0xFFFFE000  }
0x6c: {  	[hbm4b:s23+s4] =	stream.linear.scatter [tilespmem:s14], [sflag:s12], $0x2000, $0x38;
	[tilespmem:$0x1E000] =	vst v63  }
0x6d: {  	_ =	swait.ge [sflag:s12], $0x2000  }
0x6e: {  	[sflag:s12] =	ssyncset.done $0x0  }
0x6f: {  	s13 =	rddreg [dreg:$0x17];
	[sflag:s12] =	ssyncadd.s32 $0xFFFFE000  }
0x70: {  	[tilespmem:s14], [sflag:$0xA] =	stream.linear.gather [spmem:s13], $0x2000, $0x38;
	[tilespmem:$0x1E000] =	vst v63  }
0x71: {  	_ =	swait.ge [sflag:s11], $0x2000  }
0x72: {  	[sflag:s11] =	ssyncset.done $0x0  }
0x73: {  	s19 =	rddreg [dreg:$0xc];
	[sflag:s11] =	ssyncadd.s32 $0xFFFFE000  }
0x74: {  	[hbm4b:s19+s4] =	stream.linear.scatter [tilespmem:s14], [sflag:s12], $0x2000, $0x38;
	[tilespmem:$0x1E000] =	vst v63  }
0x75: {  	_ =	swait.ge [sflag:s12], $0x2000  }
0x76: {  	[sflag:s12] =	ssyncset.done $0x0  }
0x77: {  	s23 =	rddreg [dreg:$0x18];
	[sflag:s12] =	ssyncadd.s32 $0xFFFFE000  }
0x78: {  	[tilespmem:s14], [sflag:$0xA] =	stream.linear.gather [spmem:s23], $0x2000, $0x38;
	[tilespmem:$0x1E000] =	vst v63  }
0x79: {  	_ =	swait.ge [sflag:s11], $0x2000  }
0x7a: {  	[sflag:s11] =	ssyncset.done $0x0  }
0x7b: {  	s13 =	rddreg [dreg:$0xd];
	[sflag:s11] =	ssyncadd.s32 $0xFFFFE000  }
0x7c: {  	[hbm4b:s13+s4] =	stream.linear.scatter [tilespmem:s14], [sflag:s12], $0x2000, $0x38;
	[tilespmem:$0x1E000] =	vst v63  }
0x7d: {  	_ =	swait.ge [sflag:s12], $0x2000  }
0x7e: {  	s19 =	sld [smem:$0x7FB];
	_ =	sdelay $0x2  }
0x7f: {  	s23 =	rddreg [dreg:$0xf];
	s10 =	sadd.s32 $0x1, s19  }
0x80: {  	p1 =	sne.s32 s10, s23  }
.Ltmp1:
0x81: {  	_ = 	snop;
	(pc) =	sbr.rel @!p1 .LBB2_9-.Ltmp1, $3  }
0x82: {  	_ =	sdelay $0x1  }
0x83: {  	[sflag:s12] =	ssyncset.done $0x0  }
0x84: {  	[sflag:s12] =	ssyncadd.s32 $0xFFFFE000  }
.LBB2_1:
0x85: {  	s4 =	simm.s32 $0x0;
	s12 =	simm.s32 $0x200  }
.LBB2_2:
0x86: {  	p1 =	sne.s32 s12, $0x7E00;
	[tilespmem:s4+$0x2070] =	vst v0  }
0x87: {  	[tilespmem:s4+$0x2000] =	vst v0  }
0x88: {  	[tilespmem:s4+$0x2010] =	vst v0  }
.Ltmp2:
0x89: {  	[tilespmem:s4+$0x2020] =	vst v0;
	(pc) =	sbr.rel @p1 .LBB2_2-.Ltmp2, $4  }
0x8a: {  	[tilespmem:s4+$0x2030] =	vst v0  }
0x8b: {  	[tilespmem:s4+$0x2040] =	vst v0  }
0x8c: {  	[tilespmem:s4+$0x2050] =	vst v0  }
0x8d: {  	[tilespmem:s4+$0x2060] =	vst v0;
	s4 =	sshra.s32 s12, $0x2;
	s12 =	sadd.s32 $0x200, s12  }
0x8e: {  	[tilespmem:s4+$0x2070] =	vst v0  }
0x8f: {  	[tilespmem:s4+$0x2000] =	vst v0  }
0x90: {  	[tilespmem:s4+$0x2010] =	vst v0  }
0x91: {  	[tilespmem:s4+$0x2020] =	vst v0  }
0x92: {  	[tilespmem:s4+$0x2030] =	vst v0  }
0x93: {  	[tilespmem:s4+$0x2040] =	vst v0  }
0x94: {  	[tilespmem:s4+$0x2050] =	vst v0  }
0x95: {  	[smem:$0x7FB] =	sst s10;
	[tilespmem:s4+$0x2060] =	vst v0  }
0x96: {  	[spmem:s20] =	stream.linear.scatter [tilespmem:s14], [sflag:$0x9], $0x2000, $0x38;
	[tilespmem:$0x1E000] =	vst v63  }
0x97: {  	_ =	swait.ge [sflag:s15], $0x2000  }
0x98: {  	[sflag:s15] =	ssyncset.done $0x0  }
0x99: {  	s20 =	rddreg [dreg:$0x19];
	[sflag:s15] =	ssyncadd.s32 $0xFFFFE000  }
0x9a: {  	[spmem:s20] =	stream.linear.scatter [tilespmem:s14], [sflag:$0x9], $0x2000, $0x38;
	[tilespmem:$0x1E000] =	vst v63  }
0x9b: {  	_ =	swait.ge [sflag:s15], $0x2000  }
0x9c: {  	[sflag:s15] =	ssyncset.done $0x0  }
0x9d: {  	s23 =	rddreg [dreg:$0x1a];
	[sflag:s15] =	ssyncadd.s32 $0xFFFFE000  }
0x9e: {  	[spmem:s23] =	stream.linear.scatter [tilespmem:s14], [sflag:$0x9], $0x2000, $0x38;
	[tilespmem:$0x1E000] =	vst v63  }
0x9f: {  	_ =	swait.ge [sflag:s15], $0x2000  }
0xa0: {  	[sflag:s15] =	ssyncset.done $0x0  }
0xa1: {  	s10 =	rddreg [dreg:$0x1b];
	[sflag:s15] =	ssyncadd.s32 $0xFFFFE000  }
0xa2: {  	[spmem:s10] =	stream.linear.scatter [tilespmem:s14], [sflag:$0x9], $0x2000, $0x38;
	[tilespmem:$0x1E000] =	vst v63  }
0xa3: {  	_ =	swait.ge [sflag:s15], $0x2000  }
0xa4: {  	[sflag:s15] =	ssyncset.done $0x0  }
0xa5: {  	s11 =	rddreg [dreg:$0x1c];
	[sflag:s15] =	ssyncadd.s32 $0xFFFFE000  }
0xa6: {  	[spmem:s11] =	stream.linear.scatter [tilespmem:s14], [sflag:$0x9], $0x2000, $0x38;
	[tilespmem:$0x1E000] =	vst v63  }
0xa7: {  	_ =	swait.ge [sflag:s15], $0x2000  }
0xa8: {  	[sflag:s15] =	ssyncset.done $0x0  }
0xa9: {  	s12 =	rddreg [dreg:$0x1d];
	[sflag:s15] =	ssyncadd.s32 $0xFFFFE000  }
0xaa: {  	[spmem:s12] =	stream.linear.scatter [tilespmem:s14], [sflag:$0x9], $0x2000, $0x38;
	[tilespmem:$0x1E000] =	vst v63  }
0xab: {  	_ =	swait.ge [sflag:s15], $0x2000  }
0xac: {  	[sflag:s15] =	ssyncset.done $0x0  }
0xad: {  	s13 =	rddreg [dreg:$0x1e];
	[sflag:s15] =	ssyncadd.s32 $0xFFFFE000  }
0xae: {  	[spmem:s13] =	stream.linear.scatter [tilespmem:s14], [sflag:$0x9], $0x2000, $0x38;
	[tilespmem:$0x1E000] =	vst v63  }
0xaf: {  	_ =	swait.ge [sflag:s15], $0x2000  }
0xb0: {  	[sflag:s15] =	ssyncset.done $0x0  }
0xb1: {  	s19 =	rddreg [dreg:$0x1f];
	[sflag:s15] =	ssyncadd.s32 $0xFFFFE000  }
0xb2: {  	[spmem:s19] =	stream.linear.scatter [tilespmem:s14], [sflag:$0x9], $0x2000, $0x38;
	[tilespmem:$0x1E000] =	vst v63  }
0xb3: {  	_ =	swait.ge [sflag:s15], $0x2000  }
0xb4: {  	s20 =	sld [smem:$0x7FC]  }
0xb5: {  	[sflag:s15] =	ssyncset.done $0x0  }
0xb6: {  	[sflag:s15] =	ssyncadd.s32 $0xFFFFE000  }
0xb7: {  	[spmem:s20] =	stream.linear.scatter [tilespmem:s14], [sflag:$0x9], $0x2000, $0x38;
	[tilespmem:$0x1E000] =	vst v63  }
0xb8: {  	_ =	swait.ge [sflag:s15], $0x2000  }
0xb9: {  	s23 =	sld [smem:$0x7FD]  }
0xba: {  	[sflag:s15] =	ssyncset.done $0x0  }
0xbb: {  	[sflag:s15] =	ssyncadd.s32 $0xFFFFE000  }
0xbc: {  	[spmem:s23] =	stream.linear.scatter [tilespmem:s14], [sflag:$0x9], $0x2000, $0x38;
	[tilespmem:$0x1E000] =	vst v63  }
.Ltmp3:
0xbd: {  	_ =	swait.ge [sflag:s15], $0x2000;
	(pc) =	sbr.rel .LBB2_4-.Ltmp3, $4  }
0xbe: {  	[sflag:s15] =	ssyncset.done $0x0  }
0xbf: {  	[sflag:s15] =	ssyncadd.s32 $0xFFFFE000  }
0xc0: {  	[bflag:$0x0] =	sbarrier.arrive $0xFFFF  }
0xc1: {  	s12 =	simm.s32 $0x0;
	s13 =	simm.s32 $0x0  }
.LBB2_7:
0xc2: {  	_ =	swait.ge [sflag:s3], $0x2000  }
0xc3: {  	[sflag:s3] =	ssyncset.done $0x0  }
0xc4: {  	[sflag:s3] =	ssyncadd.s32 $0xFFFFE000  }
0xc5: {  	[spmem:s2] =	stream.indirect.scatter.add.f32 [tilespmem:s29], [sflag:$0x8], $0x80, s11, s22, $0xb8;
	[tilespmem:$0x1E000] =	vst v63  }
0xc6: {  	_ =	swait.ge [sflag:s6], $0x2000  }
0xc7: {  	[sflag:s6] =	ssyncset.done $0x0  }
0xc8: {  	[sflag:s6] =	ssyncadd.s32 $0xFFFFE000  }
0xc9: {  	_ =	swait.ge [sflag:s7], $0x2000  }
0xca: {  	[sflag:s7] =	ssyncset.done $0x0  }
0xcb: {  	s13 =	sadd.s32 $0x1, s13;
	[sflag:s7] =	ssyncadd.s32 $0xFFFFE000  }
0xcc: {  	p1 =	sne.s32 s13, $0x5;
	_ =	swait.ge [sflag:s8], $0x2000  }
.Ltmp4:
0xcd: {  	[sflag:s8] =	ssyncset.done $0x0;
	(pc) =	sbr.rel @!p1 .LBB2_8-.Ltmp4, $4  }
0xce: {  	[sflag:s8] =	ssyncadd.s32 $0xFFFFE000  }
0xcf: {  	_ =	swait.ge [sflag:s9], $0x2000  }
0xd0: {  	[sflag:s9] =	ssyncset.done $0x0  }
0xd1: {  	[sflag:s9] =	ssyncadd.s32 $0xFFFFE000  }
.LBB2_4:
0xd2: {  	s4 =	sshll.u32 s13, $0xC  }
0xd3: {  	s4 =	sadd.s32 s0, s4  }
0xd4: {  	s4 =	sshrl.u32 s4, $0x3  }
0xd5: {  	s11 =	sadd.s32 s17, s4  }
0xd6: {  	[tilespmem:s12], [sflag:$0x9] =	stream.linear.gather [hbm4b:s11+s12], $0x1000, $0x38;
	[tilespmem:$0x1E000] =	vst v63  }
0xd7: {  	_ =	swait.ge [sflag:s15], $0x1000  }
0xd8: {  	[sflag:s15] =	ssyncset.done $0x0  }
0xd9: {  	s10 =	simm.s32 $0x1000;
	s4 =	sadd.s32 s18, s4;
	[sflag:s15] =	ssyncadd.s32 $0xFFFFF000  }
0xda: {  	[tilespmem:s10], [sflag:$0x9] =	stream.linear.gather [hbm4b:s4+s12], $0x1000, $0x38;
	[tilespmem:$0x1E000] =	vst v63  }
0xdb: {  	_ =	swait.ge [sflag:s15], $0x1000  }
0xdc: {  	[sflag:s15] =	ssyncset.done $0x0  }
0xdd: {  	[sflag:s15] =	ssyncadd.s32 $0xFFFFF000  }
0xde: {  	[tilespmem:s14], [sflag:$0x1] =	stream.indirect.gather [hbm4b:s21+s22], $0x80, s12, s22, $0xb8;
	[tilespmem:$0x1E000] =	vst v63  }
0xdf: {  	s23 =	simm.s32 $0x80  }
0xe0: {  	[tilespmem:s24], [sflag:$0x2] =	stream.indirect.gather [hbm4b:s21+s22], $0x80, s23, s22, $0xb8;
	[tilespmem:$0x1E000] =	vst v63  }
0xe1: {  	_ = 	snop  }
0xe2: {  	[tilespmem:s26], [sflag:$0x3] =	stream.indirect.gather [hbm4b:s21+s22], $0x80, s25, s22, $0xb8;
	[tilespmem:$0x1E000] =	vst v63  }
0xe3: {  	s19 =	simm.s32 $0x0  }
0xe4: {  	[tilespmem:s29], [sflag:$0x4] =	stream.indirect.gather [hbm4b:s21+s22], $0x80, s28, s22, $0xb8;
	[tilespmem:$0x1E000] =	vst v63  }
.LBB2_5:
0xe5: {  	_ =	swait.ge [sflag:s30], $0x2000  }
0xe6: {  	s4 =	sshra.s32 s19, $0x2;
	[sflag:s30] =	ssyncset.done $0x0  }
0xe7: {  	p1 =	seq.s32 s19, $0x3800;
	s11 =	sadd.s32 $0x1000, s4;
	[sflag:s30] =	ssyncadd.s32 $0xFFFFE000  }
0xe8: {  	[spmem:s2] =	stream.indirect.scatter.add.f32 [tilespmem:s14], [sflag:$0x5], $0x80, s11, s22, $0xb8;
	[tilespmem:$0x1E000] =	vst v63  }
0xe9: {  	s11 =	simm.s32 @p1 $0x2  }
0xea: {  	_ =	swait.ge @p1 [sflag:s11], $0x2000  }
0xeb: {  	[sflag:s11] =	ssyncset.done @p1 $0x0  }
0xec: {  	[sflag:s11] =	ssyncadd.s32 @p1 $0xFFFFE000;
	s11 =	sshra.s32 @p1 s19, $0x2  }
0xed: {  	s10 =	simm.s32 @p1 $0x40;
	s20 =	simm.s32 @p1 $0x4000;
	s11 =	sadd.s32 @p1 $0x1080, s11  }
0xee: {  	[spmem:s2] =	stream.indirect.scatter.add.f32 @p1 [tilespmem:s20], [sflag:$0x6], $0x80, s11, s10, $0xb8;
	[tilespmem:$0x1E000] =	vst v63  }
0xef: {  	s10 =	simm.s32 @!p1 $0x5  }
0xf0: {  	_ =	swait.ge @!p1 [sflag:s10], $0x2000  }
0xf1: {  	[sflag:s10] =	ssyncset.done @!p1 $0x0  }
0xf2: {  	[sflag:s10] =	ssyncadd.s32 @!p1 $0xFFFFE000;
	s10 =	sshra.s32 @!p1 s19, $0x2  }
0xf3: {  	s23 =	simm.s32 @!p1 $0x2000;
	s20 =	simm.s32 @!p1 $0x40;
	s11 =	sadd.s32 @!p1 $0x200, s10  }
0xf4: {  	[tilespmem:s23], [sflag:$0x1] =	stream.indirect.gather @!p1 [hbm4b:s21+s20], $0x80, s11, s20, $0xb8;
	[tilespmem:$0x1E000] =	vst v63  }
0xf5: {  	s11 =	simm.s32 @!p1 $0x2  }
0xf6: {  	_ =	swait.ge @!p1 [sflag:s11], $0x2000  }
0xf7: {  	[sflag:s11] =	ssyncset.done @!p1 $0x0  }
0xf8: {  	s23 =	simm.s32 @!p1 $0x4000;
	[sflag:s11] =	ssyncadd.s32 @!p1 $0xFFFFE000;
	s11 =	sadd.s32 @!p1 $0x1080, s10  }
0xf9: {  	[spmem:s2] =	stream.indirect.scatter.add.f32 @!p1 [tilespmem:s23], [sflag:$0x6], $0x80, s11, s20, $0xb8;
	[tilespmem:$0x1E000] =	vst v63  }
0xfa: {  	p2 =	sne.s32 @!p1 s5, $0x0;
	s11 =	simm.s32 @!p1 $0x6  }
0xfb: {  	p3 =	por !p2, p1;
	_ =	swait.ge @!p1 [sflag:s11], $0x2000  }
0xfc: {  	p2 =	por p2, p1;
	s10 =	sadd.s32 @!p1 $0x280, s10;
	[sflag:s11] =	ssyncset.done @!p1 $0x0  }
0xfd: {  	s20 =	simm.s32 @!p3 $0x4000;
	[sflag:s11] =	ssyncadd.s32 @!p1 $0xFFFFE000;
	s11 =	simm.s32 @!p3 $0x40  }
0xfe: {  	[tilespmem:s20], [sflag:$0x2] =	stream.indirect.gather @!p3 [hbm4b:s16+s11], $0x80, s10, s11, $0xb8;
	[tilespmem:$0x1E000] =	vst v63  }
0xff: {  	s11 =	simm.s32 @!p2 $0x40;
	s20 =	simm.s32 @!p2 $0x4000  }
0x100: {  	[tilespmem:s20], [sflag:$0x2] =	stream.indirect.gather @!p2 [hbm4b:s1+s11], $0x80, s10, s11, $0xb8;
	[tilespmem:$0x1E000] =	vst v63  }
.Ltmp5:
0x101: {  	_ = 	snop;
	(pc) =	sbr.rel @p1 .LBB2_7-.Ltmp5, $4  }
0x102: {  	_ =	swait.ge [sflag:s31], $0x2000  }
0x103: {  	[sflag:s31] =	ssyncset.done $0x0  }
0x104: {  	s23 =	sadd.s32 $0x1100, s4;
	s11 =	sadd.s32 $0x1180, s4;
	[sflag:s31] =	ssyncadd.s32 $0xFFFFE000  }
0x105: {  	[spmem:s2] =	stream.indirect.scatter.add.f32 [tilespmem:s26], [sflag:$0x7], $0x80, s23, s22, $0xb8;
	[tilespmem:$0x1E000] =	vst v63  }
0x106: {  	_ =	swait.ge [sflag:s8], $0x2000  }
0x107: {  	[sflag:s8] =	ssyncset.done $0x0  }
0x108: {  	s10 =	sadd.s32 $0x300, s4;
	[sflag:s8] =	ssyncadd.s32 $0xFFFFE000  }
0x109: {  	[tilespmem:s26], [sflag:$0x3] =	stream.indirect.gather [hbm4b:s21+s22], $0x80, s10, s22, $0xb8;
	[tilespmem:$0x1E000] =	vst v63  }
0x10a: {  	_ =	swait.ge [sflag:s3], $0x2000  }
0x10b: {  	[sflag:s3] =	ssyncset.done $0x0  }
0x10c: {  	[sflag:s3] =	ssyncadd.s32 $0xFFFFE000  }
0x10d: {  	[spmem:s2] =	stream.indirect.scatter.add.f32 [tilespmem:s29], [sflag:$0x8], $0x80, s11, s22, $0xb8;
	[tilespmem:$0x1E000] =	vst v63  }
.Ltmp6:
0x10e: {  	_ = 	snop;
	(pc) =	sbr.rel .LBB2_5-.Ltmp6, $4  }
0x10f: {  	_ =	swait.ge [sflag:s9], $0x2000  }
0x110: {  	[sflag:s9] =	ssyncset.done $0x0  }
0x111: {  	s23 =	sadd.s32 $0x380, s4;
	s19 =	sadd.s32 $0x800, s19;
	[sflag:s9] =	ssyncadd.s32 $0xFFFFE000  }
0x112: {  	[tilespmem:s29], [sflag:$0x4] =	stream.indirect.gather [hbm4b:s21+s22], $0x80, s23, s22, $0xb8;
	[tilespmem:$0x1E000] =	vst v63  }
.LBB2_9:
0x113: {  	_ =	sfence.sel $0x180000  }
0x114: {  	[bflag:$0x0] =	sbarrier.arrive $0xFFFF  }
0x115: {  	_ =	strace $0x9000004A  }
0x116: {  	s0 =	stileid.u32;
	[bflag:$0x2] =	sbarrier.arrive $0xFFFF  }
0x117: {  	p0 =	sne.s32 s0, $0x0;
	s0 =	rddreg [dreg:$0x3]  }
0x118: {  	s0 =	sadd.s32 @!p0 $0x100000, s0  }
0x119: {  	[sflag:s0] =	ssyncadd.tile.s32 @!p0 $0x1;
	_ =	shalt  }
.Lfunc_end2:
_tile_overlayer_lowered:
.L_overlay_start_2:
0x11a: {  	(tag) =	ssettag $0x2  }
0x11b: {  	s0 =	rddreg [dreg:$0x0];
	s2 =	stileid.u32  }
0x11c: {  	s1 =	rddreg [dreg:$0x1];
	p0 =	sne.s32 s2, $0x0  }
0x11d: {  	s3 =	rddreg [dreg:$0x2];
	[bflag:$0x3] =	sbarrier.arrive $0xFFFF;
	s2 =	simm.s32 @!p0 $0x1C09  }
0x11e: {  	[timem:s3], [sflag:s2] =	dma.local @!p0 [hbm:s0], s1  }
0x11f: {  	s0 =	simm.s32 @!p0 $0x9  }
0x120: {  	_ =	swait.ge @!p0 [sflag:s0], s1  }
0x121: {  	s1 =	ssub.s32 @!p0 $0x0, s1;
	[sflag:s0] =	ssyncset.done @!p0 $0x0  }
0x122: {  	[sflag:s0] =	ssyncadd.s32 @!p0 s1  }
0x123: {  	[bflag:$0x3] =	sbarrier.arrive $0xFFFF  }
0x124: {  	_ =	shalt  }

// kernel: kernel.17.cloned.1.call-start
scs
__scs_entry_jumppad:
0x0: {  	(pc) =	sbr.rel $0x88, $3  }
0x1: {  	(tag) =	ssettag $0x0;
	lr =	simm.s32 $0x1  }
0x2: {  	[smem:$0x3F9C] =	sst lr;
	_ =	strace $0xD0000000  }
0x3: {  	_ = 	snop  }
0x4: {  	_ = 	snop  }
0x5: {  	_ = 	snop  }
0x6: {  	_ = 	snop  }
0x7: {  	_ = 	snop  }
__scs_overlays_trampoline_lowered:
0x8: {  	[smem:$0x3FAB] =	sst s0  }
0x9: {  	[smem:$0x3FAC] =	sst s1  }
0xa: {  	[smem:$0x3FAD] =	sst s2  }
0xb: {  	[smem:$0x3FAE] =	sst s3  }
0xc: {  	[smem:$0x3FAF] =	sst s4  }
0xd: {  	[smem:$0x3FB0] =	sst s5  }
0xe: {  	[smem:$0x3FB1] =	sst s6  }
0xf: {  	[smem:$0x3FB2] =	sst s7  }
0x10: {  	[smem:$0x3FB3] =	sst s8  }
0x11: {  	[smem:$0x3FB4] =	sst s9;
	s0 =	simm.s32 @!p0 $0x0  }
0x12: {  	s1 =	sld [smem:$0x3F9A];
	s0 =	simm.s32 @p0 $0x1  }
0x13: {  	[smem:$0x3FB5] =	sst s0;
	s0 =	simm.s32 @!p1 $0x0  }
0x14: {  	s2 =	sld [smem:$0x3F99];
	s0 =	simm.s32 @p1 $0x1  }
0x15: {  	[smem:$0x3FB6] =	sst s0;
	s0 =	simm.s32 @!p2 $0x0  }
0x16: {  	s3 =	sld [smem:$0x3FDB];
	s0 =	simm.s32 @p2 $0x1  }
0x17: {  	s4 =	simm.s32 $0x1BF5;
	[smem:$0x3FB8] =	sst s0  }
0x18: {  	s0 =	sld [smem:$0x3F9B];
	_ =	swait.ge [sflag:s4], $0x0  }
0x19: {  	s7 =	sld [smem:$0x3F9C]  }
0x1a: {  	s8 =	sadd.s32 $0xFFFFE003, lr  }
0x1b: {  	s9 =	sadd.s32 $0xFFFFFEF7, lr;
	s5 =	simm.s32 $0xFFFFFFFF;
	p2 =	slt.u32 s8, $0xFFFFF086  }
0x1c: {  	p1 =	slt.u32 s9, $0xF7A;
	s5 =	simm.s32 @!p2 $0x0  }
0x1d: {  	s5 =	simm.s32 @p1 $0x1;
	p0 =	seq.s32 s7, s2  }
0x1e: {  	s7 =	smul.u32 @!p0 $0xF7A, s2;
	p2 =	seq.s32 @!p0 s5, $0x0  }
0x1f: {  	s9 =	smul.u32 $0xF7A, s1;
	s8 =	simm.s32 @!p0 $0x1BF5;
	p2 =	por !p2, p0  }
0x20: {  	[sflag:s8] =	ssyncset.s32 @!p0 $0xFFFFF086;
	s6 =	sadd.s32 @!p0 s3, s7;
	s7 =	simm.s32 @!p0 $0x108  }
0x21: {  	s3 =	sadd.s32 s3, s9;
	s6 =	sadd.s32 @!p0 $0x88, s6;
	s7 =	simm.s32 @p2 $0x1082  }
0x22: {  	[simem:s7], [sflag:s8] =	dma.local @!p0 [hbm:s6], $0xF7A  }
0x23: {  	s9 =	sor.u32 $0xD0000000, s2;
	s6 =	simm.s32 $0x108;
	_ =	swait.ge @!p0 [sflag:s8], $0x0  }
0x24: {  	s3 =	sadd.s32 $0x88, s3;
	s6 =	simm.s32 @!p1 $0x1082;
	[sflag:s4] =	ssyncset.s32 $0xFFFFF086  }
0x25: {  	[simem:s6], [sflag:s4] =	dma.local [hbm:s3], $0xF7A  }
0x26: {  	[smem:$0x3F9C] =	sst s1;
	(tag) =	ssettag s2;
	_ =	strace s9  }
0x27: {  	s1 =	sld [smem:$0x3FAC]  }
0x28: {  	s2 =	sld [smem:$0x3FAD]  }
0x29: {  	s4 =	sld [smem:$0x3FAF]  }
0x2a: {  	p0 =	seq.s32 s5, $0x0;
	s5 =	sld [smem:$0x3FB0]  }
0x2b: {  	s6 =	sld [smem:$0x3FB1]  }
0x2c: {  	s7 =	sld [smem:$0x3FB2]  }
0x2d: {  	s3 =	simm.s32 $0x108;
	s8 =	sld [smem:$0x3FB3]  }
0x2e: {  	s3 =	simm.s32 @!p0 $0x1082;
	s9 =	sld [smem:$0x3FB4]  }
0x2f: {  	lr =	sadd.s32 s0, s3;
	s0 =	sld [smem:$0x3FAB]  }
0x30: {  	s3 =	sld [smem:$0x3FAE]  }
0x31: {  	[smem:$0x3FB7] =	sst s10  }
0x32: {  	s10 =	sld [smem:$0x3FB5];
	_ =	sdelay $0x3  }
0x33: {  	p0 =	seq.s32 s10, $0x1;
	s10 =	sld [smem:$0x3FB7];
	_ =	sdelay $0x3  }
0x34: {  	[smem:$0x3FB7] =	sst s10  }
0x35: {  	s10 =	sld [smem:$0x3FB6];
	_ =	sdelay $0x3  }
0x36: {  	p1 =	seq.s32 s10, $0x1;
	s10 =	sld [smem:$0x3FB7];
	_ =	sdelay $0x3  }
0x37: {  	[smem:$0x3FB7] =	sst s10  }
0x38: {  	s10 =	sld [smem:$0x3FB8]  }
0x39: {  	_ = 	snop;
	(pc) =	sbr.ind lr, $3  }
0x3a: {  	_ = 	snop  }
0x3b: {  	_ = 	snop  }
0x3c: {  	p2 =	seq.s32 s10, $0x1;
	s10 =	sld [smem:$0x3FB7]  }
0x3d: {  	_ =	shalt  }
0x3e: {  	_ =	shalt  }
0x3f: {  	_ =	shalt  }
0x40: {  	_ =	shalt  }
0x41: {  	_ =	shalt  }
0x42: {  	_ =	shalt  }
0x43: {  	_ =	shalt  }
0x44: {  	_ =	shalt  }
0x45: {  	_ =	shalt  }
0x46: {  	_ =	shalt  }
0x47: {  	_ =	shalt  }
0x48: {  	_ =	shalt  }
0x49: {  	_ =	shalt  }
0x4a: {  	_ =	shalt  }
0x4b: {  	_ =	shalt  }
0x4c: {  	_ =	shalt  }
0x4d: {  	_ =	shalt  }
0x4e: {  	_ =	shalt  }
0x4f: {  	_ =	shalt  }
0x50: {  	_ =	shalt  }
0x51: {  	_ =	shalt  }
0x52: {  	_ =	shalt  }
0x53: {  	_ =	shalt  }
0x54: {  	_ =	shalt  }
0x55: {  	_ =	shalt  }
0x56: {  	_ =	shalt  }
0x57: {  	_ =	shalt  }
0x58: {  	_ =	shalt  }
0x59: {  	_ =	shalt  }
0x5a: {  	_ =	shalt  }
0x5b: {  	_ =	shalt  }
0x5c: {  	_ =	shalt  }
0x5d: {  	_ =	shalt  }
0x5e: {  	_ =	shalt  }
0x5f: {  	_ =	shalt  }
0x60: {  	_ =	shalt  }
0x61: {  	_ =	shalt  }
0x62: {  	_ =	shalt  }
0x63: {  	_ =	shalt  }
0x64: {  	_ =	shalt  }
0x65: {  	_ =	shalt  }
0x66: {  	_ =	shalt  }
0x67: {  	_ =	shalt  }
0x68: {  	_ =	shalt  }
0x69: {  	_ =	shalt  }
0x6a: {  	_ =	shalt  }
0x6b: {  	_ =	shalt  }
0x6c: {  	_ =	shalt  }
0x6d: {  	_ =	shalt  }
0x6e: {  	_ =	shalt  }
0x6f: {  	_ =	shalt  }
0x70: {  	_ =	shalt  }
0x71: {  	_ =	shalt  }
0x72: {  	_ =	shalt  }
0x73: {  	_ =	shalt  }
0x74: {  	_ =	shalt  }
0x75: {  	_ =	shalt  }
0x76: {  	_ =	shalt  }
0x77: {  	_ =	shalt  }
0x78: {  	_ =	shalt  }
0x79: {  	_ =	shalt  }
0x7a: {  	_ =	shalt  }
0x7b: {  	_ =	shalt  }
0x7c: {  	_ =	shalt  }
0x7d: {  	_ =	shalt  }
0x7e: {  	_ =	shalt  }
0x7f: {  	_ =	shalt  }
0x80: {  	_ =	shalt  }
0x81: {  	_ =	shalt  }
0x82: {  	_ =	shalt  }
0x83: {  	_ =	shalt  }
0x84: {  	_ =	shalt  }
0x85: {  	_ =	shalt  }
0x86: {  	_ =	shalt  }
0x87: {  	_ =	shalt  }
.Lfunc_end0:
.L_simem_size_0:
called_computation.2_lowered:
.L_overlay_start_0:
0x88: {  	s2 =	sld [smem:$0x3FD9]  }
0x89: {  	s3 =	sld [smem:$0x3FFE];
	_ =	sdelay $0x1  }
0x8a: {  	s1 =	srdreg.scid  }
0x8b: {  	s0 =	sand.u32 $0x1, s1  }
0x8c: {  	s17 =	sshll.u32 s0, $0xA;
	s2 =	sadd.s32 s3, s2  }
0x8d: {  	s2 =	sadd.s32 s2, s17  }
0x8e: {  	[smem:$0x3FC3] =	sst s2  }
0x8f: {  	_ = 	snop  }
0x90: {  	s2 =	sld [smem:$0x3FD0];
	(tm) =	ssettm $0x1  }
0x91: {  	s18 =	sld [smem:$0x3FFB];
	_ =	sdelay $0x3  }
0x92: {  	_ =	strace s18  }
0x93: {  	s3 =	sld [smem:$0x3FFC];
	_ =	sdelay $0x3  }
0x94: {  	_ =	strace s3  }
0x95: {  	s3 =	sld [smem:$0x3FFD];
	_ =	sdelay $0x3  }
0x96: {  	_ =	strace s3  }
0x97: {  	_ =	strace $0x8FFFFFFF  }
0x98: {  	s19 =	sld [smem:$0x3FDB];
	_ =	sdelay $0x1  }
0x99: {  	s4 =	simm.s32 $_scs_section_size  }
0x9a: {  	s5 =	simm.s32 $_size__tile_overlayer_lowered;
	s6 =	simm.s32 $_tile_overlayer_lowered  }
0x9b: {  	s22 =	simm.s32 $0x1BFF;
	s21 =	sshll.u32 s6, $0x1;
	s3 =	sadd.s32 s4, s19  }
0x9c: {  	s7 =	simm.s32 $0x0;
	s20 =	sshll.u32 s5, $0x1;
	s5 =	sadd.s32 s21, s3  }
0x9d: {  	[timem:s7], [sflag:s22] =	dma.local [hbm:s5], s20  }
0x9e: {  	_ =	swait.ge [sflag:s22], s20  }
0x9f: {  	s4 =	ssub.s32 $0x0, s20;
	[sflag:s22] =	ssyncset.done $0x0  }
0xa0: {  	[sflag:s22] =	ssyncadd.s32 s4;
	_ =	sdelay $0x1  }
0xa1: {  	s23 =	simm.s32 $0x1B8B  }
0xa2: {  	_ =	swait.ge [sflag:s23], $0x1  }
0xa3: {  	[sflag:s23] =	ssyncset.done $0x0  }
0xa4: {  	s25 =	simm.s32 $0x1B8E;
	s24 =	sld [smem:$0x3FFE];
	[sflag:s23] =	ssyncadd.s32 $0xFFFFFFFF  }
0xa5: {  	s26 =	simm.s32 $execute0_lowered;
	[smem:$0x3FD2] =	sst s25  }
0xa6: {  	s5 =	sshll.u32 s26, $0x1;
	_ =	strace $0x8000004C;
	[dreg:$0x1] =	wrdreg $0xFFFFFFFF  }
0xa7: {  	s28 =	simm.s32 $_size_execute0_lowered;
	s3 =	sadd.s32 s3, s5;
	[dreg:$0x0] =	wrdreg $0x0  }
0xa8: {  	s5 =	sshll.u32 s28, $0x1;
	[dreg:$0x2] =	wrdreg s3  }
0xa9: {  	[dreg:$0x3] =	wrdreg s5  }
0xaa: {  	[dreg:$0x4] =	wrdreg $0xC0  }
0xab: {  	_ =	task [dreg:s7], $0x5FFFF  }
0xac: {  	[dreg:$0x1] =	wrdreg $0xFFFFFFFF  }
0xad: {  	[dreg:$0x0] =	wrdreg $0x60  }
0xae: {  	[dreg:$0x2] =	wrdreg s2  }
0xaf: {  	[dreg:$0x3] =	wrdreg s24  }
0xb0: {  	[dreg:$0x4] =	wrdreg $0xA0000  }
0xb1: {  	[dreg:$0x5] =	wrdreg $0x9  }
0xb2: {  	_ =	task.clear_ibuf [dreg:s7], $0x6FFFF;
	_ =	strace $0x9000004C  }
0xb3: {  	s29 =	simm.s32 $0x9;
	_ =	strace $0x8000004E  }
0xb4: {  	_ =	swait.ge [sflag:s29], $0x1  }
0xb5: {  	[sflag:s29] =	ssyncadd.s32 $0xFFFFFFFF  }
0xb6: {  	_ =	strace $0x9000004E  }
0xb7: {  	_ =	sfence  }
0xb8: {  	s30 =	sld [smem:$0x0];
	_ =	sdelay $0x2  }
0xb9: {  	s31 =	sshll.u32 s1, $0xD;
	s1 =	sshrl.u32 s1, $0x2  }
0xba: {  	s3 =	sand.u32 $0x4000, s31;
	s1 =	sadd.s32 s1, s30  }
0xbb: {  	s0 =	sor.u32 s3, s0;
	s1 =	sshll.u32 s1, $0x11  }
0xbc: {  	s0 =	sor.u32 s1, s0  }
0xbd: {  	s0 =	sadd.s32 $0x8F2B, s0  }
0xbe: {  	[sflag:s0] =	ssyncadd.remote.s32 $0x1  }
0xbf: {  	_ =	sfence.sel $0xFFFF  }
0xc0: {  	[dreg:$0x0] =	wrdreg $0xFFFFFFFF;
	(pc) =	sbr.abs _section_cstart, $3  }
0xc1: {  	[dreg:$0x1] =	wrdreg $0xFFFFFFFF  }
0xc2: {  	_ =	task.clear_ibuf [dreg:s7], $0x2FFFF;
	_ =	strace $0x9FFFFFFF  }
0xc3: {  	(tm) =	ssettm $0x7FFFFFFF  }
tec
execute0_lowered:
.L_overlay_start_1:
0x0: {  	(tag) =	ssettag $0x1  }
0x1: {  	s1 =	rddreg [dreg:$0x0]  }
0x2: {  	s0 =	rddreg [dreg:$0x1]  }
0x3: {  	s2 =	rddreg [dreg:$0x2];
	s3 =	simm.s32 $0x0  }
0x4: {  	s4 =	srdreg.scid;
	s19 =	stileid.u32;
	s28 =	simm.s32 $0x180  }
0x5: {  	s29 =	simm.s32 $0x8000;
	s30 =	simm.s32 $0x1;
	[smem:$0x7FF] =	sst s3  }
0x6: {  	s3 =	sadd.s32 $0x44E00, s0;
	s5 =	sand.u32 $0x1, s4;
	s22 =	smul.u32 $0x280, s19  }
0x7: {  	s6 =	sadd.s32 $0x6CE00, s0;
	s8 =	smul.u32 $0x2800, s19;
	s7 =	ssub.s32 $0x2, s5  }
0x8: {  	s20 =	smul.u32 $0x50000, s19;
	p0 =	seq.s32 s5, $0x0;
	s9 =	sshrl.u32 s7, $0x1  }
0x9: {  	s6 =	smov.u32 @p0 s3;
	s23 =	sor.u32 $0x40, s22;
	s25 =	sadd.s32 $0x80, s22  }
0xa: {  	s26 =	sadd.s32 $0xC0, s22;
	s12 =	sadd.s32 $0x100, s22;
	s4 =	sadd.s32 $0x240, s22  }
0xb: {  	s21 =	sshrl.u32 s20, $0x2;
	s7 =	ssub.s32 s7, s9;
	s8 =	sadd.s32 s6, s8  }
0xc: {  	s24 =	sshll.u32 s23, $0x4;
	s10 =	sshll.u32 s25, $0x4;
	s11 =	sshll.u32 s26, $0x4  }
0xd: {  	s16 =	sshll.u32 s12, $0x4;
	s20 =	sadd.s32 s21, s2;
	s23 =	sshll.u32 s23, $0x7  }
0xe: {  	[dreg:$0x4] =	wrdreg s8;
	s8 =	sadd.s32 s6, s24;
	s10 =	sadd.s32 s6, s10  }
0xf: {  	s15 =	sadd.s32 s6, s11;
	[dreg:$0x6] =	wrdreg s10;
	s10 =	sadd.s32 s6, s16  }
0x10: {  	s11 =	sadd.s32 $0x180, s22;
	[dreg:$0x8] =	wrdreg s10;
	s10 =	sadd.s32 $0x140, s22  }
0x11: {  	[dreg:$0x7] =	wrdreg s15;
	s15 =	sadd.s32 $0x1C0, s22;
	s13 =	sshll.u32 s10, $0x4  }
0x12: {  	[dreg:$0x5] =	wrdreg s8;
	s18 =	sshll.u32 s15, $0x4;
	s13 =	sadd.s32 s6, s13  }
0x13: {  	s14 =	sshll.u32 s11, $0x4;
	[dreg:$0x9] =	wrdreg s13;
	s13 =	sadd.s32 s6, s18  }
0x14: {  	s17 =	sadd.s32 s6, s14;
	[dreg:$0xb] =	wrdreg s13;
	s13 =	sadd.s32 $0x200, s22  }
0x15: {  	s24 =	sshll.u32 s25, $0x7;
	[dreg:$0xa] =	wrdreg s17;
	s16 =	sshll.u32 s13, $0x4  }
0x16: {  	s17 =	sshll.u32 s4, $0x4;
	s18 =	sadd.s32 $0x30E00, s0;
	s16 =	sadd.s32 s6, s16  }
0x17: {  	s22 =	smax.u32 s7, $0x1;
	s6 =	sadd.s32 s6, s17;
	[dreg:$0xc] =	wrdreg s16  }
0x18: {  	s17 =	sadd.s32 $0x3AE00, s0;
	[dreg:$0xd] =	wrdreg s6;
	s16 =	sadd.s32 $0x3E00, s0  }
0x19: {  	s0 =	sadd.s32 s23, s2;
	_ =	strace $0x8000004D;
	[dreg:$0xf] =	wrdreg s22  }
0x1a: {  	s25 =	sadd.s32 s24, s2;
	s6 =	sshll.u32 s10, $0x7;
	[dreg:$0x10] =	wrdreg s0  }
0x1b: {  	s10 =	sshll.u32 s13, $0x7;
	s13 =	sadd.s32 $0x2000, s20;
	[dreg:$0x11] =	wrdreg s25  }
0x1c: {  	s31 =	simm.s32 $0x3;
	s14 =	sadd.s32 $0x4000, s20;
	[dreg:$0x19] =	wrdreg s13  }
0x1d: {  	s9 =	sshll.u32 s15, $0x7;
	s15 =	sadd.s32 $0x6000, s20;
	[dreg:$0x1a] =	wrdreg s14  }
0x1e: {  	s26 =	sshll.u32 s26, $0x7;
	s23 =	sadd.s32 $0xC000, s20;
	[dreg:$0x1b] =	wrdreg s15  }
0x1f: {  	s3 =	sshll.u32 s12, $0x7;
	s24 =	sadd.s32 $0xE000, s20;
	[dreg:$0x1e] =	wrdreg s23  }
0x20: {  	s12 =	sshll.u32 s4, $0x7;
	s8 =	sshll.u32 s11, $0x7;
	[dreg:$0x1f] =	wrdreg s24  }
0x21: {  	s21 =	smov.u32 s16;
	s0 =	sadd.s32 s26, s2;
	[dreg:$0xe] =	wrdreg s20  }
0x22: {  	s7 =	sadd.s32 s6, s2;
	s11 =	sadd.s32 s10, s2;
	[dreg:$0x12] =	wrdreg s0  }
0x23: {  	s22 =	sadd.s32 $0xA000, s20;
	s25 =	sadd.s32 $0x10000, s20;
	[dreg:$0x14] =	wrdreg s7  }
0x24: {  	s26 =	sadd.s32 $0x12000, s20;
	s14 =	simm.s32 $0x2000;
	[dreg:$0x17] =	wrdreg s11  }
0x25: {  	s15 =	simm.s32 $0x9;
	s24 =	simm.s32 $0x4000;
	[dreg:$0x1d] =	wrdreg s22  }
0x26: {  	s6 =	simm.s32 $0x5;
	s10 =	simm.s32 $0x0;
	[smem:$0x7FC] =	sst s25  }
0x27: {  	s21 =	smov.u32 @p0 s1;
	s0 =	sadd.s32 s3, s2;
	[smem:$0x7FD] =	sst s26  }
0x28: {  	s22 =	simm.s32 $0x40;
	s25 =	simm.s32 $0x100;
	s26 =	simm.s32 $0x6000  }
.Ltmp0:
0x29: {  	[dreg:$0x13] =	wrdreg s0;
	s0 =	sadd.s32 s8, s2;
	(pc) =	sbr.rel .LBB2_1-.Ltmp0, $4  }
0x2a: {  	s3 =	simm.s32 $0x4;
	[dreg:$0x15] =	wrdreg s0;
	s0 =	sadd.s32 s9, s2  }
0x2b: {  	s7 =	simm.s32 $0x6;
	[dreg:$0x16] =	wrdreg s0;
	s0 =	sadd.s32 s12, s2  }
0x2c: {  	[dreg:$0x18] =	wrdreg s0;
	s0 =	smul.u32 $0x5000, s19;
	s19 =	sadd.s32 $0x8000, s20  }
0x2d: {  	v0 =	vimm.f32 $0.0e+00;
	s8 =	simm.s32 $0x7;
	s9 =	simm.s32 $0x8;
	[dreg:$0x1c] =	wrdreg s19  }
.LBB2_8:
0x2e: {  	[bflag:$0x0] =	sbarrier.arrive $0xFFFF  }
0x2f: {  	s11 =	simm.s32 $0xA;
	s20 =	rddreg [dreg:$0xe]  }
0x30: {  	[tilespmem:s14], [sflag:$0xA] =	stream.linear.gather [spmem:s20], $0x2000, $0x38;
	[tilespmem:$0x1E000] =	vst v63  }
0x31: {  	_ =	swait.ge [sflag:s11], $0x2000  }
0x32: {  	s12 =	simm.s32 $0xA;
	s4 =	simm.s32 $0x0;
	[sflag:s11] =	ssyncset.done $0x0  }
0x33: {  	s12 =	simm.s32 @!p0 $0x9;
	s10 =	rddreg [dreg:$0x4];
	[sflag:s11] =	ssyncadd.s32 $0xFFFFE000  }
0x34: {  	[hbm4b:s10+s4] =	stream.linear.scatter [tilespmem:s14], [sflag:s12], $0x2000, $0x38;
	[tilespmem:$0x1E000] =	vst v63  }
0x35: {  	_ =	swait.ge [sflag:s12], $0x2000  }
0x36: {  	[sflag:s12] =	ssyncset.done $0x0  }
0x37: {  	s19 =	rddreg [dreg:$0x10];
	[sflag:s12] =	ssyncadd.s32 $0xFFFFE000  }
0x38: {  	[tilespmem:s14], [sflag:$0xA] =	stream.linear.gather [spmem:s19], $0x2000, $0x38;
	[tilespmem:$0x1E000] =	vst v63  }
0x39: {  	_ =	swait.ge [sflag:s11], $0x2000  }
0x3a: {  	[sflag:s11] =	ssyncset.done $0x0  }
0x3b: {  	s23 =	rddreg [dreg:$0x5];
	[sflag:s11] =	ssyncadd.s32 $0xFFFFE000  }
0x3c: {  	[hbm4b:s23+s4] =	stream.linear.scatter [tilespmem:s14], [sflag:s12], $0x2000, $0x38;
	[tilespmem:$0x1E000] =	vst v63  }
0x3d: {  	_ =	swait.ge [sflag:s12], $0x2000  }
0x3e: {  	[sflag:s12] =	ssyncset.done $0x0  }
0x3f: {  	s13 =	rddreg [dreg:$0x11];
	[sflag:s12] =	ssyncadd.s32 $0xFFFFE000  }
0x40: {  	[tilespmem:s14], [sflag:$0xA] =	stream.linear.gather [spmem:s13], $0x2000, $0x38;
	[tilespmem:$0x1E000] =	vst v63  }
0x41: {  	_ =	swait.ge [sflag:s11], $0x2000  }
0x42: {  	[sflag:s11] =	ssyncset.done $0x0  }
0x43: {  	s19 =	rddreg [dreg:$0x6];
	[sflag:s11] =	ssyncadd.s32 $0xFFFFE000  }
0x44: {  	[hbm4b:s19+s4] =	stream.linear.scatter [tilespmem:s14], [sflag:s12], $0x2000, $0x38;
	[tilespmem:$0x1E000] =	vst v63  }
0x45: {  	_ =	swait.ge [sflag:s12], $0x2000  }
0x46: {  	[sflag:s12] =	ssyncset.done $0x0  }
0x47: {  	s23 =	rddreg [dreg:$0x12];
	[sflag:s12] =	ssyncadd.s32 $0xFFFFE000  }
0x48: {  	[tilespmem:s14], [sflag:$0xA] =	stream.linear.gather [spmem:s23], $0x2000, $0x38;
	[tilespmem:$0x1E000] =	vst v63  }
0x49: {  	_ =	swait.ge [sflag:s11], $0x2000  }
0x4a: {  	[sflag:s11] =	ssyncset.done $0x0  }
0x4b: {  	s13 =	rddreg [dreg:$0x7];
	[sflag:s11] =	ssyncadd.s32 $0xFFFFE000  }
0x4c: {  	[hbm4b:s13+s4] =	stream.linear.scatter [tilespmem:s14], [sflag:s12], $0x2000, $0x38;
	[tilespmem:$0x1E000] =	vst v63  }
0x4d: {  	_ =	swait.ge [sflag:s12], $0x2000  }
0x4e: {  	[sflag:s12] =	ssyncset.done $0x0  }
0x4f: {  	s19 =	rddreg [dreg:$0x13];
	[sflag:s12] =	ssyncadd.s32 $0xFFFFE000  }
0x50: {  	[tilespmem:s14], [sflag:$0xA] =	stream.linear.gather [spmem:s19], $0x2000, $0x38;
	[tilespmem:$0x1E000] =	vst v63  }
0x51: {  	_ =	swait.ge [sflag:s11], $0x2000  }
0x52: {  	[sflag:s11] =	ssyncset.done $0x0  }
0x53: {  	s23 =	rddreg [dreg:$0x8];
	[sflag:s11] =	ssyncadd.s32 $0xFFFFE000  }
0x54: {  	[hbm4b:s23+s4] =	stream.linear.scatter [tilespmem:s14], [sflag:s12], $0x2000, $0x38;
	[tilespmem:$0x1E000] =	vst v63  }
0x55: {  	_ =	swait.ge [sflag:s12], $0x2000  }
0x56: {  	[sflag:s12] =	ssyncset.done $0x0  }
0x57: {  	s13 =	rddreg [dreg:$0x14];
	[sflag:s12] =	ssyncadd.s32 $0xFFFFE000  }
0x58: {  	[tilespmem:s14], [sflag:$0xA] =	stream.linear.gather [spmem:s13], $0x2000, $0x38;
	[tilespmem:$0x1E000] =	vst v63  }
0x59: {  	_ =	swait.ge [sflag:s11], $0x2000  }
0x5a: {  	[sflag:s11] =	ssyncset.done $0x0  }
0x5b: {  	s19 =	rddreg [dreg:$0x9];
	[sflag:s11] =	ssyncadd.s32 $0xFFFFE000  }
0x5c: {  	[hbm4b:s19+s4] =	stream.linear.scatter [tilespmem:s14], [sflag:s12], $0x2000, $0x38;
	[tilespmem:$0x1E000] =	vst v63  }
0x5d: {  	_ =	swait.ge [sflag:s12], $0x2000  }
0x5e: {  	[sflag:s12] =	ssyncset.done $0x0  }
0x5f: {  	s23 =	rddreg [dreg:$0x15];
	[sflag:s12] =	ssyncadd.s32 $0xFFFFE000  }
0x60: {  	[tilespmem:s14], [sflag:$0xA] =	stream.linear.gather [spmem:s23], $0x2000, $0x38;
	[tilespmem:$0x1E000] =	vst v63  }
0x61: {  	_ =	swait.ge [sflag:s11], $0x2000  }
0x62: {  	[sflag:s11] =	ssyncset.done $0x0  }
0x63: {  	s13 =	rddreg [dreg:$0xa];
	[sflag:s11] =	ssyncadd.s32 $0xFFFFE000  }
0x64: {  	[hbm4b:s13+s4] =	stream.linear.scatter [tilespmem:s14], [sflag:s12], $0x2000, $0x38;
	[tilespmem:$0x1E000] =	vst v63  }
0x65: {  	_ =	swait.ge [sflag:s12], $0x2000  }
0x66: {  	[sflag:s12] =	ssyncset.done $0x0  }
0x67: {  	s19 =	rddreg [dreg:$0x16];
	[sflag:s12] =	ssyncadd.s32 $0xFFFFE000  }
0x68: {  	[tilespmem:s14], [sflag:$0xA] =	stream.linear.gather [spmem:s19], $0x2000, $0x38;
	[tilespmem:$0x1E000] =	vst v63  }
0x69: {  	_ =	swait.ge [sflag:s11], $0x2000  }
0x6a: {  	[sflag:s11] =	ssyncset.done $0x0  }
0x6b: {  	s23 =	rddreg [dreg:$0xb];
	[sflag:s11] =	ssyncadd.s32 $0xFFFFE000  }
0x6c: {  	[hbm4b:s23+s4] =	stream.linear.scatter [tilespmem:s14], [sflag:s12], $0x2000, $0x38;
	[tilespmem:$0x1E000] =	vst v63  }
0x6d: {  	_ =	swait.ge [sflag:s12], $0x2000  }
0x6e: {  	[sflag:s12] =	ssyncset.done $0x0  }
0x6f: {  	s13 =	rddreg [dreg:$0x17];
	[sflag:s12] =	ssyncadd.s32 $0xFFFFE000  }
0x70: {  	[tilespmem:s14], [sflag:$0xA] =	stream.linear.gather [spmem:s13], $0x2000, $0x38;
	[tilespmem:$0x1E000] =	vst v63  }
0x71: {  	_ =	swait.ge [sflag:s11], $0x2000  }
0x72: {  	[sflag:s11] =	ssyncset.done $0x0  }
0x73: {  	s19 =	rddreg [dreg:$0xc];
	[sflag:s11] =	ssyncadd.s32 $0xFFFFE000  }
0x74: {  	[hbm4b:s19+s4] =	stream.linear.scatter [tilespmem:s14], [sflag:s12], $0x2000, $0x38;
	[tilespmem:$0x1E000] =	vst v63  }
0x75: {  	_ =	swait.ge [sflag:s12], $0x2000  }
0x76: {  	[sflag:s12] =	ssyncset.done $0x0  }
0x77: {  	s23 =	rddreg [dreg:$0x18];
	[sflag:s12] =	ssyncadd.s32 $0xFFFFE000  }
0x78: {  	[tilespmem:s14], [sflag:$0xA] =	stream.linear.gather [spmem:s23], $0x2000, $0x38;
	[tilespmem:$0x1E000] =	vst v63  }
0x79: {  	_ =	swait.ge [sflag:s11], $0x2000  }
0x7a: {  	[sflag:s11] =	ssyncset.done $0x0  }
0x7b: {  	s13 =	rddreg [dreg:$0xd];
	[sflag:s11] =	ssyncadd.s32 $0xFFFFE000  }
0x7c: {  	[hbm4b:s13+s4] =	stream.linear.scatter [tilespmem:s14], [sflag:s12], $0x2000, $0x38;
	[tilespmem:$0x1E000] =	vst v63  }
0x7d: {  	_ =	swait.ge [sflag:s12], $0x2000  }
0x7e: {  	s19 =	sld [smem:$0x7FB];
	_ =	sdelay $0x2  }
0x7f: {  	s23 =	rddreg [dreg:$0xf];
	s10 =	sadd.s32 $0x1, s19  }
0x80: {  	p1 =	sne.s32 s10, s23  }
.Ltmp1:
0x81: {  	_ = 	snop;
	(pc) =	sbr.rel @!p1 .LBB2_9-.Ltmp1, $3  }
0x82: {  	_ =	sdelay $0x1  }
0x83: {  	[sflag:s12] =	ssyncset.done $0x0  }
0x84: {  	[sflag:s12] =	ssyncadd.s32 $0xFFFFE000  }
.LBB2_1:
0x85: {  	s4 =	simm.s32 $0x0;
	s12 =	simm.s32 $0x200  }
.LBB2_2:
0x86: {  	p1 =	sne.s32 s12, $0x7E00;
	[tilespmem:s4+$0x2070] =	vst v0  }
0x87: {  	[tilespmem:s4+$0x2000] =	vst v0  }
0x88: {  	[tilespmem:s4+$0x2010] =	vst v0  }
.Ltmp2:
0x89: {  	[tilespmem:s4+$0x2020] =	vst v0;
	(pc) =	sbr.rel @p1 .LBB2_2-.Ltmp2, $4  }
0x8a: {  	[tilespmem:s4+$0x2030] =	vst v0  }
0x8b: {  	[tilespmem:s4+$0x2040] =	vst v0  }
0x8c: {  	[tilespmem:s4+$0x2050] =	vst v0  }
0x8d: {  	[tilespmem:s4+$0x2060] =	vst v0;
	s4 =	sshra.s32 s12, $0x2;
	s12 =	sadd.s32 $0x200, s12  }
0x8e: {  	[tilespmem:s4+$0x2070] =	vst v0  }
0x8f: {  	[tilespmem:s4+$0x2000] =	vst v0  }
0x90: {  	[tilespmem:s4+$0x2010] =	vst v0  }
0x91: {  	[tilespmem:s4+$0x2020] =	vst v0  }
0x92: {  	[tilespmem:s4+$0x2030] =	vst v0  }
0x93: {  	[tilespmem:s4+$0x2040] =	vst v0  }
0x94: {  	[tilespmem:s4+$0x2050] =	vst v0  }
0x95: {  	[smem:$0x7FB] =	sst s10;
	[tilespmem:s4+$0x2060] =	vst v0  }
0x96: {  	[spmem:s20] =	stream.linear.scatter [tilespmem:s14], [sflag:$0x9], $0x2000, $0x38;
	[tilespmem:$0x1E000] =	vst v63  }
0x97: {  	_ =	swait.ge [sflag:s15], $0x2000  }
0x98: {  	[sflag:s15] =	ssyncset.done $0x0  }
0x99: {  	s20 =	rddreg [dreg:$0x19];
	[sflag:s15] =	ssyncadd.s32 $0xFFFFE000  }
0x9a: {  	[spmem:s20] =	stream.linear.scatter [tilespmem:s14], [sflag:$0x9], $0x2000, $0x38;
	[tilespmem:$0x1E000] =	vst v63  }
0x9b: {  	_ =	swait.ge [sflag:s15], $0x2000  }
0x9c: {  	[sflag:s15] =	ssyncset.done $0x0  }
0x9d: {  	s23 =	rddreg [dreg:$0x1a];
	[sflag:s15] =	ssyncadd.s32 $0xFFFFE000  }
0x9e: {  	[spmem:s23] =	stream.linear.scatter [tilespmem:s14], [sflag:$0x9], $0x2000, $0x38;
	[tilespmem:$0x1E000] =	vst v63  }
0x9f: {  	_ =	swait.ge [sflag:s15], $0x2000  }
0xa0: {  	[sflag:s15] =	ssyncset.done $0x0  }
0xa1: {  	s10 =	rddreg [dreg:$0x1b];
	[sflag:s15] =	ssyncadd.s32 $0xFFFFE000  }
0xa2: {  	[spmem:s10] =	stream.linear.scatter [tilespmem:s14], [sflag:$0x9], $0x2000, $0x38;
	[tilespmem:$0x1E000] =	vst v63  }
0xa3: {  	_ =	swait.ge [sflag:s15], $0x2000  }
0xa4: {  	[sflag:s15] =	ssyncset.done $0x0  }
0xa5: {  	s11 =	rddreg [dreg:$0x1c];
	[sflag:s15] =	ssyncadd.s32 $0xFFFFE000  }
0xa6: {  	[spmem:s11] =	stream.linear.scatter [tilespmem:s14], [sflag:$0x9], $0x2000, $0x38;
	[tilespmem:$0x1E000] =	vst v63  }
0xa7: {  	_ =	swait.ge [sflag:s15], $0x2000  }
0xa8: {  	[sflag:s15] =	ssyncset.done $0x0  }
0xa9: {  	s12 =	rddreg [dreg:$0x1d];
	[sflag:s15] =	ssyncadd.s32 $0xFFFFE000  }
0xaa: {  	[spmem:s12] =	stream.linear.scatter [tilespmem:s14], [sflag:$0x9], $0x2000, $0x38;
	[tilespmem:$0x1E000] =	vst v63  }
0xab: {  	_ =	swait.ge [sflag:s15], $0x2000  }
0xac: {  	[sflag:s15] =	ssyncset.done $0x0  }
0xad: {  	s13 =	rddreg [dreg:$0x1e];
	[sflag:s15] =	ssyncadd.s32 $0xFFFFE000  }
0xae: {  	[spmem:s13] =	stream.linear.scatter [tilespmem:s14], [sflag:$0x9], $0x2000, $0x38;
	[tilespmem:$0x1E000] =	vst v63  }
0xaf: {  	_ =	swait.ge [sflag:s15], $0x2000  }
0xb0: {  	[sflag:s15] =	ssyncset.done $0x0  }
0xb1: {  	s19 =	rddreg [dreg:$0x1f];
	[sflag:s15] =	ssyncadd.s32 $0xFFFFE000  }
0xb2: {  	[spmem:s19] =	stream.linear.scatter [tilespmem:s14], [sflag:$0x9], $0x2000, $0x38;
	[tilespmem:$0x1E000] =	vst v63  }
0xb3: {  	_ =	swait.ge [sflag:s15], $0x2000  }
0xb4: {  	s20 =	sld [smem:$0x7FC]  }
0xb5: {  	[sflag:s15] =	ssyncset.done $0x0  }
0xb6: {  	[sflag:s15] =	ssyncadd.s32 $0xFFFFE000  }
0xb7: {  	[spmem:s20] =	stream.linear.scatter [tilespmem:s14], [sflag:$0x9], $0x2000, $0x38;
	[tilespmem:$0x1E000] =	vst v63  }
0xb8: {  	_ =	swait.ge [sflag:s15], $0x2000  }
0xb9: {  	s23 =	sld [smem:$0x7FD]  }
0xba: {  	[sflag:s15] =	ssyncset.done $0x0  }
0xbb: {  	[sflag:s15] =	ssyncadd.s32 $0xFFFFE000  }
0xbc: {  	[spmem:s23] =	stream.linear.scatter [tilespmem:s14], [sflag:$0x9], $0x2000, $0x38;
	[tilespmem:$0x1E000] =	vst v63  }
.Ltmp3:
0xbd: {  	_ =	swait.ge [sflag:s15], $0x2000;
	(pc) =	sbr.rel .LBB2_4-.Ltmp3, $4  }
0xbe: {  	[sflag:s15] =	ssyncset.done $0x0  }
0xbf: {  	[sflag:s15] =	ssyncadd.s32 $0xFFFFE000  }
0xc0: {  	[bflag:$0x0] =	sbarrier.arrive $0xFFFF  }
0xc1: {  	s12 =	simm.s32 $0x0;
	s13 =	simm.s32 $0x0  }
.LBB2_7:
0xc2: {  	_ =	swait.ge [sflag:s3], $0x2000  }
0xc3: {  	[sflag:s3] =	ssyncset.done $0x0  }
0xc4: {  	[sflag:s3] =	ssyncadd.s32 $0xFFFFE000  }
0xc5: {  	[spmem:s2] =	stream.indirect.scatter.add.f32 [tilespmem:s29], [sflag:$0x8], $0x80, s11, s22, $0xb8;
	[tilespmem:$0x1E000] =	vst v63  }
0xc6: {  	_ =	swait.ge [sflag:s6], $0x2000  }
0xc7: {  	[sflag:s6] =	ssyncset.done $0x0  }
0xc8: {  	[sflag:s6] =	ssyncadd.s32 $0xFFFFE000  }
0xc9: {  	_ =	swait.ge [sflag:s7], $0x2000  }
0xca: {  	[sflag:s7] =	ssyncset.done $0x0  }
0xcb: {  	s13 =	sadd.s32 $0x1, s13;
	[sflag:s7] =	ssyncadd.s32 $0xFFFFE000  }
0xcc: {  	p1 =	sne.s32 s13, $0x5;
	_ =	swait.ge [sflag:s8], $0x2000  }
.Ltmp4:
0xcd: {  	[sflag:s8] =	ssyncset.done $0x0;
	(pc) =	sbr.rel @!p1 .LBB2_8-.Ltmp4, $4  }
0xce: {  	[sflag:s8] =	ssyncadd.s32 $0xFFFFE000  }
0xcf: {  	_ =	swait.ge [sflag:s9], $0x2000  }
0xd0: {  	[sflag:s9] =	ssyncset.done $0x0  }
0xd1: {  	[sflag:s9] =	ssyncadd.s32 $0xFFFFE000  }
.LBB2_4:
0xd2: {  	s4 =	sshll.u32 s13, $0xC  }
0xd3: {  	s4 =	sadd.s32 s0, s4  }
0xd4: {  	s4 =	sshrl.u32 s4, $0x3  }
0xd5: {  	s11 =	sadd.s32 s17, s4  }
0xd6: {  	[tilespmem:s12], [sflag:$0x9] =	stream.linear.gather [hbm4b:s11+s12], $0x1000, $0x38;
	[tilespmem:$0x1E000] =	vst v63  }
0xd7: {  	_ =	swait.ge [sflag:s15], $0x1000  }
0xd8: {  	[sflag:s15] =	ssyncset.done $0x0  }
0xd9: {  	s10 =	simm.s32 $0x1000;
	s4 =	sadd.s32 s18, s4;
	[sflag:s15] =	ssyncadd.s32 $0xFFFFF000  }
0xda: {  	[tilespmem:s10], [sflag:$0x9] =	stream.linear.gather [hbm4b:s4+s12], $0x1000, $0x38;
	[tilespmem:$0x1E000] =	vst v63  }
0xdb: {  	_ =	swait.ge [sflag:s15], $0x1000  }
0xdc: {  	[sflag:s15] =	ssyncset.done $0x0  }
0xdd: {  	[sflag:s15] =	ssyncadd.s32 $0xFFFFF000  }
0xde: {  	[tilespmem:s14], [sflag:$0x1] =	stream.indirect.gather [hbm4b:s21+s22], $0x80, s12, s22, $0xb8;
	[tilespmem:$0x1E000] =	vst v63  }
0xdf: {  	s23 =	simm.s32 $0x80  }
0xe0: {  	[tilespmem:s24], [sflag:$0x2] =	stream.indirect.gather [hbm4b:s21+s22], $0x80, s23, s22, $0xb8;
	[tilespmem:$0x1E000] =	vst v63  }
0xe1: {  	_ = 	snop  }
0xe2: {  	[tilespmem:s26], [sflag:$0x3] =	stream.indirect.gather [hbm4b:s21+s22], $0x80, s25, s22, $0xb8;
	[tilespmem:$0x1E000] =	vst v63  }
0xe3: {  	s19 =	simm.s32 $0x0  }
0xe4: {  	[tilespmem:s29], [sflag:$0x4] =	stream.indirect.gather [hbm4b:s21+s22], $0x80, s28, s22, $0xb8;
	[tilespmem:$0x1E000] =	vst v63  }
.LBB2_5:
0xe5: {  	_ =	swait.ge [sflag:s30], $0x2000  }
0xe6: {  	s4 =	sshra.s32 s19, $0x2;
	[sflag:s30] =	ssyncset.done $0x0  }
0xe7: {  	p1 =	seq.s32 s19, $0x3800;
	s11 =	sadd.s32 $0x1000, s4;
	[sflag:s30] =	ssyncadd.s32 $0xFFFFE000  }
0xe8: {  	[spmem:s2] =	stream.indirect.scatter.add.f32 [tilespmem:s14], [sflag:$0x5], $0x80, s11, s22, $0xb8;
	[tilespmem:$0x1E000] =	vst v63  }
0xe9: {  	s11 =	simm.s32 @p1 $0x2  }
0xea: {  	_ =	swait.ge @p1 [sflag:s11], $0x2000  }
0xeb: {  	[sflag:s11] =	ssyncset.done @p1 $0x0  }
0xec: {  	[sflag:s11] =	ssyncadd.s32 @p1 $0xFFFFE000;
	s11 =	sshra.s32 @p1 s19, $0x2  }
0xed: {  	s10 =	simm.s32 @p1 $0x40;
	s20 =	simm.s32 @p1 $0x4000;
	s11 =	sadd.s32 @p1 $0x1080, s11  }
0xee: {  	[spmem:s2] =	stream.indirect.scatter.add.f32 @p1 [tilespmem:s20], [sflag:$0x6], $0x80, s11, s10, $0xb8;
	[tilespmem:$0x1E000] =	vst v63  }
0xef: {  	s10 =	simm.s32 @!p1 $0x5  }
0xf0: {  	_ =	swait.ge @!p1 [sflag:s10], $0x2000  }
0xf1: {  	[sflag:s10] =	ssyncset.done @!p1 $0x0  }
0xf2: {  	[sflag:s10] =	ssyncadd.s32 @!p1 $0xFFFFE000;
	s10 =	sshra.s32 @!p1 s19, $0x2  }
0xf3: {  	s23 =	simm.s32 @!p1 $0x2000;
	s20 =	simm.s32 @!p1 $0x40;
	s11 =	sadd.s32 @!p1 $0x200, s10  }
0xf4: {  	[tilespmem:s23], [sflag:$0x1] =	stream.indirect.gather @!p1 [hbm4b:s21+s20], $0x80, s11, s20, $0xb8;
	[tilespmem:$0x1E000] =	vst v63  }
0xf5: {  	s11 =	simm.s32 @!p1 $0x2  }
0xf6: {  	_ =	swait.ge @!p1 [sflag:s11], $0x2000  }
0xf7: {  	[sflag:s11] =	ssyncset.done @!p1 $0x0  }
0xf8: {  	s23 =	simm.s32 @!p1 $0x4000;
	[sflag:s11] =	ssyncadd.s32 @!p1 $0xFFFFE000;
	s11 =	sadd.s32 @!p1 $0x1080, s10  }
0xf9: {  	[spmem:s2] =	stream.indirect.scatter.add.f32 @!p1 [tilespmem:s23], [sflag:$0x6], $0x80, s11, s20, $0xb8;
	[tilespmem:$0x1E000] =	vst v63  }
0xfa: {  	p2 =	sne.s32 @!p1 s5, $0x0;
	s11 =	simm.s32 @!p1 $0x6  }
0xfb: {  	p3 =	por !p2, p1;
	_ =	swait.ge @!p1 [sflag:s11], $0x2000  }
0xfc: {  	p2 =	por p2, p1;
	s10 =	sadd.s32 @!p1 $0x280, s10;
	[sflag:s11] =	ssyncset.done @!p1 $0x0  }
0xfd: {  	s20 =	simm.s32 @!p3 $0x4000;
	[sflag:s11] =	ssyncadd.s32 @!p1 $0xFFFFE000;
	s11 =	simm.s32 @!p3 $0x40  }
0xfe: {  	[tilespmem:s20], [sflag:$0x2] =	stream.indirect.gather @!p3 [hbm4b:s16+s11], $0x80, s10, s11, $0xb8;
	[tilespmem:$0x1E000] =	vst v63  }
0xff: {  	s11 =	simm.s32 @!p2 $0x40;
	s20 =	simm.s32 @!p2 $0x4000  }
0x100: {  	[tilespmem:s20], [sflag:$0x2] =	stream.indirect.gather @!p2 [hbm4b:s1+s11], $0x80, s10, s11, $0xb8;
	[tilespmem:$0x1E000] =	vst v63  }
.Ltmp5:
0x101: {  	_ = 	snop;
	(pc) =	sbr.rel @p1 .LBB2_7-.Ltmp5, $4  }
0x102: {  	_ =	swait.ge [sflag:s31], $0x2000  }
0x103: {  	[sflag:s31] =	ssyncset.done $0x0  }
0x104: {  	s23 =	sadd.s32 $0x1100, s4;
	s11 =	sadd.s32 $0x1180, s4;
	[sflag:s31] =	ssyncadd.s32 $0xFFFFE000  }
0x105: {  	[spmem:s2] =	stream.indirect.scatter.add.f32 [tilespmem:s26], [sflag:$0x7], $0x80, s23, s22, $0xb8;
	[tilespmem:$0x1E000] =	vst v63  }
0x106: {  	_ =	swait.ge [sflag:s8], $0x2000  }
0x107: {  	[sflag:s8] =	ssyncset.done $0x0  }
0x108: {  	s10 =	sadd.s32 $0x300, s4;
	[sflag:s8] =	ssyncadd.s32 $0xFFFFE000  }
0x109: {  	[tilespmem:s26], [sflag:$0x3] =	stream.indirect.gather [hbm4b:s21+s22], $0x80, s10, s22, $0xb8;
	[tilespmem:$0x1E000] =	vst v63  }
0x10a: {  	_ =	swait.ge [sflag:s3], $0x2000  }
0x10b: {  	[sflag:s3] =	ssyncset.done $0x0  }
0x10c: {  	[sflag:s3] =	ssyncadd.s32 $0xFFFFE000  }
0x10d: {  	[spmem:s2] =	stream.indirect.scatter.add.f32 [tilespmem:s29], [sflag:$0x8], $0x80, s11, s22, $0xb8;
	[tilespmem:$0x1E000] =	vst v63  }
.Ltmp6:
0x10e: {  	_ = 	snop;
	(pc) =	sbr.rel .LBB2_5-.Ltmp6, $4  }
0x10f: {  	_ =	swait.ge [sflag:s9], $0x2000  }
0x110: {  	[sflag:s9] =	ssyncset.done $0x0  }
0x111: {  	s23 =	sadd.s32 $0x380, s4;
	s19 =	sadd.s32 $0x800, s19;
	[sflag:s9] =	ssyncadd.s32 $0xFFFFE000  }
0x112: {  	[tilespmem:s29], [sflag:$0x4] =	stream.indirect.gather [hbm4b:s21+s22], $0x80, s23, s22, $0xb8;
	[tilespmem:$0x1E000] =	vst v63  }
.LBB2_9:
0x113: {  	_ =	sfence.sel $0x180000  }
0x114: {  	[bflag:$0x0] =	sbarrier.arrive $0xFFFF  }
0x115: {  	_ =	strace $0x9000004D  }
0x116: {  	s0 =	stileid.u32;
	[bflag:$0x2] =	sbarrier.arrive $0xFFFF  }
0x117: {  	p0 =	sne.s32 s0, $0x0;
	s0 =	rddreg [dreg:$0x3]  }
0x118: {  	s0 =	sadd.s32 @!p0 $0x100000, s0  }
0x119: {  	[sflag:s0] =	ssyncadd.tile.s32 @!p0 $0x1;
	_ =	shalt  }
.Lfunc_end2:
_tile_overlayer_lowered:
.L_overlay_start_2:
0x11a: {  	(tag) =	ssettag $0x2  }
0x11b: {  	s0 =	rddreg [dreg:$0x0];
	s2 =	stileid.u32  }
0x11c: {  	s1 =	rddreg [dreg:$0x1];
	p0 =	sne.s32 s2, $0x0  }
0x11d: {  	s3 =	rddreg [dreg:$0x2];
	[bflag:$0x3] =	sbarrier.arrive $0xFFFF;
	s2 =	simm.s32 @!p0 $0x1C09  }
0x11e: {  	[timem:s3], [sflag:s2] =	dma.local @!p0 [hbm:s0], s1  }
0x11f: {  	s0 =	simm.s32 @!p0 $0x9  }
0x120: {  	_ =	swait.ge @!p0 [sflag:s0], s1  }
0x121: {  	s1 =	ssub.s32 @!p0 $0x0, s1;
	[sflag:s0] =	ssyncset.done @!p0 $0x0  }
0x122: {  	[sflag:s0] =	ssyncadd.s32 @!p0 s1  }
0x123: {  	[bflag:$0x3] =	sbarrier.arrive $0xFFFF  }
0x124: {  	_ =	shalt  }

// kernel: kernel.20.cloned.1.call-start
scs
__scs_entry_jumppad:
0x0: {  	(pc) =	sbr.rel $0x88, $3  }
0x1: {  	(tag) =	ssettag $0x0;
	lr =	simm.s32 $0x1  }
0x2: {  	[smem:$0x3F9C] =	sst lr;
	_ =	strace $0xD0000000  }
0x3: {  	_ = 	snop  }
0x4: {  	_ = 	snop  }
0x5: {  	_ = 	snop  }
0x6: {  	_ = 	snop  }
0x7: {  	_ = 	snop  }
__scs_overlays_trampoline_lowered:
0x8: {  	[smem:$0x3FAB] =	sst s0  }
0x9: {  	[smem:$0x3FAC] =	sst s1  }
0xa: {  	[smem:$0x3FAD] =	sst s2  }
0xb: {  	[smem:$0x3FAE] =	sst s3  }
0xc: {  	[smem:$0x3FAF] =	sst s4  }
0xd: {  	[smem:$0x3FB0] =	sst s5  }
0xe: {  	[smem:$0x3FB1] =	sst s6  }
0xf: {  	[smem:$0x3FB2] =	sst s7  }
0x10: {  	[smem:$0x3FB3] =	sst s8  }
0x11: {  	[smem:$0x3FB4] =	sst s9;
	s0 =	simm.s32 @!p0 $0x0  }
0x12: {  	s1 =	sld [smem:$0x3F9A];
	s0 =	simm.s32 @p0 $0x1  }
0x13: {  	[smem:$0x3FB5] =	sst s0;
	s0 =	simm.s32 @!p1 $0x0  }
0x14: {  	s2 =	sld [smem:$0x3F99];
	s0 =	simm.s32 @p1 $0x1  }
0x15: {  	[smem:$0x3FB6] =	sst s0;
	s0 =	simm.s32 @!p2 $0x0  }
0x16: {  	s3 =	sld [smem:$0x3FDB];
	s0 =	simm.s32 @p2 $0x1  }
0x17: {  	s4 =	simm.s32 $0x1BF5;
	[smem:$0x3FB8] =	sst s0  }
0x18: {  	s0 =	sld [smem:$0x3F9B];
	_ =	swait.ge [sflag:s4], $0x0  }
0x19: {  	s7 =	sld [smem:$0x3F9C]  }
0x1a: {  	s8 =	sadd.s32 $0xFFFFE003, lr  }
0x1b: {  	s9 =	sadd.s32 $0xFFFFFEF7, lr;
	s5 =	simm.s32 $0xFFFFFFFF;
	p2 =	slt.u32 s8, $0xFFFFF086  }
0x1c: {  	p1 =	slt.u32 s9, $0xF7A;
	s5 =	simm.s32 @!p2 $0x0  }
0x1d: {  	s5 =	simm.s32 @p1 $0x1;
	p0 =	seq.s32 s7, s2  }
0x1e: {  	s7 =	smul.u32 @!p0 $0xF7A, s2;
	p2 =	seq.s32 @!p0 s5, $0x0  }
0x1f: {  	s9 =	smul.u32 $0xF7A, s1;
	s8 =	simm.s32 @!p0 $0x1BF5;
	p2 =	por !p2, p0  }
0x20: {  	[sflag:s8] =	ssyncset.s32 @!p0 $0xFFFFF086;
	s6 =	sadd.s32 @!p0 s3, s7;
	s7 =	simm.s32 @!p0 $0x108  }
0x21: {  	s3 =	sadd.s32 s3, s9;
	s6 =	sadd.s32 @!p0 $0x88, s6;
	s7 =	simm.s32 @p2 $0x1082  }
0x22: {  	[simem:s7], [sflag:s8] =	dma.local @!p0 [hbm:s6], $0xF7A  }
0x23: {  	s9 =	sor.u32 $0xD0000000, s2;
	s6 =	simm.s32 $0x108;
	_ =	swait.ge @!p0 [sflag:s8], $0x0  }
0x24: {  	s3 =	sadd.s32 $0x88, s3;
	s6 =	simm.s32 @!p1 $0x1082;
	[sflag:s4] =	ssyncset.s32 $0xFFFFF086  }
0x25: {  	[simem:s6], [sflag:s4] =	dma.local [hbm:s3], $0xF7A  }
0x26: {  	[smem:$0x3F9C] =	sst s1;
	(tag) =	ssettag s2;
	_ =	strace s9  }
0x27: {  	s1 =	sld [smem:$0x3FAC]  }
0x28: {  	s2 =	sld [smem:$0x3FAD]  }
0x29: {  	s4 =	sld [smem:$0x3FAF]  }
0x2a: {  	p0 =	seq.s32 s5, $0x0;
	s5 =	sld [smem:$0x3FB0]  }
0x2b: {  	s6 =	sld [smem:$0x3FB1]  }
0x2c: {  	s7 =	sld [smem:$0x3FB2]  }
0x2d: {  	s3 =	simm.s32 $0x108;
	s8 =	sld [smem:$0x3FB3]  }
0x2e: {  	s3 =	simm.s32 @!p0 $0x1082;
	s9 =	sld [smem:$0x3FB4]  }
0x2f: {  	lr =	sadd.s32 s0, s3;
	s0 =	sld [smem:$0x3FAB]  }
0x30: {  	s3 =	sld [smem:$0x3FAE]  }
0x31: {  	[smem:$0x3FB7] =	sst s10  }
0x32: {  	s10 =	sld [smem:$0x3FB5];
	_ =	sdelay $0x3  }
0x33: {  	p0 =	seq.s32 s10, $0x1;
	s10 =	sld [smem:$0x3FB7];
	_ =	sdelay $0x3  }
0x34: {  	[smem:$0x3FB7] =	sst s10  }
0x35: {  	s10 =	sld [smem:$0x3FB6];
	_ =	sdelay $0x3  }
0x36: {  	p1 =	seq.s32 s10, $0x1;
	s10 =	sld [smem:$0x3FB7];
	_ =	sdelay $0x3  }
0x37: {  	[smem:$0x3FB7] =	sst s10  }
0x38: {  	s10 =	sld [smem:$0x3FB8]  }
0x39: {  	_ = 	snop;
	(pc) =	sbr.ind lr, $3  }
0x3a: {  	_ = 	snop  }
0x3b: {  	_ = 	snop  }
0x3c: {  	p2 =	seq.s32 s10, $0x1;
	s10 =	sld [smem:$0x3FB7]  }
0x3d: {  	_ =	shalt  }
0x3e: {  	_ =	shalt  }
0x3f: {  	_ =	shalt  }
0x40: {  	_ =	shalt  }
0x41: {  	_ =	shalt  }
0x42: {  	_ =	shalt  }
0x43: {  	_ =	shalt  }
0x44: {  	_ =	shalt  }
0x45: {  	_ =	shalt  }
0x46: {  	_ =	shalt  }
0x47: {  	_ =	shalt  }
0x48: {  	_ =	shalt  }
0x49: {  	_ =	shalt  }
0x4a: {  	_ =	shalt  }
0x4b: {  	_ =	shalt  }
0x4c: {  	_ =	shalt  }
0x4d: {  	_ =	shalt  }
0x4e: {  	_ =	shalt  }
0x4f: {  	_ =	shalt  }
0x50: {  	_ =	shalt  }
0x51: {  	_ =	shalt  }
0x52: {  	_ =	shalt  }
0x53: {  	_ =	shalt  }
0x54: {  	_ =	shalt  }
0x55: {  	_ =	shalt  }
0x56: {  	_ =	shalt  }
0x57: {  	_ =	shalt  }
0x58: {  	_ =	shalt  }
0x59: {  	_ =	shalt  }
0x5a: {  	_ =	shalt  }
0x5b: {  	_ =	shalt  }
0x5c: {  	_ =	shalt  }
0x5d: {  	_ =	shalt  }
0x5e: {  	_ =	shalt  }
0x5f: {  	_ =	shalt  }
0x60: {  	_ =	shalt  }
0x61: {  	_ =	shalt  }
0x62: {  	_ =	shalt  }
0x63: {  	_ =	shalt  }
0x64: {  	_ =	shalt  }
0x65: {  	_ =	shalt  }
0x66: {  	_ =	shalt  }
0x67: {  	_ =	shalt  }
0x68: {  	_ =	shalt  }
0x69: {  	_ =	shalt  }
0x6a: {  	_ =	shalt  }
0x6b: {  	_ =	shalt  }
0x6c: {  	_ =	shalt  }
0x6d: {  	_ =	shalt  }
0x6e: {  	_ =	shalt  }
0x6f: {  	_ =	shalt  }
0x70: {  	_ =	shalt  }
0x71: {  	_ =	shalt  }
0x72: {  	_ =	shalt  }
0x73: {  	_ =	shalt  }
0x74: {  	_ =	shalt  }
0x75: {  	_ =	shalt  }
0x76: {  	_ =	shalt  }
0x77: {  	_ =	shalt  }
0x78: {  	_ =	shalt  }
0x79: {  	_ =	shalt  }
0x7a: {  	_ =	shalt  }
0x7b: {  	_ =	shalt  }
0x7c: {  	_ =	shalt  }
0x7d: {  	_ =	shalt  }
0x7e: {  	_ =	shalt  }
0x7f: {  	_ =	shalt  }
0x80: {  	_ =	shalt  }
0x81: {  	_ =	shalt  }
0x82: {  	_ =	shalt  }
0x83: {  	_ =	shalt  }
0x84: {  	_ =	shalt  }
0x85: {  	_ =	shalt  }
0x86: {  	_ =	shalt  }
0x87: {  	_ =	shalt  }
.Lfunc_end0:
.L_simem_size_0:
called_computation.3_lowered:
.L_overlay_start_0:
0x88: {  	s2 =	sld [smem:$0x3FD9]  }
0x89: {  	s3 =	sld [smem:$0x3FFE];
	_ =	sdelay $0x1  }
0x8a: {  	s1 =	srdreg.scid  }
0x8b: {  	s0 =	sand.u32 $0x1, s1  }
0x8c: {  	s17 =	sshll.u32 s0, $0xA;
	s2 =	sadd.s32 s3, s2  }
0x8d: {  	s2 =	sadd.s32 s2, s17  }
0x8e: {  	[smem:$0x3FC3] =	sst s2  }
0x8f: {  	_ = 	snop  }
0x90: {  	s2 =	sld [smem:$0x3FD0];
	(tm) =	ssettm $0x1  }
0x91: {  	s18 =	sld [smem:$0x3FFB];
	_ =	sdelay $0x3  }
0x92: {  	_ =	strace s18  }
0x93: {  	s3 =	sld [smem:$0x3FFC];
	_ =	sdelay $0x3  }
0x94: {  	_ =	strace s3  }
0x95: {  	s3 =	sld [smem:$0x3FFD];
	_ =	sdelay $0x3  }
0x96: {  	_ =	strace s3  }
0x97: {  	_ =	strace $0x8FFFFFFF  }
0x98: {  	s19 =	sld [smem:$0x3FDB];
	_ =	sdelay $0x1  }
0x99: {  	s4 =	simm.s32 $_scs_section_size  }
0x9a: {  	s5 =	simm.s32 $_size__tile_overlayer_lowered;
	s6 =	simm.s32 $_tile_overlayer_lowered  }
0x9b: {  	s22 =	simm.s32 $0x1BFF;
	s21 =	sshll.u32 s6, $0x1;
	s3 =	sadd.s32 s4, s19  }
0x9c: {  	s7 =	simm.s32 $0x0;
	s20 =	sshll.u32 s5, $0x1;
	s5 =	sadd.s32 s21, s3  }
0x9d: {  	[timem:s7], [sflag:s22] =	dma.local [hbm:s5], s20  }
0x9e: {  	_ =	swait.ge [sflag:s22], s20  }
0x9f: {  	s4 =	ssub.s32 $0x0, s20;
	[sflag:s22] =	ssyncset.done $0x0  }
0xa0: {  	[sflag:s22] =	ssyncadd.s32 s4;
	_ =	sdelay $0x1  }
0xa1: {  	s23 =	simm.s32 $0x1B8B  }
0xa2: {  	_ =	swait.ge [sflag:s23], $0x1  }
0xa3: {  	[sflag:s23] =	ssyncset.done $0x0  }
0xa4: {  	s25 =	simm.s32 $0x1B8E;
	s24 =	sld [smem:$0x3FFE];
	[sflag:s23] =	ssyncadd.s32 $0xFFFFFFFF  }
0xa5: {  	s26 =	simm.s32 $execute0_lowered;
	[smem:$0x3FD2] =	sst s25  }
0xa6: {  	s5 =	sshll.u32 s26, $0x1;
	_ =	strace $0x8000004F;
	[dreg:$0x1] =	wrdreg $0xFFFFFFFF  }
0xa7: {  	s28 =	simm.s32 $_size_execute0_lowered;
	s3 =	sadd.s32 s3, s5;
	[dreg:$0x0] =	wrdreg $0x0  }
0xa8: {  	s5 =	sshll.u32 s28, $0x1;
	[dreg:$0x2] =	wrdreg s3  }
0xa9: {  	[dreg:$0x3] =	wrdreg s5  }
0xaa: {  	[dreg:$0x4] =	wrdreg $0xC0  }
0xab: {  	_ =	task [dreg:s7], $0x5FFFF  }
0xac: {  	[dreg:$0x1] =	wrdreg $0xFFFFFFFF  }
0xad: {  	[dreg:$0x0] =	wrdreg $0x60  }
0xae: {  	[dreg:$0x2] =	wrdreg s2  }
0xaf: {  	[dreg:$0x3] =	wrdreg s24  }
0xb0: {  	[dreg:$0x4] =	wrdreg $0xA0000  }
0xb1: {  	[dreg:$0x5] =	wrdreg $0x9  }
0xb2: {  	_ =	task.clear_ibuf [dreg:s7], $0x6FFFF;
	_ =	strace $0x9000004F  }
0xb3: {  	s29 =	simm.s32 $0x9;
	_ =	strace $0x80000051  }
0xb4: {  	_ =	swait.ge [sflag:s29], $0x1  }
0xb5: {  	[sflag:s29] =	ssyncadd.s32 $0xFFFFFFFF  }
0xb6: {  	_ =	strace $0x90000051  }
0xb7: {  	_ =	sfence  }
0xb8: {  	s30 =	sld [smem:$0x0];
	_ =	sdelay $0x2  }
0xb9: {  	s31 =	sshll.u32 s1, $0xD;
	s1 =	sshrl.u32 s1, $0x2  }
0xba: {  	s3 =	sand.u32 $0x4000, s31;
	s1 =	sadd.s32 s1, s30  }
0xbb: {  	s0 =	sor.u32 s3, s0;
	s1 =	sshll.u32 s1, $0x11  }
0xbc: {  	s0 =	sor.u32 s1, s0  }
0xbd: {  	s0 =	sadd.s32 $0x8F2B, s0  }
0xbe: {  	[sflag:s0] =	ssyncadd.remote.s32 $0x1  }
0xbf: {  	_ =	sfence.sel $0xFFFF  }
0xc0: {  	[dreg:$0x0] =	wrdreg $0xFFFFFFFF;
	(pc) =	sbr.abs _section_cstart, $3  }
0xc1: {  	[dreg:$0x1] =	wrdreg $0xFFFFFFFF  }
0xc2: {  	_ =	task.clear_ibuf [dreg:s7], $0x2FFFF;
	_ =	strace $0x9FFFFFFF  }
0xc3: {  	(tm) =	ssettm $0x7FFFFFFF  }
tec
execute0_lowered:
.L_overlay_start_1:
0x0: {  	(tag) =	ssettag $0x1  }
0x1: {  	s1 =	rddreg [dreg:$0x0]  }
0x2: {  	s0 =	rddreg [dreg:$0x1]  }
0x3: {  	s2 =	rddreg [dreg:$0x2];
	s3 =	simm.s32 $0x0  }
0x4: {  	s4 =	srdreg.scid;
	s19 =	stileid.u32;
	s28 =	simm.s32 $0x180  }
0x5: {  	s29 =	simm.s32 $0x8000;
	s30 =	simm.s32 $0x1;
	[smem:$0x7FF] =	sst s3  }
0x6: {  	s3 =	sadd.s32 $0x44E00, s0;
	s5 =	sand.u32 $0x1, s4;
	s22 =	smul.u32 $0x280, s19  }
0x7: {  	s6 =	sadd.s32 $0x6CE00, s0;
	s8 =	smul.u32 $0x2800, s19;
	s7 =	ssub.s32 $0x2, s5  }
0x8: {  	s20 =	smul.u32 $0x50000, s19;
	p0 =	seq.s32 s5, $0x0;
	s9 =	sshrl.u32 s7, $0x1  }
0x9: {  	s6 =	smov.u32 @p0 s3;
	s23 =	sor.u32 $0x40, s22;
	s25 =	sadd.s32 $0x80, s22  }
0xa: {  	s26 =	sadd.s32 $0xC0, s22;
	s12 =	sadd.s32 $0x100, s22;
	s4 =	sadd.s32 $0x240, s22  }
0xb: {  	s21 =	sshrl.u32 s20, $0x2;
	s7 =	ssub.s32 s7, s9;
	s8 =	sadd.s32 s6, s8  }
0xc: {  	s24 =	sshll.u32 s23, $0x4;
	s10 =	sshll.u32 s25, $0x4;
	s11 =	sshll.u32 s26, $0x4  }
0xd: {  	s16 =	sshll.u32 s12, $0x4;
	s20 =	sadd.s32 s21, s2;
	s23 =	sshll.u32 s23, $0x7  }
0xe: {  	[dreg:$0x4] =	wrdreg s8;
	s8 =	sadd.s32 s6, s24;
	s10 =	sadd.s32 s6, s10  }
0xf: {  	s15 =	sadd.s32 s6, s11;
	[dreg:$0x6] =	wrdreg s10;
	s10 =	sadd.s32 s6, s16  }
0x10: {  	s11 =	sadd.s32 $0x180, s22;
	[dreg:$0x8] =	wrdreg s10;
	s10 =	sadd.s32 $0x140, s22  }
0x11: {  	[dreg:$0x7] =	wrdreg s15;
	s15 =	sadd.s32 $0x1C0, s22;
	s13 =	sshll.u32 s10, $0x4  }
0x12: {  	[dreg:$0x5] =	wrdreg s8;
	s18 =	sshll.u32 s15, $0x4;
	s13 =	sadd.s32 s6, s13  }
0x13: {  	s14 =	sshll.u32 s11, $0x4;
	[dreg:$0x9] =	wrdreg s13;
	s13 =	sadd.s32 s6, s18  }
0x14: {  	s17 =	sadd.s32 s6, s14;
	[dreg:$0xb] =	wrdreg s13;
	s13 =	sadd.s32 $0x200, s22  }
0x15: {  	s24 =	sshll.u32 s25, $0x7;
	[dreg:$0xa] =	wrdreg s17;
	s16 =	sshll.u32 s13, $0x4  }
0x16: {  	s17 =	sshll.u32 s4, $0x4;
	s18 =	sadd.s32 $0x30E00, s0;
	s16 =	sadd.s32 s6, s16  }
0x17: {  	s22 =	smax.u32 s7, $0x1;
	s6 =	sadd.s32 s6, s17;
	[dreg:$0xc] =	wrdreg s16  }
0x18: {  	s17 =	sadd.s32 $0x3AE00, s0;
	[dreg:$0xd] =	wrdreg s6;
	s16 =	sadd.s32 $0x3E00, s0  }
0x19: {  	s0 =	sadd.s32 s23, s2;
	_ =	strace $0x80000050;
	[dreg:$0xf] =	wrdreg s22  }
0x1a: {  	s25 =	sadd.s32 s24, s2;
	s6 =	sshll.u32 s10, $0x7;
	[dreg:$0x10] =	wrdreg s0  }
0x1b: {  	s10 =	sshll.u32 s13, $0x7;
	s13 =	sadd.s32 $0x2000, s20;
	[dreg:$0x11] =	wrdreg s25  }
0x1c: {  	s31 =	simm.s32 $0x3;
	s14 =	sadd.s32 $0x4000, s20;
	[dreg:$0x19] =	wrdreg s13  }
0x1d: {  	s9 =	sshll.u32 s15, $0x7;
	s15 =	sadd.s32 $0x6000, s20;
	[dreg:$0x1a] =	wrdreg s14  }
0x1e: {  	s26 =	sshll.u32 s26, $0x7;
	s23 =	sadd.s32 $0xC000, s20;
	[dreg:$0x1b] =	wrdreg s15  }
0x1f: {  	s3 =	sshll.u32 s12, $0x7;
	s24 =	sadd.s32 $0xE000, s20;
	[dreg:$0x1e] =	wrdreg s23  }
0x20: {  	s12 =	sshll.u32 s4, $0x7;
	s8 =	sshll.u32 s11, $0x7;
	[dreg:$0x1f] =	wrdreg s24  }
0x21: {  	s21 =	smov.u32 s16;
	s0 =	sadd.s32 s26, s2;
	[dreg:$0xe] =	wrdreg s20  }
0x22: {  	s7 =	sadd.s32 s6, s2;
	s11 =	sadd.s32 s10, s2;
	[dreg:$0x12] =	wrdreg s0  }
0x23: {  	s22 =	sadd.s32 $0xA000, s20;
	s25 =	sadd.s32 $0x10000, s20;
	[dreg:$0x14] =	wrdreg s7  }
0x24: {  	s26 =	sadd.s32 $0x12000, s20;
	s14 =	simm.s32 $0x2000;
	[dreg:$0x17] =	wrdreg s11  }
0x25: {  	s15 =	simm.s32 $0x9;
	s24 =	simm.s32 $0x4000;
	[dreg:$0x1d] =	wrdreg s22  }
0x26: {  	s6 =	simm.s32 $0x5;
	s10 =	simm.s32 $0x0;
	[smem:$0x7FC] =	sst s25  }
0x27: {  	s21 =	smov.u32 @p0 s1;
	s0 =	sadd.s32 s3, s2;
	[smem:$0x7FD] =	sst s26  }
0x28: {  	s22 =	simm.s32 $0x40;
	s25 =	simm.s32 $0x100;
	s26 =	simm.s32 $0x6000  }
.Ltmp0:
0x29: {  	[dreg:$0x13] =	wrdreg s0;
	s0 =	sadd.s32 s8, s2;
	(pc) =	sbr.rel .LBB2_1-.Ltmp0, $4  }
0x2a: {  	s3 =	simm.s32 $0x4;
	[dreg:$0x15] =	wrdreg s0;
	s0 =	sadd.s32 s9, s2  }
0x2b: {  	s7 =	simm.s32 $0x6;
	[dreg:$0x16] =	wrdreg s0;
	s0 =	sadd.s32 s12, s2  }
0x2c: {  	[dreg:$0x18] =	wrdreg s0;
	s0 =	smul.u32 $0x5000, s19;
	s19 =	sadd.s32 $0x8000, s20  }
0x2d: {  	v0 =	vimm.f32 $0.0e+00;
	s8 =	simm.s32 $0x7;
	s9 =	simm.s32 $0x8;
	[dreg:$0x1c] =	wrdreg s19  }
.LBB2_8:
0x2e: {  	[bflag:$0x0] =	sbarrier.arrive $0xFFFF  }
0x2f: {  	s11 =	simm.s32 $0xA;
	s20 =	rddreg [dreg:$0xe]  }
0x30: {  	[tilespmem:s14], [sflag:$0xA] =	stream.linear.gather [spmem:s20], $0x2000, $0x38;
	[tilespmem:$0x1E000] =	vst v63  }
0x31: {  	_ =	swait.ge [sflag:s11], $0x2000  }
0x32: {  	s12 =	simm.s32 $0xA;
	s4 =	simm.s32 $0x0;
	[sflag:s11] =	ssyncset.done $0x0  }
0x33: {  	s12 =	simm.s32 @!p0 $0x9;
	s10 =	rddreg [dreg:$0x4];
	[sflag:s11] =	ssyncadd.s32 $0xFFFFE000  }
0x34: {  	[hbm4b:s10+s4] =	stream.linear.scatter [tilespmem:s14], [sflag:s12], $0x2000, $0x38;
	[tilespmem:$0x1E000] =	vst v63  }
0x35: {  	_ =	swait.ge [sflag:s12], $0x2000  }
0x36: {  	[sflag:s12] =	ssyncset.done $0x0  }
0x37: {  	s19 =	rddreg [dreg:$0x10];
	[sflag:s12] =	ssyncadd.s32 $0xFFFFE000  }
0x38: {  	[tilespmem:s14], [sflag:$0xA] =	stream.linear.gather [spmem:s19], $0x2000, $0x38;
	[tilespmem:$0x1E000] =	vst v63  }
0x39: {  	_ =	swait.ge [sflag:s11], $0x2000  }
0x3a: {  	[sflag:s11] =	ssyncset.done $0x0  }
0x3b: {  	s23 =	rddreg [dreg:$0x5];
	[sflag:s11] =	ssyncadd.s32 $0xFFFFE000  }
0x3c: {  	[hbm4b:s23+s4] =	stream.linear.scatter [tilespmem:s14], [sflag:s12], $0x2000, $0x38;
	[tilespmem:$0x1E000] =	vst v63  }
0x3d: {  	_ =	swait.ge [sflag:s12], $0x2000  }
0x3e: {  	[sflag:s12] =	ssyncset.done $0x0  }
0x3f: {  	s13 =	rddreg [dreg:$0x11];
	[sflag:s12] =	ssyncadd.s32 $0xFFFFE000  }
0x40: {  	[tilespmem:s14], [sflag:$0xA] =	stream.linear.gather [spmem:s13], $0x2000, $0x38;
	[tilespmem:$0x1E000] =	vst v63  }
0x41: {  	_ =	swait.ge [sflag:s11], $0x2000  }
0x42: {  	[sflag:s11] =	ssyncset.done $0x0  }
0x43: {  	s19 =	rddreg [dreg:$0x6];
	[sflag:s11] =	ssyncadd.s32 $0xFFFFE000  }
0x44: {  	[hbm4b:s19+s4] =	stream.linear.scatter [tilespmem:s14], [sflag:s12], $0x2000, $0x38;
	[tilespmem:$0x1E000] =	vst v63  }
0x45: {  	_ =	swait.ge [sflag:s12], $0x2000  }
0x46: {  	[sflag:s12] =	ssyncset.done $0x0  }
0x47: {  	s23 =	rddreg [dreg:$0x12];
	[sflag:s12] =	ssyncadd.s32 $0xFFFFE000  }
0x48: {  	[tilespmem:s14], [sflag:$0xA] =	stream.linear.gather [spmem:s23], $0x2000, $0x38;
	[tilespmem:$0x1E000] =	vst v63  }
0x49: {  	_ =	swait.ge [sflag:s11], $0x2000  }
0x4a: {  	[sflag:s11] =	ssyncset.done $0x0  }
0x4b: {  	s13 =	rddreg [dreg:$0x7];
	[sflag:s11] =	ssyncadd.s32 $0xFFFFE000  }
0x4c: {  	[hbm4b:s13+s4] =	stream.linear.scatter [tilespmem:s14], [sflag:s12], $0x2000, $0x38;
	[tilespmem:$0x1E000] =	vst v63  }
0x4d: {  	_ =	swait.ge [sflag:s12], $0x2000  }
0x4e: {  	[sflag:s12] =	ssyncset.done $0x0  }
0x4f: {  	s19 =	rddreg [dreg:$0x13];
	[sflag:s12] =	ssyncadd.s32 $0xFFFFE000  }
0x50: {  	[tilespmem:s14], [sflag:$0xA] =	stream.linear.gather [spmem:s19], $0x2000, $0x38;
	[tilespmem:$0x1E000] =	vst v63  }
0x51: {  	_ =	swait.ge [sflag:s11], $0x2000  }
0x52: {  	[sflag:s11] =	ssyncset.done $0x0  }
0x53: {  	s23 =	rddreg [dreg:$0x8];
	[sflag:s11] =	ssyncadd.s32 $0xFFFFE000  }
0x54: {  	[hbm4b:s23+s4] =	stream.linear.scatter [tilespmem:s14], [sflag:s12], $0x2000, $0x38;
	[tilespmem:$0x1E000] =	vst v63  }
0x55: {  	_ =	swait.ge [sflag:s12], $0x2000  }
0x56: {  	[sflag:s12] =	ssyncset.done $0x0  }
0x57: {  	s13 =	rddreg [dreg:$0x14];
	[sflag:s12] =	ssyncadd.s32 $0xFFFFE000  }
0x58: {  	[tilespmem:s14], [sflag:$0xA] =	stream.linear.gather [spmem:s13], $0x2000, $0x38;
	[tilespmem:$0x1E000] =	vst v63  }
0x59: {  	_ =	swait.ge [sflag:s11], $0x2000  }
0x5a: {  	[sflag:s11] =	ssyncset.done $0x0  }
0x5b: {  	s19 =	rddreg [dreg:$0x9];
	[sflag:s11] =	ssyncadd.s32 $0xFFFFE000  }
0x5c: {  	[hbm4b:s19+s4] =	stream.linear.scatter [tilespmem:s14], [sflag:s12], $0x2000, $0x38;
	[tilespmem:$0x1E000] =	vst v63  }
0x5d: {  	_ =	swait.ge [sflag:s12], $0x2000  }
0x5e: {  	[sflag:s12] =	ssyncset.done $0x0  }
0x5f: {  	s23 =	rddreg [dreg:$0x15];
	[sflag:s12] =	ssyncadd.s32 $0xFFFFE000  }
0x60: {  	[tilespmem:s14], [sflag:$0xA] =	stream.linear.gather [spmem:s23], $0x2000, $0x38;
	[tilespmem:$0x1E000] =	vst v63  }
0x61: {  	_ =	swait.ge [sflag:s11], $0x2000  }
0x62: {  	[sflag:s11] =	ssyncset.done $0x0  }
0x63: {  	s13 =	rddreg [dreg:$0xa];
	[sflag:s11] =	ssyncadd.s32 $0xFFFFE000  }
0x64: {  	[hbm4b:s13+s4] =	stream.linear.scatter [tilespmem:s14], [sflag:s12], $0x2000, $0x38;
	[tilespmem:$0x1E000] =	vst v63  }
0x65: {  	_ =	swait.ge [sflag:s12], $0x2000  }
0x66: {  	[sflag:s12] =	ssyncset.done $0x0  }
0x67: {  	s19 =	rddreg [dreg:$0x16];
	[sflag:s12] =	ssyncadd.s32 $0xFFFFE000  }
0x68: {  	[tilespmem:s14], [sflag:$0xA] =	stream.linear.gather [spmem:s19], $0x2000, $0x38;
	[tilespmem:$0x1E000] =	vst v63  }
0x69: {  	_ =	swait.ge [sflag:s11], $0x2000  }
0x6a: {  	[sflag:s11] =	ssyncset.done $0x0  }
0x6b: {  	s23 =	rddreg [dreg:$0xb];
	[sflag:s11] =	ssyncadd.s32 $0xFFFFE000  }
0x6c: {  	[hbm4b:s23+s4] =	stream.linear.scatter [tilespmem:s14], [sflag:s12], $0x2000, $0x38;
	[tilespmem:$0x1E000] =	vst v63  }
0x6d: {  	_ =	swait.ge [sflag:s12], $0x2000  }
0x6e: {  	[sflag:s12] =	ssyncset.done $0x0  }
0x6f: {  	s13 =	rddreg [dreg:$0x17];
	[sflag:s12] =	ssyncadd.s32 $0xFFFFE000  }
0x70: {  	[tilespmem:s14], [sflag:$0xA] =	stream.linear.gather [spmem:s13], $0x2000, $0x38;
	[tilespmem:$0x1E000] =	vst v63  }
0x71: {  	_ =	swait.ge [sflag:s11], $0x2000  }
0x72: {  	[sflag:s11] =	ssyncset.done $0x0  }
0x73: {  	s19 =	rddreg [dreg:$0xc];
	[sflag:s11] =	ssyncadd.s32 $0xFFFFE000  }
0x74: {  	[hbm4b:s19+s4] =	stream.linear.scatter [tilespmem:s14], [sflag:s12], $0x2000, $0x38;
	[tilespmem:$0x1E000] =	vst v63  }
0x75: {  	_ =	swait.ge [sflag:s12], $0x2000  }
0x76: {  	[sflag:s12] =	ssyncset.done $0x0  }
0x77: {  	s23 =	rddreg [dreg:$0x18];
	[sflag:s12] =	ssyncadd.s32 $0xFFFFE000  }
0x78: {  	[tilespmem:s14], [sflag:$0xA] =	stream.linear.gather [spmem:s23], $0x2000, $0x38;
	[tilespmem:$0x1E000] =	vst v63  }
0x79: {  	_ =	swait.ge [sflag:s11], $0x2000  }
0x7a: {  	[sflag:s11] =	ssyncset.done $0x0  }
0x7b: {  	s13 =	rddreg [dreg:$0xd];
	[sflag:s11] =	ssyncadd.s32 $0xFFFFE000  }
0x7c: {  	[hbm4b:s13+s4] =	stream.linear.scatter [tilespmem:s14], [sflag:s12], $0x2000, $0x38;
	[tilespmem:$0x1E000] =	vst v63  }
0x7d: {  	_ =	swait.ge [sflag:s12], $0x2000  }
0x7e: {  	s19 =	sld [smem:$0x7FB];
	_ =	sdelay $0x2  }
0x7f: {  	s23 =	rddreg [dreg:$0xf];
	s10 =	sadd.s32 $0x1, s19  }
0x80: {  	p1 =	sne.s32 s10, s23  }
.Ltmp1:
0x81: {  	_ = 	snop;
	(pc) =	sbr.rel @!p1 .LBB2_9-.Ltmp1, $3  }
0x82: {  	_ =	sdelay $0x1  }
0x83: {  	[sflag:s12] =	ssyncset.done $0x0  }
0x84: {  	[sflag:s12] =	ssyncadd.s32 $0xFFFFE000  }
.LBB2_1:
0x85: {  	s4 =	simm.s32 $0x0;
	s12 =	simm.s32 $0x200  }
.LBB2_2:
0x86: {  	p1 =	sne.s32 s12, $0x7E00;
	[tilespmem:s4+$0x2070] =	vst v0  }
0x87: {  	[tilespmem:s4+$0x2000] =	vst v0  }
0x88: {  	[tilespmem:s4+$0x2010] =	vst v0  }
.Ltmp2:
0x89: {  	[tilespmem:s4+$0x2020] =	vst v0;
	(pc) =	sbr.rel @p1 .LBB2_2-.Ltmp2, $4  }
0x8a: {  	[tilespmem:s4+$0x2030] =	vst v0  }
0x8b: {  	[tilespmem:s4+$0x2040] =	vst v0  }
0x8c: {  	[tilespmem:s4+$0x2050] =	vst v0  }
0x8d: {  	[tilespmem:s4+$0x2060] =	vst v0;
	s4 =	sshra.s32 s12, $0x2;
	s12 =	sadd.s32 $0x200, s12  }
0x8e: {  	[tilespmem:s4+$0x2070] =	vst v0  }
0x8f: {  	[tilespmem:s4+$0x2000] =	vst v0  }
0x90: {  	[tilespmem:s4+$0x2010] =	vst v0  }
0x91: {  	[tilespmem:s4+$0x2020] =	vst v0  }
0x92: {  	[tilespmem:s4+$0x2030] =	vst v0  }
0x93: {  	[tilespmem:s4+$0x2040] =	vst v0  }
0x94: {  	[tilespmem:s4+$0x2050] =	vst v0  }
0x95: {  	[smem:$0x7FB] =	sst s10;
	[tilespmem:s4+$0x2060] =	vst v0  }
0x96: {  	[spmem:s20] =	stream.linear.scatter [tilespmem:s14], [sflag:$0x9], $0x2000, $0x38;
	[tilespmem:$0x1E000] =	vst v63  }
0x97: {  	_ =	swait.ge [sflag:s15], $0x2000  }
0x98: {  	[sflag:s15] =	ssyncset.done $0x0  }
0x99: {  	s20 =	rddreg [dreg:$0x19];
	[sflag:s15] =	ssyncadd.s32 $0xFFFFE000  }
0x9a: {  	[spmem:s20] =	stream.linear.scatter [tilespmem:s14], [sflag:$0x9], $0x2000, $0x38;
	[tilespmem:$0x1E000] =	vst v63  }
0x9b: {  	_ =	swait.ge [sflag:s15], $0x2000  }
0x9c: {  	[sflag:s15] =	ssyncset.done $0x0  }
0x9d: {  	s23 =	rddreg [dreg:$0x1a];
	[sflag:s15] =	ssyncadd.s32 $0xFFFFE000  }
0x9e: {  	[spmem:s23] =	stream.linear.scatter [tilespmem:s14], [sflag:$0x9], $0x2000, $0x38;
	[tilespmem:$0x1E000] =	vst v63  }
0x9f: {  	_ =	swait.ge [sflag:s15], $0x2000  }
0xa0: {  	[sflag:s15] =	ssyncset.done $0x0  }
0xa1: {  	s10 =	rddreg [dreg:$0x1b];
	[sflag:s15] =	ssyncadd.s32 $0xFFFFE000  }
0xa2: {  	[spmem:s10] =	stream.linear.scatter [tilespmem:s14], [sflag:$0x9], $0x2000, $0x38;
	[tilespmem:$0x1E000] =	vst v63  }
0xa3: {  	_ =	swait.ge [sflag:s15], $0x2000  }
0xa4: {  	[sflag:s15] =	ssyncset.done $0x0  }
0xa5: {  	s11 =	rddreg [dreg:$0x1c];
	[sflag:s15] =	ssyncadd.s32 $0xFFFFE000  }
0xa6: {  	[spmem:s11] =	stream.linear.scatter [tilespmem:s14], [sflag:$0x9], $0x2000, $0x38;
	[tilespmem:$0x1E000] =	vst v63  }
0xa7: {  	_ =	swait.ge [sflag:s15], $0x2000  }
0xa8: {  	[sflag:s15] =	ssyncset.done $0x0  }
0xa9: {  	s12 =	rddreg [dreg:$0x1d];
	[sflag:s15] =	ssyncadd.s32 $0xFFFFE000  }
0xaa: {  	[spmem:s12] =	stream.linear.scatter [tilespmem:s14], [sflag:$0x9], $0x2000, $0x38;
	[tilespmem:$0x1E000] =	vst v63  }
0xab: {  	_ =	swait.ge [sflag:s15], $0x2000  }
0xac: {  	[sflag:s15] =	ssyncset.done $0x0  }
0xad: {  	s13 =	rddreg [dreg:$0x1e];
	[sflag:s15] =	ssyncadd.s32 $0xFFFFE000  }
0xae: {  	[spmem:s13] =	stream.linear.scatter [tilespmem:s14], [sflag:$0x9], $0x2000, $0x38;
	[tilespmem:$0x1E000] =	vst v63  }
0xaf: {  	_ =	swait.ge [sflag:s15], $0x2000  }
0xb0: {  	[sflag:s15] =	ssyncset.done $0x0  }
0xb1: {  	s19 =	rddreg [dreg:$0x1f];
	[sflag:s15] =	ssyncadd.s32 $0xFFFFE000  }
0xb2: {  	[spmem:s19] =	stream.linear.scatter [tilespmem:s14], [sflag:$0x9], $0x2000, $0x38;
	[tilespmem:$0x1E000] =	vst v63  }
0xb3: {  	_ =	swait.ge [sflag:s15], $0x2000  }
0xb4: {  	s20 =	sld [smem:$0x7FC]  }
0xb5: {  	[sflag:s15] =	ssyncset.done $0x0  }
0xb6: {  	[sflag:s15] =	ssyncadd.s32 $0xFFFFE000  }
0xb7: {  	[spmem:s20] =	stream.linear.scatter [tilespmem:s14], [sflag:$0x9], $0x2000, $0x38;
	[tilespmem:$0x1E000] =	vst v63  }
0xb8: {  	_ =	swait.ge [sflag:s15], $0x2000  }
0xb9: {  	s23 =	sld [smem:$0x7FD]  }
0xba: {  	[sflag:s15] =	ssyncset.done $0x0  }
0xbb: {  	[sflag:s15] =	ssyncadd.s32 $0xFFFFE000  }
0xbc: {  	[spmem:s23] =	stream.linear.scatter [tilespmem:s14], [sflag:$0x9], $0x2000, $0x38;
	[tilespmem:$0x1E000] =	vst v63  }
.Ltmp3:
0xbd: {  	_ =	swait.ge [sflag:s15], $0x2000;
	(pc) =	sbr.rel .LBB2_4-.Ltmp3, $4  }
0xbe: {  	[sflag:s15] =	ssyncset.done $0x0  }
0xbf: {  	[sflag:s15] =	ssyncadd.s32 $0xFFFFE000  }
0xc0: {  	[bflag:$0x0] =	sbarrier.arrive $0xFFFF  }
0xc1: {  	s12 =	simm.s32 $0x0;
	s13 =	simm.s32 $0x0  }
.LBB2_7:
0xc2: {  	_ =	swait.ge [sflag:s3], $0x2000  }
0xc3: {  	[sflag:s3] =	ssyncset.done $0x0  }
0xc4: {  	[sflag:s3] =	ssyncadd.s32 $0xFFFFE000  }
0xc5: {  	[spmem:s2] =	stream.indirect.scatter.add.f32 [tilespmem:s29], [sflag:$0x8], $0x80, s11, s22, $0xb8;
	[tilespmem:$0x1E000] =	vst v63  }
0xc6: {  	_ =	swait.ge [sflag:s6], $0x2000  }
0xc7: {  	[sflag:s6] =	ssyncset.done $0x0  }
0xc8: {  	[sflag:s6] =	ssyncadd.s32 $0xFFFFE000  }
0xc9: {  	_ =	swait.ge [sflag:s7], $0x2000  }
0xca: {  	[sflag:s7] =	ssyncset.done $0x0  }
0xcb: {  	s13 =	sadd.s32 $0x1, s13;
	[sflag:s7] =	ssyncadd.s32 $0xFFFFE000  }
0xcc: {  	p1 =	sne.s32 s13, $0x5;
	_ =	swait.ge [sflag:s8], $0x2000  }
.Ltmp4:
0xcd: {  	[sflag:s8] =	ssyncset.done $0x0;
	(pc) =	sbr.rel @!p1 .LBB2_8-.Ltmp4, $4  }
0xce: {  	[sflag:s8] =	ssyncadd.s32 $0xFFFFE000  }
0xcf: {  	_ =	swait.ge [sflag:s9], $0x2000  }
0xd0: {  	[sflag:s9] =	ssyncset.done $0x0  }
0xd1: {  	[sflag:s9] =	ssyncadd.s32 $0xFFFFE000  }
.LBB2_4:
0xd2: {  	s4 =	sshll.u32 s13, $0xC  }
0xd3: {  	s4 =	sadd.s32 s0, s4  }
0xd4: {  	s4 =	sshrl.u32 s4, $0x3  }
0xd5: {  	s11 =	sadd.s32 s17, s4  }
0xd6: {  	[tilespmem:s12], [sflag:$0x9] =	stream.linear.gather [hbm4b:s11+s12], $0x1000, $0x38;
	[tilespmem:$0x1E000] =	vst v63  }
0xd7: {  	_ =	swait.ge [sflag:s15], $0x1000  }
0xd8: {  	[sflag:s15] =	ssyncset.done $0x0  }
0xd9: {  	s10 =	simm.s32 $0x1000;
	s4 =	sadd.s32 s18, s4;
	[sflag:s15] =	ssyncadd.s32 $0xFFFFF000  }
0xda: {  	[tilespmem:s10], [sflag:$0x9] =	stream.linear.gather [hbm4b:s4+s12], $0x1000, $0x38;
	[tilespmem:$0x1E000] =	vst v63  }
0xdb: {  	_ =	swait.ge [sflag:s15], $0x1000  }
0xdc: {  	[sflag:s15] =	ssyncset.done $0x0  }
0xdd: {  	[sflag:s15] =	ssyncadd.s32 $0xFFFFF000  }
0xde: {  	[tilespmem:s14], [sflag:$0x1] =	stream.indirect.gather [hbm4b:s21+s22], $0x80, s12, s22, $0xb8;
	[tilespmem:$0x1E000] =	vst v63  }
0xdf: {  	s23 =	simm.s32 $0x80  }
0xe0: {  	[tilespmem:s24], [sflag:$0x2] =	stream.indirect.gather [hbm4b:s21+s22], $0x80, s23, s22, $0xb8;
	[tilespmem:$0x1E000] =	vst v63  }
0xe1: {  	_ = 	snop  }
0xe2: {  	[tilespmem:s26], [sflag:$0x3] =	stream.indirect.gather [hbm4b:s21+s22], $0x80, s25, s22, $0xb8;
	[tilespmem:$0x1E000] =	vst v63  }
0xe3: {  	s19 =	simm.s32 $0x0  }
0xe4: {  	[tilespmem:s29], [sflag:$0x4] =	stream.indirect.gather [hbm4b:s21+s22], $0x80, s28, s22, $0xb8;
	[tilespmem:$0x1E000] =	vst v63  }
.LBB2_5:
0xe5: {  	_ =	swait.ge [sflag:s30], $0x2000  }
0xe6: {  	s4 =	sshra.s32 s19, $0x2;
	[sflag:s30] =	ssyncset.done $0x0  }
0xe7: {  	p1 =	seq.s32 s19, $0x3800;
	s11 =	sadd.s32 $0x1000, s4;
	[sflag:s30] =	ssyncadd.s32 $0xFFFFE000  }
0xe8: {  	[spmem:s2] =	stream.indirect.scatter.add.f32 [tilespmem:s14], [sflag:$0x5], $0x80, s11, s22, $0xb8;
	[tilespmem:$0x1E000] =	vst v63  }
0xe9: {  	s11 =	simm.s32 @p1 $0x2  }
0xea: {  	_ =	swait.ge @p1 [sflag:s11], $0x2000  }
0xeb: {  	[sflag:s11] =	ssyncset.done @p1 $0x0  }
0xec: {  	[sflag:s11] =	ssyncadd.s32 @p1 $0xFFFFE000;
	s11 =	sshra.s32 @p1 s19, $0x2  }
0xed: {  	s10 =	simm.s32 @p1 $0x40;
	s20 =	simm.s32 @p1 $0x4000;
	s11 =	sadd.s32 @p1 $0x1080, s11  }
0xee: {  	[spmem:s2] =	stream.indirect.scatter.add.f32 @p1 [tilespmem:s20], [sflag:$0x6], $0x80, s11, s10, $0xb8;
	[tilespmem:$0x1E000] =	vst v63  }
0xef: {  	s10 =	simm.s32 @!p1 $0x5  }
0xf0: {  	_ =	swait.ge @!p1 [sflag:s10], $0x2000  }
0xf1: {  	[sflag:s10] =	ssyncset.done @!p1 $0x0  }
0xf2: {  	[sflag:s10] =	ssyncadd.s32 @!p1 $0xFFFFE000;
	s10 =	sshra.s32 @!p1 s19, $0x2  }
0xf3: {  	s23 =	simm.s32 @!p1 $0x2000;
	s20 =	simm.s32 @!p1 $0x40;
	s11 =	sadd.s32 @!p1 $0x200, s10  }
0xf4: {  	[tilespmem:s23], [sflag:$0x1] =	stream.indirect.gather @!p1 [hbm4b:s21+s20], $0x80, s11, s20, $0xb8;
	[tilespmem:$0x1E000] =	vst v63  }
0xf5: {  	s11 =	simm.s32 @!p1 $0x2  }
0xf6: {  	_ =	swait.ge @!p1 [sflag:s11], $0x2000  }
0xf7: {  	[sflag:s11] =	ssyncset.done @!p1 $0x0  }
0xf8: {  	s23 =	simm.s32 @!p1 $0x4000;
	[sflag:s11] =	ssyncadd.s32 @!p1 $0xFFFFE000;
	s11 =	sadd.s32 @!p1 $0x1080, s10  }
0xf9: {  	[spmem:s2] =	stream.indirect.scatter.add.f32 @!p1 [tilespmem:s23], [sflag:$0x6], $0x80, s11, s20, $0xb8;
	[tilespmem:$0x1E000] =	vst v63  }
0xfa: {  	p2 =	sne.s32 @!p1 s5, $0x0;
	s11 =	simm.s32 @!p1 $0x6  }
0xfb: {  	p3 =	por !p2, p1;
	_ =	swait.ge @!p1 [sflag:s11], $0x2000  }
0xfc: {  	p2 =	por p2, p1;
	s10 =	sadd.s32 @!p1 $0x280, s10;
	[sflag:s11] =	ssyncset.done @!p1 $0x0  }
0xfd: {  	s20 =	simm.s32 @!p3 $0x4000;
	[sflag:s11] =	ssyncadd.s32 @!p1 $0xFFFFE000;
	s11 =	simm.s32 @!p3 $0x40  }
0xfe: {  	[tilespmem:s20], [sflag:$0x2] =	stream.indirect.gather @!p3 [hbm4b:s16+s11], $0x80, s10, s11, $0xb8;
	[tilespmem:$0x1E000] =	vst v63  }
0xff: {  	s11 =	simm.s32 @!p2 $0x40;
	s20 =	simm.s32 @!p2 $0x4000  }
0x100: {  	[tilespmem:s20], [sflag:$0x2] =	stream.indirect.gather @!p2 [hbm4b:s1+s11], $0x80, s10, s11, $0xb8;
	[tilespmem:$0x1E000] =	vst v63  }
.Ltmp5:
0x101: {  	_ = 	snop;
	(pc) =	sbr.rel @p1 .LBB2_7-.Ltmp5, $4  }
0x102: {  	_ =	swait.ge [sflag:s31], $0x2000  }
0x103: {  	[sflag:s31] =	ssyncset.done $0x0  }
0x104: {  	s23 =	sadd.s32 $0x1100, s4;
	s11 =	sadd.s32 $0x1180, s4;
	[sflag:s31] =	ssyncadd.s32 $0xFFFFE000  }
0x105: {  	[spmem:s2] =	stream.indirect.scatter.add.f32 [tilespmem:s26], [sflag:$0x7], $0x80, s23, s22, $0xb8;
	[tilespmem:$0x1E000] =	vst v63  }
0x106: {  	_ =	swait.ge [sflag:s8], $0x2000  }
0x107: {  	[sflag:s8] =	ssyncset.done $0x0  }
0x108: {  	s10 =	sadd.s32 $0x300, s4;
	[sflag:s8] =	ssyncadd.s32 $0xFFFFE000  }
0x109: {  	[tilespmem:s26], [sflag:$0x3] =	stream.indirect.gather [hbm4b:s21+s22], $0x80, s10, s22, $0xb8;
	[tilespmem:$0x1E000] =	vst v63  }
0x10a: {  	_ =	swait.ge [sflag:s3], $0x2000  }
0x10b: {  	[sflag:s3] =	ssyncset.done $0x0  }
0x10c: {  	[sflag:s3] =	ssyncadd.s32 $0xFFFFE000  }
0x10d: {  	[spmem:s2] =	stream.indirect.scatter.add.f32 [tilespmem:s29], [sflag:$0x8], $0x80, s11, s22, $0xb8;
	[tilespmem:$0x1E000] =	vst v63  }
.Ltmp6:
0x10e: {  	_ = 	snop;
	(pc) =	sbr.rel .LBB2_5-.Ltmp6, $4  }
0x10f: {  	_ =	swait.ge [sflag:s9], $0x2000  }
0x110: {  	[sflag:s9] =	ssyncset.done $0x0  }
0x111: {  	s23 =	sadd.s32 $0x380, s4;
	s19 =	sadd.s32 $0x800, s19;
	[sflag:s9] =	ssyncadd.s32 $0xFFFFE000  }
0x112: {  	[tilespmem:s29], [sflag:$0x4] =	stream.indirect.gather [hbm4b:s21+s22], $0x80, s23, s22, $0xb8;
	[tilespmem:$0x1E000] =	vst v63  }
.LBB2_9:
0x113: {  	_ =	sfence.sel $0x180000  }
0x114: {  	[bflag:$0x0] =	sbarrier.arrive $0xFFFF  }
0x115: {  	_ =	strace $0x90000050  }
0x116: {  	s0 =	stileid.u32;
	[bflag:$0x2] =	sbarrier.arrive $0xFFFF  }
0x117: {  	p0 =	sne.s32 s0, $0x0;
	s0 =	rddreg [dreg:$0x3]  }
0x118: {  	s0 =	sadd.s32 @!p0 $0x100000, s0  }
0x119: {  	[sflag:s0] =	ssyncadd.tile.s32 @!p0 $0x1;
	_ =	shalt  }
.Lfunc_end2:
_tile_overlayer_lowered:
.L_overlay_start_2:
0x11a: {  	(tag) =	ssettag $0x2  }
0x11b: {  	s0 =	rddreg [dreg:$0x0];
	s2 =	stileid.u32  }
0x11c: {  	s1 =	rddreg [dreg:$0x1];
	p0 =	sne.s32 s2, $0x0  }
0x11d: {  	s3 =	rddreg [dreg:$0x2];
	[bflag:$0x3] =	sbarrier.arrive $0xFFFF;
	s2 =	simm.s32 @!p0 $0x1C09  }
0x11e: {  	[timem:s3], [sflag:s2] =	dma.local @!p0 [hbm:s0], s1  }
0x11f: {  	s0 =	simm.s32 @!p0 $0x9  }
0x120: {  	_ =	swait.ge @!p0 [sflag:s0], s1  }
0x121: {  	s1 =	ssub.s32 @!p0 $0x0, s1;
	[sflag:s0] =	ssyncset.done @!p0 $0x0  }
0x122: {  	[sflag:s0] =	ssyncadd.s32 @!p0 s1  }
0x123: {  	[bflag:$0x3] =	sbarrier.arrive $0xFFFF  }
0x124: {  	_ =	shalt  }

</sc_bundles>
